<compile_context>
chip_gen: v7x
topology: tpu7x:2x2x1
jax: 0.10.2.dev20260603
libtpu: 0.0.44.dev20260713+nightly
codegen_flags: <defaults>
</compile_context>

<pallas_src>
import functools

import jax
import jax.numpy as jnp
from jax import lax
from jax.experimental import pallas as pl
from jax.experimental.pallas import tpu as pltpu
from jax.experimental.pallas import tpu_sc as plsc

N = 10000
E = 320000
D = 128
H = 32
OUT = 2

NC = 2
NS = 16
LANES = 16
NW = NC * NS

BATCH = 128
CH = 80
NBUF = 8
EDGES_PER_TILE = CH * BATCH
E_PAD = NW * EDGES_PER_TILE
N_PAD = 10240
RPT = N_PAD // NS

_mesh = plsc.VectorSubcoreMesh(
    core_axis_name="c", subcore_axis_name="s", num_cores=NC, num_subcores=NS
)
_sc_params = pltpu.CompilerParams(
    needs_layout_passes=False, use_tc_tiling_on_sc=False
)


@functools.partial(
    pl.kernel,
    out_type=jax.ShapeDtypeStruct((NC, N_PAD), jnp.float32),
    mesh=_mesh,
    compiler_params=_sc_params,
    scratch_types=[
        pltpu.VMEM((CH, BATCH), jnp.int32),
        pltpu.VMEM((N_PAD,), jnp.float32),
        pltpu.VMEM((NS, RPT), jnp.float32),
        pltpu.VMEM((RPT,), jnp.float32),
        pltpu.VMEM_SHARED((NS, N_PAD), jnp.float32),
    ],
)
def _deg_kernel(dst_hbm, out_hbm, dstbuf, degloc, stripe, outbuf, degsh):
    c = lax.axis_index("c")
    s = lax.axis_index("s")
    gid = c * NS + s

    pltpu.sync_copy(dst_hbm.at[gid], dstbuf)

    zeros16 = jnp.zeros((LANES,), jnp.float32)

    def _zero(i, _):
        degloc[pl.ds(i * LANES, LANES)] = zeros16
        return 0

    lax.fori_loop(0, N_PAD // LANES, _zero, 0)

    ones16 = jnp.ones((LANES,), jnp.float32)

    def _count(i, _):
        for j in range(BATCH // LANES):
            idx = dstbuf[i, pl.ds(j * LANES, LANES)]
            plsc.addupdate_scatter(degloc, [idx], ones16)
        return 0

    lax.fori_loop(0, CH, _count, 0)

    pltpu.sync_copy(degloc, degsh.at[s])
    plsc.subcore_barrier()
    pltpu.sync_copy(degsh.at[:, pl.ds(s * RPT, RPT)], stripe)

    def _reduce(j, _):
        acc = stripe[0, pl.ds(j * LANES, LANES)]
        for t in range(1, NS):
            acc = acc + stripe[t, pl.ds(j * LANES, LANES)]
        outbuf[pl.ds(j * LANES, LANES)] = acc
        return 0

    lax.fori_loop(0, RPT // LANES, _reduce, 0)
    pltpu.sync_copy(outbuf, out_hbm.at[c, pl.ds(s * RPT, RPT)])


@functools.partial(
    pl.kernel,
    out_type=jax.ShapeDtypeStruct((NC, N_PAD, H), jnp.float32),
    mesh=_mesh,
    compiler_params=_sc_params,
    scratch_types=[
        pltpu.VMEM((CH, BATCH), jnp.int32),
        pltpu.VMEM((CH, BATCH), jnp.int32),
        pltpu.VMEM((NBUF, BATCH, H), jnp.float32),
        pltpu.VMEM((RPT, H), jnp.float32),
        pltpu.VMEM_SHARED((N_PAD, H), jnp.float32),
        [pltpu.SemaphoreType.DMA] * NBUF,
        [pltpu.SemaphoreType.DMA] * NBUF,
    ],
)
def _agg_kernel(g_hbm, src_hbm, dst_hbm, out_hbm,
                srcbuf, dstbuf, rows, zbuf, acc, gsems, ssems):
    c = lax.axis_index("c")
    s = lax.axis_index("s")
    gid = c * NS + s

    pltpu.sync_copy(src_hbm.at[gid], srcbuf)
    pltpu.sync_copy(dst_hbm.at[gid], dstbuf)

    zeros16 = jnp.zeros((LANES,), jnp.float32)

    def _zero(i, _):
        zbuf[i, pl.ds(0, LANES)] = zeros16
        zbuf[i, pl.ds(LANES, LANES)] = zeros16
        return 0

    lax.fori_loop(0, RPT, _zero, 0)
    pltpu.sync_copy(zbuf, acc.at[pl.ds(s * RPT, RPT)])
    plsc.subcore_barrier()

    for b in range(NBUF):
        pltpu.async_copy(g_hbm.at[srcbuf.at[b]], rows.at[b], gsems[b])

    def _round(it, _):
        k0 = it * NBUF
        for b in range(NBUF):
            pltpu.make_async_copy(g_hbm.at[srcbuf.at[k0 + b]], rows.at[b],
                                  gsems[b]).wait()
            pltpu.async_copy(rows.at[b], acc.at[dstbuf.at[k0 + b]], ssems[b],
                             add=True)
        for b in range(NBUF):
            pltpu.make_async_copy(rows.at[b], acc.at[dstbuf.at[k0 + b]],
                                  ssems[b]).wait()
            pltpu.async_copy(g_hbm.at[srcbuf.at[k0 + NBUF + b]], rows.at[b],
                             gsems[b])
        return 0

    lax.fori_loop(0, CH // NBUF - 1, _round, 0)
    k0 = CH - NBUF
    for b in range(NBUF):
        pltpu.make_async_copy(g_hbm.at[srcbuf.at[k0 + b]], rows.at[b],
                              gsems[b]).wait()
        pltpu.async_copy(rows.at[b], acc.at[dstbuf.at[k0 + b]], ssems[b],
                         add=True)
    for b in range(NBUF):
        pltpu.make_async_copy(rows.at[b], acc.at[dstbuf.at[k0 + b]],
                              ssems[b]).wait()

    plsc.subcore_barrier()
    pltpu.sync_copy(acc.at[pl.ds(s * RPT, RPT)], out_hbm.at[c, pl.ds(s * RPT, RPT)])


def _dis_from(degp_ref):
    d = degp_ref[:, 0:1] + degp_ref[:, 1:2] + 1.0
    return lax.rsqrt(d)


def _tc_a_body(x_ref, w1_ref, degp_ref, g1_ref):
    dis = _dis_from(degp_ref)
    h = jnp.dot(x_ref[...], w1_ref[...], preferred_element_type=jnp.float32)
    g1_ref[...] = dis * h


def _tc_b_body(degp_ref, g1_ref, s1_ref, b1_ref, q_ref):
    dis = _dis_from(degp_ref)
    ssum = s1_ref[0, :N, :] + s1_ref[1, :N, :]
    out1 = dis * (ssum + g1_ref[...]) + b1_ref[...]
    q_ref[...] = dis * jnp.maximum(out1, 0.0)


def _tc_c_body(degp_ref, q_ref, r_ref, w2_ref, b2_ref, o_ref):
    dis = _dis_from(degp_ref)
    rsum = r_ref[0, :N, :] + r_ref[1, :N, :]
    t = dis * (rsum + q_ref[...])
    o = jnp.dot(t, w2_ref[...], preferred_element_type=jnp.float32) + b2_ref[...]
    a = o[:, 0:1]
    b = o[:, 1:2]
    m = jnp.maximum(a, b)
    lse = m + jnp.log(jnp.exp(a - m) + jnp.exp(b - m))
    o_ref[...] = o - lse


def _vmem_call(body, n_in, out_shape):
    return pl.pallas_call(
        body,
        out_shape=out_shape,
        in_specs=[pl.BlockSpec(memory_space=pltpu.VMEM)] * n_in,
        out_specs=pl.BlockSpec(memory_space=pltpu.VMEM),
    )


@jax.jit
def kernel(x, edge_index, W1, b1, W2, b2):
    src = edge_index[0].astype(jnp.int32)
    dst = edge_index[1].astype(jnp.int32)
    pad_iota = jnp.arange(E_PAD - E, dtype=jnp.int32)
    src_p = jnp.concatenate([src, pad_iota % N])
    dst_p = jnp.concatenate([dst, N + pad_iota % (N_PAD - N)])
    src_t = src_p.reshape(NW, CH, BATCH)
    dst_t = dst_p.reshape(NW, CH, BATCH)

    degp = _deg_kernel(dst_t)
    degp_t = degp.T[:N, :]

    g1 = _vmem_call(
        _tc_a_body, 3, jax.ShapeDtypeStruct((N, H), jnp.float32)
    )(x, W1, degp_t)

    s1 = _agg_kernel(g1, src_t, dst_t)

    q = _vmem_call(
        _tc_b_body, 4, jax.ShapeDtypeStruct((N, H), jnp.float32)
    )(degp_t, g1, s1, b1.reshape(1, H))

    r = _agg_kernel(q, src_t, dst_t)

    out = _vmem_call(
        _tc_c_body, 5, jax.ShapeDtypeStruct((N, OUT), jnp.float32)
    )(degp_t, q, r, W2, b2.reshape(1, OUT))
    return out

# --- scband reference (transcript-rebuilt; emitter-appended) ---
"""Pipeline reference for scband-gnn-30459908063653 (READ-ONLY COPY).

The authoritative reference and input builder live on the scoring server;
editing this copy changes nothing except your own understanding.
"""

import jax, jax.numpy as jnp
import numpy as np

N_NODES = 10000
N_EDGES = 320000
D_FEAT = 128
HIDDEN = 32
OUT = 2


def gcn_conv(x, edge_index, W, b):
    N = x.shape[0]
    src = edge_index[0]
    dst = edge_index[1]
    # add self loops (GCNConv default add_self_loops=True)
    loop = jnp.arange(N, dtype=src.dtype)
    src = jnp.concatenate([src, loop])
    dst = jnp.concatenate([dst, loop])
    # symmetric normalization D^{-1/2} (A+I) D^{-1/2}
    deg = jnp.zeros((N,), dtype=x.dtype).at[dst].add(1.0)
    deg_inv_sqrt = jnp.where(deg > 0, jax.lax.rsqrt(deg), 0.0)
    norm = deg_inv_sqrt[src] * deg_inv_sqrt[dst]
    h = x @ W
    msgs = h[src] * norm[:, None]
    out = jnp.zeros((N, h.shape[1]), dtype=x.dtype).at[dst].add(msgs)
    return out + b


def setup_inputs(seed: int = 0) -> dict:
    key = jax.random.key(seed)
    k_x, k_e, k_w1, k_b1, k_w2, k_b2 = jax.random.split(key, 6)
    x = jax.random.normal(k_x, (N_NODES, D_FEAT), dtype=jnp.float32)
    edge_index = jax.random.randint(k_e, (2, N_EDGES), 0, N_NODES, dtype=jnp.int64)
    # glorot init like torch_geometric GCNConv
    s1 = float(np.sqrt(6.0 / (D_FEAT + HIDDEN)))
    W1 = jax.random.uniform(k_w1, (D_FEAT, HIDDEN), dtype=jnp.float32, minval=-s1, maxval=s1)
    b1 = jnp.zeros((HIDDEN,), dtype=jnp.float32)
    s2 = float(np.sqrt(6.0 / (HIDDEN + OUT)))
    W2 = jax.random.uniform(k_w2, (HIDDEN, OUT), dtype=jnp.float32, minval=-s2, maxval=s2)
    b2 = jnp.zeros((OUT,), dtype=jnp.float32)
    return {"x": x, "edge_index": edge_index, "W1": W1, "b1": b1, "W2": W2, "b2": b2}


def reference(x, edge_index, W1, b1, W2, b2):
    h = gcn_conv(x, edge_index, W1, b1)
    h = jax.nn.relu(h)
    h = gcn_conv(h, edge_index, W2, b2)
    return jax.nn.log_softmax(h, axis=1)

if __name__ == "__main__":
    import jax
    _d = setup_inputs()
    print(jax.jit(kernel)(*tuple(_d.values())))

</pallas_src>

<mosaic_0001>
#map = affine_map<(d0, d1) -> (0, 0)>
#map1 = affine_map<(d0, d1) -> (0, 0, 0)>
module attributes {stable_mosaic.version = 14 : i64} {
  func.func @_agg_kernel(%arg0: i32, %arg1: i32, %arg2: memref<10000x32xf32, #tpu.memory_space<hbm>>, %arg3: memref<32x80x128xi32, #tpu.memory_space<hbm>>, %arg4: memref<32x80x128xi32, #tpu.memory_space<hbm>>, %arg5: memref<2x10240x32xf32, #tpu.memory_space<hbm>>, %arg6: memref<80x128xi32, #tpu.memory_space<vmem>>, %arg7: memref<80x128xi32, #tpu.memory_space<vmem>>, %arg8: memref<8x128x32xf32, #tpu.memory_space<vmem>>, %arg9: memref<640x32xf32, #tpu.memory_space<vmem>>, %arg10: memref<10240x32xf32, #tpu.memory_space<vmem_shared>>, %arg11: memref<!tpu.dma_semaphore, #tpu.memory_space<semaphore_mem>>, %arg12: memref<!tpu.dma_semaphore, #tpu.memory_space<semaphore_mem>>, %arg13: memref<!tpu.dma_semaphore, #tpu.memory_space<semaphore_mem>>, %arg14: memref<!tpu.dma_semaphore, #tpu.memory_space<semaphore_mem>>, %arg15: memref<!tpu.dma_semaphore, #tpu.memory_space<semaphore_mem>>, %arg16: memref<!tpu.dma_semaphore, #tpu.memory_space<semaphore_mem>>, %arg17: memref<!tpu.dma_semaphore, #tpu.memory_space<semaphore_mem>>, %arg18: memref<!tpu.dma_semaphore, #tpu.memory_space<semaphore_mem>>, %arg19: memref<!tpu.dma_semaphore, #tpu.memory_space<semaphore_mem>>, %arg20: memref<!tpu.dma_semaphore, #tpu.memory_space<semaphore_mem>>, %arg21: memref<!tpu.dma_semaphore, #tpu.memory_space<semaphore_mem>>, %arg22: memref<!tpu.dma_semaphore, #tpu.memory_space<semaphore_mem>>, %arg23: memref<!tpu.dma_semaphore, #tpu.memory_space<semaphore_mem>>, %arg24: memref<!tpu.dma_semaphore, #tpu.memory_space<semaphore_mem>>, %arg25: memref<!tpu.dma_semaphore, #tpu.memory_space<semaphore_mem>>, %arg26: memref<!tpu.dma_semaphore, #tpu.memory_space<semaphore_mem>>) attributes {dimension_semantics = [#tpu.dimension_semantics<core_parallel>, #tpu.dimension_semantics<subcore_parallel>], iteration_bounds = array<i64: 2, 16>, scalar_prefetch = 0 : i64, scratch_operands = 21 : i64, tpu.core_type = #tpu.core_type<sc_vector_subcore>, window_params = [{transform_indices = #map}, {transform_indices = #map1}, {transform_indices = #map1}, {transform_indices = #map1}]} {
    %mul3A = arith.constant 16 : i32
    %mul3A_0 = arith.muli %arg0, %mul3A : i32
    %add3A = arith.addi %mul3A_0, %arg1 : i32
    "tpu.region"() ({
      %run_scoped3A = tpu.sem_alloc : memref<!tpu.dma_semaphore, #tpu.memory_space<semaphore_mem>>
      %dma_start3A_404 = arith.constant 0 : i32
      %dma_start3A_405 = arith.constant 0 : i32
      %dma_start3A_406 = tpu.memref_slice %arg3[%add3A, %dma_start3A_404, %dma_start3A_405] : memref<32x80x128xi32, #tpu.memory_space<hbm>> -> memref<1x80x128xi32, #tpu.memory_space<hbm>>
      %dma_start3A_407 = tpu.memref_squeeze %dma_start3A_406 : memref<1x80x128xi32, #tpu.memory_space<hbm>> -> memref<80x128xi32, #tpu.memory_space<hbm>>
      %dma_start3A_408 = arith.constant 0 : i32
      %dma_start3A_409 = arith.constant 0 : i32
      %dma_start3A_410 = tpu.memref_slice %arg3[%add3A, %dma_start3A_408, %dma_start3A_409] : memref<32x80x128xi32, #tpu.memory_space<hbm>> -> memref<1x80x128xi32, #tpu.memory_space<hbm>>
      %dma_start3A_411 = tpu.memref_squeeze %dma_start3A_410 : memref<1x80x128xi32, #tpu.memory_space<hbm>> -> memref<80x128xi32, #tpu.memory_space<hbm>>
      tpu.enqueue_dma source(%dma_start3A_411 : memref<80x128xi32, #tpu.memory_space<hbm>>) target(%arg6 : memref<80x128xi32, #tpu.memory_space<vmem>>) target_semaphore(%run_scoped3A : memref<!tpu.dma_semaphore, #tpu.memory_space<semaphore_mem>>)
      %dma_wait3A_412 = arith.constant 0 : i32
      %dma_wait3A_413 = arith.constant 0 : i32
      %dma_wait3A_414 = tpu.memref_slice %arg3[%add3A, %dma_wait3A_412, %dma_wait3A_413] : memref<32x80x128xi32, #tpu.memory_space<hbm>> -> memref<1x80x128xi32, #tpu.memory_space<hbm>>
      %dma_wait3A_415 = tpu.memref_squeeze %dma_wait3A_414 : memref<1x80x128xi32, #tpu.memory_space<hbm>> -> memref<80x128xi32, #tpu.memory_space<hbm>>
      %dma_wait3A_416 = arith.constant 0 : i32
      %dma_wait3A_417 = arith.constant 0 : i32
      %dma_wait3A_418 = tpu.memref_slice %arg3[%add3A, %dma_wait3A_416, %dma_wait3A_417] : memref<32x80x128xi32, #tpu.memory_space<hbm>> -> memref<1x80x128xi32, #tpu.memory_space<hbm>>
      %dma_wait3A_419 = tpu.memref_squeeze %dma_wait3A_418 : memref<1x80x128xi32, #tpu.memory_space<hbm>> -> memref<80x128xi32, #tpu.memory_space<hbm>>
      tpu.wait_dma2 semaphore(%run_scoped3A : memref<!tpu.dma_semaphore, #tpu.memory_space<semaphore_mem>>) src(%dma_wait3A_419 : memref<80x128xi32, #tpu.memory_space<hbm>>) dst(%arg6 : memref<80x128xi32, #tpu.memory_space<vmem>>)
      tpu.yield
    }) : () -> ()
    "tpu.region"() ({
      %run_scoped3A = tpu.sem_alloc : memref<!tpu.dma_semaphore, #tpu.memory_space<semaphore_mem>>
      %dma_start3A_404 = arith.constant 0 : i32
      %dma_start3A_405 = arith.constant 0 : i32
      %dma_start3A_406 = tpu.memref_slice %arg4[%add3A, %dma_start3A_404, %dma_start3A_405] : memref<32x80x128xi32, #tpu.memory_space<hbm>> -> memref<1x80x128xi32, #tpu.memory_space<hbm>>
      %dma_start3A_407 = tpu.memref_squeeze %dma_start3A_406 : memref<1x80x128xi32, #tpu.memory_space<hbm>> -> memref<80x128xi32, #tpu.memory_space<hbm>>
      %dma_start3A_408 = arith.constant 0 : i32
      %dma_start3A_409 = arith.constant 0 : i32
      %dma_start3A_410 = tpu.memref_slice %arg4[%add3A, %dma_start3A_408, %dma_start3A_409] : memref<32x80x128xi32, #tpu.memory_space<hbm>> -> memref<1x80x128xi32, #tpu.memory_space<hbm>>
      %dma_start3A_411 = tpu.memref_squeeze %dma_start3A_410 : memref<1x80x128xi32, #tpu.memory_space<hbm>> -> memref<80x128xi32, #tpu.memory_space<hbm>>
      tpu.enqueue_dma source(%dma_start3A_411 : memref<80x128xi32, #tpu.memory_space<hbm>>) target(%arg7 : memref<80x128xi32, #tpu.memory_space<vmem>>) target_semaphore(%run_scoped3A : memref<!tpu.dma_semaphore, #tpu.memory_space<semaphore_mem>>)
      %dma_wait3A_412 = arith.constant 0 : i32
      %dma_wait3A_413 = arith.constant 0 : i32
      %dma_wait3A_414 = tpu.memref_slice %arg4[%add3A, %dma_wait3A_412, %dma_wait3A_413] : memref<32x80x128xi32, #tpu.memory_space<hbm>> -> memref<1x80x128xi32, #tpu.memory_space<hbm>>
      %dma_wait3A_415 = tpu.memref_squeeze %dma_wait3A_414 : memref<1x80x128xi32, #tpu.memory_space<hbm>> -> memref<80x128xi32, #tpu.memory_space<hbm>>
      %dma_wait3A_416 = arith.constant 0 : i32
      %dma_wait3A_417 = arith.constant 0 : i32
      %dma_wait3A_418 = tpu.memref_slice %arg4[%add3A, %dma_wait3A_416, %dma_wait3A_417] : memref<32x80x128xi32, #tpu.memory_space<hbm>> -> memref<1x80x128xi32, #tpu.memory_space<hbm>>
      %dma_wait3A_419 = tpu.memref_squeeze %dma_wait3A_418 : memref<1x80x128xi32, #tpu.memory_space<hbm>> -> memref<80x128xi32, #tpu.memory_space<hbm>>
      tpu.wait_dma2 semaphore(%run_scoped3A : memref<!tpu.dma_semaphore, #tpu.memory_space<semaphore_mem>>) src(%dma_wait3A_419 : memref<80x128xi32, #tpu.memory_space<hbm>>) dst(%arg7 : memref<80x128xi32, #tpu.memory_space<vmem>>)
      tpu.yield
    }) : () -> ()
    %broadcast_in_dim3A = arith.constant 0.000000e+00 : f32
    %broadcast_in_dim3A_1 = vector.broadcast %broadcast_in_dim3A : f32 to vector<16xf32>
    %scan3A = arith.constant 0 : i32
    %scan3A_2 = arith.constant 0 : i32
    %scan3A_3 = arith.constant 640 : i32
    %scan3A_4 = arith.addi %scan3A_2, %scan3A_3 : i32
    %scan3A_5 = arith.constant 1 : i32
    %scan3A_6 = scf.for %scan3A_404 = %scan3A_2 to %scan3A_4 step %scan3A_5 iter_args(%scan3A_405 = %scan3A) -> (i32)  : i32 {
      %swap3A = arith.index_cast %scan3A_404 : i32 to index
      %swap3A_406 = arith.constant 0 : index
      %swap3A_407 = tpu.vector_load %arg9[%swap3A, %swap3A_406] {strides = array<i32>} : memref<640x32xf32, #tpu.memory_space<vmem>>, vector<16xf32>,
      tpu.vector_store %arg9[%swap3A, %swap3A_406], %broadcast_in_dim3A_1 {strides = array<i32>} : memref<640x32xf32, #tpu.memory_space<vmem>>, vector<16xf32>,
      %swap3A_408 = arith.index_cast %scan3A_404 : i32 to index
      %swap3A_409 = arith.constant 16 : index
      %swap3A_410 = tpu.vector_load %arg9[%swap3A_408, %swap3A_409] {strides = array<i32>} : memref<640x32xf32, #tpu.memory_space<vmem>>, vector<16xf32>,
      tpu.vector_store %arg9[%swap3A_408, %swap3A_409], %broadcast_in_dim3A_1 {strides = array<i32>} : memref<640x32xf32, #tpu.memory_space<vmem>>, vector<16xf32>,
      %scan3A_411 = arith.constant 0 : i32
      scf.yield %scan3A_411 : i32
    }
    %scan3A_7 = arith.constant 640 : i32
    %mul3A_8 = arith.constant 640 : i32
    %mul3A_9 = arith.muli %arg1, %mul3A_8 : i32
    "tpu.region"() ({
      %run_scoped3A = tpu.sem_alloc : memref<!tpu.dma_semaphore, #tpu.memory_space<semaphore_mem>>
      %dma_start3A_404 = arith.constant 0 : i32
      %dma_start3A_405 = tpu.memref_slice %arg10[%mul3A_9, %dma_start3A_404] : memref<10240x32xf32, #tpu.memory_space<vmem_shared>> -> memref<640x32xf32, #tpu.memory_space<vmem_shared>>
      %dma_start3A_406 = arith.constant 0 : i32
      %dma_start3A_407 = tpu.memref_slice %arg10[%mul3A_9, %dma_start3A_406] : memref<10240x32xf32, #tpu.memory_space<vmem_shared>> -> memref<640x32xf32, #tpu.memory_space<vmem_shared>>
      tpu.enqueue_dma source(%arg9 : memref<640x32xf32, #tpu.memory_space<vmem>>) target(%dma_start3A_407 : memref<640x32xf32, #tpu.memory_space<vmem_shared>>) target_semaphore(%run_scoped3A : memref<!tpu.dma_semaphore, #tpu.memory_space<semaphore_mem>>)
      %dma_wait3A_408 = arith.constant 0 : i32
      %dma_wait3A_409 = tpu.memref_slice %arg10[%mul3A_9, %dma_wait3A_408] : memref<10240x32xf32, #tpu.memory_space<vmem_shared>> -> memref<640x32xf32, #tpu.memory_space<vmem_shared>>
      %dma_wait3A_410 = arith.constant 0 : i32
      %dma_wait3A_411 = tpu.memref_slice %arg10[%mul3A_9, %dma_wait3A_410] : memref<10240x32xf32, #tpu.memory_space<vmem_shared>> -> memref<640x32xf32, #tpu.memory_space<vmem_shared>>
      tpu.wait_dma2 semaphore(%run_scoped3A : memref<!tpu.dma_semaphore, #tpu.memory_space<semaphore_mem>>) src(%arg9 : memref<640x32xf32, #tpu.memory_space<vmem>>) dst(%dma_wait3A_411 : memref<640x32xf32, #tpu.memory_space<vmem_shared>>)
      tpu.yield
    }) : () -> ()
    %barrier3A = arith.constant 0 : index
    tpu.barrier barrier_id(%barrier3A)
    %dma_start3A = arith.constant 0 : i32
    %dma_start3A_10 = arith.constant 0 : i32
    %dma_start3A_11 = arith.constant 0 : i32
    %dma_start3A_12 = arith.constant 0 : i32
    %dma_start3A_13 = tpu.memref_slice %arg8[%dma_start3A_10, %dma_start3A_11, %dma_start3A_12] : memref<8x128x32xf32, #tpu.memory_space<vmem>> -> memref<1x128x32xf32, #tpu.memory_space<vmem>>
    %dma_start3A_14 = tpu.memref_squeeze %dma_start3A_13 : memref<1x128x32xf32, #tpu.memory_space<vmem>> -> memref<128x32xf32, #tpu.memory_space<vmem>>
    %dma_start3A_15 = arith.constant 0 : i32
    %dma_start3A_16 = tpu.memref_slice %arg6[%dma_start3A, %dma_start3A_15] : memref<80x128xi32, #tpu.memory_space<vmem>> -> memref<1x128xi32, #tpu.memory_space<vmem>>
    %dma_start3A_17 = tpu.memref_squeeze %dma_start3A_16 : memref<1x128xi32, #tpu.memory_space<vmem>> -> memref<128xi32, #tpu.memory_space<vmem>>
    %dma_start3A_18 = arith.constant 0 : i32
    %dma_start3A_19 = arith.constant 0 : i32
    %dma_start3A_20 = tpu.memref_slice %arg2[%dma_start3A_18, %dma_start3A_19] : memref<10000x32xf32, #tpu.memory_space<hbm>> -> memref<10000x32xf32, #tpu.memory_space<hbm>>
    tpu.enqueue_indirect_dma source(%dma_start3A_20 : memref<10000x32xf32, #tpu.memory_space<hbm>>) target(%dma_start3A_14 : memref<128x32xf32, #tpu.memory_space<vmem>>) offsets(%dma_start3A_17 : memref<128xi32, #tpu.memory_space<vmem>>) semaphore(%arg11 : memref<!tpu.dma_semaphore, #tpu.memory_space<semaphore_mem>>)
    %dma_start3A_21 = arith.constant 1 : i32
    %dma_start3A_22 = arith.constant 1 : i32
    %dma_start3A_23 = arith.constant 0 : i32
    %dma_start3A_24 = arith.constant 0 : i32
    %dma_start3A_25 = tpu.memref_slice %arg8[%dma_start3A_22, %dma_start3A_23, %dma_start3A_24] : memref<8x128x32xf32, #tpu.memory_space<vmem>> -> memref<1x128x32xf32, #tpu.memory_space<vmem>>
    %dma_start3A_26 = tpu.memref_squeeze %dma_start3A_25 : memref<1x128x32xf32, #tpu.memory_space<vmem>> -> memref<128x32xf32, #tpu.memory_space<vmem>>
    %dma_start3A_27 = arith.constant 0 : i32
    %dma_start3A_28 = tpu.memref_slice %arg6[%dma_start3A_21, %dma_start3A_27] : memref<80x128xi32, #tpu.memory_space<vmem>> -> memref<1x128xi32, #tpu.memory_space<vmem>>
    %dma_start3A_29 = tpu.memref_squeeze %dma_start3A_28 : memref<1x128xi32, #tpu.memory_space<vmem>> -> memref<128xi32, #tpu.memory_space<vmem>>
    %dma_start3A_30 = arith.constant 0 : i32
    %dma_start3A_31 = arith.constant 0 : i32
    %dma_start3A_32 = tpu.memref_slice %arg2[%dma_start3A_30, %dma_start3A_31] : memref<10000x32xf32, #tpu.memory_space<hbm>> -> memref<10000x32xf32, #tpu.memory_space<hbm>>
    tpu.enqueue_indirect_dma source(%dma_start3A_32 : memref<10000x32xf32, #tpu.memory_space<hbm>>) target(%dma_start3A_26 : memref<128x32xf32, #tpu.memory_space<vmem>>) offsets(%dma_start3A_29 : memref<128xi32, #tpu.memory_space<vmem>>) semaphore(%arg12 : memref<!tpu.dma_semaphore, #tpu.memory_space<semaphore_mem>>)
    %dma_start3A_33 = arith.constant 2 : i32
    %dma_start3A_34 = arith.constant 2 : i32
    %dma_start3A_35 = arith.constant 0 : i32
    %dma_start3A_36 = arith.constant 0 : i32
    %dma_start3A_37 = tpu.memref_slice %arg8[%dma_start3A_34, %dma_start3A_35, %dma_start3A_36] : memref<8x128x32xf32, #tpu.memory_space<vmem>> -> memref<1x128x32xf32, #tpu.memory_space<vmem>>
    %dma_start3A_38 = tpu.memref_squeeze %dma_start3A_37 : memref<1x128x32xf32, #tpu.memory_space<vmem>> -> memref<128x32xf32, #tpu.memory_space<vmem>>
    %dma_start3A_39 = arith.constant 0 : i32
    %dma_start3A_40 = tpu.memref_slice %arg6[%dma_start3A_33, %dma_start3A_39] : memref<80x128xi32, #tpu.memory_space<vmem>> -> memref<1x128xi32, #tpu.memory_space<vmem>>
    %dma_start3A_41 = tpu.memref_squeeze %dma_start3A_40 : memref<1x128xi32, #tpu.memory_space<vmem>> -> memref<128xi32, #tpu.memory_space<vmem>>
    %dma_start3A_42 = arith.constant 0 : i32
    %dma_start3A_43 = arith.constant 0 : i32
    %dma_start3A_44 = tpu.memref_slice %arg2[%dma_start3A_42, %dma_start3A_43] : memref<10000x32xf32, #tpu.memory_space<hbm>> -> memref<10000x32xf32, #tpu.memory_space<hbm>>
    tpu.enqueue_indirect_dma source(%dma_start3A_44 : memref<10000x32xf32, #tpu.memory_space<hbm>>) target(%dma_start3A_38 : memref<128x32xf32, #tpu.memory_space<vmem>>) offsets(%dma_start3A_41 : memref<128xi32, #tpu.memory_space<vmem>>) semaphore(%arg13 : memref<!tpu.dma_semaphore, #tpu.memory_space<semaphore_mem>>)
    %dma_start3A_45 = arith.constant 3 : i32
    %dma_start3A_46 = arith.constant 3 : i32
    %dma_start3A_47 = arith.constant 0 : i32
    %dma_start3A_48 = arith.constant 0 : i32
    %dma_start3A_49 = tpu.memref_slice %arg8[%dma_start3A_46, %dma_start3A_47, %dma_start3A_48] : memref<8x128x32xf32, #tpu.memory_space<vmem>> -> memref<1x128x32xf32, #tpu.memory_space<vmem>>
    %dma_start3A_50 = tpu.memref_squeeze %dma_start3A_49 : memref<1x128x32xf32, #tpu.memory_space<vmem>> -> memref<128x32xf32, #tpu.memory_space<vmem>>
    %dma_start3A_51 = arith.constant 0 : i32
    %dma_start3A_52 = tpu.memref_slice %arg6[%dma_start3A_45, %dma_start3A_51] : memref<80x128xi32, #tpu.memory_space<vmem>> -> memref<1x128xi32, #tpu.memory_space<vmem>>
    %dma_start3A_53 = tpu.memref_squeeze %dma_start3A_52 : memref<1x128xi32, #tpu.memory_space<vmem>> -> memref<128xi32, #tpu.memory_space<vmem>>
    %dma_start3A_54 = arith.constant 0 : i32
    %dma_start3A_55 = arith.constant 0 : i32
    %dma_start3A_56 = tpu.memref_slice %arg2[%dma_start3A_54, %dma_start3A_55] : memref<10000x32xf32, #tpu.memory_space<hbm>> -> memref<10000x32xf32, #tpu.memory_space<hbm>>
    tpu.enqueue_indirect_dma source(%dma_start3A_56 : memref<10000x32xf32, #tpu.memory_space<hbm>>) target(%dma_start3A_50 : memref<128x32xf32, #tpu.memory_space<vmem>>) offsets(%dma_start3A_53 : memref<128xi32, #tpu.memory_space<vmem>>) semaphore(%arg14 : memref<!tpu.dma_semaphore, #tpu.memory_space<semaphore_mem>>)
    %dma_start3A_57 = arith.constant 4 : i32
    %dma_start3A_58 = arith.constant 4 : i32
    %dma_start3A_59 = arith.constant 0 : i32
    %dma_start3A_60 = arith.constant 0 : i32
    %dma_start3A_61 = tpu.memref_slice %arg8[%dma_start3A_58, %dma_start3A_59, %dma_start3A_60] : memref<8x128x32xf32, #tpu.memory_space<vmem>> -> memref<1x128x32xf32, #tpu.memory_space<vmem>>
    %dma_start3A_62 = tpu.memref_squeeze %dma_start3A_61 : memref<1x128x32xf32, #tpu.memory_space<vmem>> -> memref<128x32xf32, #tpu.memory_space<vmem>>
    %dma_start3A_63 = arith.constant 0 : i32
    %dma_start3A_64 = tpu.memref_slice %arg6[%dma_start3A_57, %dma_start3A_63] : memref<80x128xi32, #tpu.memory_space<vmem>> -> memref<1x128xi32, #tpu.memory_space<vmem>>
    %dma_start3A_65 = tpu.memref_squeeze %dma_start3A_64 : memref<1x128xi32, #tpu.memory_space<vmem>> -> memref<128xi32, #tpu.memory_space<vmem>>
    %dma_start3A_66 = arith.constant 0 : i32
    %dma_start3A_67 = arith.constant 0 : i32
    %dma_start3A_68 = tpu.memref_slice %arg2[%dma_start3A_66, %dma_start3A_67] : memref<10000x32xf32, #tpu.memory_space<hbm>> -> memref<10000x32xf32, #tpu.memory_space<hbm>>
    tpu.enqueue_indirect_dma source(%dma_start3A_68 : memref<10000x32xf32, #tpu.memory_space<hbm>>) target(%dma_start3A_62 : memref<128x32xf32, #tpu.memory_space<vmem>>) offsets(%dma_start3A_65 : memref<128xi32, #tpu.memory_space<vmem>>) semaphore(%arg15 : memref<!tpu.dma_semaphore, #tpu.memory_space<semaphore_mem>>)
    %dma_start3A_69 = arith.constant 5 : i32
    %dma_start3A_70 = arith.constant 5 : i32
    %dma_start3A_71 = arith.constant 0 : i32
    %dma_start3A_72 = arith.constant 0 : i32
    %dma_start3A_73 = tpu.memref_slice %arg8[%dma_start3A_70, %dma_start3A_71, %dma_start3A_72] : memref<8x128x32xf32, #tpu.memory_space<vmem>> -> memref<1x128x32xf32, #tpu.memory_space<vmem>>
    %dma_start3A_74 = tpu.memref_squeeze %dma_start3A_73 : memref<1x128x32xf32, #tpu.memory_space<vmem>> -> memref<128x32xf32, #tpu.memory_space<vmem>>
    %dma_start3A_75 = arith.constant 0 : i32
    %dma_start3A_76 = tpu.memref_slice %arg6[%dma_start3A_69, %dma_start3A_75] : memref<80x128xi32, #tpu.memory_space<vmem>> -> memref<1x128xi32, #tpu.memory_space<vmem>>
    %dma_start3A_77 = tpu.memref_squeeze %dma_start3A_76 : memref<1x128xi32, #tpu.memory_space<vmem>> -> memref<128xi32, #tpu.memory_space<vmem>>
    %dma_start3A_78 = arith.constant 0 : i32
    %dma_start3A_79 = arith.constant 0 : i32
    %dma_start3A_80 = tpu.memref_slice %arg2[%dma_start3A_78, %dma_start3A_79] : memref<10000x32xf32, #tpu.memory_space<hbm>> -> memref<10000x32xf32, #tpu.memory_space<hbm>>
    tpu.enqueue_indirect_dma source(%dma_start3A_80 : memref<10000x32xf32, #tpu.memory_space<hbm>>) target(%dma_start3A_74 : memref<128x32xf32, #tpu.memory_space<vmem>>) offsets(%dma_start3A_77 : memref<128xi32, #tpu.memory_space<vmem>>) semaphore(%arg16 : memref<!tpu.dma_semaphore, #tpu.memory_space<semaphore_mem>>)
    %dma_start3A_81 = arith.constant 6 : i32
    %dma_start3A_82 = arith.constant 6 : i32
    %dma_start3A_83 = arith.constant 0 : i32
    %dma_start3A_84 = arith.constant 0 : i32
    %dma_start3A_85 = tpu.memref_slice %arg8[%dma_start3A_82, %dma_start3A_83, %dma_start3A_84] : memref<8x128x32xf32, #tpu.memory_space<vmem>> -> memref<1x128x32xf32, #tpu.memory_space<vmem>>
    %dma_start3A_86 = tpu.memref_squeeze %dma_start3A_85 : memref<1x128x32xf32, #tpu.memory_space<vmem>> -> memref<128x32xf32, #tpu.memory_space<vmem>>
    %dma_start3A_87 = arith.constant 0 : i32
    %dma_start3A_88 = tpu.memref_slice %arg6[%dma_start3A_81, %dma_start3A_87] : memref<80x128xi32, #tpu.memory_space<vmem>> -> memref<1x128xi32, #tpu.memory_space<vmem>>
    %dma_start3A_89 = tpu.memref_squeeze %dma_start3A_88 : memref<1x128xi32, #tpu.memory_space<vmem>> -> memref<128xi32, #tpu.memory_space<vmem>>
    %dma_start3A_90 = arith.constant 0 : i32
    %dma_start3A_91 = arith.constant 0 : i32
    %dma_start3A_92 = tpu.memref_slice %arg2[%dma_start3A_90, %dma_start3A_91] : memref<10000x32xf32, #tpu.memory_space<hbm>> -> memref<10000x32xf32, #tpu.memory_space<hbm>>
    tpu.enqueue_indirect_dma source(%dma_start3A_92 : memref<10000x32xf32, #tpu.memory_space<hbm>>) target(%dma_start3A_86 : memref<128x32xf32, #tpu.memory_space<vmem>>) offsets(%dma_start3A_89 : memref<128xi32, #tpu.memory_space<vmem>>) semaphore(%arg17 : memref<!tpu.dma_semaphore, #tpu.memory_space<semaphore_mem>>)
    %dma_start3A_93 = arith.constant 7 : i32
    %dma_start3A_94 = arith.constant 7 : i32
    %dma_start3A_95 = arith.constant 0 : i32
    %dma_start3A_96 = arith.constant 0 : i32
    %dma_start3A_97 = tpu.memref_slice %arg8[%dma_start3A_94, %dma_start3A_95, %dma_start3A_96] : memref<8x128x32xf32, #tpu.memory_space<vmem>> -> memref<1x128x32xf32, #tpu.memory_space<vmem>>
    %dma_start3A_98 = tpu.memref_squeeze %dma_start3A_97 : memref<1x128x32xf32, #tpu.memory_space<vmem>> -> memref<128x32xf32, #tpu.memory_space<vmem>>
    %dma_start3A_99 = arith.constant 0 : i32
    %dma_start3A_100 = tpu.memref_slice %arg6[%dma_start3A_93, %dma_start3A_99] : memref<80x128xi32, #tpu.memory_space<vmem>> -> memref<1x128xi32, #tpu.memory_space<vmem>>
    %dma_start3A_101 = tpu.memref_squeeze %dma_start3A_100 : memref<1x128xi32, #tpu.memory_space<vmem>> -> memref<128xi32, #tpu.memory_space<vmem>>
    %dma_start3A_102 = arith.constant 0 : i32
    %dma_start3A_103 = arith.constant 0 : i32
    %dma_start3A_104 = tpu.memref_slice %arg2[%dma_start3A_102, %dma_start3A_103] : memref<10000x32xf32, #tpu.memory_space<hbm>> -> memref<10000x32xf32, #tpu.memory_space<hbm>>
    tpu.enqueue_indirect_dma source(%dma_start3A_104 : memref<10000x32xf32, #tpu.memory_space<hbm>>) target(%dma_start3A_98 : memref<128x32xf32, #tpu.memory_space<vmem>>) offsets(%dma_start3A_101 : memref<128xi32, #tpu.memory_space<vmem>>) semaphore(%arg18 : memref<!tpu.dma_semaphore, #tpu.memory_space<semaphore_mem>>)
    %scan3A_105 = arith.constant 0 : i32
    %scan3A_106 = arith.constant 0 : i32
    %scan3A_107 = arith.constant 9 : i32
    %scan3A_108 = arith.addi %scan3A_106, %scan3A_107 : i32
    %scan3A_109 = arith.constant 1 : i32
    %scan3A_110 = scf.for %scan3A_404 = %scan3A_106 to %scan3A_108 step %scan3A_109 iter_args(%scan3A_405 = %scan3A_105) -> (i32)  : i32 {
      %mul3A_406 = arith.constant 8 : i32
      %mul3A_407 = arith.muli %scan3A_404, %mul3A_406 : i32
      %add3A_408 = arith.constant 0 : i32
      %add3A_409 = arith.addi %mul3A_407, %add3A_408 : i32
      %dma_wait3A_410 = arith.constant 0 : i32
      %dma_wait3A_411 = arith.constant 0 : i32
      %dma_wait3A_412 = arith.constant 0 : i32
      %dma_wait3A_413 = tpu.memref_slice %arg8[%dma_wait3A_410, %dma_wait3A_411, %dma_wait3A_412] : memref<8x128x32xf32, #tpu.memory_space<vmem>> -> memref<1x128x32xf32, #tpu.memory_space<vmem>>
      %dma_wait3A_414 = tpu.memref_squeeze %dma_wait3A_413 : memref<1x128x32xf32, #tpu.memory_space<vmem>> -> memref<128x32xf32, #tpu.memory_space<vmem>>
      %dma_wait3A_415 = arith.constant 0 : i32
      %dma_wait3A_416 = tpu.memref_slice %arg6[%add3A_409, %dma_wait3A_415] : memref<80x128xi32, #tpu.memory_space<vmem>> -> memref<1x128xi32, #tpu.memory_space<vmem>>
      %dma_wait3A_417 = tpu.memref_squeeze %dma_wait3A_416 : memref<1x128xi32, #tpu.memory_space<vmem>> -> memref<128xi32, #tpu.memory_space<vmem>>
      %dma_wait3A_418 = arith.constant 0 : i32
      %dma_wait3A_419 = arith.constant 0 : i32
      %dma_wait3A_420 = tpu.memref_slice %arg2[%dma_wait3A_418, %dma_wait3A_419] : memref<10000x32xf32, #tpu.memory_space<hbm>> -> memref<10000x32xf32, #tpu.memory_space<hbm>>
      tpu.wait_indirect_dma semaphore(%arg11 : memref<!tpu.dma_semaphore, #tpu.memory_space<semaphore_mem>>) src(%dma_wait3A_420 : memref<10000x32xf32, #tpu.memory_space<hbm>>) dst(%dma_wait3A_414 : memref<128x32xf32, #tpu.memory_space<vmem>>)
      %add3A_421 = arith.constant 0 : i32
      %add3A_422 = arith.addi %mul3A_407, %add3A_421 : i32
      %dma_start3A_423 = arith.constant 0 : i32
      %dma_start3A_424 = arith.constant 0 : i32
      %dma_start3A_425 = arith.constant 0 : i32
      %dma_start3A_426 = tpu.memref_slice %arg8[%dma_start3A_423, %dma_start3A_424, %dma_start3A_425] : memref<8x128x32xf32, #tpu.memory_space<vmem>> -> memref<1x128x32xf32, #tpu.memory_space<vmem>>
      %dma_start3A_427 = tpu.memref_squeeze %dma_start3A_426 : memref<1x128x32xf32, #tpu.memory_space<vmem>> -> memref<128x32xf32, #tpu.memory_space<vmem>>
      %dma_start3A_428 = arith.constant 0 : i32
      %dma_start3A_429 = tpu.memref_slice %arg7[%add3A_422, %dma_start3A_428] : memref<80x128xi32, #tpu.memory_space<vmem>> -> memref<1x128xi32, #tpu.memory_space<vmem>>
      %dma_start3A_430 = tpu.memref_squeeze %dma_start3A_429 : memref<1x128xi32, #tpu.memory_space<vmem>> -> memref<128xi32, #tpu.memory_space<vmem>>
      %dma_start3A_431 = arith.constant 0 : i32
      %dma_start3A_432 = arith.constant 0 : i32
      %dma_start3A_433 = tpu.memref_slice %arg10[%dma_start3A_431, %dma_start3A_432] : memref<10240x32xf32, #tpu.memory_space<vmem_shared>> -> memref<10240x32xf32, #tpu.memory_space<vmem_shared>>
      tpu.enqueue_indirect_dma source(%dma_start3A_427 : memref<128x32xf32, #tpu.memory_space<vmem>>) target(%dma_start3A_433 : memref<10240x32xf32, #tpu.memory_space<vmem_shared>>) offsets(%dma_start3A_430 : memref<128xi32, #tpu.memory_space<vmem>>) semaphore(%arg19 : memref<!tpu.dma_semaphore, #tpu.memory_space<semaphore_mem>>) {add = true}
      %add3A_434 = arith.constant 1 : i32
      %add3A_435 = arith.addi %mul3A_407, %add3A_434 : i32
      %dma_wait3A_436 = arith.constant 1 : i32
      %dma_wait3A_437 = arith.constant 0 : i32
      %dma_wait3A_438 = arith.constant 0 : i32
      %dma_wait3A_439 = tpu.memref_slice %arg8[%dma_wait3A_436, %dma_wait3A_437, %dma_wait3A_438] : memref<8x128x32xf32, #tpu.memory_space<vmem>> -> memref<1x128x32xf32, #tpu.memory_space<vmem>>
      %dma_wait3A_440 = tpu.memref_squeeze %dma_wait3A_439 : memref<1x128x32xf32, #tpu.memory_space<vmem>> -> memref<128x32xf32, #tpu.memory_space<vmem>>
      %dma_wait3A_441 = arith.constant 0 : i32
      %dma_wait3A_442 = tpu.memref_slice %arg6[%add3A_435, %dma_wait3A_441] : memref<80x128xi32, #tpu.memory_space<vmem>> -> memref<1x128xi32, #tpu.memory_space<vmem>>
      %dma_wait3A_443 = tpu.memref_squeeze %dma_wait3A_442 : memref<1x128xi32, #tpu.memory_space<vmem>> -> memref<128xi32, #tpu.memory_space<vmem>>
      %dma_wait3A_444 = arith.constant 0 : i32
      %dma_wait3A_445 = arith.constant 0 : i32
      %dma_wait3A_446 = tpu.memref_slice %arg2[%dma_wait3A_444, %dma_wait3A_445] : memref<10000x32xf32, #tpu.memory_space<hbm>> -> memref<10000x32xf32, #tpu.memory_space<hbm>>
      tpu.wait_indirect_dma semaphore(%arg12 : memref<!tpu.dma_semaphore, #tpu.memory_space<semaphore_mem>>) src(%dma_wait3A_446 : memref<10000x32xf32, #tpu.memory_space<hbm>>) dst(%dma_wait3A_440 : memref<128x32xf32, #tpu.memory_space<vmem>>)
      %add3A_447 = arith.constant 1 : i32
      %add3A_448 = arith.addi %mul3A_407, %add3A_447 : i32
      %dma_start3A_449 = arith.constant 1 : i32
      %dma_start3A_450 = arith.constant 0 : i32
      %dma_start3A_451 = arith.constant 0 : i32
      %dma_start3A_452 = tpu.memref_slice %arg8[%dma_start3A_449, %dma_start3A_450, %dma_start3A_451] : memref<8x128x32xf32, #tpu.memory_space<vmem>> -> memref<1x128x32xf32, #tpu.memory_space<vmem>>
      %dma_start3A_453 = tpu.memref_squeeze %dma_start3A_452 : memref<1x128x32xf32, #tpu.memory_space<vmem>> -> memref<128x32xf32, #tpu.memory_space<vmem>>
      %dma_start3A_454 = arith.constant 0 : i32
      %dma_start3A_455 = tpu.memref_slice %arg7[%add3A_448, %dma_start3A_454] : memref<80x128xi32, #tpu.memory_space<vmem>> -> memref<1x128xi32, #tpu.memory_space<vmem>>
      %dma_start3A_456 = tpu.memref_squeeze %dma_start3A_455 : memref<1x128xi32, #tpu.memory_space<vmem>> -> memref<128xi32, #tpu.memory_space<vmem>>
      %dma_start3A_457 = arith.constant 0 : i32
      %dma_start3A_458 = arith.constant 0 : i32
      %dma_start3A_459 = tpu.memref_slice %arg10[%dma_start3A_457, %dma_start3A_458] : memref<10240x32xf32, #tpu.memory_space<vmem_shared>> -> memref<10240x32xf32, #tpu.memory_space<vmem_shared>>
      tpu.enqueue_indirect_dma source(%dma_start3A_453 : memref<128x32xf32, #tpu.memory_space<vmem>>) target(%dma_start3A_459 : memref<10240x32xf32, #tpu.memory_space<vmem_shared>>) offsets(%dma_start3A_456 : memref<128xi32, #tpu.memory_space<vmem>>) semaphore(%arg20 : memref<!tpu.dma_semaphore, #tpu.memory_space<semaphore_mem>>) {add = true}
      %add3A_460 = arith.constant 2 : i32
      %add3A_461 = arith.addi %mul3A_407, %add3A_460 : i32
      %dma_wait3A_462 = arith.constant 2 : i32
      %dma_wait3A_463 = arith.constant 0 : i32
      %dma_wait3A_464 = arith.constant 0 : i32
      %dma_wait3A_465 = tpu.memref_slice %arg8[%dma_wait3A_462, %dma_wait3A_463, %dma_wait3A_464] : memref<8x128x32xf32, #tpu.memory_space<vmem>> -> memref<1x128x32xf32, #tpu.memory_space<vmem>>
      %dma_wait3A_466 = tpu.memref_squeeze %dma_wait3A_465 : memref<1x128x32xf32, #tpu.memory_space<vmem>> -> memref<128x32xf32, #tpu.memory_space<vmem>>
      %dma_wait3A_467 = arith.constant 0 : i32
      %dma_wait3A_468 = tpu.memref_slice %arg6[%add3A_461, %dma_wait3A_467] : memref<80x128xi32, #tpu.memory_space<vmem>> -> memref<1x128xi32, #tpu.memory_space<vmem>>
      %dma_wait3A_469 = tpu.memref_squeeze %dma_wait3A_468 : memref<1x128xi32, #tpu.memory_space<vmem>> -> memref<128xi32, #tpu.memory_space<vmem>>
      %dma_wait3A_470 = arith.constant 0 : i32
      %dma_wait3A_471 = arith.constant 0 : i32
      %dma_wait3A_472 = tpu.memref_slice %arg2[%dma_wait3A_470, %dma_wait3A_471] : memref<10000x32xf32, #tpu.memory_space<hbm>> -> memref<10000x32xf32, #tpu.memory_space<hbm>>
      tpu.wait_indirect_dma semaphore(%arg13 : memref<!tpu.dma_semaphore, #tpu.memory_space<semaphore_mem>>) src(%dma_wait3A_472 : memref<10000x32xf32, #tpu.memory_space<hbm>>) dst(%dma_wait3A_466 : memref<128x32xf32, #tpu.memory_space<vmem>>)
      %add3A_473 = arith.constant 2 : i32
      %add3A_474 = arith.addi %mul3A_407, %add3A_473 : i32
      %dma_start3A_475 = arith.constant 2 : i32
      %dma_start3A_476 = arith.constant 0 : i32
      %dma_start3A_477 = arith.constant 0 : i32
      %dma_start3A_478 = tpu.memref_slice %arg8[%dma_start3A_475, %dma_start3A_476, %dma_start3A_477] : memref<8x128x32xf32, #tpu.memory_space<vmem>> -> memref<1x128x32xf32, #tpu.memory_space<vmem>>
      %dma_start3A_479 = tpu.memref_squeeze %dma_start3A_478 : memref<1x128x32xf32, #tpu.memory_space<vmem>> -> memref<128x32xf32, #tpu.memory_space<vmem>>
      %dma_start3A_480 = arith.constant 0 : i32
      %dma_start3A_481 = tpu.memref_slice %arg7[%add3A_474, %dma_start3A_480] : memref<80x128xi32, #tpu.memory_space<vmem>> -> memref<1x128xi32, #tpu.memory_space<vmem>>
      %dma_start3A_482 = tpu.memref_squeeze %dma_start3A_481 : memref<1x128xi32, #tpu.memory_space<vmem>> -> memref<128xi32, #tpu.memory_space<vmem>>
      %dma_start3A_483 = arith.constant 0 : i32
      %dma_start3A_484 = arith.constant 0 : i32
      %dma_start3A_485 = tpu.memref_slice %arg10[%dma_start3A_483, %dma_start3A_484] : memref<10240x32xf32, #tpu.memory_space<vmem_shared>> -> memref<10240x32xf32, #tpu.memory_space<vmem_shared>>
      tpu.enqueue_indirect_dma source(%dma_start3A_479 : memref<128x32xf32, #tpu.memory_space<vmem>>) target(%dma_start3A_485 : memref<10240x32xf32, #tpu.memory_space<vmem_shared>>) offsets(%dma_start3A_482 : memref<128xi32, #tpu.memory_space<vmem>>) semaphore(%arg21 : memref<!tpu.dma_semaphore, #tpu.memory_space<semaphore_mem>>) {add = true}
      %add3A_486 = arith.constant 3 : i32
      %add3A_487 = arith.addi %mul3A_407, %add3A_486 : i32
      %dma_wait3A_488 = arith.constant 3 : i32
      %dma_wait3A_489 = arith.constant 0 : i32
      %dma_wait3A_490 = arith.constant 0 : i32
      %dma_wait3A_491 = tpu.memref_slice %arg8[%dma_wait3A_488, %dma_wait3A_489, %dma_wait3A_490] : memref<8x128x32xf32, #tpu.memory_space<vmem>> -> memref<1x128x32xf32, #tpu.memory_space<vmem>>
      %dma_wait3A_492 = tpu.memref_squeeze %dma_wait3A_491 : memref<1x128x32xf32, #tpu.memory_space<vmem>> -> memref<128x32xf32, #tpu.memory_space<vmem>>
      %dma_wait3A_493 = arith.constant 0 : i32
      %dma_wait3A_494 = tpu.memref_slice %arg6[%add3A_487, %dma_wait3A_493] : memref<80x128xi32, #tpu.memory_space<vmem>> -> memref<1x128xi32, #tpu.memory_space<vmem>>
      %dma_wait3A_495 = tpu.memref_squeeze %dma_wait3A_494 : memref<1x128xi32, #tpu.memory_space<vmem>> -> memref<128xi32, #tpu.memory_space<vmem>>
      %dma_wait3A_496 = arith.constant 0 : i32
      %dma_wait3A_497 = arith.constant 0 : i32
      %dma_wait3A_498 = tpu.memref_slice %arg2[%dma_wait3A_496, %dma_wait3A_497] : memref<10000x32xf32, #tpu.memory_space<hbm>> -> memref<10000x32xf32, #tpu.memory_space<hbm>>
      tpu.wait_indirect_dma semaphore(%arg14 : memref<!tpu.dma_semaphore, #tpu.memory_space<semaphore_mem>>) src(%dma_wait3A_498 : memref<10000x32xf32, #tpu.memory_space<hbm>>) dst(%dma_wait3A_492 : memref<128x32xf32, #tpu.memory_space<vmem>>)
      %add3A_499 = arith.constant 3 : i32
      %add3A_500 = arith.addi %mul3A_407, %add3A_499 : i32
      %dma_start3A_501 = arith.constant 3 : i32
      %dma_start3A_502 = arith.constant 0 : i32
      %dma_start3A_503 = arith.constant 0 : i32
      %dma_start3A_504 = tpu.memref_slice %arg8[%dma_start3A_501, %dma_start3A_502, %dma_start3A_503] : memref<8x128x32xf32, #tpu.memory_space<vmem>> -> memref<1x128x32xf32, #tpu.memory_space<vmem>>
      %dma_start3A_505 = tpu.memref_squeeze %dma_start3A_504 : memref<1x128x32xf32, #tpu.memory_space<vmem>> -> memref<128x32xf32, #tpu.memory_space<vmem>>
      %dma_start3A_506 = arith.constant 0 : i32
      %dma_start3A_507 = tpu.memref_slice %arg7[%add3A_500, %dma_start3A_506] : memref<80x128xi32, #tpu.memory_space<vmem>> -> memref<1x128xi32, #tpu.memory_space<vmem>>
      %dma_start3A_508 = tpu.memref_squeeze %dma_start3A_507 : memref<1x128xi32, #tpu.memory_space<vmem>> -> memref<128xi32, #tpu.memory_space<vmem>>
      %dma_start3A_509 = arith.constant 0 : i32
      %dma_start3A_510 = arith.constant 0 : i32
      %dma_start3A_511 = tpu.memref_slice %arg10[%dma_start3A_509, %dma_start3A_510] : memref<10240x32xf32, #tpu.memory_space<vmem_shared>> -> memref<10240x32xf32, #tpu.memory_space<vmem_shared>>
      tpu.enqueue_indirect_dma source(%dma_start3A_505 : memref<128x32xf32, #tpu.memory_space<vmem>>) target(%dma_start3A_511 : memref<10240x32xf32, #tpu.memory_space<vmem_shared>>) offsets(%dma_start3A_508 : memref<128xi32, #tpu.memory_space<vmem>>) semaphore(%arg22 : memref<!tpu.dma_semaphore, #tpu.memory_space<semaphore_mem>>) {add = true}
      %add3A_512 = arith.constant 4 : i32
      %add3A_513 = arith.addi %mul3A_407, %add3A_512 : i32
      %dma_wait3A_514 = arith.constant 4 : i32
      %dma_wait3A_515 = arith.constant 0 : i32
      %dma_wait3A_516 = arith.constant 0 : i32
      %dma_wait3A_517 = tpu.memref_slice %arg8[%dma_wait3A_514, %dma_wait3A_515, %dma_wait3A_516] : memref<8x128x32xf32, #tpu.memory_space<vmem>> -> memref<1x128x32xf32, #tpu.memory_space<vmem>>
      %dma_wait3A_518 = tpu.memref_squeeze %dma_wait3A_517 : memref<1x128x32xf32, #tpu.memory_space<vmem>> -> memref<128x32xf32, #tpu.memory_space<vmem>>
      %dma_wait3A_519 = arith.constant 0 : i32
      %dma_wait3A_520 = tpu.memref_slice %arg6[%add3A_513, %dma_wait3A_519] : memref<80x128xi32, #tpu.memory_space<vmem>> -> memref<1x128xi32, #tpu.memory_space<vmem>>
      %dma_wait3A_521 = tpu.memref_squeeze %dma_wait3A_520 : memref<1x128xi32, #tpu.memory_space<vmem>> -> memref<128xi32, #tpu.memory_space<vmem>>
      %dma_wait3A_522 = arith.constant 0 : i32
      %dma_wait3A_523 = arith.constant 0 : i32
      %dma_wait3A_524 = tpu.memref_slice %arg2[%dma_wait3A_522, %dma_wait3A_523] : memref<10000x32xf32, #tpu.memory_space<hbm>> -> memref<10000x32xf32, #tpu.memory_space<hbm>>
      tpu.wait_indirect_dma semaphore(%arg15 : memref<!tpu.dma_semaphore, #tpu.memory_space<semaphore_mem>>) src(%dma_wait3A_524 : memref<10000x32xf32, #tpu.memory_space<hbm>>) dst(%dma_wait3A_518 : memref<128x32xf32, #tpu.memory_space<vmem>>)
      %add3A_525 = arith.constant 4 : i32
      %add3A_526 = arith.addi %mul3A_407, %add3A_525 : i32
      %dma_start3A_527 = arith.constant 4 : i32
      %dma_start3A_528 = arith.constant 0 : i32
      %dma_start3A_529 = arith.constant 0 : i32
      %dma_start3A_530 = tpu.memref_slice %arg8[%dma_start3A_527, %dma_start3A_528, %dma_start3A_529] : memref<8x128x32xf32, #tpu.memory_space<vmem>> -> memref<1x128x32xf32, #tpu.memory_space<vmem>>
      %dma_start3A_531 = tpu.memref_squeeze %dma_start3A_530 : memref<1x128x32xf32, #tpu.memory_space<vmem>> -> memref<128x32xf32, #tpu.memory_space<vmem>>
      %dma_start3A_532 = arith.constant 0 : i32
      %dma_start3A_533 = tpu.memref_slice %arg7[%add3A_526, %dma_start3A_532] : memref<80x128xi32, #tpu.memory_space<vmem>> -> memref<1x128xi32, #tpu.memory_space<vmem>>
      %dma_start3A_534 = tpu.memref_squeeze %dma_start3A_533 : memref<1x128xi32, #tpu.memory_space<vmem>> -> memref<128xi32, #tpu.memory_space<vmem>>
      %dma_start3A_535 = arith.constant 0 : i32
      %dma_start3A_536 = arith.constant 0 : i32
      %dma_start3A_537 = tpu.memref_slice %arg10[%dma_start3A_535, %dma_start3A_536] : memref<10240x32xf32, #tpu.memory_space<vmem_shared>> -> memref<10240x32xf32, #tpu.memory_space<vmem_shared>>
      tpu.enqueue_indirect_dma source(%dma_start3A_531 : memref<128x32xf32, #tpu.memory_space<vmem>>) target(%dma_start3A_537 : memref<10240x32xf32, #tpu.memory_space<vmem_shared>>) offsets(%dma_start3A_534 : memref<128xi32, #tpu.memory_space<vmem>>) semaphore(%arg23 : memref<!tpu.dma_semaphore, #tpu.memory_space<semaphore_mem>>) {add = true}
      %add3A_538 = arith.constant 5 : i32
      %add3A_539 = arith.addi %mul3A_407, %add3A_538 : i32
      %dma_wait3A_540 = arith.constant 5 : i32
      %dma_wait3A_541 = arith.constant 0 : i32
      %dma_wait3A_542 = arith.constant 0 : i32
      %dma_wait3A_543 = tpu.memref_slice %arg8[%dma_wait3A_540, %dma_wait3A_541, %dma_wait3A_542] : memref<8x128x32xf32, #tpu.memory_space<vmem>> -> memref<1x128x32xf32, #tpu.memory_space<vmem>>
      %dma_wait3A_544 = tpu.memref_squeeze %dma_wait3A_543 : memref<1x128x32xf32, #tpu.memory_space<vmem>> -> memref<128x32xf32, #tpu.memory_space<vmem>>
      %dma_wait3A_545 = arith.constant 0 : i32
      %dma_wait3A_546 = tpu.memref_slice %arg6[%add3A_539, %dma_wait3A_545] : memref<80x128xi32, #tpu.memory_space<vmem>> -> memref<1x128xi32, #tpu.memory_space<vmem>>
      %dma_wait3A_547 = tpu.memref_squeeze %dma_wait3A_546 : memref<1x128xi32, #tpu.memory_space<vmem>> -> memref<128xi32, #tpu.memory_space<vmem>>
      %dma_wait3A_548 = arith.constant 0 : i32
      %dma_wait3A_549 = arith.constant 0 : i32
      %dma_wait3A_550 = tpu.memref_slice %arg2[%dma_wait3A_548, %dma_wait3A_549] : memref<10000x32xf32, #tpu.memory_space<hbm>> -> memref<10000x32xf32, #tpu.memory_space<hbm>>
      tpu.wait_indirect_dma semaphore(%arg16 : memref<!tpu.dma_semaphore, #tpu.memory_space<semaphore_mem>>) src(%dma_wait3A_550 : memref<10000x32xf32, #tpu.memory_space<hbm>>) dst(%dma_wait3A_544 : memref<128x32xf32, #tpu.memory_space<vmem>>)
      %add3A_551 = arith.constant 5 : i32
      %add3A_552 = arith.addi %mul3A_407, %add3A_551 : i32
      %dma_start3A_553 = arith.constant 5 : i32
      %dma_start3A_554 = arith.constant 0 : i32
      %dma_start3A_555 = arith.constant 0 : i32
      %dma_start3A_556 = tpu.memref_slice %arg8[%dma_start3A_553, %dma_start3A_554, %dma_start3A_555] : memref<8x128x32xf32, #tpu.memory_space<vmem>> -> memref<1x128x32xf32, #tpu.memory_space<vmem>>
      %dma_start3A_557 = tpu.memref_squeeze %dma_start3A_556 : memref<1x128x32xf32, #tpu.memory_space<vmem>> -> memref<128x32xf32, #tpu.memory_space<vmem>>
      %dma_start3A_558 = arith.constant 0 : i32
      %dma_start3A_559 = tpu.memref_slice %arg7[%add3A_552, %dma_start3A_558] : memref<80x128xi32, #tpu.memory_space<vmem>> -> memref<1x128xi32, #tpu.memory_space<vmem>>
      %dma_start3A_560 = tpu.memref_squeeze %dma_start3A_559 : memref<1x128xi32, #tpu.memory_space<vmem>> -> memref<128xi32, #tpu.memory_space<vmem>>
      %dma_start3A_561 = arith.constant 0 : i32
      %dma_start3A_562 = arith.constant 0 : i32
      %dma_start3A_563 = tpu.memref_slice %arg10[%dma_start3A_561, %dma_start3A_562] : memref<10240x32xf32, #tpu.memory_space<vmem_shared>> -> memref<10240x32xf32, #tpu.memory_space<vmem_shared>>
      tpu.enqueue_indirect_dma source(%dma_start3A_557 : memref<128x32xf32, #tpu.memory_space<vmem>>) target(%dma_start3A_563 : memref<10240x32xf32, #tpu.memory_space<vmem_shared>>) offsets(%dma_start3A_560 : memref<128xi32, #tpu.memory_space<vmem>>) semaphore(%arg24 : memref<!tpu.dma_semaphore, #tpu.memory_space<semaphore_mem>>) {add = true}
      %add3A_564 = arith.constant 6 : i32
      %add3A_565 = arith.addi %mul3A_407, %add3A_564 : i32
      %dma_wait3A_566 = arith.constant 6 : i32
      %dma_wait3A_567 = arith.constant 0 : i32
      %dma_wait3A_568 = arith.constant 0 : i32
      %dma_wait3A_569 = tpu.memref_slice %arg8[%dma_wait3A_566, %dma_wait3A_567, %dma_wait3A_568] : memref<8x128x32xf32, #tpu.memory_space<vmem>> -> memref<1x128x32xf32, #tpu.memory_space<vmem>>
      %dma_wait3A_570 = tpu.memref_squeeze %dma_wait3A_569 : memref<1x128x32xf32, #tpu.memory_space<vmem>> -> memref<128x32xf32, #tpu.memory_space<vmem>>
      %dma_wait3A_571 = arith.constant 0 : i32
      %dma_wait3A_572 = tpu.memref_slice %arg6[%add3A_565, %dma_wait3A_571] : memref<80x128xi32, #tpu.memory_space<vmem>> -> memref<1x128xi32, #tpu.memory_space<vmem>>
      %dma_wait3A_573 = tpu.memref_squeeze %dma_wait3A_572 : memref<1x128xi32, #tpu.memory_space<vmem>> -> memref<128xi32, #tpu.memory_space<vmem>>
      %dma_wait3A_574 = arith.constant 0 : i32
      %dma_wait3A_575 = arith.constant 0 : i32
      %dma_wait3A_576 = tpu.memref_slice %arg2[%dma_wait3A_574, %dma_wait3A_575] : memref<10000x32xf32, #tpu.memory_space<hbm>> -> memref<10000x32xf32, #tpu.memory_space<hbm>>
      tpu.wait_indirect_dma semaphore(%arg17 : memref<!tpu.dma_semaphore, #tpu.memory_space<semaphore_mem>>) src(%dma_wait3A_576 : memref<10000x32xf32, #tpu.memory_space<hbm>>) dst(%dma_wait3A_570 : memref<128x32xf32, #tpu.memory_space<vmem>>)
      %add3A_577 = arith.constant 6 : i32
      %add3A_578 = arith.addi %mul3A_407, %add3A_577 : i32
      %dma_start3A_579 = arith.constant 6 : i32
      %dma_start3A_580 = arith.constant 0 : i32
      %dma_start3A_581 = arith.constant 0 : i32
      %dma_start3A_582 = tpu.memref_slice %arg8[%dma_start3A_579, %dma_start3A_580, %dma_start3A_581] : memref<8x128x32xf32, #tpu.memory_space<vmem>> -> memref<1x128x32xf32, #tpu.memory_space<vmem>>
      %dma_start3A_583 = tpu.memref_squeeze %dma_start3A_582 : memref<1x128x32xf32, #tpu.memory_space<vmem>> -> memref<128x32xf32, #tpu.memory_space<vmem>>
      %dma_start3A_584 = arith.constant 0 : i32
      %dma_start3A_585 = tpu.memref_slice %arg7[%add3A_578, %dma_start3A_584] : memref<80x128xi32, #tpu.memory_space<vmem>> -> memref<1x128xi32, #tpu.memory_space<vmem>>
      %dma_start3A_586 = tpu.memref_squeeze %dma_start3A_585 : memref<1x128xi32, #tpu.memory_space<vmem>> -> memref<128xi32, #tpu.memory_space<vmem>>
      %dma_start3A_587 = arith.constant 0 : i32
      %dma_start3A_588 = arith.constant 0 : i32
      %dma_start3A_589 = tpu.memref_slice %arg10[%dma_start3A_587, %dma_start3A_588] : memref<10240x32xf32, #tpu.memory_space<vmem_shared>> -> memref<10240x32xf32, #tpu.memory_space<vmem_shared>>
      tpu.enqueue_indirect_dma source(%dma_start3A_583 : memref<128x32xf32, #tpu.memory_space<vmem>>) target(%dma_start3A_589 : memref<10240x32xf32, #tpu.memory_space<vmem_shared>>) offsets(%dma_start3A_586 : memref<128xi32, #tpu.memory_space<vmem>>) semaphore(%arg25 : memref<!tpu.dma_semaphore, #tpu.memory_space<semaphore_mem>>) {add = true}
      %add3A_590 = arith.constant 7 : i32
      %add3A_591 = arith.addi %mul3A_407, %add3A_590 : i32
      %dma_wait3A_592 = arith.constant 7 : i32
      %dma_wait3A_593 = arith.constant 0 : i32
      %dma_wait3A_594 = arith.constant 0 : i32
      %dma_wait3A_595 = tpu.memref_slice %arg8[%dma_wait3A_592, %dma_wait3A_593, %dma_wait3A_594] : memref<8x128x32xf32, #tpu.memory_space<vmem>> -> memref<1x128x32xf32, #tpu.memory_space<vmem>>
      %dma_wait3A_596 = tpu.memref_squeeze %dma_wait3A_595 : memref<1x128x32xf32, #tpu.memory_space<vmem>> -> memref<128x32xf32, #tpu.memory_space<vmem>>
      %dma_wait3A_597 = arith.constant 0 : i32
      %dma_wait3A_598 = tpu.memref_slice %arg6[%add3A_591, %dma_wait3A_597] : memref<80x128xi32, #tpu.memory_space<vmem>> -> memref<1x128xi32, #tpu.memory_space<vmem>>
      %dma_wait3A_599 = tpu.memref_squeeze %dma_wait3A_598 : memref<1x128xi32, #tpu.memory_space<vmem>> -> memref<128xi32, #tpu.memory_space<vmem>>
      %dma_wait3A_600 = arith.constant 0 : i32
      %dma_wait3A_601 = arith.constant 0 : i32
      %dma_wait3A_602 = tpu.memref_slice %arg2[%dma_wait3A_600, %dma_wait3A_601] : memref<10000x32xf32, #tpu.memory_space<hbm>> -> memref<10000x32xf32, #tpu.memory_space<hbm>>
      tpu.wait_indirect_dma semaphore(%arg18 : memref<!tpu.dma_semaphore, #tpu.memory_space<semaphore_mem>>) src(%dma_wait3A_602 : memref<10000x32xf32, #tpu.memory_space<hbm>>) dst(%dma_wait3A_596 : memref<128x32xf32, #tpu.memory_space<vmem>>)
      %add3A_603 = arith.constant 7 : i32
      %add3A_604 = arith.addi %mul3A_407, %add3A_603 : i32
      %dma_start3A_605 = arith.constant 7 : i32
      %dma_start3A_606 = arith.constant 0 : i32
      %dma_start3A_607 = arith.constant 0 : i32
      %dma_start3A_608 = tpu.memref_slice %arg8[%dma_start3A_605, %dma_start3A_606, %dma_start3A_607] : memref<8x128x32xf32, #tpu.memory_space<vmem>> -> memref<1x128x32xf32, #tpu.memory_space<vmem>>
      %dma_start3A_609 = tpu.memref_squeeze %dma_start3A_608 : memref<1x128x32xf32, #tpu.memory_space<vmem>> -> memref<128x32xf32, #tpu.memory_space<vmem>>
      %dma_start3A_610 = arith.constant 0 : i32
      %dma_start3A_611 = tpu.memref_slice %arg7[%add3A_604, %dma_start3A_610] : memref<80x128xi32, #tpu.memory_space<vmem>> -> memref<1x128xi32, #tpu.memory_space<vmem>>
      %dma_start3A_612 = tpu.memref_squeeze %dma_start3A_611 : memref<1x128xi32, #tpu.memory_space<vmem>> -> memref<128xi32, #tpu.memory_space<vmem>>
      %dma_start3A_613 = arith.constant 0 : i32
      %dma_start3A_614 = arith.constant 0 : i32
      %dma_start3A_615 = tpu.memref_slice %arg10[%dma_start3A_613, %dma_start3A_614] : memref<10240x32xf32, #tpu.memory_space<vmem_shared>> -> memref<10240x32xf32, #tpu.memory_space<vmem_shared>>
      tpu.enqueue_indirect_dma source(%dma_start3A_609 : memref<128x32xf32, #tpu.memory_space<vmem>>) target(%dma_start3A_615 : memref<10240x32xf32, #tpu.memory_space<vmem_shared>>) offsets(%dma_start3A_612 : memref<128xi32, #tpu.memory_space<vmem>>) semaphore(%arg26 : memref<!tpu.dma_semaphore, #tpu.memory_space<semaphore_mem>>) {add = true}
      %add3A_616 = arith.constant 0 : i32
      %add3A_617 = arith.addi %mul3A_407, %add3A_616 : i32
      %dma_wait3A_618 = arith.constant 0 : i32
      %dma_wait3A_619 = arith.constant 0 : i32
      %dma_wait3A_620 = arith.constant 0 : i32
      %dma_wait3A_621 = tpu.memref_slice %arg8[%dma_wait3A_618, %dma_wait3A_619, %dma_wait3A_620] : memref<8x128x32xf32, #tpu.memory_space<vmem>> -> memref<1x128x32xf32, #tpu.memory_space<vmem>>
      %dma_wait3A_622 = tpu.memref_squeeze %dma_wait3A_621 : memref<1x128x32xf32, #tpu.memory_space<vmem>> -> memref<128x32xf32, #tpu.memory_space<vmem>>
      %dma_wait3A_623 = arith.constant 0 : i32
      %dma_wait3A_624 = tpu.memref_slice %arg7[%add3A_617, %dma_wait3A_623] : memref<80x128xi32, #tpu.memory_space<vmem>> -> memref<1x128xi32, #tpu.memory_space<vmem>>
      %dma_wait3A_625 = tpu.memref_squeeze %dma_wait3A_624 : memref<1x128xi32, #tpu.memory_space<vmem>> -> memref<128xi32, #tpu.memory_space<vmem>>
      %dma_wait3A_626 = arith.constant 0 : i32
      %dma_wait3A_627 = arith.constant 0 : i32
      %dma_wait3A_628 = tpu.memref_slice %arg10[%dma_wait3A_626, %dma_wait3A_627] : memref<10240x32xf32, #tpu.memory_space<vmem_shared>> -> memref<10240x32xf32, #tpu.memory_space<vmem_shared>>
      tpu.wait_indirect_dma semaphore(%arg19 : memref<!tpu.dma_semaphore, #tpu.memory_space<semaphore_mem>>) src(%dma_wait3A_622 : memref<128x32xf32, #tpu.memory_space<vmem>>) dst(%dma_wait3A_628 : memref<10240x32xf32, #tpu.memory_space<vmem_shared>>)
      %add3A_629 = arith.constant 8 : i32
      %add3A_630 = arith.addi %mul3A_407, %add3A_629 : i32
      %add3A_631 = arith.constant 0 : i32
      %add3A_632 = arith.addi %add3A_630, %add3A_631 : i32
      %dma_start3A_633 = arith.constant 0 : i32
      %dma_start3A_634 = arith.constant 0 : i32
      %dma_start3A_635 = arith.constant 0 : i32
      %dma_start3A_636 = tpu.memref_slice %arg8[%dma_start3A_633, %dma_start3A_634, %dma_start3A_635] : memref<8x128x32xf32, #tpu.memory_space<vmem>> -> memref<1x128x32xf32, #tpu.memory_space<vmem>>
      %dma_start3A_637 = tpu.memref_squeeze %dma_start3A_636 : memref<1x128x32xf32, #tpu.memory_space<vmem>> -> memref<128x32xf32, #tpu.memory_space<vmem>>
      %dma_start3A_638 = arith.constant 0 : i32
      %dma_start3A_639 = tpu.memref_slice %arg6[%add3A_632, %dma_start3A_638] : memref<80x128xi32, #tpu.memory_space<vmem>> -> memref<1x128xi32, #tpu.memory_space<vmem>>
      %dma_start3A_640 = tpu.memref_squeeze %dma_start3A_639 : memref<1x128xi32, #tpu.memory_space<vmem>> -> memref<128xi32, #tpu.memory_space<vmem>>
      %dma_start3A_641 = arith.constant 0 : i32
      %dma_start3A_642 = arith.constant 0 : i32
      %dma_start3A_643 = tpu.memref_slice %arg2[%dma_start3A_641, %dma_start3A_642] : memref<10000x32xf32, #tpu.memory_space<hbm>> -> memref<10000x32xf32, #tpu.memory_space<hbm>>
      tpu.enqueue_indirect_dma source(%dma_start3A_643 : memref<10000x32xf32, #tpu.memory_space<hbm>>) target(%dma_start3A_637 : memref<128x32xf32, #tpu.memory_space<vmem>>) offsets(%dma_start3A_640 : memref<128xi32, #tpu.memory_space<vmem>>) semaphore(%arg11 : memref<!tpu.dma_semaphore, #tpu.memory_space<semaphore_mem>>)
      %add3A_644 = arith.constant 1 : i32
      %add3A_645 = arith.addi %mul3A_407, %add3A_644 : i32
      %dma_wait3A_646 = arith.constant 1 : i32
      %dma_wait3A_647 = arith.constant 0 : i32
      %dma_wait3A_648 = arith.constant 0 : i32
      %dma_wait3A_649 = tpu.memref_slice %arg8[%dma_wait3A_646, %dma_wait3A_647, %dma_wait3A_648] : memref<8x128x32xf32, #tpu.memory_space<vmem>> -> memref<1x128x32xf32, #tpu.memory_space<vmem>>
      %dma_wait3A_650 = tpu.memref_squeeze %dma_wait3A_649 : memref<1x128x32xf32, #tpu.memory_space<vmem>> -> memref<128x32xf32, #tpu.memory_space<vmem>>
      %dma_wait3A_651 = arith.constant 0 : i32
      %dma_wait3A_652 = tpu.memref_slice %arg7[%add3A_645, %dma_wait3A_651] : memref<80x128xi32, #tpu.memory_space<vmem>> -> memref<1x128xi32, #tpu.memory_space<vmem>>
      %dma_wait3A_653 = tpu.memref_squeeze %dma_wait3A_652 : memref<1x128xi32, #tpu.memory_space<vmem>> -> memref<128xi32, #tpu.memory_space<vmem>>
      %dma_wait3A_654 = arith.constant 0 : i32
      %dma_wait3A_655 = arith.constant 0 : i32
      %dma_wait3A_656 = tpu.memref_slice %arg10[%dma_wait3A_654, %dma_wait3A_655] : memref<10240x32xf32, #tpu.memory_space<vmem_shared>> -> memref<10240x32xf32, #tpu.memory_space<vmem_shared>>
      tpu.wait_indirect_dma semaphore(%arg20 : memref<!tpu.dma_semaphore, #tpu.memory_space<semaphore_mem>>) src(%dma_wait3A_650 : memref<128x32xf32, #tpu.memory_space<vmem>>) dst(%dma_wait3A_656 : memref<10240x32xf32, #tpu.memory_space<vmem_shared>>)
      %add3A_657 = arith.constant 8 : i32
      %add3A_658 = arith.addi %mul3A_407, %add3A_657 : i32
      %add3A_659 = arith.constant 1 : i32
      %add3A_660 = arith.addi %add3A_658, %add3A_659 : i32
      %dma_start3A_661 = arith.constant 1 : i32
      %dma_start3A_662 = arith.constant 0 : i32
      %dma_start3A_663 = arith.constant 0 : i32
      %dma_start3A_664 = tpu.memref_slice %arg8[%dma_start3A_661, %dma_start3A_662, %dma_start3A_663] : memref<8x128x32xf32, #tpu.memory_space<vmem>> -> memref<1x128x32xf32, #tpu.memory_space<vmem>>
      %dma_start3A_665 = tpu.memref_squeeze %dma_start3A_664 : memref<1x128x32xf32, #tpu.memory_space<vmem>> -> memref<128x32xf32, #tpu.memory_space<vmem>>
      %dma_start3A_666 = arith.constant 0 : i32
      %dma_start3A_667 = tpu.memref_slice %arg6[%add3A_660, %dma_start3A_666] : memref<80x128xi32, #tpu.memory_space<vmem>> -> memref<1x128xi32, #tpu.memory_space<vmem>>
      %dma_start3A_668 = tpu.memref_squeeze %dma_start3A_667 : memref<1x128xi32, #tpu.memory_space<vmem>> -> memref<128xi32, #tpu.memory_space<vmem>>
      %dma_start3A_669 = arith.constant 0 : i32
      %dma_start3A_670 = arith.constant 0 : i32
      %dma_start3A_671 = tpu.memref_slice %arg2[%dma_start3A_669, %dma_start3A_670] : memref<10000x32xf32, #tpu.memory_space<hbm>> -> memref<10000x32xf32, #tpu.memory_space<hbm>>
      tpu.enqueue_indirect_dma source(%dma_start3A_671 : memref<10000x32xf32, #tpu.memory_space<hbm>>) target(%dma_start3A_665 : memref<128x32xf32, #tpu.memory_space<vmem>>) offsets(%dma_start3A_668 : memref<128xi32, #tpu.memory_space<vmem>>) semaphore(%arg12 : memref<!tpu.dma_semaphore, #tpu.memory_space<semaphore_mem>>)
      %add3A_672 = arith.constant 2 : i32
      %add3A_673 = arith.addi %mul3A_407, %add3A_672 : i32
      %dma_wait3A_674 = arith.constant 2 : i32
      %dma_wait3A_675 = arith.constant 0 : i32
      %dma_wait3A_676 = arith.constant 0 : i32
      %dma_wait3A_677 = tpu.memref_slice %arg8[%dma_wait3A_674, %dma_wait3A_675, %dma_wait3A_676] : memref<8x128x32xf32, #tpu.memory_space<vmem>> -> memref<1x128x32xf32, #tpu.memory_space<vmem>>
      %dma_wait3A_678 = tpu.memref_squeeze %dma_wait3A_677 : memref<1x128x32xf32, #tpu.memory_space<vmem>> -> memref<128x32xf32, #tpu.memory_space<vmem>>
      %dma_wait3A_679 = arith.constant 0 : i32
      %dma_wait3A_680 = tpu.memref_slice %arg7[%add3A_673, %dma_wait3A_679] : memref<80x128xi32, #tpu.memory_space<vmem>> -> memref<1x128xi32, #tpu.memory_space<vmem>>
      %dma_wait3A_681 = tpu.memref_squeeze %dma_wait3A_680 : memref<1x128xi32, #tpu.memory_space<vmem>> -> memref<128xi32, #tpu.memory_space<vmem>>
      %dma_wait3A_682 = arith.constant 0 : i32
      %dma_wait3A_683 = arith.constant 0 : i32
      %dma_wait3A_684 = tpu.memref_slice %arg10[%dma_wait3A_682, %dma_wait3A_683] : memref<10240x32xf32, #tpu.memory_space<vmem_shared>> -> memref<10240x32xf32, #tpu.memory_space<vmem_shared>>
      tpu.wait_indirect_dma semaphore(%arg21 : memref<!tpu.dma_semaphore, #tpu.memory_space<semaphore_mem>>) src(%dma_wait3A_678 : memref<128x32xf32, #tpu.memory_space<vmem>>) dst(%dma_wait3A_684 : memref<10240x32xf32, #tpu.memory_space<vmem_shared>>)
      %add3A_685 = arith.constant 8 : i32
      %add3A_686 = arith.addi %mul3A_407, %add3A_685 : i32
      %add3A_687 = arith.constant 2 : i32
      %add3A_688 = arith.addi %add3A_686, %add3A_687 : i32
      %dma_start3A_689 = arith.constant 2 : i32
      %dma_start3A_690 = arith.constant 0 : i32
      %dma_start3A_691 = arith.constant 0 : i32
      %dma_start3A_692 = tpu.memref_slice %arg8[%dma_start3A_689, %dma_start3A_690, %dma_start3A_691] : memref<8x128x32xf32, #tpu.memory_space<vmem>> -> memref<1x128x32xf32, #tpu.memory_space<vmem>>
      %dma_start3A_693 = tpu.memref_squeeze %dma_start3A_692 : memref<1x128x32xf32, #tpu.memory_space<vmem>> -> memref<128x32xf32, #tpu.memory_space<vmem>>
      %dma_start3A_694 = arith.constant 0 : i32
      %dma_start3A_695 = tpu.memref_slice %arg6[%add3A_688, %dma_start3A_694] : memref<80x128xi32, #tpu.memory_space<vmem>> -> memref<1x128xi32, #tpu.memory_space<vmem>>
      %dma_start3A_696 = tpu.memref_squeeze %dma_start3A_695 : memref<1x128xi32, #tpu.memory_space<vmem>> -> memref<128xi32, #tpu.memory_space<vmem>>
      %dma_start3A_697 = arith.constant 0 : i32
      %dma_start3A_698 = arith.constant 0 : i32
      %dma_start3A_699 = tpu.memref_slice %arg2[%dma_start3A_697, %dma_start3A_698] : memref<10000x32xf32, #tpu.memory_space<hbm>> -> memref<10000x32xf32, #tpu.memory_space<hbm>>
      tpu.enqueue_indirect_dma source(%dma_start3A_699 : memref<10000x32xf32, #tpu.memory_space<hbm>>) target(%dma_start3A_693 : memref<128x32xf32, #tpu.memory_space<vmem>>) offsets(%dma_start3A_696 : memref<128xi32, #tpu.memory_space<vmem>>) semaphore(%arg13 : memref<!tpu.dma_semaphore, #tpu.memory_space<semaphore_mem>>)
      %add3A_700 = arith.constant 3 : i32
      %add3A_701 = arith.addi %mul3A_407, %add3A_700 : i32
      %dma_wait3A_702 = arith.constant 3 : i32
      %dma_wait3A_703 = arith.constant 0 : i32
      %dma_wait3A_704 = arith.constant 0 : i32
      %dma_wait3A_705 = tpu.memref_slice %arg8[%dma_wait3A_702, %dma_wait3A_703, %dma_wait3A_704] : memref<8x128x32xf32, #tpu.memory_space<vmem>> -> memref<1x128x32xf32, #tpu.memory_space<vmem>>
      %dma_wait3A_706 = tpu.memref_squeeze %dma_wait3A_705 : memref<1x128x32xf32, #tpu.memory_space<vmem>> -> memref<128x32xf32, #tpu.memory_space<vmem>>
      %dma_wait3A_707 = arith.constant 0 : i32
      %dma_wait3A_708 = tpu.memref_slice %arg7[%add3A_701, %dma_wait3A_707] : memref<80x128xi32, #tpu.memory_space<vmem>> -> memref<1x128xi32, #tpu.memory_space<vmem>>
      %dma_wait3A_709 = tpu.memref_squeeze %dma_wait3A_708 : memref<1x128xi32, #tpu.memory_space<vmem>> -> memref<128xi32, #tpu.memory_space<vmem>>
      %dma_wait3A_710 = arith.constant 0 : i32
      %dma_wait3A_711 = arith.constant 0 : i32
      %dma_wait3A_712 = tpu.memref_slice %arg10[%dma_wait3A_710, %dma_wait3A_711] : memref<10240x32xf32, #tpu.memory_space<vmem_shared>> -> memref<10240x32xf32, #tpu.memory_space<vmem_shared>>
      tpu.wait_indirect_dma semaphore(%arg22 : memref<!tpu.dma_semaphore, #tpu.memory_space<semaphore_mem>>) src(%dma_wait3A_706 : memref<128x32xf32, #tpu.memory_space<vmem>>) dst(%dma_wait3A_712 : memref<10240x32xf32, #tpu.memory_space<vmem_shared>>)
      %add3A_713 = arith.constant 8 : i32
      %add3A_714 = arith.addi %mul3A_407, %add3A_713 : i32
      %add3A_715 = arith.constant 3 : i32
      %add3A_716 = arith.addi %add3A_714, %add3A_715 : i32
      %dma_start3A_717 = arith.constant 3 : i32
      %dma_start3A_718 = arith.constant 0 : i32
      %dma_start3A_719 = arith.constant 0 : i32
      %dma_start3A_720 = tpu.memref_slice %arg8[%dma_start3A_717, %dma_start3A_718, %dma_start3A_719] : memref<8x128x32xf32, #tpu.memory_space<vmem>> -> memref<1x128x32xf32, #tpu.memory_space<vmem>>
      %dma_start3A_721 = tpu.memref_squeeze %dma_start3A_720 : memref<1x128x32xf32, #tpu.memory_space<vmem>> -> memref<128x32xf32, #tpu.memory_space<vmem>>
      %dma_start3A_722 = arith.constant 0 : i32
      %dma_start3A_723 = tpu.memref_slice %arg6[%add3A_716, %dma_start3A_722] : memref<80x128xi32, #tpu.memory_space<vmem>> -> memref<1x128xi32, #tpu.memory_space<vmem>>
      %dma_start3A_724 = tpu.memref_squeeze %dma_start3A_723 : memref<1x128xi32, #tpu.memory_space<vmem>> -> memref<128xi32, #tpu.memory_space<vmem>>
      %dma_start3A_725 = arith.constant 0 : i32
      %dma_start3A_726 = arith.constant 0 : i32
      %dma_start3A_727 = tpu.memref_slice %arg2[%dma_start3A_725, %dma_start3A_726] : memref<10000x32xf32, #tpu.memory_space<hbm>> -> memref<10000x32xf32, #tpu.memory_space<hbm>>
      tpu.enqueue_indirect_dma source(%dma_start3A_727 : memref<10000x32xf32, #tpu.memory_space<hbm>>) target(%dma_start3A_721 : memref<128x32xf32, #tpu.memory_space<vmem>>) offsets(%dma_start3A_724 : memref<128xi32, #tpu.memory_space<vmem>>) semaphore(%arg14 : memref<!tpu.dma_semaphore, #tpu.memory_space<semaphore_mem>>)
      %add3A_728 = arith.constant 4 : i32
      %add3A_729 = arith.addi %mul3A_407, %add3A_728 : i32
      %dma_wait3A_730 = arith.constant 4 : i32
      %dma_wait3A_731 = arith.constant 0 : i32
      %dma_wait3A_732 = arith.constant 0 : i32
      %dma_wait3A_733 = tpu.memref_slice %arg8[%dma_wait3A_730, %dma_wait3A_731, %dma_wait3A_732] : memref<8x128x32xf32, #tpu.memory_space<vmem>> -> memref<1x128x32xf32, #tpu.memory_space<vmem>>
      %dma_wait3A_734 = tpu.memref_squeeze %dma_wait3A_733 : memref<1x128x32xf32, #tpu.memory_space<vmem>> -> memref<128x32xf32, #tpu.memory_space<vmem>>
      %dma_wait3A_735 = arith.constant 0 : i32
      %dma_wait3A_736 = tpu.memref_slice %arg7[%add3A_729, %dma_wait3A_735] : memref<80x128xi32, #tpu.memory_space<vmem>> -> memref<1x128xi32, #tpu.memory_space<vmem>>
      %dma_wait3A_737 = tpu.memref_squeeze %dma_wait3A_736 : memref<1x128xi32, #tpu.memory_space<vmem>> -> memref<128xi32, #tpu.memory_space<vmem>>
      %dma_wait3A_738 = arith.constant 0 : i32
      %dma_wait3A_739 = arith.constant 0 : i32
      %dma_wait3A_740 = tpu.memref_slice %arg10[%dma_wait3A_738, %dma_wait3A_739] : memref<10240x32xf32, #tpu.memory_space<vmem_shared>> -> memref<10240x32xf32, #tpu.memory_space<vmem_shared>>
      tpu.wait_indirect_dma semaphore(%arg23 : memref<!tpu.dma_semaphore, #tpu.memory_space<semaphore_mem>>) src(%dma_wait3A_734 : memref<128x32xf32, #tpu.memory_space<vmem>>) dst(%dma_wait3A_740 : memref<10240x32xf32, #tpu.memory_space<vmem_shared>>)
      %add3A_741 = arith.constant 8 : i32
      %add3A_742 = arith.addi %mul3A_407, %add3A_741 : i32
      %add3A_743 = arith.constant 4 : i32
      %add3A_744 = arith.addi %add3A_742, %add3A_743 : i32
      %dma_start3A_745 = arith.constant 4 : i32
      %dma_start3A_746 = arith.constant 0 : i32
      %dma_start3A_747 = arith.constant 0 : i32
      %dma_start3A_748 = tpu.memref_slice %arg8[%dma_start3A_745, %dma_start3A_746, %dma_start3A_747] : memref<8x128x32xf32, #tpu.memory_space<vmem>> -> memref<1x128x32xf32, #tpu.memory_space<vmem>>
      %dma_start3A_749 = tpu.memref_squeeze %dma_start3A_748 : memref<1x128x32xf32, #tpu.memory_space<vmem>> -> memref<128x32xf32, #tpu.memory_space<vmem>>
      %dma_start3A_750 = arith.constant 0 : i32
      %dma_start3A_751 = tpu.memref_slice %arg6[%add3A_744, %dma_start3A_750] : memref<80x128xi32, #tpu.memory_space<vmem>> -> memref<1x128xi32, #tpu.memory_space<vmem>>
      %dma_start3A_752 = tpu.memref_squeeze %dma_start3A_751 : memref<1x128xi32, #tpu.memory_space<vmem>> -> memref<128xi32, #tpu.memory_space<vmem>>
      %dma_start3A_753 = arith.constant 0 : i32
      %dma_start3A_754 = arith.constant 0 : i32
      %dma_start3A_755 = tpu.memref_slice %arg2[%dma_start3A_753, %dma_start3A_754] : memref<10000x32xf32, #tpu.memory_space<hbm>> -> memref<10000x32xf32, #tpu.memory_space<hbm>>
      tpu.enqueue_indirect_dma source(%dma_start3A_755 : memref<10000x32xf32, #tpu.memory_space<hbm>>) target(%dma_start3A_749 : memref<128x32xf32, #tpu.memory_space<vmem>>) offsets(%dma_start3A_752 : memref<128xi32, #tpu.memory_space<vmem>>) semaphore(%arg15 : memref<!tpu.dma_semaphore, #tpu.memory_space<semaphore_mem>>)
      %add3A_756 = arith.constant 5 : i32
      %add3A_757 = arith.addi %mul3A_407, %add3A_756 : i32
      %dma_wait3A_758 = arith.constant 5 : i32
      %dma_wait3A_759 = arith.constant 0 : i32
      %dma_wait3A_760 = arith.constant 0 : i32
      %dma_wait3A_761 = tpu.memref_slice %arg8[%dma_wait3A_758, %dma_wait3A_759, %dma_wait3A_760] : memref<8x128x32xf32, #tpu.memory_space<vmem>> -> memref<1x128x32xf32, #tpu.memory_space<vmem>>
      %dma_wait3A_762 = tpu.memref_squeeze %dma_wait3A_761 : memref<1x128x32xf32, #tpu.memory_space<vmem>> -> memref<128x32xf32, #tpu.memory_space<vmem>>
      %dma_wait3A_763 = arith.constant 0 : i32
      %dma_wait3A_764 = tpu.memref_slice %arg7[%add3A_757, %dma_wait3A_763] : memref<80x128xi32, #tpu.memory_space<vmem>> -> memref<1x128xi32, #tpu.memory_space<vmem>>
      %dma_wait3A_765 = tpu.memref_squeeze %dma_wait3A_764 : memref<1x128xi32, #tpu.memory_space<vmem>> -> memref<128xi32, #tpu.memory_space<vmem>>
      %dma_wait3A_766 = arith.constant 0 : i32
      %dma_wait3A_767 = arith.constant 0 : i32
      %dma_wait3A_768 = tpu.memref_slice %arg10[%dma_wait3A_766, %dma_wait3A_767] : memref<10240x32xf32, #tpu.memory_space<vmem_shared>> -> memref<10240x32xf32, #tpu.memory_space<vmem_shared>>
      tpu.wait_indirect_dma semaphore(%arg24 : memref<!tpu.dma_semaphore, #tpu.memory_space<semaphore_mem>>) src(%dma_wait3A_762 : memref<128x32xf32, #tpu.memory_space<vmem>>) dst(%dma_wait3A_768 : memref<10240x32xf32, #tpu.memory_space<vmem_shared>>)
      %add3A_769 = arith.constant 8 : i32
      %add3A_770 = arith.addi %mul3A_407, %add3A_769 : i32
      %add3A_771 = arith.constant 5 : i32
      %add3A_772 = arith.addi %add3A_770, %add3A_771 : i32
      %dma_start3A_773 = arith.constant 5 : i32
      %dma_start3A_774 = arith.constant 0 : i32
      %dma_start3A_775 = arith.constant 0 : i32
      %dma_start3A_776 = tpu.memref_slice %arg8[%dma_start3A_773, %dma_start3A_774, %dma_start3A_775] : memref<8x128x32xf32, #tpu.memory_space<vmem>> -> memref<1x128x32xf32, #tpu.memory_space<vmem>>
      %dma_start3A_777 = tpu.memref_squeeze %dma_start3A_776 : memref<1x128x32xf32, #tpu.memory_space<vmem>> -> memref<128x32xf32, #tpu.memory_space<vmem>>
      %dma_start3A_778 = arith.constant 0 : i32
      %dma_start3A_779 = tpu.memref_slice %arg6[%add3A_772, %dma_start3A_778] : memref<80x128xi32, #tpu.memory_space<vmem>> -> memref<1x128xi32, #tpu.memory_space<vmem>>
      %dma_start3A_780 = tpu.memref_squeeze %dma_start3A_779 : memref<1x128xi32, #tpu.memory_space<vmem>> -> memref<128xi32, #tpu.memory_space<vmem>>
      %dma_start3A_781 = arith.constant 0 : i32
      %dma_start3A_782 = arith.constant 0 : i32
      %dma_start3A_783 = tpu.memref_slice %arg2[%dma_start3A_781, %dma_start3A_782] : memref<10000x32xf32, #tpu.memory_space<hbm>> -> memref<10000x32xf32, #tpu.memory_space<hbm>>
      tpu.enqueue_indirect_dma source(%dma_start3A_783 : memref<10000x32xf32, #tpu.memory_space<hbm>>) target(%dma_start3A_777 : memref<128x32xf32, #tpu.memory_space<vmem>>) offsets(%dma_start3A_780 : memref<128xi32, #tpu.memory_space<vmem>>) semaphore(%arg16 : memref<!tpu.dma_semaphore, #tpu.memory_space<semaphore_mem>>)
      %add3A_784 = arith.constant 6 : i32
      %add3A_785 = arith.addi %mul3A_407, %add3A_784 : i32
      %dma_wait3A_786 = arith.constant 6 : i32
      %dma_wait3A_787 = arith.constant 0 : i32
      %dma_wait3A_788 = arith.constant 0 : i32
      %dma_wait3A_789 = tpu.memref_slice %arg8[%dma_wait3A_786, %dma_wait3A_787, %dma_wait3A_788] : memref<8x128x32xf32, #tpu.memory_space<vmem>> -> memref<1x128x32xf32, #tpu.memory_space<vmem>>
      %dma_wait3A_790 = tpu.memref_squeeze %dma_wait3A_789 : memref<1x128x32xf32, #tpu.memory_space<vmem>> -> memref<128x32xf32, #tpu.memory_space<vmem>>
      %dma_wait3A_791 = arith.constant 0 : i32
      %dma_wait3A_792 = tpu.memref_slice %arg7[%add3A_785, %dma_wait3A_791] : memref<80x128xi32, #tpu.memory_space<vmem>> -> memref<1x128xi32, #tpu.memory_space<vmem>>
      %dma_wait3A_793 = tpu.memref_squeeze %dma_wait3A_792 : memref<1x128xi32, #tpu.memory_space<vmem>> -> memref<128xi32, #tpu.memory_space<vmem>>
      %dma_wait3A_794 = arith.constant 0 : i32
      %dma_wait3A_795 = arith.constant 0 : i32
      %dma_wait3A_796 = tpu.memref_slice %arg10[%dma_wait3A_794, %dma_wait3A_795] : memref<10240x32xf32, #tpu.memory_space<vmem_shared>> -> memref<10240x32xf32, #tpu.memory_space<vmem_shared>>
      tpu.wait_indirect_dma semaphore(%arg25 : memref<!tpu.dma_semaphore, #tpu.memory_space<semaphore_mem>>) src(%dma_wait3A_790 : memref<128x32xf32, #tpu.memory_space<vmem>>) dst(%dma_wait3A_796 : memref<10240x32xf32, #tpu.memory_space<vmem_shared>>)
      %add3A_797 = arith.constant 8 : i32
      %add3A_798 = arith.addi %mul3A_407, %add3A_797 : i32
      %add3A_799 = arith.constant 6 : i32
      %add3A_800 = arith.addi %add3A_798, %add3A_799 : i32
      %dma_start3A_801 = arith.constant 6 : i32
      %dma_start3A_802 = arith.constant 0 : i32
      %dma_start3A_803 = arith.constant 0 : i32
      %dma_start3A_804 = tpu.memref_slice %arg8[%dma_start3A_801, %dma_start3A_802, %dma_start3A_803] : memref<8x128x32xf32, #tpu.memory_space<vmem>> -> memref<1x128x32xf32, #tpu.memory_space<vmem>>
      %dma_start3A_805 = tpu.memref_squeeze %dma_start3A_804 : memref<1x128x32xf32, #tpu.memory_space<vmem>> -> memref<128x32xf32, #tpu.memory_space<vmem>>
      %dma_start3A_806 = arith.constant 0 : i32
      %dma_start3A_807 = tpu.memref_slice %arg6[%add3A_800, %dma_start3A_806] : memref<80x128xi32, #tpu.memory_space<vmem>> -> memref<1x128xi32, #tpu.memory_space<vmem>>
      %dma_start3A_808 = tpu.memref_squeeze %dma_start3A_807 : memref<1x128xi32, #tpu.memory_space<vmem>> -> memref<128xi32, #tpu.memory_space<vmem>>
      %dma_start3A_809 = arith.constant 0 : i32
      %dma_start3A_810 = arith.constant 0 : i32
      %dma_start3A_811 = tpu.memref_slice %arg2[%dma_start3A_809, %dma_start3A_810] : memref<10000x32xf32, #tpu.memory_space<hbm>> -> memref<10000x32xf32, #tpu.memory_space<hbm>>
      tpu.enqueue_indirect_dma source(%dma_start3A_811 : memref<10000x32xf32, #tpu.memory_space<hbm>>) target(%dma_start3A_805 : memref<128x32xf32, #tpu.memory_space<vmem>>) offsets(%dma_start3A_808 : memref<128xi32, #tpu.memory_space<vmem>>) semaphore(%arg17 : memref<!tpu.dma_semaphore, #tpu.memory_space<semaphore_mem>>)
      %add3A_812 = arith.constant 7 : i32
      %add3A_813 = arith.addi %mul3A_407, %add3A_812 : i32
      %dma_wait3A_814 = arith.constant 7 : i32
      %dma_wait3A_815 = arith.constant 0 : i32
      %dma_wait3A_816 = arith.constant 0 : i32
      %dma_wait3A_817 = tpu.memref_slice %arg8[%dma_wait3A_814, %dma_wait3A_815, %dma_wait3A_816] : memref<8x128x32xf32, #tpu.memory_space<vmem>> -> memref<1x128x32xf32, #tpu.memory_space<vmem>>
      %dma_wait3A_818 = tpu.memref_squeeze %dma_wait3A_817 : memref<1x128x32xf32, #tpu.memory_space<vmem>> -> memref<128x32xf32, #tpu.memory_space<vmem>>
      %dma_wait3A_819 = arith.constant 0 : i32
      %dma_wait3A_820 = tpu.memref_slice %arg7[%add3A_813, %dma_wait3A_819] : memref<80x128xi32, #tpu.memory_space<vmem>> -> memref<1x128xi32, #tpu.memory_space<vmem>>
      %dma_wait3A_821 = tpu.memref_squeeze %dma_wait3A_820 : memref<1x128xi32, #tpu.memory_space<vmem>> -> memref<128xi32, #tpu.memory_space<vmem>>
      %dma_wait3A_822 = arith.constant 0 : i32
      %dma_wait3A_823 = arith.constant 0 : i32
      %dma_wait3A_824 = tpu.memref_slice %arg10[%dma_wait3A_822, %dma_wait3A_823] : memref<10240x32xf32, #tpu.memory_space<vmem_shared>> -> memref<10240x32xf32, #tpu.memory_space<vmem_shared>>
      tpu.wait_indirect_dma semaphore(%arg26 : memref<!tpu.dma_semaphore, #tpu.memory_space<semaphore_mem>>) src(%dma_wait3A_818 : memref<128x32xf32, #tpu.memory_space<vmem>>) dst(%dma_wait3A_824 : memref<10240x32xf32, #tpu.memory_space<vmem_shared>>)
      %add3A_825 = arith.constant 8 : i32
      %add3A_826 = arith.addi %mul3A_407, %add3A_825 : i32
      %add3A_827 = arith.constant 7 : i32
      %add3A_828 = arith.addi %add3A_826, %add3A_827 : i32
      %dma_start3A_829 = arith.constant 7 : i32
      %dma_start3A_830 = arith.constant 0 : i32
      %dma_start3A_831 = arith.constant 0 : i32
      %dma_start3A_832 = tpu.memref_slice %arg8[%dma_start3A_829, %dma_start3A_830, %dma_start3A_831] : memref<8x128x32xf32, #tpu.memory_space<vmem>> -> memref<1x128x32xf32, #tpu.memory_space<vmem>>
      %dma_start3A_833 = tpu.memref_squeeze %dma_start3A_832 : memref<1x128x32xf32, #tpu.memory_space<vmem>> -> memref<128x32xf32, #tpu.memory_space<vmem>>
      %dma_start3A_834 = arith.constant 0 : i32
      %dma_start3A_835 = tpu.memref_slice %arg6[%add3A_828, %dma_start3A_834] : memref<80x128xi32, #tpu.memory_space<vmem>> -> memref<1x128xi32, #tpu.memory_space<vmem>>
      %dma_start3A_836 = tpu.memref_squeeze %dma_start3A_835 : memref<1x128xi32, #tpu.memory_space<vmem>> -> memref<128xi32, #tpu.memory_space<vmem>>
      %dma_start3A_837 = arith.constant 0 : i32
      %dma_start3A_838 = arith.constant 0 : i32
      %dma_start3A_839 = tpu.memref_slice %arg2[%dma_start3A_837, %dma_start3A_838] : memref<10000x32xf32, #tpu.memory_space<hbm>> -> memref<10000x32xf32, #tpu.memory_space<hbm>>
      tpu.enqueue_indirect_dma source(%dma_start3A_839 : memref<10000x32xf32, #tpu.memory_space<hbm>>) target(%dma_start3A_833 : memref<128x32xf32, #tpu.memory_space<vmem>>) offsets(%dma_start3A_836 : memref<128xi32, #tpu.memory_space<vmem>>) semaphore(%arg18 : memref<!tpu.dma_semaphore, #tpu.memory_space<semaphore_mem>>)
      %scan3A_840 = arith.constant 0 : i32
      scf.yield %scan3A_840 : i32
    }
    %scan3A_111 = arith.constant 9 : i32
    %dma_wait3A = arith.constant 72 : i32
    %dma_wait3A_112 = arith.constant 0 : i32
    %dma_wait3A_113 = arith.constant 0 : i32
    %dma_wait3A_114 = arith.constant 0 : i32
    %dma_wait3A_115 = tpu.memref_slice %arg8[%dma_wait3A_112, %dma_wait3A_113, %dma_wait3A_114] : memref<8x128x32xf32, #tpu.memory_space<vmem>> -> memref<1x128x32xf32, #tpu.memory_space<vmem>>
    %dma_wait3A_116 = tpu.memref_squeeze %dma_wait3A_115 : memref<1x128x32xf32, #tpu.memory_space<vmem>> -> memref<128x32xf32, #tpu.memory_space<vmem>>
    %dma_wait3A_117 = arith.constant 0 : i32
    %dma_wait3A_118 = tpu.memref_slice %arg6[%dma_wait3A, %dma_wait3A_117] : memref<80x128xi32, #tpu.memory_space<vmem>> -> memref<1x128xi32, #tpu.memory_space<vmem>>
    %dma_wait3A_119 = tpu.memref_squeeze %dma_wait3A_118 : memref<1x128xi32, #tpu.memory_space<vmem>> -> memref<128xi32, #tpu.memory_space<vmem>>
    %dma_wait3A_120 = arith.constant 0 : i32
    %dma_wait3A_121 = arith.constant 0 : i32
    %dma_wait3A_122 = tpu.memref_slice %arg2[%dma_wait3A_120, %dma_wait3A_121] : memref<10000x32xf32, #tpu.memory_space<hbm>> -> memref<10000x32xf32, #tpu.memory_space<hbm>>
    tpu.wait_indirect_dma semaphore(%arg11 : memref<!tpu.dma_semaphore, #tpu.memory_space<semaphore_mem>>) src(%dma_wait3A_122 : memref<10000x32xf32, #tpu.memory_space<hbm>>) dst(%dma_wait3A_116 : memref<128x32xf32, #tpu.memory_space<vmem>>)
    %dma_start3A_123 = arith.constant 0 : i32
    %dma_start3A_124 = arith.constant 72 : i32
    %dma_start3A_125 = arith.constant 0 : i32
    %dma_start3A_126 = arith.constant 0 : i32
    %dma_start3A_127 = tpu.memref_slice %arg8[%dma_start3A_123, %dma_start3A_125, %dma_start3A_126] : memref<8x128x32xf32, #tpu.memory_space<vmem>> -> memref<1x128x32xf32, #tpu.memory_space<vmem>>
    %dma_start3A_128 = tpu.memref_squeeze %dma_start3A_127 : memref<1x128x32xf32, #tpu.memory_space<vmem>> -> memref<128x32xf32, #tpu.memory_space<vmem>>
    %dma_start3A_129 = arith.constant 0 : i32
    %dma_start3A_130 = tpu.memref_slice %arg7[%dma_start3A_124, %dma_start3A_129] : memref<80x128xi32, #tpu.memory_space<vmem>> -> memref<1x128xi32, #tpu.memory_space<vmem>>
    %dma_start3A_131 = tpu.memref_squeeze %dma_start3A_130 : memref<1x128xi32, #tpu.memory_space<vmem>> -> memref<128xi32, #tpu.memory_space<vmem>>
    %dma_start3A_132 = arith.constant 0 : i32
    %dma_start3A_133 = arith.constant 0 : i32
    %dma_start3A_134 = tpu.memref_slice %arg10[%dma_start3A_132, %dma_start3A_133] : memref<10240x32xf32, #tpu.memory_space<vmem_shared>> -> memref<10240x32xf32, #tpu.memory_space<vmem_shared>>
    tpu.enqueue_indirect_dma source(%dma_start3A_128 : memref<128x32xf32, #tpu.memory_space<vmem>>) target(%dma_start3A_134 : memref<10240x32xf32, #tpu.memory_space<vmem_shared>>) offsets(%dma_start3A_131 : memref<128xi32, #tpu.memory_space<vmem>>) semaphore(%arg19 : memref<!tpu.dma_semaphore, #tpu.memory_space<semaphore_mem>>) {add = true}
    %dma_wait3A_135 = arith.constant 73 : i32
    %dma_wait3A_136 = arith.constant 1 : i32
    %dma_wait3A_137 = arith.constant 0 : i32
    %dma_wait3A_138 = arith.constant 0 : i32
    %dma_wait3A_139 = tpu.memref_slice %arg8[%dma_wait3A_136, %dma_wait3A_137, %dma_wait3A_138] : memref<8x128x32xf32, #tpu.memory_space<vmem>> -> memref<1x128x32xf32, #tpu.memory_space<vmem>>
    %dma_wait3A_140 = tpu.memref_squeeze %dma_wait3A_139 : memref<1x128x32xf32, #tpu.memory_space<vmem>> -> memref<128x32xf32, #tpu.memory_space<vmem>>
    %dma_wait3A_141 = arith.constant 0 : i32
    %dma_wait3A_142 = tpu.memref_slice %arg6[%dma_wait3A_135, %dma_wait3A_141] : memref<80x128xi32, #tpu.memory_space<vmem>> -> memref<1x128xi32, #tpu.memory_space<vmem>>
    %dma_wait3A_143 = tpu.memref_squeeze %dma_wait3A_142 : memref<1x128xi32, #tpu.memory_space<vmem>> -> memref<128xi32, #tpu.memory_space<vmem>>
    %dma_wait3A_144 = arith.constant 0 : i32
    %dma_wait3A_145 = arith.constant 0 : i32
    %dma_wait3A_146 = tpu.memref_slice %arg2[%dma_wait3A_144, %dma_wait3A_145] : memref<10000x32xf32, #tpu.memory_space<hbm>> -> memref<10000x32xf32, #tpu.memory_space<hbm>>
    tpu.wait_indirect_dma semaphore(%arg12 : memref<!tpu.dma_semaphore, #tpu.memory_space<semaphore_mem>>) src(%dma_wait3A_146 : memref<10000x32xf32, #tpu.memory_space<hbm>>) dst(%dma_wait3A_140 : memref<128x32xf32, #tpu.memory_space<vmem>>)
    %dma_start3A_147 = arith.constant 1 : i32
    %dma_start3A_148 = arith.constant 73 : i32
    %dma_start3A_149 = arith.constant 0 : i32
    %dma_start3A_150 = arith.constant 0 : i32
    %dma_start3A_151 = tpu.memref_slice %arg8[%dma_start3A_147, %dma_start3A_149, %dma_start3A_150] : memref<8x128x32xf32, #tpu.memory_space<vmem>> -> memref<1x128x32xf32, #tpu.memory_space<vmem>>
    %dma_start3A_152 = tpu.memref_squeeze %dma_start3A_151 : memref<1x128x32xf32, #tpu.memory_space<vmem>> -> memref<128x32xf32, #tpu.memory_space<vmem>>
    %dma_start3A_153 = arith.constant 0 : i32
    %dma_start3A_154 = tpu.memref_slice %arg7[%dma_start3A_148, %dma_start3A_153] : memref<80x128xi32, #tpu.memory_space<vmem>> -> memref<1x128xi32, #tpu.memory_space<vmem>>
    %dma_start3A_155 = tpu.memref_squeeze %dma_start3A_154 : memref<1x128xi32, #tpu.memory_space<vmem>> -> memref<128xi32, #tpu.memory_space<vmem>>
    %dma_start3A_156 = arith.constant 0 : i32
    %dma_start3A_157 = arith.constant 0 : i32
    %dma_start3A_158 = tpu.memref_slice %arg10[%dma_start3A_156, %dma_start3A_157] : memref<10240x32xf32, #tpu.memory_space<vmem_shared>> -> memref<10240x32xf32, #tpu.memory_space<vmem_shared>>
    tpu.enqueue_indirect_dma source(%dma_start3A_152 : memref<128x32xf32, #tpu.memory_space<vmem>>) target(%dma_start3A_158 : memref<10240x32xf32, #tpu.memory_space<vmem_shared>>) offsets(%dma_start3A_155 : memref<128xi32, #tpu.memory_space<vmem>>) semaphore(%arg20 : memref<!tpu.dma_semaphore, #tpu.memory_space<semaphore_mem>>) {add = true}
    %dma_wait3A_159 = arith.constant 74 : i32
    %dma_wait3A_160 = arith.constant 2 : i32
    %dma_wait3A_161 = arith.constant 0 : i32
    %dma_wait3A_162 = arith.constant 0 : i32
    %dma_wait3A_163 = tpu.memref_slice %arg8[%dma_wait3A_160, %dma_wait3A_161, %dma_wait3A_162] : memref<8x128x32xf32, #tpu.memory_space<vmem>> -> memref<1x128x32xf32, #tpu.memory_space<vmem>>
    %dma_wait3A_164 = tpu.memref_squeeze %dma_wait3A_163 : memref<1x128x32xf32, #tpu.memory_space<vmem>> -> memref<128x32xf32, #tpu.memory_space<vmem>>
    %dma_wait3A_165 = arith.constant 0 : i32
    %dma_wait3A_166 = tpu.memref_slice %arg6[%dma_wait3A_159, %dma_wait3A_165] : memref<80x128xi32, #tpu.memory_space<vmem>> -> memref<1x128xi32, #tpu.memory_space<vmem>>
    %dma_wait3A_167 = tpu.memref_squeeze %dma_wait3A_166 : memref<1x128xi32, #tpu.memory_space<vmem>> -> memref<128xi32, #tpu.memory_space<vmem>>
    %dma_wait3A_168 = arith.constant 0 : i32
    %dma_wait3A_169 = arith.constant 0 : i32
    %dma_wait3A_170 = tpu.memref_slice %arg2[%dma_wait3A_168, %dma_wait3A_169] : memref<10000x32xf32, #tpu.memory_space<hbm>> -> memref<10000x32xf32, #tpu.memory_space<hbm>>
    tpu.wait_indirect_dma semaphore(%arg13 : memref<!tpu.dma_semaphore, #tpu.memory_space<semaphore_mem>>) src(%dma_wait3A_170 : memref<10000x32xf32, #tpu.memory_space<hbm>>) dst(%dma_wait3A_164 : memref<128x32xf32, #tpu.memory_space<vmem>>)
    %dma_start3A_171 = arith.constant 2 : i32
    %dma_start3A_172 = arith.constant 74 : i32
    %dma_start3A_173 = arith.constant 0 : i32
    %dma_start3A_174 = arith.constant 0 : i32
    %dma_start3A_175 = tpu.memref_slice %arg8[%dma_start3A_171, %dma_start3A_173, %dma_start3A_174] : memref<8x128x32xf32, #tpu.memory_space<vmem>> -> memref<1x128x32xf32, #tpu.memory_space<vmem>>
    %dma_start3A_176 = tpu.memref_squeeze %dma_start3A_175 : memref<1x128x32xf32, #tpu.memory_space<vmem>> -> memref<128x32xf32, #tpu.memory_space<vmem>>
    %dma_start3A_177 = arith.constant 0 : i32
    %dma_start3A_178 = tpu.memref_slice %arg7[%dma_start3A_172, %dma_start3A_177] : memref<80x128xi32, #tpu.memory_space<vmem>> -> memref<1x128xi32, #tpu.memory_space<vmem>>
    %dma_start3A_179 = tpu.memref_squeeze %dma_start3A_178 : memref<1x128xi32, #tpu.memory_space<vmem>> -> memref<128xi32, #tpu.memory_space<vmem>>
    %dma_start3A_180 = arith.constant 0 : i32
    %dma_start3A_181 = arith.constant 0 : i32
    %dma_start3A_182 = tpu.memref_slice %arg10[%dma_start3A_180, %dma_start3A_181] : memref<10240x32xf32, #tpu.memory_space<vmem_shared>> -> memref<10240x32xf32, #tpu.memory_space<vmem_shared>>
    tpu.enqueue_indirect_dma source(%dma_start3A_176 : memref<128x32xf32, #tpu.memory_space<vmem>>) target(%dma_start3A_182 : memref<10240x32xf32, #tpu.memory_space<vmem_shared>>) offsets(%dma_start3A_179 : memref<128xi32, #tpu.memory_space<vmem>>) semaphore(%arg21 : memref<!tpu.dma_semaphore, #tpu.memory_space<semaphore_mem>>) {add = true}
    %dma_wait3A_183 = arith.constant 75 : i32
    %dma_wait3A_184 = arith.constant 3 : i32
    %dma_wait3A_185 = arith.constant 0 : i32
    %dma_wait3A_186 = arith.constant 0 : i32
    %dma_wait3A_187 = tpu.memref_slice %arg8[%dma_wait3A_184, %dma_wait3A_185, %dma_wait3A_186] : memref<8x128x32xf32, #tpu.memory_space<vmem>> -> memref<1x128x32xf32, #tpu.memory_space<vmem>>
    %dma_wait3A_188 = tpu.memref_squeeze %dma_wait3A_187 : memref<1x128x32xf32, #tpu.memory_space<vmem>> -> memref<128x32xf32, #tpu.memory_space<vmem>>
    %dma_wait3A_189 = arith.constant 0 : i32
    %dma_wait3A_190 = tpu.memref_slice %arg6[%dma_wait3A_183, %dma_wait3A_189] : memref<80x128xi32, #tpu.memory_space<vmem>> -> memref<1x128xi32, #tpu.memory_space<vmem>>
    %dma_wait3A_191 = tpu.memref_squeeze %dma_wait3A_190 : memref<1x128xi32, #tpu.memory_space<vmem>> -> memref<128xi32, #tpu.memory_space<vmem>>
    %dma_wait3A_192 = arith.constant 0 : i32
    %dma_wait3A_193 = arith.constant 0 : i32
    %dma_wait3A_194 = tpu.memref_slice %arg2[%dma_wait3A_192, %dma_wait3A_193] : memref<10000x32xf32, #tpu.memory_space<hbm>> -> memref<10000x32xf32, #tpu.memory_space<hbm>>
    tpu.wait_indirect_dma semaphore(%arg14 : memref<!tpu.dma_semaphore, #tpu.memory_space<semaphore_mem>>) src(%dma_wait3A_194 : memref<10000x32xf32, #tpu.memory_space<hbm>>) dst(%dma_wait3A_188 : memref<128x32xf32, #tpu.memory_space<vmem>>)
    %dma_start3A_195 = arith.constant 3 : i32
    %dma_start3A_196 = arith.constant 75 : i32
    %dma_start3A_197 = arith.constant 0 : i32
    %dma_start3A_198 = arith.constant 0 : i32
    %dma_start3A_199 = tpu.memref_slice %arg8[%dma_start3A_195, %dma_start3A_197, %dma_start3A_198] : memref<8x128x32xf32, #tpu.memory_space<vmem>> -> memref<1x128x32xf32, #tpu.memory_space<vmem>>
    %dma_start3A_200 = tpu.memref_squeeze %dma_start3A_199 : memref<1x128x32xf32, #tpu.memory_space<vmem>> -> memref<128x32xf32, #tpu.memory_space<vmem>>
    %dma_start3A_201 = arith.constant 0 : i32
    %dma_start3A_202 = tpu.memref_slice %arg7[%dma_start3A_196, %dma_start3A_201] : memref<80x128xi32, #tpu.memory_space<vmem>> -> memref<1x128xi32, #tpu.memory_space<vmem>>
    %dma_start3A_203 = tpu.memref_squeeze %dma_start3A_202 : memref<1x128xi32, #tpu.memory_space<vmem>> -> memref<128xi32, #tpu.memory_space<vmem>>
    %dma_start3A_204 = arith.constant 0 : i32
    %dma_start3A_205 = arith.constant 0 : i32
    %dma_start3A_206 = tpu.memref_slice %arg10[%dma_start3A_204, %dma_start3A_205] : memref<10240x32xf32, #tpu.memory_space<vmem_shared>> -> memref<10240x32xf32, #tpu.memory_space<vmem_shared>>
    tpu.enqueue_indirect_dma source(%dma_start3A_200 : memref<128x32xf32, #tpu.memory_space<vmem>>) target(%dma_start3A_206 : memref<10240x32xf32, #tpu.memory_space<vmem_shared>>) offsets(%dma_start3A_203 : memref<128xi32, #tpu.memory_space<vmem>>) semaphore(%arg22 : memref<!tpu.dma_semaphore, #tpu.memory_space<semaphore_mem>>) {add = true}
    %dma_wait3A_207 = arith.constant 76 : i32
    %dma_wait3A_208 = arith.constant 4 : i32
    %dma_wait3A_209 = arith.constant 0 : i32
    %dma_wait3A_210 = arith.constant 0 : i32
    %dma_wait3A_211 = tpu.memref_slice %arg8[%dma_wait3A_208, %dma_wait3A_209, %dma_wait3A_210] : memref<8x128x32xf32, #tpu.memory_space<vmem>> -> memref<1x128x32xf32, #tpu.memory_space<vmem>>
    %dma_wait3A_212 = tpu.memref_squeeze %dma_wait3A_211 : memref<1x128x32xf32, #tpu.memory_space<vmem>> -> memref<128x32xf32, #tpu.memory_space<vmem>>
    %dma_wait3A_213 = arith.constant 0 : i32
    %dma_wait3A_214 = tpu.memref_slice %arg6[%dma_wait3A_207, %dma_wait3A_213] : memref<80x128xi32, #tpu.memory_space<vmem>> -> memref<1x128xi32, #tpu.memory_space<vmem>>
    %dma_wait3A_215 = tpu.memref_squeeze %dma_wait3A_214 : memref<1x128xi32, #tpu.memory_space<vmem>> -> memref<128xi32, #tpu.memory_space<vmem>>
    %dma_wait3A_216 = arith.constant 0 : i32
    %dma_wait3A_217 = arith.constant 0 : i32
    %dma_wait3A_218 = tpu.memref_slice %arg2[%dma_wait3A_216, %dma_wait3A_217] : memref<10000x32xf32, #tpu.memory_space<hbm>> -> memref<10000x32xf32, #tpu.memory_space<hbm>>
    tpu.wait_indirect_dma semaphore(%arg15 : memref<!tpu.dma_semaphore, #tpu.memory_space<semaphore_mem>>) src(%dma_wait3A_218 : memref<10000x32xf32, #tpu.memory_space<hbm>>) dst(%dma_wait3A_212 : memref<128x32xf32, #tpu.memory_space<vmem>>)
    %dma_start3A_219 = arith.constant 4 : i32
    %dma_start3A_220 = arith.constant 76 : i32
    %dma_start3A_221 = arith.constant 0 : i32
    %dma_start3A_222 = arith.constant 0 : i32
    %dma_start3A_223 = tpu.memref_slice %arg8[%dma_start3A_219, %dma_start3A_221, %dma_start3A_222] : memref<8x128x32xf32, #tpu.memory_space<vmem>> -> memref<1x128x32xf32, #tpu.memory_space<vmem>>
    %dma_start3A_224 = tpu.memref_squeeze %dma_start3A_223 : memref<1x128x32xf32, #tpu.memory_space<vmem>> -> memref<128x32xf32, #tpu.memory_space<vmem>>
    %dma_start3A_225 = arith.constant 0 : i32
    %dma_start3A_226 = tpu.memref_slice %arg7[%dma_start3A_220, %dma_start3A_225] : memref<80x128xi32, #tpu.memory_space<vmem>> -> memref<1x128xi32, #tpu.memory_space<vmem>>
    %dma_start3A_227 = tpu.memref_squeeze %dma_start3A_226 : memref<1x128xi32, #tpu.memory_space<vmem>> -> memref<128xi32, #tpu.memory_space<vmem>>
    %dma_start3A_228 = arith.constant 0 : i32
    %dma_start3A_229 = arith.constant 0 : i32
    %dma_start3A_230 = tpu.memref_slice %arg10[%dma_start3A_228, %dma_start3A_229] : memref<10240x32xf32, #tpu.memory_space<vmem_shared>> -> memref<10240x32xf32, #tpu.memory_space<vmem_shared>>
    tpu.enqueue_indirect_dma source(%dma_start3A_224 : memref<128x32xf32, #tpu.memory_space<vmem>>) target(%dma_start3A_230 : memref<10240x32xf32, #tpu.memory_space<vmem_shared>>) offsets(%dma_start3A_227 : memref<128xi32, #tpu.memory_space<vmem>>) semaphore(%arg23 : memref<!tpu.dma_semaphore, #tpu.memory_space<semaphore_mem>>) {add = true}
    %dma_wait3A_231 = arith.constant 77 : i32
    %dma_wait3A_232 = arith.constant 5 : i32
    %dma_wait3A_233 = arith.constant 0 : i32
    %dma_wait3A_234 = arith.constant 0 : i32
    %dma_wait3A_235 = tpu.memref_slice %arg8[%dma_wait3A_232, %dma_wait3A_233, %dma_wait3A_234] : memref<8x128x32xf32, #tpu.memory_space<vmem>> -> memref<1x128x32xf32, #tpu.memory_space<vmem>>
    %dma_wait3A_236 = tpu.memref_squeeze %dma_wait3A_235 : memref<1x128x32xf32, #tpu.memory_space<vmem>> -> memref<128x32xf32, #tpu.memory_space<vmem>>
    %dma_wait3A_237 = arith.constant 0 : i32
    %dma_wait3A_238 = tpu.memref_slice %arg6[%dma_wait3A_231, %dma_wait3A_237] : memref<80x128xi32, #tpu.memory_space<vmem>> -> memref<1x128xi32, #tpu.memory_space<vmem>>
    %dma_wait3A_239 = tpu.memref_squeeze %dma_wait3A_238 : memref<1x128xi32, #tpu.memory_space<vmem>> -> memref<128xi32, #tpu.memory_space<vmem>>
    %dma_wait3A_240 = arith.constant 0 : i32
    %dma_wait3A_241 = arith.constant 0 : i32
    %dma_wait3A_242 = tpu.memref_slice %arg2[%dma_wait3A_240, %dma_wait3A_241] : memref<10000x32xf32, #tpu.memory_space<hbm>> -> memref<10000x32xf32, #tpu.memory_space<hbm>>
    tpu.wait_indirect_dma semaphore(%arg16 : memref<!tpu.dma_semaphore, #tpu.memory_space<semaphore_mem>>) src(%dma_wait3A_242 : memref<10000x32xf32, #tpu.memory_space<hbm>>) dst(%dma_wait3A_236 : memref<128x32xf32, #tpu.memory_space<vmem>>)
    %dma_start3A_243 = arith.constant 5 : i32
    %dma_start3A_244 = arith.constant 77 : i32
    %dma_start3A_245 = arith.constant 0 : i32
    %dma_start3A_246 = arith.constant 0 : i32
    %dma_start3A_247 = tpu.memref_slice %arg8[%dma_start3A_243, %dma_start3A_245, %dma_start3A_246] : memref<8x128x32xf32, #tpu.memory_space<vmem>> -> memref<1x128x32xf32, #tpu.memory_space<vmem>>
    %dma_start3A_248 = tpu.memref_squeeze %dma_start3A_247 : memref<1x128x32xf32, #tpu.memory_space<vmem>> -> memref<128x32xf32, #tpu.memory_space<vmem>>
    %dma_start3A_249 = arith.constant 0 : i32
    %dma_start3A_250 = tpu.memref_slice %arg7[%dma_start3A_244, %dma_start3A_249] : memref<80x128xi32, #tpu.memory_space<vmem>> -> memref<1x128xi32, #tpu.memory_space<vmem>>
    %dma_start3A_251 = tpu.memref_squeeze %dma_start3A_250 : memref<1x128xi32, #tpu.memory_space<vmem>> -> memref<128xi32, #tpu.memory_space<vmem>>
    %dma_start3A_252 = arith.constant 0 : i32
    %dma_start3A_253 = arith.constant 0 : i32
    %dma_start3A_254 = tpu.memref_slice %arg10[%dma_start3A_252, %dma_start3A_253] : memref<10240x32xf32, #tpu.memory_space<vmem_shared>> -> memref<10240x32xf32, #tpu.memory_space<vmem_shared>>
    tpu.enqueue_indirect_dma source(%dma_start3A_248 : memref<128x32xf32, #tpu.memory_space<vmem>>) target(%dma_start3A_254 : memref<10240x32xf32, #tpu.memory_space<vmem_shared>>) offsets(%dma_start3A_251 : memref<128xi32, #tpu.memory_space<vmem>>) semaphore(%arg24 : memref<!tpu.dma_semaphore, #tpu.memory_space<semaphore_mem>>) {add = true}
    %dma_wait3A_255 = arith.constant 78 : i32
    %dma_wait3A_256 = arith.constant 6 : i32
    %dma_wait3A_257 = arith.constant 0 : i32
    %dma_wait3A_258 = arith.constant 0 : i32
    %dma_wait3A_259 = tpu.memref_slice %arg8[%dma_wait3A_256, %dma_wait3A_257, %dma_wait3A_258] : memref<8x128x32xf32, #tpu.memory_space<vmem>> -> memref<1x128x32xf32, #tpu.memory_space<vmem>>
    %dma_wait3A_260 = tpu.memref_squeeze %dma_wait3A_259 : memref<1x128x32xf32, #tpu.memory_space<vmem>> -> memref<128x32xf32, #tpu.memory_space<vmem>>
    %dma_wait3A_261 = arith.constant 0 : i32
    %dma_wait3A_262 = tpu.memref_slice %arg6[%dma_wait3A_255, %dma_wait3A_261] : memref<80x128xi32, #tpu.memory_space<vmem>> -> memref<1x128xi32, #tpu.memory_space<vmem>>
    %dma_wait3A_263 = tpu.memref_squeeze %dma_wait3A_262 : memref<1x128xi32, #tpu.memory_space<vmem>> -> memref<128xi32, #tpu.memory_space<vmem>>
    %dma_wait3A_264 = arith.constant 0 : i32
    %dma_wait3A_265 = arith.constant 0 : i32
    %dma_wait3A_266 = tpu.memref_slice %arg2[%dma_wait3A_264, %dma_wait3A_265] : memref<10000x32xf32, #tpu.memory_space<hbm>> -> memref<10000x32xf32, #tpu.memory_space<hbm>>
    tpu.wait_indirect_dma semaphore(%arg17 : memref<!tpu.dma_semaphore, #tpu.memory_space<semaphore_mem>>) src(%dma_wait3A_266 : memref<10000x32xf32, #tpu.memory_space<hbm>>) dst(%dma_wait3A_260 : memref<128x32xf32, #tpu.memory_space<vmem>>)
    %dma_start3A_267 = arith.constant 6 : i32
    %dma_start3A_268 = arith.constant 78 : i32
    %dma_start3A_269 = arith.constant 0 : i32
    %dma_start3A_270 = arith.constant 0 : i32
    %dma_start3A_271 = tpu.memref_slice %arg8[%dma_start3A_267, %dma_start3A_269, %dma_start3A_270] : memref<8x128x32xf32, #tpu.memory_space<vmem>> -> memref<1x128x32xf32, #tpu.memory_space<vmem>>
    %dma_start3A_272 = tpu.memref_squeeze %dma_start3A_271 : memref<1x128x32xf32, #tpu.memory_space<vmem>> -> memref<128x32xf32, #tpu.memory_space<vmem>>
    %dma_start3A_273 = arith.constant 0 : i32
    %dma_start3A_274 = tpu.memref_slice %arg7[%dma_start3A_268, %dma_start3A_273] : memref<80x128xi32, #tpu.memory_space<vmem>> -> memref<1x128xi32, #tpu.memory_space<vmem>>
    %dma_start3A_275 = tpu.memref_squeeze %dma_start3A_274 : memref<1x128xi32, #tpu.memory_space<vmem>> -> memref<128xi32, #tpu.memory_space<vmem>>
    %dma_start3A_276 = arith.constant 0 : i32
    %dma_start3A_277 = arith.constant 0 : i32
    %dma_start3A_278 = tpu.memref_slice %arg10[%dma_start3A_276, %dma_start3A_277] : memref<10240x32xf32, #tpu.memory_space<vmem_shared>> -> memref<10240x32xf32, #tpu.memory_space<vmem_shared>>
    tpu.enqueue_indirect_dma source(%dma_start3A_272 : memref<128x32xf32, #tpu.memory_space<vmem>>) target(%dma_start3A_278 : memref<10240x32xf32, #tpu.memory_space<vmem_shared>>) offsets(%dma_start3A_275 : memref<128xi32, #tpu.memory_space<vmem>>) semaphore(%arg25 : memref<!tpu.dma_semaphore, #tpu.memory_space<semaphore_mem>>) {add = true}
    %dma_wait3A_279 = arith.constant 79 : i32
    %dma_wait3A_280 = arith.constant 7 : i32
    %dma_wait3A_281 = arith.constant 0 : i32
    %dma_wait3A_282 = arith.constant 0 : i32
    %dma_wait3A_283 = tpu.memref_slice %arg8[%dma_wait3A_280, %dma_wait3A_281, %dma_wait3A_282] : memref<8x128x32xf32, #tpu.memory_space<vmem>> -> memref<1x128x32xf32, #tpu.memory_space<vmem>>
    %dma_wait3A_284 = tpu.memref_squeeze %dma_wait3A_283 : memref<1x128x32xf32, #tpu.memory_space<vmem>> -> memref<128x32xf32, #tpu.memory_space<vmem>>
    %dma_wait3A_285 = arith.constant 0 : i32
    %dma_wait3A_286 = tpu.memref_slice %arg6[%dma_wait3A_279, %dma_wait3A_285] : memref<80x128xi32, #tpu.memory_space<vmem>> -> memref<1x128xi32, #tpu.memory_space<vmem>>
    %dma_wait3A_287 = tpu.memref_squeeze %dma_wait3A_286 : memref<1x128xi32, #tpu.memory_space<vmem>> -> memref<128xi32, #tpu.memory_space<vmem>>
    %dma_wait3A_288 = arith.constant 0 : i32
    %dma_wait3A_289 = arith.constant 0 : i32
    %dma_wait3A_290 = tpu.memref_slice %arg2[%dma_wait3A_288, %dma_wait3A_289] : memref<10000x32xf32, #tpu.memory_space<hbm>> -> memref<10000x32xf32, #tpu.memory_space<hbm>>
    tpu.wait_indirect_dma semaphore(%arg18 : memref<!tpu.dma_semaphore, #tpu.memory_space<semaphore_mem>>) src(%dma_wait3A_290 : memref<10000x32xf32, #tpu.memory_space<hbm>>) dst(%dma_wait3A_284 : memref<128x32xf32, #tpu.memory_space<vmem>>)
    %dma_start3A_291 = arith.constant 7 : i32
    %dma_start3A_292 = arith.constant 79 : i32
    %dma_start3A_293 = arith.constant 0 : i32
    %dma_start3A_294 = arith.constant 0 : i32
    %dma_start3A_295 = tpu.memref_slice %arg8[%dma_start3A_291, %dma_start3A_293, %dma_start3A_294] : memref<8x128x32xf32, #tpu.memory_space<vmem>> -> memref<1x128x32xf32, #tpu.memory_space<vmem>>
    %dma_start3A_296 = tpu.memref_squeeze %dma_start3A_295 : memref<1x128x32xf32, #tpu.memory_space<vmem>> -> memref<128x32xf32, #tpu.memory_space<vmem>>
    %dma_start3A_297 = arith.constant 0 : i32
    %dma_start3A_298 = tpu.memref_slice %arg7[%dma_start3A_292, %dma_start3A_297] : memref<80x128xi32, #tpu.memory_space<vmem>> -> memref<1x128xi32, #tpu.memory_space<vmem>>
    %dma_start3A_299 = tpu.memref_squeeze %dma_start3A_298 : memref<1x128xi32, #tpu.memory_space<vmem>> -> memref<128xi32, #tpu.memory_space<vmem>>
    %dma_start3A_300 = arith.constant 0 : i32
    %dma_start3A_301 = arith.constant 0 : i32
    %dma_start3A_302 = tpu.memref_slice %arg10[%dma_start3A_300, %dma_start3A_301] : memref<10240x32xf32, #tpu.memory_space<vmem_shared>> -> memref<10240x32xf32, #tpu.memory_space<vmem_shared>>
    tpu.enqueue_indirect_dma source(%dma_start3A_296 : memref<128x32xf32, #tpu.memory_space<vmem>>) target(%dma_start3A_302 : memref<10240x32xf32, #tpu.memory_space<vmem_shared>>) offsets(%dma_start3A_299 : memref<128xi32, #tpu.memory_space<vmem>>) semaphore(%arg26 : memref<!tpu.dma_semaphore, #tpu.memory_space<semaphore_mem>>) {add = true}
    %dma_wait3A_303 = arith.constant 0 : i32
    %dma_wait3A_304 = arith.constant 72 : i32
    %dma_wait3A_305 = arith.constant 0 : i32
    %dma_wait3A_306 = arith.constant 0 : i32
    %dma_wait3A_307 = tpu.memref_slice %arg8[%dma_wait3A_303, %dma_wait3A_305, %dma_wait3A_306] : memref<8x128x32xf32, #tpu.memory_space<vmem>> -> memref<1x128x32xf32, #tpu.memory_space<vmem>>
    %dma_wait3A_308 = tpu.memref_squeeze %dma_wait3A_307 : memref<1x128x32xf32, #tpu.memory_space<vmem>> -> memref<128x32xf32, #tpu.memory_space<vmem>>
    %dma_wait3A_309 = arith.constant 0 : i32
    %dma_wait3A_310 = tpu.memref_slice %arg7[%dma_wait3A_304, %dma_wait3A_309] : memref<80x128xi32, #tpu.memory_space<vmem>> -> memref<1x128xi32, #tpu.memory_space<vmem>>
    %dma_wait3A_311 = tpu.memref_squeeze %dma_wait3A_310 : memref<1x128xi32, #tpu.memory_space<vmem>> -> memref<128xi32, #tpu.memory_space<vmem>>
    %dma_wait3A_312 = arith.constant 0 : i32
    %dma_wait3A_313 = arith.constant 0 : i32
    %dma_wait3A_314 = tpu.memref_slice %arg10[%dma_wait3A_312, %dma_wait3A_313] : memref<10240x32xf32, #tpu.memory_space<vmem_shared>> -> memref<10240x32xf32, #tpu.memory_space<vmem_shared>>
    tpu.wait_indirect_dma semaphore(%arg19 : memref<!tpu.dma_semaphore, #tpu.memory_space<semaphore_mem>>) src(%dma_wait3A_308 : memref<128x32xf32, #tpu.memory_space<vmem>>) dst(%dma_wait3A_314 : memref<10240x32xf32, #tpu.memory_space<vmem_shared>>)
    %dma_wait3A_315 = arith.constant 1 : i32
    %dma_wait3A_316 = arith.constant 73 : i32
    %dma_wait3A_317 = arith.constant 0 : i32
    %dma_wait3A_318 = arith.constant 0 : i32
    %dma_wait3A_319 = tpu.memref_slice %arg8[%dma_wait3A_315, %dma_wait3A_317, %dma_wait3A_318] : memref<8x128x32xf32, #tpu.memory_space<vmem>> -> memref<1x128x32xf32, #tpu.memory_space<vmem>>
    %dma_wait3A_320 = tpu.memref_squeeze %dma_wait3A_319 : memref<1x128x32xf32, #tpu.memory_space<vmem>> -> memref<128x32xf32, #tpu.memory_space<vmem>>
    %dma_wait3A_321 = arith.constant 0 : i32
    %dma_wait3A_322 = tpu.memref_slice %arg7[%dma_wait3A_316, %dma_wait3A_321] : memref<80x128xi32, #tpu.memory_space<vmem>> -> memref<1x128xi32, #tpu.memory_space<vmem>>
    %dma_wait3A_323 = tpu.memref_squeeze %dma_wait3A_322 : memref<1x128xi32, #tpu.memory_space<vmem>> -> memref<128xi32, #tpu.memory_space<vmem>>
    %dma_wait3A_324 = arith.constant 0 : i32
    %dma_wait3A_325 = arith.constant 0 : i32
    %dma_wait3A_326 = tpu.memref_slice %arg10[%dma_wait3A_324, %dma_wait3A_325] : memref<10240x32xf32, #tpu.memory_space<vmem_shared>> -> memref<10240x32xf32, #tpu.memory_space<vmem_shared>>
    tpu.wait_indirect_dma semaphore(%arg20 : memref<!tpu.dma_semaphore, #tpu.memory_space<semaphore_mem>>) src(%dma_wait3A_320 : memref<128x32xf32, #tpu.memory_space<vmem>>) dst(%dma_wait3A_326 : memref<10240x32xf32, #tpu.memory_space<vmem_shared>>)
    %dma_wait3A_327 = arith.constant 2 : i32
    %dma_wait3A_328 = arith.constant 74 : i32
    %dma_wait3A_329 = arith.constant 0 : i32
    %dma_wait3A_330 = arith.constant 0 : i32
    %dma_wait3A_331 = tpu.memref_slice %arg8[%dma_wait3A_327, %dma_wait3A_329, %dma_wait3A_330] : memref<8x128x32xf32, #tpu.memory_space<vmem>> -> memref<1x128x32xf32, #tpu.memory_space<vmem>>
    %dma_wait3A_332 = tpu.memref_squeeze %dma_wait3A_331 : memref<1x128x32xf32, #tpu.memory_space<vmem>> -> memref<128x32xf32, #tpu.memory_space<vmem>>
    %dma_wait3A_333 = arith.constant 0 : i32
    %dma_wait3A_334 = tpu.memref_slice %arg7[%dma_wait3A_328, %dma_wait3A_333] : memref<80x128xi32, #tpu.memory_space<vmem>> -> memref<1x128xi32, #tpu.memory_space<vmem>>
    %dma_wait3A_335 = tpu.memref_squeeze %dma_wait3A_334 : memref<1x128xi32, #tpu.memory_space<vmem>> -> memref<128xi32, #tpu.memory_space<vmem>>
    %dma_wait3A_336 = arith.constant 0 : i32
    %dma_wait3A_337 = arith.constant 0 : i32
    %dma_wait3A_338 = tpu.memref_slice %arg10[%dma_wait3A_336, %dma_wait3A_337] : memref<10240x32xf32, #tpu.memory_space<vmem_shared>> -> memref<10240x32xf32, #tpu.memory_space<vmem_shared>>
    tpu.wait_indirect_dma semaphore(%arg21 : memref<!tpu.dma_semaphore, #tpu.memory_space<semaphore_mem>>) src(%dma_wait3A_332 : memref<128x32xf32, #tpu.memory_space<vmem>>) dst(%dma_wait3A_338 : memref<10240x32xf32, #tpu.memory_space<vmem_shared>>)
    %dma_wait3A_339 = arith.constant 3 : i32
    %dma_wait3A_340 = arith.constant 75 : i32
    %dma_wait3A_341 = arith.constant 0 : i32
    %dma_wait3A_342 = arith.constant 0 : i32
    %dma_wait3A_343 = tpu.memref_slice %arg8[%dma_wait3A_339, %dma_wait3A_341, %dma_wait3A_342] : memref<8x128x32xf32, #tpu.memory_space<vmem>> -> memref<1x128x32xf32, #tpu.memory_space<vmem>>
    %dma_wait3A_344 = tpu.memref_squeeze %dma_wait3A_343 : memref<1x128x32xf32, #tpu.memory_space<vmem>> -> memref<128x32xf32, #tpu.memory_space<vmem>>
    %dma_wait3A_345 = arith.constant 0 : i32
    %dma_wait3A_346 = tpu.memref_slice %arg7[%dma_wait3A_340, %dma_wait3A_345] : memref<80x128xi32, #tpu.memory_space<vmem>> -> memref<1x128xi32, #tpu.memory_space<vmem>>
    %dma_wait3A_347 = tpu.memref_squeeze %dma_wait3A_346 : memref<1x128xi32, #tpu.memory_space<vmem>> -> memref<128xi32, #tpu.memory_space<vmem>>
    %dma_wait3A_348 = arith.constant 0 : i32
    %dma_wait3A_349 = arith.constant 0 : i32
    %dma_wait3A_350 = tpu.memref_slice %arg10[%dma_wait3A_348, %dma_wait3A_349] : memref<10240x32xf32, #tpu.memory_space<vmem_shared>> -> memref<10240x32xf32, #tpu.memory_space<vmem_shared>>
    tpu.wait_indirect_dma semaphore(%arg22 : memref<!tpu.dma_semaphore, #tpu.memory_space<semaphore_mem>>) src(%dma_wait3A_344 : memref<128x32xf32, #tpu.memory_space<vmem>>) dst(%dma_wait3A_350 : memref<10240x32xf32, #tpu.memory_space<vmem_shared>>)
    %dma_wait3A_351 = arith.constant 4 : i32
    %dma_wait3A_352 = arith.constant 76 : i32
    %dma_wait3A_353 = arith.constant 0 : i32
    %dma_wait3A_354 = arith.constant 0 : i32
    %dma_wait3A_355 = tpu.memref_slice %arg8[%dma_wait3A_351, %dma_wait3A_353, %dma_wait3A_354] : memref<8x128x32xf32, #tpu.memory_space<vmem>> -> memref<1x128x32xf32, #tpu.memory_space<vmem>>
    %dma_wait3A_356 = tpu.memref_squeeze %dma_wait3A_355 : memref<1x128x32xf32, #tpu.memory_space<vmem>> -> memref<128x32xf32, #tpu.memory_space<vmem>>
    %dma_wait3A_357 = arith.constant 0 : i32
    %dma_wait3A_358 = tpu.memref_slice %arg7[%dma_wait3A_352, %dma_wait3A_357] : memref<80x128xi32, #tpu.memory_space<vmem>> -> memref<1x128xi32, #tpu.memory_space<vmem>>
    %dma_wait3A_359 = tpu.memref_squeeze %dma_wait3A_358 : memref<1x128xi32, #tpu.memory_space<vmem>> -> memref<128xi32, #tpu.memory_space<vmem>>
    %dma_wait3A_360 = arith.constant 0 : i32
    %dma_wait3A_361 = arith.constant 0 : i32
    %dma_wait3A_362 = tpu.memref_slice %arg10[%dma_wait3A_360, %dma_wait3A_361] : memref<10240x32xf32, #tpu.memory_space<vmem_shared>> -> memref<10240x32xf32, #tpu.memory_space<vmem_shared>>
    tpu.wait_indirect_dma semaphore(%arg23 : memref<!tpu.dma_semaphore, #tpu.memory_space<semaphore_mem>>) src(%dma_wait3A_356 : memref<128x32xf32, #tpu.memory_space<vmem>>) dst(%dma_wait3A_362 : memref<10240x32xf32, #tpu.memory_space<vmem_shared>>)
    %dma_wait3A_363 = arith.constant 5 : i32
    %dma_wait3A_364 = arith.constant 77 : i32
    %dma_wait3A_365 = arith.constant 0 : i32
    %dma_wait3A_366 = arith.constant 0 : i32
    %dma_wait3A_367 = tpu.memref_slice %arg8[%dma_wait3A_363, %dma_wait3A_365, %dma_wait3A_366] : memref<8x128x32xf32, #tpu.memory_space<vmem>> -> memref<1x128x32xf32, #tpu.memory_space<vmem>>
    %dma_wait3A_368 = tpu.memref_squeeze %dma_wait3A_367 : memref<1x128x32xf32, #tpu.memory_space<vmem>> -> memref<128x32xf32, #tpu.memory_space<vmem>>
    %dma_wait3A_369 = arith.constant 0 : i32
    %dma_wait3A_370 = tpu.memref_slice %arg7[%dma_wait3A_364, %dma_wait3A_369] : memref<80x128xi32, #tpu.memory_space<vmem>> -> memref<1x128xi32, #tpu.memory_space<vmem>>
    %dma_wait3A_371 = tpu.memref_squeeze %dma_wait3A_370 : memref<1x128xi32, #tpu.memory_space<vmem>> -> memref<128xi32, #tpu.memory_space<vmem>>
    %dma_wait3A_372 = arith.constant 0 : i32
    %dma_wait3A_373 = arith.constant 0 : i32
    %dma_wait3A_374 = tpu.memref_slice %arg10[%dma_wait3A_372, %dma_wait3A_373] : memref<10240x32xf32, #tpu.memory_space<vmem_shared>> -> memref<10240x32xf32, #tpu.memory_space<vmem_shared>>
    tpu.wait_indirect_dma semaphore(%arg24 : memref<!tpu.dma_semaphore, #tpu.memory_space<semaphore_mem>>) src(%dma_wait3A_368 : memref<128x32xf32, #tpu.memory_space<vmem>>) dst(%dma_wait3A_374 : memref<10240x32xf32, #tpu.memory_space<vmem_shared>>)
    %dma_wait3A_375 = arith.constant 6 : i32
    %dma_wait3A_376 = arith.constant 78 : i32
    %dma_wait3A_377 = arith.constant 0 : i32
    %dma_wait3A_378 = arith.constant 0 : i32
    %dma_wait3A_379 = tpu.memref_slice %arg8[%dma_wait3A_375, %dma_wait3A_377, %dma_wait3A_378] : memref<8x128x32xf32, #tpu.memory_space<vmem>> -> memref<1x128x32xf32, #tpu.memory_space<vmem>>
    %dma_wait3A_380 = tpu.memref_squeeze %dma_wait3A_379 : memref<1x128x32xf32, #tpu.memory_space<vmem>> -> memref<128x32xf32, #tpu.memory_space<vmem>>
    %dma_wait3A_381 = arith.constant 0 : i32
    %dma_wait3A_382 = tpu.memref_slice %arg7[%dma_wait3A_376, %dma_wait3A_381] : memref<80x128xi32, #tpu.memory_space<vmem>> -> memref<1x128xi32, #tpu.memory_space<vmem>>
    %dma_wait3A_383 = tpu.memref_squeeze %dma_wait3A_382 : memref<1x128xi32, #tpu.memory_space<vmem>> -> memref<128xi32, #tpu.memory_space<vmem>>
    %dma_wait3A_384 = arith.constant 0 : i32
    %dma_wait3A_385 = arith.constant 0 : i32
    %dma_wait3A_386 = tpu.memref_slice %arg10[%dma_wait3A_384, %dma_wait3A_385] : memref<10240x32xf32, #tpu.memory_space<vmem_shared>> -> memref<10240x32xf32, #tpu.memory_space<vmem_shared>>
    tpu.wait_indirect_dma semaphore(%arg25 : memref<!tpu.dma_semaphore, #tpu.memory_space<semaphore_mem>>) src(%dma_wait3A_380 : memref<128x32xf32, #tpu.memory_space<vmem>>) dst(%dma_wait3A_386 : memref<10240x32xf32, #tpu.memory_space<vmem_shared>>)
    %dma_wait3A_387 = arith.constant 7 : i32
    %dma_wait3A_388 = arith.constant 79 : i32
    %dma_wait3A_389 = arith.constant 0 : i32
    %dma_wait3A_390 = arith.constant 0 : i32
    %dma_wait3A_391 = tpu.memref_slice %arg8[%dma_wait3A_387, %dma_wait3A_389, %dma_wait3A_390] : memref<8x128x32xf32, #tpu.memory_space<vmem>> -> memref<1x128x32xf32, #tpu.memory_space<vmem>>
    %dma_wait3A_392 = tpu.memref_squeeze %dma_wait3A_391 : memref<1x128x32xf32, #tpu.memory_space<vmem>> -> memref<128x32xf32, #tpu.memory_space<vmem>>
    %dma_wait3A_393 = arith.constant 0 : i32
    %dma_wait3A_394 = tpu.memref_slice %arg7[%dma_wait3A_388, %dma_wait3A_393] : memref<80x128xi32, #tpu.memory_space<vmem>> -> memref<1x128xi32, #tpu.memory_space<vmem>>
    %dma_wait3A_395 = tpu.memref_squeeze %dma_wait3A_394 : memref<1x128xi32, #tpu.memory_space<vmem>> -> memref<128xi32, #tpu.memory_space<vmem>>
    %dma_wait3A_396 = arith.constant 0 : i32
    %dma_wait3A_397 = arith.constant 0 : i32
    %dma_wait3A_398 = tpu.memref_slice %arg10[%dma_wait3A_396, %dma_wait3A_397] : memref<10240x32xf32, #tpu.memory_space<vmem_shared>> -> memref<10240x32xf32, #tpu.memory_space<vmem_shared>>
    tpu.wait_indirect_dma semaphore(%arg26 : memref<!tpu.dma_semaphore, #tpu.memory_space<semaphore_mem>>) src(%dma_wait3A_392 : memref<128x32xf32, #tpu.memory_space<vmem>>) dst(%dma_wait3A_398 : memref<10240x32xf32, #tpu.memory_space<vmem_shared>>)
    %barrier3A_399 = arith.constant 0 : index
    tpu.barrier barrier_id(%barrier3A_399)
    %mul3A_400 = arith.constant 640 : i32
    %mul3A_401 = arith.muli %arg1, %mul3A_400 : i32
    %mul3A_402 = arith.constant 640 : i32
    %mul3A_403 = arith.muli %arg1, %mul3A_402 : i32
    "tpu.region"() ({
      %run_scoped3A = tpu.sem_alloc : memref<!tpu.dma_semaphore, #tpu.memory_space<semaphore_mem>>
      %dma_start3A_404 = arith.constant 0 : i32
      %dma_start3A_405 = tpu.memref_slice %arg5[%arg0, %mul3A_403, %dma_start3A_404] : memref<2x10240x32xf32, #tpu.memory_space<hbm>> -> memref<1x640x32xf32, #tpu.memory_space<hbm>>
      %dma_start3A_406 = tpu.memref_squeeze %dma_start3A_405 : memref<1x640x32xf32, #tpu.memory_space<hbm>> -> memref<640x32xf32, #tpu.memory_space<hbm>>
      %dma_start3A_407 = arith.constant 0 : i32
      %dma_start3A_408 = tpu.memref_slice %arg10[%mul3A_401, %dma_start3A_407] : memref<10240x32xf32, #tpu.memory_space<vmem_shared>> -> memref<640x32xf32, #tpu.memory_space<vmem_shared>>
      tpu.enqueue_dma source(%dma_start3A_408 : memref<640x32xf32, #tpu.memory_space<vmem_shared>>) target(%dma_start3A_406 : memref<640x32xf32, #tpu.memory_space<hbm>>) target_semaphore(%run_scoped3A : memref<!tpu.dma_semaphore, #tpu.memory_space<semaphore_mem>>)
      %dma_wait3A_409 = arith.constant 0 : i32
      %dma_wait3A_410 = tpu.memref_slice %arg5[%arg0, %mul3A_403, %dma_wait3A_409] : memref<2x10240x32xf32, #tpu.memory_space<hbm>> -> memref<1x640x32xf32, #tpu.memory_space<hbm>>
      %dma_wait3A_411 = tpu.memref_squeeze %dma_wait3A_410 : memref<1x640x32xf32, #tpu.memory_space<hbm>> -> memref<640x32xf32, #tpu.memory_space<hbm>>
      %dma_wait3A_412 = arith.constant 0 : i32
      %dma_wait3A_413 = tpu.memref_slice %arg10[%mul3A_401, %dma_wait3A_412] : memref<10240x32xf32, #tpu.memory_space<vmem_shared>> -> memref<640x32xf32, #tpu.memory_space<vmem_shared>>
      tpu.wait_dma2 semaphore(%run_scoped3A : memref<!tpu.dma_semaphore, #tpu.memory_space<semaphore_mem>>) src(%dma_wait3A_413 : memref<640x32xf32, #tpu.memory_space<vmem_shared>>) dst(%dma_wait3A_411 : memref<640x32xf32, #tpu.memory_space<hbm>>)
      tpu.yield
    }) : () -> ()
    return
  }
}

#map = affine_map<(d0, d1) -> (0, 0, 0)>
#map1 = affine_map<(d0, d1) -> (0, 0)>
module attributes {stable_mosaic.version = 14 : i64} {
  func.func @_deg_kernel(%arg0: i32, %arg1: i32, %arg2: memref<32x80x128xi32, #tpu.memory_space<hbm>>, %arg3: memref<2x10240xf32, #tpu.memory_space<hbm>>, %arg4: memref<80x128xi32, #tpu.memory_space<vmem>>, %arg5: memref<10240xf32, #tpu.memory_space<vmem>>, %arg6: memref<16x640xf32, #tpu.memory_space<vmem>>, %arg7: memref<640xf32, #tpu.memory_space<vmem>>, %arg8: memref<16x10240xf32, #tpu.memory_space<vmem_shared>>) attributes {dimension_semantics = [#tpu.dimension_semantics<core_parallel>, #tpu.dimension_semantics<subcore_parallel>], iteration_bounds = array<i64: 2, 16>, scalar_prefetch = 0 : i64, scratch_operands = 5 : i64, tpu.core_type = #tpu.core_type<sc_vector_subcore>, window_params = [{transform_indices = #map}, {transform_indices = #map1}]} {
    %mul3A = arith.constant 16 : i32
    %mul3A_0 = arith.muli %arg0, %mul3A : i32
    %add3A = arith.addi %mul3A_0, %arg1 : i32
    "tpu.region"() ({
      %run_scoped3A = tpu.sem_alloc : memref<!tpu.dma_semaphore, #tpu.memory_space<semaphore_mem>>
      %dma_start3A = arith.constant 0 : i32
      %dma_start3A_28 = arith.constant 0 : i32
      %dma_start3A_29 = tpu.memref_slice %arg2[%add3A, %dma_start3A, %dma_start3A_28] : memref<32x80x128xi32, #tpu.memory_space<hbm>> -> memref<1x80x128xi32, #tpu.memory_space<hbm>>
      %dma_start3A_30 = tpu.memref_squeeze %dma_start3A_29 : memref<1x80x128xi32, #tpu.memory_space<hbm>> -> memref<80x128xi32, #tpu.memory_space<hbm>>
      %dma_start3A_31 = arith.constant 0 : i32
      %dma_start3A_32 = arith.constant 0 : i32
      %dma_start3A_33 = tpu.memref_slice %arg2[%add3A, %dma_start3A_31, %dma_start3A_32] : memref<32x80x128xi32, #tpu.memory_space<hbm>> -> memref<1x80x128xi32, #tpu.memory_space<hbm>>
      %dma_start3A_34 = tpu.memref_squeeze %dma_start3A_33 : memref<1x80x128xi32, #tpu.memory_space<hbm>> -> memref<80x128xi32, #tpu.memory_space<hbm>>
      tpu.enqueue_dma source(%dma_start3A_34 : memref<80x128xi32, #tpu.memory_space<hbm>>) target(%arg4 : memref<80x128xi32, #tpu.memory_space<vmem>>) target_semaphore(%run_scoped3A : memref<!tpu.dma_semaphore, #tpu.memory_space<semaphore_mem>>)
      %dma_wait3A = arith.constant 0 : i32
      %dma_wait3A_35 = arith.constant 0 : i32
      %dma_wait3A_36 = tpu.memref_slice %arg2[%add3A, %dma_wait3A, %dma_wait3A_35] : memref<32x80x128xi32, #tpu.memory_space<hbm>> -> memref<1x80x128xi32, #tpu.memory_space<hbm>>
      %dma_wait3A_37 = tpu.memref_squeeze %dma_wait3A_36 : memref<1x80x128xi32, #tpu.memory_space<hbm>> -> memref<80x128xi32, #tpu.memory_space<hbm>>
      %dma_wait3A_38 = arith.constant 0 : i32
      %dma_wait3A_39 = arith.constant 0 : i32
      %dma_wait3A_40 = tpu.memref_slice %arg2[%add3A, %dma_wait3A_38, %dma_wait3A_39] : memref<32x80x128xi32, #tpu.memory_space<hbm>> -> memref<1x80x128xi32, #tpu.memory_space<hbm>>
      %dma_wait3A_41 = tpu.memref_squeeze %dma_wait3A_40 : memref<1x80x128xi32, #tpu.memory_space<hbm>> -> memref<80x128xi32, #tpu.memory_space<hbm>>
      tpu.wait_dma2 semaphore(%run_scoped3A : memref<!tpu.dma_semaphore, #tpu.memory_space<semaphore_mem>>) src(%dma_wait3A_41 : memref<80x128xi32, #tpu.memory_space<hbm>>) dst(%arg4 : memref<80x128xi32, #tpu.memory_space<vmem>>)
      tpu.yield
    }) : () -> ()
    %broadcast_in_dim3A = arith.constant 0.000000e+00 : f32
    %broadcast_in_dim3A_1 = vector.broadcast %broadcast_in_dim3A : f32 to vector<16xf32>
    %scan3A = arith.constant 0 : i32
    %scan3A_2 = arith.constant 0 : i32
    %scan3A_3 = arith.constant 640 : i32
    %scan3A_4 = arith.addi %scan3A_2, %scan3A_3 : i32
    %scan3A_5 = arith.constant 1 : i32
    %scan3A_6 = scf.for %scan3A_28 = %scan3A_2 to %scan3A_4 step %scan3A_5 iter_args(%scan3A_29 = %scan3A) -> (i32)  : i32 {
      %mul3A_30 = arith.constant 16 : i32
      %mul3A_31 = arith.muli %scan3A_28, %mul3A_30 : i32
      %swap3A = arith.index_cast %mul3A_31 : i32 to index
      %swap3A_32 = tpu.vector_load %arg5[%swap3A] {strides = array<i32>} : memref<10240xf32, #tpu.memory_space<vmem>>, vector<16xf32>,
      tpu.vector_store %arg5[%swap3A], %broadcast_in_dim3A_1 {strides = array<i32>} : memref<10240xf32, #tpu.memory_space<vmem>>, vector<16xf32>,
      %scan3A_33 = arith.constant 0 : i32
      scf.yield %scan3A_33 : i32
    }
    %scan3A_7 = arith.constant 640 : i32
    %broadcast_in_dim3A_8 = arith.constant 1.000000e+00 : f32
    %broadcast_in_dim3A_9 = vector.broadcast %broadcast_in_dim3A_8 : f32 to vector<16xf32>
    %scan3A_10 = arith.constant 0 : i32
    %scan3A_11 = arith.constant 0 : i32
    %scan3A_12 = arith.constant 80 : i32
    %scan3A_13 = arith.addi %scan3A_11, %scan3A_12 : i32
    %scan3A_14 = arith.constant 1 : i32
    %scan3A_15 = scf.for %scan3A_28 = %scan3A_11 to %scan3A_13 step %scan3A_14 iter_args(%scan3A_29 = %scan3A_10) -> (i32)  : i32 {
      %get3A = arith.index_cast %scan3A_28 : i32 to index
      %get3A_30 = arith.constant 0 : index
      %get3A_31 = tpu.vector_load %arg4[%get3A, %get3A_30] {strides = array<i32>} : memref<80x128xi32, #tpu.memory_space<vmem>>, vector<16xi32>,
      tpu.vector_store_idx %arg5[%get3A_31], %broadcast_in_dim3A_9 {add = true} : memref<10240xf32, #tpu.memory_space<vmem>>[vector<16xi32>], vector<16xf32>,
      %get3A_32 = arith.index_cast %scan3A_28 : i32 to index
      %get3A_33 = arith.constant 16 : index
      %get3A_34 = tpu.vector_load %arg4[%get3A_32, %get3A_33] {strides = array<i32>} : memref<80x128xi32, #tpu.memory_space<vmem>>, vector<16xi32>,
      tpu.vector_store_idx %arg5[%get3A_34], %broadcast_in_dim3A_9 {add = true} : memref<10240xf32, #tpu.memory_space<vmem>>[vector<16xi32>], vector<16xf32>,
      %get3A_35 = arith.index_cast %scan3A_28 : i32 to index
      %get3A_36 = arith.constant 32 : index
      %get3A_37 = tpu.vector_load %arg4[%get3A_35, %get3A_36] {strides = array<i32>} : memref<80x128xi32, #tpu.memory_space<vmem>>, vector<16xi32>,
      tpu.vector_store_idx %arg5[%get3A_37], %broadcast_in_dim3A_9 {add = true} : memref<10240xf32, #tpu.memory_space<vmem>>[vector<16xi32>], vector<16xf32>,
      %get3A_38 = arith.index_cast %scan3A_28 : i32 to index
      %get3A_39 = arith.constant 48 : index
      %get3A_40 = tpu.vector_load %arg4[%get3A_38, %get3A_39] {strides = array<i32>} : memref<80x128xi32, #tpu.memory_space<vmem>>, vector<16xi32>,
      tpu.vector_store_idx %arg5[%get3A_40], %broadcast_in_dim3A_9 {add = true} : memref<10240xf32, #tpu.memory_space<vmem>>[vector<16xi32>], vector<16xf32>,
      %get3A_41 = arith.index_cast %scan3A_28 : i32 to index
      %get3A_42 = arith.constant 64 : index
      %get3A_43 = tpu.vector_load %arg4[%get3A_41, %get3A_42] {strides = array<i32>} : memref<80x128xi32, #tpu.memory_space<vmem>>, vector<16xi32>,
      tpu.vector_store_idx %arg5[%get3A_43], %broadcast_in_dim3A_9 {add = true} : memref<10240xf32, #tpu.memory_space<vmem>>[vector<16xi32>], vector<16xf32>,
      %get3A_44 = arith.index_cast %scan3A_28 : i32 to index
      %get3A_45 = arith.constant 80 : index
      %get3A_46 = tpu.vector_load %arg4[%get3A_44, %get3A_45] {strides = array<i32>} : memref<80x128xi32, #tpu.memory_space<vmem>>, vector<16xi32>,
      tpu.vector_store_idx %arg5[%get3A_46], %broadcast_in_dim3A_9 {add = true} : memref<10240xf32, #tpu.memory_space<vmem>>[vector<16xi32>], vector<16xf32>,
      %get3A_47 = arith.index_cast %scan3A_28 : i32 to index
      %get3A_48 = arith.constant 96 : index
      %get3A_49 = tpu.vector_load %arg4[%get3A_47, %get3A_48] {strides = array<i32>} : memref<80x128xi32, #tpu.memory_space<vmem>>, vector<16xi32>,
      tpu.vector_store_idx %arg5[%get3A_49], %broadcast_in_dim3A_9 {add = true} : memref<10240xf32, #tpu.memory_space<vmem>>[vector<16xi32>], vector<16xf32>,
      %get3A_50 = arith.index_cast %scan3A_28 : i32 to index
      %get3A_51 = arith.constant 112 : index
      %get3A_52 = tpu.vector_load %arg4[%get3A_50, %get3A_51] {strides = array<i32>} : memref<80x128xi32, #tpu.memory_space<vmem>>, vector<16xi32>,
      tpu.vector_store_idx %arg5[%get3A_52], %broadcast_in_dim3A_9 {add = true} : memref<10240xf32, #tpu.memory_space<vmem>>[vector<16xi32>], vector<16xf32>,
      %scan3A_53 = arith.constant 0 : i32
      scf.yield %scan3A_53 : i32
    }
    %scan3A_16 = arith.constant 80 : i32
    "tpu.region"() ({
      %run_scoped3A = tpu.sem_alloc : memref<!tpu.dma_semaphore, #tpu.memory_space<semaphore_mem>>
      %dma_start3A = arith.constant 0 : i32
      %dma_start3A_28 = tpu.memref_slice %arg8[%arg1, %dma_start3A] : memref<16x10240xf32, #tpu.memory_space<vmem_shared>> -> memref<1x10240xf32, #tpu.memory_space<vmem_shared>>
      %dma_start3A_29 = tpu.memref_squeeze %dma_start3A_28 : memref<1x10240xf32, #tpu.memory_space<vmem_shared>> -> memref<10240xf32, #tpu.memory_space<vmem_shared>>
      %dma_start3A_30 = arith.constant 0 : i32
      %dma_start3A_31 = tpu.memref_slice %arg8[%arg1, %dma_start3A_30] : memref<16x10240xf32, #tpu.memory_space<vmem_shared>> -> memref<1x10240xf32, #tpu.memory_space<vmem_shared>>
      %dma_start3A_32 = tpu.memref_squeeze %dma_start3A_31 : memref<1x10240xf32, #tpu.memory_space<vmem_shared>> -> memref<10240xf32, #tpu.memory_space<vmem_shared>>
      tpu.enqueue_dma source(%arg5 : memref<10240xf32, #tpu.memory_space<vmem>>) target(%dma_start3A_32 : memref<10240xf32, #tpu.memory_space<vmem_shared>>) target_semaphore(%run_scoped3A : memref<!tpu.dma_semaphore, #tpu.memory_space<semaphore_mem>>)
      %dma_wait3A = arith.constant 0 : i32
      %dma_wait3A_33 = tpu.memref_slice %arg8[%arg1, %dma_wait3A] : memref<16x10240xf32, #tpu.memory_space<vmem_shared>> -> memref<1x10240xf32, #tpu.memory_space<vmem_shared>>
      %dma_wait3A_34 = tpu.memref_squeeze %dma_wait3A_33 : memref<1x10240xf32, #tpu.memory_space<vmem_shared>> -> memref<10240xf32, #tpu.memory_space<vmem_shared>>
      %dma_wait3A_35 = arith.constant 0 : i32
      %dma_wait3A_36 = tpu.memref_slice %arg8[%arg1, %dma_wait3A_35] : memref<16x10240xf32, #tpu.memory_space<vmem_shared>> -> memref<1x10240xf32, #tpu.memory_space<vmem_shared>>
      %dma_wait3A_37 = tpu.memref_squeeze %dma_wait3A_36 : memref<1x10240xf32, #tpu.memory_space<vmem_shared>> -> memref<10240xf32, #tpu.memory_space<vmem_shared>>
      tpu.wait_dma2 semaphore(%run_scoped3A : memref<!tpu.dma_semaphore, #tpu.memory_space<semaphore_mem>>) src(%arg5 : memref<10240xf32, #tpu.memory_space<vmem>>) dst(%dma_wait3A_37 : memref<10240xf32, #tpu.memory_space<vmem_shared>>)
      tpu.yield
    }) : () -> ()
    %barrier3A = arith.constant 0 : index
    tpu.barrier barrier_id(%barrier3A)
    %mul3A_17 = arith.constant 640 : i32
    %mul3A_18 = arith.muli %arg1, %mul3A_17 : i32
    "tpu.region"() ({
      %run_scoped3A = tpu.sem_alloc : memref<!tpu.dma_semaphore, #tpu.memory_space<semaphore_mem>>
      %dma_start3A = arith.constant 0 : i32
      %dma_start3A_28 = tpu.memref_slice %arg8[%dma_start3A, %mul3A_18] : memref<16x10240xf32, #tpu.memory_space<vmem_shared>> -> memref<16x640xf32, #tpu.memory_space<vmem_shared>>
      %dma_start3A_29 = arith.constant 0 : i32
      %dma_start3A_30 = tpu.memref_slice %arg8[%dma_start3A_29, %mul3A_18] : memref<16x10240xf32, #tpu.memory_space<vmem_shared>> -> memref<16x640xf32, #tpu.memory_space<vmem_shared>>
      tpu.enqueue_dma source(%dma_start3A_30 : memref<16x640xf32, #tpu.memory_space<vmem_shared>>) target(%arg6 : memref<16x640xf32, #tpu.memory_space<vmem>>) target_semaphore(%run_scoped3A : memref<!tpu.dma_semaphore, #tpu.memory_space<semaphore_mem>>)
      %dma_wait3A = arith.constant 0 : i32
      %dma_wait3A_31 = tpu.memref_slice %arg8[%dma_wait3A, %mul3A_18] : memref<16x10240xf32, #tpu.memory_space<vmem_shared>> -> memref<16x640xf32, #tpu.memory_space<vmem_shared>>
      %dma_wait3A_32 = arith.constant 0 : i32
      %dma_wait3A_33 = tpu.memref_slice %arg8[%dma_wait3A_32, %mul3A_18] : memref<16x10240xf32, #tpu.memory_space<vmem_shared>> -> memref<16x640xf32, #tpu.memory_space<vmem_shared>>
      tpu.wait_dma2 semaphore(%run_scoped3A : memref<!tpu.dma_semaphore, #tpu.memory_space<semaphore_mem>>) src(%dma_wait3A_33 : memref<16x640xf32, #tpu.memory_space<vmem_shared>>) dst(%arg6 : memref<16x640xf32, #tpu.memory_space<vmem>>)
      tpu.yield
    }) : () -> ()
    %scan3A_19 = arith.constant 0 : i32
    %scan3A_20 = arith.constant 0 : i32
    %scan3A_21 = arith.constant 40 : i32
    %scan3A_22 = arith.addi %scan3A_20, %scan3A_21 : i32
    %scan3A_23 = arith.constant 1 : i32
    %scan3A_24 = scf.for %scan3A_28 = %scan3A_20 to %scan3A_22 step %scan3A_23 iter_args(%scan3A_29 = %scan3A_19) -> (i32)  : i32 {
      %mul3A_30 = arith.constant 16 : i32
      %mul3A_31 = arith.muli %scan3A_28, %mul3A_30 : i32
      %get3A = arith.constant 0 : i32
      %get3A_32 = arith.index_cast %get3A : i32 to index
      %get3A_33 = arith.index_cast %mul3A_31 : i32 to index
      %get3A_34 = tpu.vector_load %arg6[%get3A_32, %get3A_33] {strides = array<i32>} : memref<16x640xf32, #tpu.memory_space<vmem>>, vector<16xf32>,
      %mul3A_35 = arith.constant 16 : i32
      %mul3A_36 = arith.muli %scan3A_28, %mul3A_35 : i32
      %get3A_37 = arith.constant 1 : i32
      %get3A_38 = arith.index_cast %get3A_37 : i32 to index
      %get3A_39 = arith.index_cast %mul3A_36 : i32 to index
      %get3A_40 = tpu.vector_load %arg6[%get3A_38, %get3A_39] {strides = array<i32>} : memref<16x640xf32, #tpu.memory_space<vmem>>, vector<16xf32>,
      %add3A_41 = arith.addf %get3A_34, %get3A_40 : vector<16xf32>
      %mul3A_42 = arith.constant 16 : i32
      %mul3A_43 = arith.muli %scan3A_28, %mul3A_42 : i32
      %get3A_44 = arith.constant 2 : i32
      %get3A_45 = arith.index_cast %get3A_44 : i32 to index
      %get3A_46 = arith.index_cast %mul3A_43 : i32 to index
      %get3A_47 = tpu.vector_load %arg6[%get3A_45, %get3A_46] {strides = array<i32>} : memref<16x640xf32, #tpu.memory_space<vmem>>, vector<16xf32>,
      %add3A_48 = arith.addf %add3A_41, %get3A_47 : vector<16xf32>
      %mul3A_49 = arith.constant 16 : i32
      %mul3A_50 = arith.muli %scan3A_28, %mul3A_49 : i32
      %get3A_51 = arith.constant 3 : i32
      %get3A_52 = arith.index_cast %get3A_51 : i32 to index
      %get3A_53 = arith.index_cast %mul3A_50 : i32 to index
      %get3A_54 = tpu.vector_load %arg6[%get3A_52, %get3A_53] {strides = array<i32>} : memref<16x640xf32, #tpu.memory_space<vmem>>, vector<16xf32>,
      %add3A_55 = arith.addf %add3A_48, %get3A_54 : vector<16xf32>
      %mul3A_56 = arith.constant 16 : i32
      %mul3A_57 = arith.muli %scan3A_28, %mul3A_56 : i32
      %get3A_58 = arith.constant 4 : i32
      %get3A_59 = arith.index_cast %get3A_58 : i32 to index
      %get3A_60 = arith.index_cast %mul3A_57 : i32 to index
      %get3A_61 = tpu.vector_load %arg6[%get3A_59, %get3A_60] {strides = array<i32>} : memref<16x640xf32, #tpu.memory_space<vmem>>, vector<16xf32>,
      %add3A_62 = arith.addf %add3A_55, %get3A_61 : vector<16xf32>
      %mul3A_63 = arith.constant 16 : i32
      %mul3A_64 = arith.muli %scan3A_28, %mul3A_63 : i32
      %get3A_65 = arith.constant 5 : i32
      %get3A_66 = arith.index_cast %get3A_65 : i32 to index
      %get3A_67 = arith.index_cast %mul3A_64 : i32 to index
      %get3A_68 = tpu.vector_load %arg6[%get3A_66, %get3A_67] {strides = array<i32>} : memref<16x640xf32, #tpu.memory_space<vmem>>, vector<16xf32>,
      %add3A_69 = arith.addf %add3A_62, %get3A_68 : vector<16xf32>
      %mul3A_70 = arith.constant 16 : i32
      %mul3A_71 = arith.muli %scan3A_28, %mul3A_70 : i32
      %get3A_72 = arith.constant 6 : i32
      %get3A_73 = arith.index_cast %get3A_72 : i32 to index
      %get3A_74 = arith.index_cast %mul3A_71 : i32 to index
      %get3A_75 = tpu.vector_load %arg6[%get3A_73, %get3A_74] {strides = array<i32>} : memref<16x640xf32, #tpu.memory_space<vmem>>, vector<16xf32>,
      %add3A_76 = arith.addf %add3A_69, %get3A_75 : vector<16xf32>
      %mul3A_77 = arith.constant 16 : i32
      %mul3A_78 = arith.muli %scan3A_28, %mul3A_77 : i32
      %get3A_79 = arith.constant 7 : i32
      %get3A_80 = arith.index_cast %get3A_79 : i32 to index
      %get3A_81 = arith.index_cast %mul3A_78 : i32 to index
      %get3A_82 = tpu.vector_load %arg6[%get3A_80, %get3A_81] {strides = array<i32>} : memref<16x640xf32, #tpu.memory_space<vmem>>, vector<16xf32>,
      %add3A_83 = arith.addf %add3A_76, %get3A_82 : vector<16xf32>
      %mul3A_84 = arith.constant 16 : i32
      %mul3A_85 = arith.muli %scan3A_28, %mul3A_84 : i32
      %get3A_86 = arith.constant 8 : i32
      %get3A_87 = arith.index_cast %get3A_86 : i32 to index
      %get3A_88 = arith.index_cast %mul3A_85 : i32 to index
      %get3A_89 = tpu.vector_load %arg6[%get3A_87, %get3A_88] {strides = array<i32>} : memref<16x640xf32, #tpu.memory_space<vmem>>, vector<16xf32>,
      %add3A_90 = arith.addf %add3A_83, %get3A_89 : vector<16xf32>
      %mul3A_91 = arith.constant 16 : i32
      %mul3A_92 = arith.muli %scan3A_28, %mul3A_91 : i32
      %get3A_93 = arith.constant 9 : i32
      %get3A_94 = arith.index_cast %get3A_93 : i32 to index
      %get3A_95 = arith.index_cast %mul3A_92 : i32 to index
      %get3A_96 = tpu.vector_load %arg6[%get3A_94, %get3A_95] {strides = array<i32>} : memref<16x640xf32, #tpu.memory_space<vmem>>, vector<16xf32>,
      %add3A_97 = arith.addf %add3A_90, %get3A_96 : vector<16xf32>
      %mul3A_98 = arith.constant 16 : i32
      %mul3A_99 = arith.muli %scan3A_28, %mul3A_98 : i32
      %get3A_100 = arith.constant 10 : i32
      %get3A_101 = arith.index_cast %get3A_100 : i32 to index
      %get3A_102 = arith.index_cast %mul3A_99 : i32 to index
      %get3A_103 = tpu.vector_load %arg6[%get3A_101, %get3A_102] {strides = array<i32>} : memref<16x640xf32, #tpu.memory_space<vmem>>, vector<16xf32>,
      %add3A_104 = arith.addf %add3A_97, %get3A_103 : vector<16xf32>
      %mul3A_105 = arith.constant 16 : i32
      %mul3A_106 = arith.muli %scan3A_28, %mul3A_105 : i32
      %get3A_107 = arith.constant 11 : i32
      %get3A_108 = arith.index_cast %get3A_107 : i32 to index
      %get3A_109 = arith.index_cast %mul3A_106 : i32 to index
      %get3A_110 = tpu.vector_load %arg6[%get3A_108, %get3A_109] {strides = array<i32>} : memref<16x640xf32, #tpu.memory_space<vmem>>, vector<16xf32>,
      %add3A_111 = arith.addf %add3A_104, %get3A_110 : vector<16xf32>
      %mul3A_112 = arith.constant 16 : i32
      %mul3A_113 = arith.muli %scan3A_28, %mul3A_112 : i32
      %get3A_114 = arith.constant 12 : i32
      %get3A_115 = arith.index_cast %get3A_114 : i32 to index
      %get3A_116 = arith.index_cast %mul3A_113 : i32 to index
      %get3A_117 = tpu.vector_load %arg6[%get3A_115, %get3A_116] {strides = array<i32>} : memref<16x640xf32, #tpu.memory_space<vmem>>, vector<16xf32>,
      %add3A_118 = arith.addf %add3A_111, %get3A_117 : vector<16xf32>
      %mul3A_119 = arith.constant 16 : i32
      %mul3A_120 = arith.muli %scan3A_28, %mul3A_119 : i32
      %get3A_121 = arith.constant 13 : i32
      %get3A_122 = arith.index_cast %get3A_121 : i32 to index
      %get3A_123 = arith.index_cast %mul3A_120 : i32 to index
      %get3A_124 = tpu.vector_load %arg6[%get3A_122, %get3A_123] {strides = array<i32>} : memref<16x640xf32, #tpu.memory_space<vmem>>, vector<16xf32>,
      %add3A_125 = arith.addf %add3A_118, %get3A_124 : vector<16xf32>
      %mul3A_126 = arith.constant 16 : i32
      %mul3A_127 = arith.muli %scan3A_28, %mul3A_126 : i32
      %get3A_128 = arith.constant 14 : i32
      %get3A_129 = arith.index_cast %get3A_128 : i32 to index
      %get3A_130 = arith.index_cast %mul3A_127 : i32 to index
      %get3A_131 = tpu.vector_load %arg6[%get3A_129, %get3A_130] {strides = array<i32>} : memref<16x640xf32, #tpu.memory_space<vmem>>, vector<16xf32>,
      %add3A_132 = arith.addf %add3A_125, %get3A_131 : vector<16xf32>
      %mul3A_133 = arith.constant 16 : i32
      %mul3A_134 = arith.muli %scan3A_28, %mul3A_133 : i32
      %get3A_135 = arith.constant 15 : i32
      %get3A_136 = arith.index_cast %get3A_135 : i32 to index
      %get3A_137 = arith.index_cast %mul3A_134 : i32 to index
      %get3A_138 = tpu.vector_load %arg6[%get3A_136, %get3A_137] {strides = array<i32>} : memref<16x640xf32, #tpu.memory_space<vmem>>, vector<16xf32>,
      %add3A_139 = arith.addf %add3A_132, %get3A_138 : vector<16xf32>
      %mul3A_140 = arith.constant 16 : i32
      %mul3A_141 = arith.muli %scan3A_28, %mul3A_140 : i32
      %swap3A = arith.index_cast %mul3A_141 : i32 to index
      %swap3A_142 = tpu.vector_load %arg7[%swap3A] {strides = array<i32>} : memref<640xf32, #tpu.memory_space<vmem>>, vector<16xf32>,
      tpu.vector_store %arg7[%swap3A], %add3A_139 {strides = array<i32>} : memref<640xf32, #tpu.memory_space<vmem>>, vector<16xf32>,
      %scan3A_143 = arith.constant 0 : i32
      scf.yield %scan3A_143 : i32
    }
    %scan3A_25 = arith.constant 40 : i32
    %mul3A_26 = arith.constant 640 : i32
    %mul3A_27 = arith.muli %arg1, %mul3A_26 : i32
    "tpu.region"() ({
      %run_scoped3A = tpu.sem_alloc : memref<!tpu.dma_semaphore, #tpu.memory_space<semaphore_mem>>
      %dma_start3A = tpu.memref_slice %arg3[%arg0, %mul3A_27] : memref<2x10240xf32, #tpu.memory_space<hbm>> -> memref<1x640xf32, #tpu.memory_space<hbm>>
      %dma_start3A_28 = tpu.memref_squeeze %dma_start3A : memref<1x640xf32, #tpu.memory_space<hbm>> -> memref<640xf32, #tpu.memory_space<hbm>>
      %dma_start3A_29 = tpu.memref_slice %arg3[%arg0, %mul3A_27] : memref<2x10240xf32, #tpu.memory_space<hbm>> -> memref<1x640xf32, #tpu.memory_space<hbm>>
      %dma_start3A_30 = tpu.memref_squeeze %dma_start3A_29 : memref<1x640xf32, #tpu.memory_space<hbm>> -> memref<640xf32, #tpu.memory_space<hbm>>
      tpu.enqueue_dma source(%arg7 : memref<640xf32, #tpu.memory_space<vmem>>) target(%dma_start3A_30 : memref<640xf32, #tpu.memory_space<hbm>>) target_semaphore(%run_scoped3A : memref<!tpu.dma_semaphore, #tpu.memory_space<semaphore_mem>>)
      %dma_wait3A = tpu.memref_slice %arg3[%arg0, %mul3A_27] : memref<2x10240xf32, #tpu.memory_space<hbm>> -> memref<1x640xf32, #tpu.memory_space<hbm>>
      %dma_wait3A_31 = tpu.memref_squeeze %dma_wait3A : memref<1x640xf32, #tpu.memory_space<hbm>> -> memref<640xf32, #tpu.memory_space<hbm>>
      %dma_wait3A_32 = tpu.memref_slice %arg3[%arg0, %mul3A_27] : memref<2x10240xf32, #tpu.memory_space<hbm>> -> memref<1x640xf32, #tpu.memory_space<hbm>>
      %dma_wait3A_33 = tpu.memref_squeeze %dma_wait3A_32 : memref<1x640xf32, #tpu.memory_space<hbm>> -> memref<640xf32, #tpu.memory_space<hbm>>
      tpu.wait_dma2 semaphore(%run_scoped3A : memref<!tpu.dma_semaphore, #tpu.memory_space<semaphore_mem>>) src(%arg7 : memref<640xf32, #tpu.memory_space<vmem>>) dst(%dma_wait3A_33 : memref<640xf32, #tpu.memory_space<hbm>>)
      tpu.yield
    }) : () -> ()
    return
  }
}

#map = affine_map<(d0, d1) -> (0, 0)>
#map1 = affine_map<(d0, d1) -> (0, 0, 0)>
module attributes {stable_mosaic.version = 14 : i64} {
  func.func @_agg_kernel(%arg0: i32, %arg1: i32, %arg2: memref<10000x32xf32, #tpu.memory_space<hbm>>, %arg3: memref<32x80x128xi32, #tpu.memory_space<hbm>>, %arg4: memref<32x80x128xi32, #tpu.memory_space<hbm>>, %arg5: memref<2x10240x32xf32, #tpu.memory_space<hbm>>, %arg6: memref<80x128xi32, #tpu.memory_space<vmem>>, %arg7: memref<80x128xi32, #tpu.memory_space<vmem>>, %arg8: memref<8x128x32xf32, #tpu.memory_space<vmem>>, %arg9: memref<640x32xf32, #tpu.memory_space<vmem>>, %arg10: memref<10240x32xf32, #tpu.memory_space<vmem_shared>>, %arg11: memref<!tpu.dma_semaphore, #tpu.memory_space<semaphore_mem>>, %arg12: memref<!tpu.dma_semaphore, #tpu.memory_space<semaphore_mem>>, %arg13: memref<!tpu.dma_semaphore, #tpu.memory_space<semaphore_mem>>, %arg14: memref<!tpu.dma_semaphore, #tpu.memory_space<semaphore_mem>>, %arg15: memref<!tpu.dma_semaphore, #tpu.memory_space<semaphore_mem>>, %arg16: memref<!tpu.dma_semaphore, #tpu.memory_space<semaphore_mem>>, %arg17: memref<!tpu.dma_semaphore, #tpu.memory_space<semaphore_mem>>, %arg18: memref<!tpu.dma_semaphore, #tpu.memory_space<semaphore_mem>>, %arg19: memref<!tpu.dma_semaphore, #tpu.memory_space<semaphore_mem>>, %arg20: memref<!tpu.dma_semaphore, #tpu.memory_space<semaphore_mem>>, %arg21: memref<!tpu.dma_semaphore, #tpu.memory_space<semaphore_mem>>, %arg22: memref<!tpu.dma_semaphore, #tpu.memory_space<semaphore_mem>>, %arg23: memref<!tpu.dma_semaphore, #tpu.memory_space<semaphore_mem>>, %arg24: memref<!tpu.dma_semaphore, #tpu.memory_space<semaphore_mem>>, %arg25: memref<!tpu.dma_semaphore, #tpu.memory_space<semaphore_mem>>, %arg26: memref<!tpu.dma_semaphore, #tpu.memory_space<semaphore_mem>>) attributes {dimension_semantics = [#tpu.dimension_semantics<core_parallel>, #tpu.dimension_semantics<subcore_parallel>], iteration_bounds = array<i64: 2, 16>, scalar_prefetch = 0 : i64, scratch_operands = 21 : i64, tpu.core_type = #tpu.core_type<sc_vector_subcore>, window_params = [{transform_indices = #map}, {transform_indices = #map1}, {transform_indices = #map1}, {transform_indices = #map1}]} {
    %mul3A = arith.constant 16 : i32
    %mul3A_0 = arith.muli %arg0, %mul3A : i32
    %add3A = arith.addi %mul3A_0, %arg1 : i32
    "tpu.region"() ({
      %run_scoped3A = tpu.sem_alloc : memref<!tpu.dma_semaphore, #tpu.memory_space<semaphore_mem>>
      %dma_start3A_404 = arith.constant 0 : i32
      %dma_start3A_405 = arith.constant 0 : i32
      %dma_start3A_406 = tpu.memref_slice %arg3[%add3A, %dma_start3A_404, %dma_start3A_405] : memref<32x80x128xi32, #tpu.memory_space<hbm>> -> memref<1x80x128xi32, #tpu.memory_space<hbm>>
      %dma_start3A_407 = tpu.memref_squeeze %dma_start3A_406 : memref<1x80x128xi32, #tpu.memory_space<hbm>> -> memref<80x128xi32, #tpu.memory_space<hbm>>
      %dma_start3A_408 = arith.constant 0 : i32
      %dma_start3A_409 = arith.constant 0 : i32
      %dma_start3A_410 = tpu.memref_slice %arg3[%add3A, %dma_start3A_408, %dma_start3A_409] : memref<32x80x128xi32, #tpu.memory_space<hbm>> -> memref<1x80x128xi32, #tpu.memory_space<hbm>>
      %dma_start3A_411 = tpu.memref_squeeze %dma_start3A_410 : memref<1x80x128xi32, #tpu.memory_space<hbm>> -> memref<80x128xi32, #tpu.memory_space<hbm>>
      tpu.enqueue_dma source(%dma_start3A_411 : memref<80x128xi32, #tpu.memory_space<hbm>>) target(%arg6 : memref<80x128xi32, #tpu.memory_space<vmem>>) target_semaphore(%run_scoped3A : memref<!tpu.dma_semaphore, #tpu.memory_space<semaphore_mem>>)
      %dma_wait3A_412 = arith.constant 0 : i32
      %dma_wait3A_413 = arith.constant 0 : i32
      %dma_wait3A_414 = tpu.memref_slice %arg3[%add3A, %dma_wait3A_412, %dma_wait3A_413] : memref<32x80x128xi32, #tpu.memory_space<hbm>> -> memref<1x80x128xi32, #tpu.memory_space<hbm>>
      %dma_wait3A_415 = tpu.memref_squeeze %dma_wait3A_414 : memref<1x80x128xi32, #tpu.memory_space<hbm>> -> memref<80x128xi32, #tpu.memory_space<hbm>>
      %dma_wait3A_416 = arith.constant 0 : i32
      %dma_wait3A_417 = arith.constant 0 : i32
      %dma_wait3A_418 = tpu.memref_slice %arg3[%add3A, %dma_wait3A_416, %dma_wait3A_417] : memref<32x80x128xi32, #tpu.memory_space<hbm>> -> memref<1x80x128xi32, #tpu.memory_space<hbm>>
      %dma_wait3A_419 = tpu.memref_squeeze %dma_wait3A_418 : memref<1x80x128xi32, #tpu.memory_space<hbm>> -> memref<80x128xi32, #tpu.memory_space<hbm>>
      tpu.wait_dma2 semaphore(%run_scoped3A : memref<!tpu.dma_semaphore, #tpu.memory_space<semaphore_mem>>) src(%dma_wait3A_419 : memref<80x128xi32, #tpu.memory_space<hbm>>) dst(%arg6 : memref<80x128xi32, #tpu.memory_space<vmem>>)
      tpu.yield
    }) : () -> ()
    "tpu.region"() ({
      %run_scoped3A = tpu.sem_alloc : memref<!tpu.dma_semaphore, #tpu.memory_space<semaphore_mem>>
      %dma_start3A_404 = arith.constant 0 : i32
      %dma_start3A_405 = arith.constant 0 : i32
      %dma_start3A_406 = tpu.memref_slice %arg4[%add3A, %dma_start3A_404, %dma_start3A_405] : memref<32x80x128xi32, #tpu.memory_space<hbm>> -> memref<1x80x128xi32, #tpu.memory_space<hbm>>
      %dma_start3A_407 = tpu.memref_squeeze %dma_start3A_406 : memref<1x80x128xi32, #tpu.memory_space<hbm>> -> memref<80x128xi32, #tpu.memory_space<hbm>>
      %dma_start3A_408 = arith.constant 0 : i32
      %dma_start3A_409 = arith.constant 0 : i32
      %dma_start3A_410 = tpu.memref_slice %arg4[%add3A, %dma_start3A_408, %dma_start3A_409] : memref<32x80x128xi32, #tpu.memory_space<hbm>> -> memref<1x80x128xi32, #tpu.memory_space<hbm>>
      %dma_start3A_411 = tpu.memref_squeeze %dma_start3A_410 : memref<1x80x128xi32, #tpu.memory_space<hbm>> -> memref<80x128xi32, #tpu.memory_space<hbm>>
      tpu.enqueue_dma source(%dma_start3A_411 : memref<80x128xi32, #tpu.memory_space<hbm>>) target(%arg7 : memref<80x128xi32, #tpu.memory_space<vmem>>) target_semaphore(%run_scoped3A : memref<!tpu.dma_semaphore, #tpu.memory_space<semaphore_mem>>)
      %dma_wait3A_412 = arith.constant 0 : i32
      %dma_wait3A_413 = arith.constant 0 : i32
      %dma_wait3A_414 = tpu.memref_slice %arg4[%add3A, %dma_wait3A_412, %dma_wait3A_413] : memref<32x80x128xi32, #tpu.memory_space<hbm>> -> memref<1x80x128xi32, #tpu.memory_space<hbm>>
      %dma_wait3A_415 = tpu.memref_squeeze %dma_wait3A_414 : memref<1x80x128xi32, #tpu.memory_space<hbm>> -> memref<80x128xi32, #tpu.memory_space<hbm>>
      %dma_wait3A_416 = arith.constant 0 : i32
      %dma_wait3A_417 = arith.constant 0 : i32
      %dma_wait3A_418 = tpu.memref_slice %arg4[%add3A, %dma_wait3A_416, %dma_wait3A_417] : memref<32x80x128xi32, #tpu.memory_space<hbm>> -> memref<1x80x128xi32, #tpu.memory_space<hbm>>
      %dma_wait3A_419 = tpu.memref_squeeze %dma_wait3A_418 : memref<1x80x128xi32, #tpu.memory_space<hbm>> -> memref<80x128xi32, #tpu.memory_space<hbm>>
      tpu.wait_dma2 semaphore(%run_scoped3A : memref<!tpu.dma_semaphore, #tpu.memory_space<semaphore_mem>>) src(%dma_wait3A_419 : memref<80x128xi32, #tpu.memory_space<hbm>>) dst(%arg7 : memref<80x128xi32, #tpu.memory_space<vmem>>)
      tpu.yield
    }) : () -> ()
    %broadcast_in_dim3A = arith.constant 0.000000e+00 : f32
    %broadcast_in_dim3A_1 = vector.broadcast %broadcast_in_dim3A : f32 to vector<16xf32>
    %scan3A = arith.constant 0 : i32
    %scan3A_2 = arith.constant 0 : i32
    %scan3A_3 = arith.constant 640 : i32
    %scan3A_4 = arith.addi %scan3A_2, %scan3A_3 : i32
    %scan3A_5 = arith.constant 1 : i32
    %scan3A_6 = scf.for %scan3A_404 = %scan3A_2 to %scan3A_4 step %scan3A_5 iter_args(%scan3A_405 = %scan3A) -> (i32)  : i32 {
      %swap3A = arith.index_cast %scan3A_404 : i32 to index
      %swap3A_406 = arith.constant 0 : index
      %swap3A_407 = tpu.vector_load %arg9[%swap3A, %swap3A_406] {strides = array<i32>} : memref<640x32xf32, #tpu.memory_space<vmem>>, vector<16xf32>,
      tpu.vector_store %arg9[%swap3A, %swap3A_406], %broadcast_in_dim3A_1 {strides = array<i32>} : memref<640x32xf32, #tpu.memory_space<vmem>>, vector<16xf32>,
      %swap3A_408 = arith.index_cast %scan3A_404 : i32 to index
      %swap3A_409 = arith.constant 16 : index
      %swap3A_410 = tpu.vector_load %arg9[%swap3A_408, %swap3A_409] {strides = array<i32>} : memref<640x32xf32, #tpu.memory_space<vmem>>, vector<16xf32>,
      tpu.vector_store %arg9[%swap3A_408, %swap3A_409], %broadcast_in_dim3A_1 {strides = array<i32>} : memref<640x32xf32, #tpu.memory_space<vmem>>, vector<16xf32>,
      %scan3A_411 = arith.constant 0 : i32
      scf.yield %scan3A_411 : i32
    }
    %scan3A_7 = arith.constant 640 : i32
    %mul3A_8 = arith.constant 640 : i32
    %mul3A_9 = arith.muli %arg1, %mul3A_8 : i32
    "tpu.region"() ({
      %run_scoped3A = tpu.sem_alloc : memref<!tpu.dma_semaphore, #tpu.memory_space<semaphore_mem>>
      %dma_start3A_404 = arith.constant 0 : i32
      %dma_start3A_405 = tpu.memref_slice %arg10[%mul3A_9, %dma_start3A_404] : memref<10240x32xf32, #tpu.memory_space<vmem_shared>> -> memref<640x32xf32, #tpu.memory_space<vmem_shared>>
      %dma_start3A_406 = arith.constant 0 : i32
      %dma_start3A_407 = tpu.memref_slice %arg10[%mul3A_9, %dma_start3A_406] : memref<10240x32xf32, #tpu.memory_space<vmem_shared>> -> memref<640x32xf32, #tpu.memory_space<vmem_shared>>
      tpu.enqueue_dma source(%arg9 : memref<640x32xf32, #tpu.memory_space<vmem>>) target(%dma_start3A_407 : memref<640x32xf32, #tpu.memory_space<vmem_shared>>) target_semaphore(%run_scoped3A : memref<!tpu.dma_semaphore, #tpu.memory_space<semaphore_mem>>)
      %dma_wait3A_408 = arith.constant 0 : i32
      %dma_wait3A_409 = tpu.memref_slice %arg10[%mul3A_9, %dma_wait3A_408] : memref<10240x32xf32, #tpu.memory_space<vmem_shared>> -> memref<640x32xf32, #tpu.memory_space<vmem_shared>>
      %dma_wait3A_410 = arith.constant 0 : i32
      %dma_wait3A_411 = tpu.memref_slice %arg10[%mul3A_9, %dma_wait3A_410] : memref<10240x32xf32, #tpu.memory_space<vmem_shared>> -> memref<640x32xf32, #tpu.memory_space<vmem_shared>>
      tpu.wait_dma2 semaphore(%run_scoped3A : memref<!tpu.dma_semaphore, #tpu.memory_space<semaphore_mem>>) src(%arg9 : memref<640x32xf32, #tpu.memory_space<vmem>>) dst(%dma_wait3A_411 : memref<640x32xf32, #tpu.memory_space<vmem_shared>>)
      tpu.yield
    }) : () -> ()
    %barrier3A = arith.constant 0 : index
    tpu.barrier barrier_id(%barrier3A)
    %dma_start3A = arith.constant 0 : i32
    %dma_start3A_10 = arith.constant 0 : i32
    %dma_start3A_11 = arith.constant 0 : i32
    %dma_start3A_12 = arith.constant 0 : i32
    %dma_start3A_13 = tpu.memref_slice %arg8[%dma_start3A_10, %dma_start3A_11, %dma_start3A_12] : memref<8x128x32xf32, #tpu.memory_space<vmem>> -> memref<1x128x32xf32, #tpu.memory_space<vmem>>
    %dma_start3A_14 = tpu.memref_squeeze %dma_start3A_13 : memref<1x128x32xf32, #tpu.memory_space<vmem>> -> memref<128x32xf32, #tpu.memory_space<vmem>>
    %dma_start3A_15 = arith.constant 0 : i32
    %dma_start3A_16 = tpu.memref_slice %arg6[%dma_start3A, %dma_start3A_15] : memref<80x128xi32, #tpu.memory_space<vmem>> -> memref<1x128xi32, #tpu.memory_space<vmem>>
    %dma_start3A_17 = tpu.memref_squeeze %dma_start3A_16 : memref<1x128xi32, #tpu.memory_space<vmem>> -> memref<128xi32, #tpu.memory_space<vmem>>
    %dma_start3A_18 = arith.constant 0 : i32
    %dma_start3A_19 = arith.constant 0 : i32
    %dma_start3A_20 = tpu.memref_slice %arg2[%dma_start3A_18, %dma_start3A_19] : memref<10000x32xf32, #tpu.memory_space<hbm>> -> memref<10000x32xf32, #tpu.memory_space<hbm>>
    tpu.enqueue_indirect_dma source(%dma_start3A_20 : memref<10000x32xf32, #tpu.memory_space<hbm>>) target(%dma_start3A_14 : memref<128x32xf32, #tpu.memory_space<vmem>>) offsets(%dma_start3A_17 : memref<128xi32, #tpu.memory_space<vmem>>) semaphore(%arg11 : memref<!tpu.dma_semaphore, #tpu.memory_space<semaphore_mem>>)
    %dma_start3A_21 = arith.constant 1 : i32
    %dma_start3A_22 = arith.constant 1 : i32
    %dma_start3A_23 = arith.constant 0 : i32
    %dma_start3A_24 = arith.constant 0 : i32
    %dma_start3A_25 = tpu.memref_slice %arg8[%dma_start3A_22, %dma_start3A_23, %dma_start3A_24] : memref<8x128x32xf32, #tpu.memory_space<vmem>> -> memref<1x128x32xf32, #tpu.memory_space<vmem>>
    %dma_start3A_26 = tpu.memref_squeeze %dma_start3A_25 : memref<1x128x32xf32, #tpu.memory_space<vmem>> -> memref<128x32xf32, #tpu.memory_space<vmem>>
    %dma_start3A_27 = arith.constant 0 : i32
    %dma_start3A_28 = tpu.memref_slice %arg6[%dma_start3A_21, %dma_start3A_27] : memref<80x128xi32, #tpu.memory_space<vmem>> -> memref<1x128xi32, #tpu.memory_space<vmem>>
    %dma_start3A_29 = tpu.memref_squeeze %dma_start3A_28 : memref<1x128xi32, #tpu.memory_space<vmem>> -> memref<128xi32, #tpu.memory_space<vmem>>
    %dma_start3A_30 = arith.constant 0 : i32
    %dma_start3A_31 = arith.constant 0 : i32
    %dma_start3A_32 = tpu.memref_slice %arg2[%dma_start3A_30, %dma_start3A_31] : memref<10000x32xf32, #tpu.memory_space<hbm>> -> memref<10000x32xf32, #tpu.memory_space<hbm>>
    tpu.enqueue_indirect_dma source(%dma_start3A_32 : memref<10000x32xf32, #tpu.memory_space<hbm>>) target(%dma_start3A_26 : memref<128x32xf32, #tpu.memory_space<vmem>>) offsets(%dma_start3A_29 : memref<128xi32, #tpu.memory_space<vmem>>) semaphore(%arg12 : memref<!tpu.dma_semaphore, #tpu.memory_space<semaphore_mem>>)
    %dma_start3A_33 = arith.constant 2 : i32
    %dma_start3A_34 = arith.constant 2 : i32
    %dma_start3A_35 = arith.constant 0 : i32
    %dma_start3A_36 = arith.constant 0 : i32
    %dma_start3A_37 = tpu.memref_slice %arg8[%dma_start3A_34, %dma_start3A_35, %dma_start3A_36] : memref<8x128x32xf32, #tpu.memory_space<vmem>> -> memref<1x128x32xf32, #tpu.memory_space<vmem>>
    %dma_start3A_38 = tpu.memref_squeeze %dma_start3A_37 : memref<1x128x32xf32, #tpu.memory_space<vmem>> -> memref<128x32xf32, #tpu.memory_space<vmem>>
    %dma_start3A_39 = arith.constant 0 : i32
    %dma_start3A_40 = tpu.memref_slice %arg6[%dma_start3A_33, %dma_start3A_39] : memref<80x128xi32, #tpu.memory_space<vmem>> -> memref<1x128xi32, #tpu.memory_space<vmem>>
    %dma_start3A_41 = tpu.memref_squeeze %dma_start3A_40 : memref<1x128xi32, #tpu.memory_space<vmem>> -> memref<128xi32, #tpu.memory_space<vmem>>
    %dma_start3A_42 = arith.constant 0 : i32
    %dma_start3A_43 = arith.constant 0 : i32
    %dma_start3A_44 = tpu.memref_slice %arg2[%dma_start3A_42, %dma_start3A_43] : memref<10000x32xf32, #tpu.memory_space<hbm>> -> memref<10000x32xf32, #tpu.memory_space<hbm>>
    tpu.enqueue_indirect_dma source(%dma_start3A_44 : memref<10000x32xf32, #tpu.memory_space<hbm>>) target(%dma_start3A_38 : memref<128x32xf32, #tpu.memory_space<vmem>>) offsets(%dma_start3A_41 : memref<128xi32, #tpu.memory_space<vmem>>) semaphore(%arg13 : memref<!tpu.dma_semaphore, #tpu.memory_space<semaphore_mem>>)
    %dma_start3A_45 = arith.constant 3 : i32
    %dma_start3A_46 = arith.constant 3 : i32
    %dma_start3A_47 = arith.constant 0 : i32
    %dma_start3A_48 = arith.constant 0 : i32
    %dma_start3A_49 = tpu.memref_slice %arg8[%dma_start3A_46, %dma_start3A_47, %dma_start3A_48] : memref<8x128x32xf32, #tpu.memory_space<vmem>> -> memref<1x128x32xf32, #tpu.memory_space<vmem>>
    %dma_start3A_50 = tpu.memref_squeeze %dma_start3A_49 : memref<1x128x32xf32, #tpu.memory_space<vmem>> -> memref<128x32xf32, #tpu.memory_space<vmem>>
    %dma_start3A_51 = arith.constant 0 : i32
    %dma_start3A_52 = tpu.memref_slice %arg6[%dma_start3A_45, %dma_start3A_51] : memref<80x128xi32, #tpu.memory_space<vmem>> -> memref<1x128xi32, #tpu.memory_space<vmem>>
    %dma_start3A_53 = tpu.memref_squeeze %dma_start3A_52 : memref<1x128xi32, #tpu.memory_space<vmem>> -> memref<128xi32, #tpu.memory_space<vmem>>
    %dma_start3A_54 = arith.constant 0 : i32
    %dma_start3A_55 = arith.constant 0 : i32
    %dma_start3A_56 = tpu.memref_slice %arg2[%dma_start3A_54, %dma_start3A_55] : memref<10000x32xf32, #tpu.memory_space<hbm>> -> memref<10000x32xf32, #tpu.memory_space<hbm>>
    tpu.enqueue_indirect_dma source(%dma_start3A_56 : memref<10000x32xf32, #tpu.memory_space<hbm>>) target(%dma_start3A_50 : memref<128x32xf32, #tpu.memory_space<vmem>>) offsets(%dma_start3A_53 : memref<128xi32, #tpu.memory_space<vmem>>) semaphore(%arg14 : memref<!tpu.dma_semaphore, #tpu.memory_space<semaphore_mem>>)
    %dma_start3A_57 = arith.constant 4 : i32
    %dma_start3A_58 = arith.constant 4 : i32
    %dma_start3A_59 = arith.constant 0 : i32
    %dma_start3A_60 = arith.constant 0 : i32
    %dma_start3A_61 = tpu.memref_slice %arg8[%dma_start3A_58, %dma_start3A_59, %dma_start3A_60] : memref<8x128x32xf32, #tpu.memory_space<vmem>> -> memref<1x128x32xf32, #tpu.memory_space<vmem>>
    %dma_start3A_62 = tpu.memref_squeeze %dma_start3A_61 : memref<1x128x32xf32, #tpu.memory_space<vmem>> -> memref<128x32xf32, #tpu.memory_space<vmem>>
    %dma_start3A_63 = arith.constant 0 : i32
    %dma_start3A_64 = tpu.memref_slice %arg6[%dma_start3A_57, %dma_start3A_63] : memref<80x128xi32, #tpu.memory_space<vmem>> -> memref<1x128xi32, #tpu.memory_space<vmem>>
    %dma_start3A_65 = tpu.memref_squeeze %dma_start3A_64 : memref<1x128xi32, #tpu.memory_space<vmem>> -> memref<128xi32, #tpu.memory_space<vmem>>
    %dma_start3A_66 = arith.constant 0 : i32
    %dma_start3A_67 = arith.constant 0 : i32
    %dma_start3A_68 = tpu.memref_slice %arg2[%dma_start3A_66, %dma_start3A_67] : memref<10000x32xf32, #tpu.memory_space<hbm>> -> memref<10000x32xf32, #tpu.memory_space<hbm>>
    tpu.enqueue_indirect_dma source(%dma_start3A_68 : memref<10000x32xf32, #tpu.memory_space<hbm>>) target(%dma_start3A_62 : memref<128x32xf32, #tpu.memory_space<vmem>>) offsets(%dma_start3A_65 : memref<128xi32, #tpu.memory_space<vmem>>) semaphore(%arg15 : memref<!tpu.dma_semaphore, #tpu.memory_space<semaphore_mem>>)
    %dma_start3A_69 = arith.constant 5 : i32
    %dma_start3A_70 = arith.constant 5 : i32
    %dma_start3A_71 = arith.constant 0 : i32
    %dma_start3A_72 = arith.constant 0 : i32
    %dma_start3A_73 = tpu.memref_slice %arg8[%dma_start3A_70, %dma_start3A_71, %dma_start3A_72] : memref<8x128x32xf32, #tpu.memory_space<vmem>> -> memref<1x128x32xf32, #tpu.memory_space<vmem>>
    %dma_start3A_74 = tpu.memref_squeeze %dma_start3A_73 : memref<1x128x32xf32, #tpu.memory_space<vmem>> -> memref<128x32xf32, #tpu.memory_space<vmem>>
    %dma_start3A_75 = arith.constant 0 : i32
    %dma_start3A_76 = tpu.memref_slice %arg6[%dma_start3A_69, %dma_start3A_75] : memref<80x128xi32, #tpu.memory_space<vmem>> -> memref<1x128xi32, #tpu.memory_space<vmem>>
    %dma_start3A_77 = tpu.memref_squeeze %dma_start3A_76 : memref<1x128xi32, #tpu.memory_space<vmem>> -> memref<128xi32, #tpu.memory_space<vmem>>
    %dma_start3A_78 = arith.constant 0 : i32
    %dma_start3A_79 = arith.constant 0 : i32
    %dma_start3A_80 = tpu.memref_slice %arg2[%dma_start3A_78, %dma_start3A_79] : memref<10000x32xf32, #tpu.memory_space<hbm>> -> memref<10000x32xf32, #tpu.memory_space<hbm>>
    tpu.enqueue_indirect_dma source(%dma_start3A_80 : memref<10000x32xf32, #tpu.memory_space<hbm>>) target(%dma_start3A_74 : memref<128x32xf32, #tpu.memory_space<vmem>>) offsets(%dma_start3A_77 : memref<128xi32, #tpu.memory_space<vmem>>) semaphore(%arg16 : memref<!tpu.dma_semaphore, #tpu.memory_space<semaphore_mem>>)
    %dma_start3A_81 = arith.constant 6 : i32
    %dma_start3A_82 = arith.constant 6 : i32
    %dma_start3A_83 = arith.constant 0 : i32
    %dma_start3A_84 = arith.constant 0 : i32
    %dma_start3A_85 = tpu.memref_slice %arg8[%dma_start3A_82, %dma_start3A_83, %dma_start3A_84] : memref<8x128x32xf32, #tpu.memory_space<vmem>> -> memref<1x128x32xf32, #tpu.memory_space<vmem>>
    %dma_start3A_86 = tpu.memref_squeeze %dma_start3A_85 : memref<1x128x32xf32, #tpu.memory_space<vmem>> -> memref<128x32xf32, #tpu.memory_space<vmem>>
    %dma_start3A_87 = arith.constant 0 : i32
    %dma_start3A_88 = tpu.memref_slice %arg6[%dma_start3A_81, %dma_start3A_87] : memref<80x128xi32, #tpu.memory_space<vmem>> -> memref<1x128xi32, #tpu.memory_space<vmem>>
    %dma_start3A_89 = tpu.memref_squeeze %dma_start3A_88 : memref<1x128xi32, #tpu.memory_space<vmem>> -> memref<128xi32, #tpu.memory_space<vmem>>
    %dma_start3A_90 = arith.constant 0 : i32
    %dma_start3A_91 = arith.constant 0 : i32
    %dma_start3A_92 = tpu.memref_slice %arg2[%dma_start3A_90, %dma_start3A_91] : memref<10000x32xf32, #tpu.memory_space<hbm>> -> memref<10000x32xf32, #tpu.memory_space<hbm>>
    tpu.enqueue_indirect_dma source(%dma_start3A_92 : memref<10000x32xf32, #tpu.memory_space<hbm>>) target(%dma_start3A_86 : memref<128x32xf32, #tpu.memory_space<vmem>>) offsets(%dma_start3A_89 : memref<128xi32, #tpu.memory_space<vmem>>) semaphore(%arg17 : memref<!tpu.dma_semaphore, #tpu.memory_space<semaphore_mem>>)
    %dma_start3A_93 = arith.constant 7 : i32
    %dma_start3A_94 = arith.constant 7 : i32
    %dma_start3A_95 = arith.constant 0 : i32
    %dma_start3A_96 = arith.constant 0 : i32
    %dma_start3A_97 = tpu.memref_slice %arg8[%dma_start3A_94, %dma_start3A_95, %dma_start3A_96] : memref<8x128x32xf32, #tpu.memory_space<vmem>> -> memref<1x128x32xf32, #tpu.memory_space<vmem>>
    %dma_start3A_98 = tpu.memref_squeeze %dma_start3A_97 : memref<1x128x32xf32, #tpu.memory_space<vmem>> -> memref<128x32xf32, #tpu.memory_space<vmem>>
    %dma_start3A_99 = arith.constant 0 : i32
    %dma_start3A_100 = tpu.memref_slice %arg6[%dma_start3A_93, %dma_start3A_99] : memref<80x128xi32, #tpu.memory_space<vmem>> -> memref<1x128xi32, #tpu.memory_space<vmem>>
    %dma_start3A_101 = tpu.memref_squeeze %dma_start3A_100 : memref<1x128xi32, #tpu.memory_space<vmem>> -> memref<128xi32, #tpu.memory_space<vmem>>
    %dma_start3A_102 = arith.constant 0 : i32
    %dma_start3A_103 = arith.constant 0 : i32
    %dma_start3A_104 = tpu.memref_slice %arg2[%dma_start3A_102, %dma_start3A_103] : memref<10000x32xf32, #tpu.memory_space<hbm>> -> memref<10000x32xf32, #tpu.memory_space<hbm>>
    tpu.enqueue_indirect_dma source(%dma_start3A_104 : memref<10000x32xf32, #tpu.memory_space<hbm>>) target(%dma_start3A_98 : memref<128x32xf32, #tpu.memory_space<vmem>>) offsets(%dma_start3A_101 : memref<128xi32, #tpu.memory_space<vmem>>) semaphore(%arg18 : memref<!tpu.dma_semaphore, #tpu.memory_space<semaphore_mem>>)
    %scan3A_105 = arith.constant 0 : i32
    %scan3A_106 = arith.constant 0 : i32
    %scan3A_107 = arith.constant 9 : i32
    %scan3A_108 = arith.addi %scan3A_106, %scan3A_107 : i32
    %scan3A_109 = arith.constant 1 : i32
    %scan3A_110 = scf.for %scan3A_404 = %scan3A_106 to %scan3A_108 step %scan3A_109 iter_args(%scan3A_405 = %scan3A_105) -> (i32)  : i32 {
      %mul3A_406 = arith.constant 8 : i32
      %mul3A_407 = arith.muli %scan3A_404, %mul3A_406 : i32
      %add3A_408 = arith.constant 0 : i32
      %add3A_409 = arith.addi %mul3A_407, %add3A_408 : i32
      %dma_wait3A_410 = arith.constant 0 : i32
      %dma_wait3A_411 = arith.constant 0 : i32
      %dma_wait3A_412 = arith.constant 0 : i32
      %dma_wait3A_413 = tpu.memref_slice %arg8[%dma_wait3A_410, %dma_wait3A_411, %dma_wait3A_412] : memref<8x128x32xf32, #tpu.memory_space<vmem>> -> memref<1x128x32xf32, #tpu.memory_space<vmem>>
      %dma_wait3A_414 = tpu.memref_squeeze %dma_wait3A_413 : memref<1x128x32xf32, #tpu.memory_space<vmem>> -> memref<128x32xf32, #tpu.memory_space<vmem>>
      %dma_wait3A_415 = arith.constant 0 : i32
      %dma_wait3A_416 = tpu.memref_slice %arg6[%add3A_409, %dma_wait3A_415] : memref<80x128xi32, #tpu.memory_space<vmem>> -> memref<1x128xi32, #tpu.memory_space<vmem>>
      %dma_wait3A_417 = tpu.memref_squeeze %dma_wait3A_416 : memref<1x128xi32, #tpu.memory_space<vmem>> -> memref<128xi32, #tpu.memory_space<vmem>>
      %dma_wait3A_418 = arith.constant 0 : i32
      %dma_wait3A_419 = arith.constant 0 : i32
      %dma_wait3A_420 = tpu.memref_slice %arg2[%dma_wait3A_418, %dma_wait3A_419] : memref<10000x32xf32, #tpu.memory_space<hbm>> -> memref<10000x32xf32, #tpu.memory_space<hbm>>
      tpu.wait_indirect_dma semaphore(%arg11 : memref<!tpu.dma_semaphore, #tpu.memory_space<semaphore_mem>>) src(%dma_wait3A_420 : memref<10000x32xf32, #tpu.memory_space<hbm>>) dst(%dma_wait3A_414 : memref<128x32xf32, #tpu.memory_space<vmem>>)
      %add3A_421 = arith.constant 0 : i32
      %add3A_422 = arith.addi %mul3A_407, %add3A_421 : i32
      %dma_start3A_423 = arith.constant 0 : i32
      %dma_start3A_424 = arith.constant 0 : i32
      %dma_start3A_425 = arith.constant 0 : i32
      %dma_start3A_426 = tpu.memref_slice %arg8[%dma_start3A_423, %dma_start3A_424, %dma_start3A_425] : memref<8x128x32xf32, #tpu.memory_space<vmem>> -> memref<1x128x32xf32, #tpu.memory_space<vmem>>
      %dma_start3A_427 = tpu.memref_squeeze %dma_start3A_426 : memref<1x128x32xf32, #tpu.memory_space<vmem>> -> memref<128x32xf32, #tpu.memory_space<vmem>>
      %dma_start3A_428 = arith.constant 0 : i32
      %dma_start3A_429 = tpu.memref_slice %arg7[%add3A_422, %dma_start3A_428] : memref<80x128xi32, #tpu.memory_space<vmem>> -> memref<1x128xi32, #tpu.memory_space<vmem>>
      %dma_start3A_430 = tpu.memref_squeeze %dma_start3A_429 : memref<1x128xi32, #tpu.memory_space<vmem>> -> memref<128xi32, #tpu.memory_space<vmem>>
      %dma_start3A_431 = arith.constant 0 : i32
      %dma_start3A_432 = arith.constant 0 : i32
      %dma_start3A_433 = tpu.memref_slice %arg10[%dma_start3A_431, %dma_start3A_432] : memref<10240x32xf32, #tpu.memory_space<vmem_shared>> -> memref<10240x32xf32, #tpu.memory_space<vmem_shared>>
      tpu.enqueue_indirect_dma source(%dma_start3A_427 : memref<128x32xf32, #tpu.memory_space<vmem>>) target(%dma_start3A_433 : memref<10240x32xf32, #tpu.memory_space<vmem_shared>>) offsets(%dma_start3A_430 : memref<128xi32, #tpu.memory_space<vmem>>) semaphore(%arg19 : memref<!tpu.dma_semaphore, #tpu.memory_space<semaphore_mem>>) {add = true}
      %add3A_434 = arith.constant 1 : i32
      %add3A_435 = arith.addi %mul3A_407, %add3A_434 : i32
      %dma_wait3A_436 = arith.constant 1 : i32
      %dma_wait3A_437 = arith.constant 0 : i32
      %dma_wait3A_438 = arith.constant 0 : i32
      %dma_wait3A_439 = tpu.memref_slice %arg8[%dma_wait3A_436, %dma_wait3A_437, %dma_wait3A_438] : memref<8x128x32xf32, #tpu.memory_space<vmem>> -> memref<1x128x32xf32, #tpu.memory_space<vmem>>
      %dma_wait3A_440 = tpu.memref_squeeze %dma_wait3A_439 : memref<1x128x32xf32, #tpu.memory_space<vmem>> -> memref<128x32xf32, #tpu.memory_space<vmem>>
      %dma_wait3A_441 = arith.constant 0 : i32
      %dma_wait3A_442 = tpu.memref_slice %arg6[%add3A_435, %dma_wait3A_441] : memref<80x128xi32, #tpu.memory_space<vmem>> -> memref<1x128xi32, #tpu.memory_space<vmem>>
      %dma_wait3A_443 = tpu.memref_squeeze %dma_wait3A_442 : memref<1x128xi32, #tpu.memory_space<vmem>> -> memref<128xi32, #tpu.memory_space<vmem>>
      %dma_wait3A_444 = arith.constant 0 : i32
      %dma_wait3A_445 = arith.constant 0 : i32
      %dma_wait3A_446 = tpu.memref_slice %arg2[%dma_wait3A_444, %dma_wait3A_445] : memref<10000x32xf32, #tpu.memory_space<hbm>> -> memref<10000x32xf32, #tpu.memory_space<hbm>>
      tpu.wait_indirect_dma semaphore(%arg12 : memref<!tpu.dma_semaphore, #tpu.memory_space<semaphore_mem>>) src(%dma_wait3A_446 : memref<10000x32xf32, #tpu.memory_space<hbm>>) dst(%dma_wait3A_440 : memref<128x32xf32, #tpu.memory_space<vmem>>)
      %add3A_447 = arith.constant 1 : i32
      %add3A_448 = arith.addi %mul3A_407, %add3A_447 : i32
      %dma_start3A_449 = arith.constant 1 : i32
      %dma_start3A_450 = arith.constant 0 : i32
      %dma_start3A_451 = arith.constant 0 : i32
      %dma_start3A_452 = tpu.memref_slice %arg8[%dma_start3A_449, %dma_start3A_450, %dma_start3A_451] : memref<8x128x32xf32, #tpu.memory_space<vmem>> -> memref<1x128x32xf32, #tpu.memory_space<vmem>>
      %dma_start3A_453 = tpu.memref_squeeze %dma_start3A_452 : memref<1x128x32xf32, #tpu.memory_space<vmem>> -> memref<128x32xf32, #tpu.memory_space<vmem>>
      %dma_start3A_454 = arith.constant 0 : i32
      %dma_start3A_455 = tpu.memref_slice %arg7[%add3A_448, %dma_start3A_454] : memref<80x128xi32, #tpu.memory_space<vmem>> -> memref<1x128xi32, #tpu.memory_space<vmem>>
      %dma_start3A_456 = tpu.memref_squeeze %dma_start3A_455 : memref<1x128xi32, #tpu.memory_space<vmem>> -> memref<128xi32, #tpu.memory_space<vmem>>
      %dma_start3A_457 = arith.constant 0 : i32
      %dma_start3A_458 = arith.constant 0 : i32
      %dma_start3A_459 = tpu.memref_slice %arg10[%dma_start3A_457, %dma_start3A_458] : memref<10240x32xf32, #tpu.memory_space<vmem_shared>> -> memref<10240x32xf32, #tpu.memory_space<vmem_shared>>
      tpu.enqueue_indirect_dma source(%dma_start3A_453 : memref<128x32xf32, #tpu.memory_space<vmem>>) target(%dma_start3A_459 : memref<10240x32xf32, #tpu.memory_space<vmem_shared>>) offsets(%dma_start3A_456 : memref<128xi32, #tpu.memory_space<vmem>>) semaphore(%arg20 : memref<!tpu.dma_semaphore, #tpu.memory_space<semaphore_mem>>) {add = true}
      %add3A_460 = arith.constant 2 : i32
      %add3A_461 = arith.addi %mul3A_407, %add3A_460 : i32
      %dma_wait3A_462 = arith.constant 2 : i32
      %dma_wait3A_463 = arith.constant 0 : i32
      %dma_wait3A_464 = arith.constant 0 : i32
      %dma_wait3A_465 = tpu.memref_slice %arg8[%dma_wait3A_462, %dma_wait3A_463, %dma_wait3A_464] : memref<8x128x32xf32, #tpu.memory_space<vmem>> -> memref<1x128x32xf32, #tpu.memory_space<vmem>>
      %dma_wait3A_466 = tpu.memref_squeeze %dma_wait3A_465 : memref<1x128x32xf32, #tpu.memory_space<vmem>> -> memref<128x32xf32, #tpu.memory_space<vmem>>
      %dma_wait3A_467 = arith.constant 0 : i32
      %dma_wait3A_468 = tpu.memref_slice %arg6[%add3A_461, %dma_wait3A_467] : memref<80x128xi32, #tpu.memory_space<vmem>> -> memref<1x128xi32, #tpu.memory_space<vmem>>
      %dma_wait3A_469 = tpu.memref_squeeze %dma_wait3A_468 : memref<1x128xi32, #tpu.memory_space<vmem>> -> memref<128xi32, #tpu.memory_space<vmem>>
      %dma_wait3A_470 = arith.constant 0 : i32
      %dma_wait3A_471 = arith.constant 0 : i32
      %dma_wait3A_472 = tpu.memref_slice %arg2[%dma_wait3A_470, %dma_wait3A_471] : memref<10000x32xf32, #tpu.memory_space<hbm>> -> memref<10000x32xf32, #tpu.memory_space<hbm>>
      tpu.wait_indirect_dma semaphore(%arg13 : memref<!tpu.dma_semaphore, #tpu.memory_space<semaphore_mem>>) src(%dma_wait3A_472 : memref<10000x32xf32, #tpu.memory_space<hbm>>) dst(%dma_wait3A_466 : memref<128x32xf32, #tpu.memory_space<vmem>>)
      %add3A_473 = arith.constant 2 : i32
      %add3A_474 = arith.addi %mul3A_407, %add3A_473 : i32
      %dma_start3A_475 = arith.constant 2 : i32
      %dma_start3A_476 = arith.constant 0 : i32
      %dma_start3A_477 = arith.constant 0 : i32
      %dma_start3A_478 = tpu.memref_slice %arg8[%dma_start3A_475, %dma_start3A_476, %dma_start3A_477] : memref<8x128x32xf32, #tpu.memory_space<vmem>> -> memref<1x128x32xf32, #tpu.memory_space<vmem>>
      %dma_start3A_479 = tpu.memref_squeeze %dma_start3A_478 : memref<1x128x32xf32, #tpu.memory_space<vmem>> -> memref<128x32xf32, #tpu.memory_space<vmem>>
      %dma_start3A_480 = arith.constant 0 : i32
      %dma_start3A_481 = tpu.memref_slice %arg7[%add3A_474, %dma_start3A_480] : memref<80x128xi32, #tpu.memory_space<vmem>> -> memref<1x128xi32, #tpu.memory_space<vmem>>
      %dma_start3A_482 = tpu.memref_squeeze %dma_start3A_481 : memref<1x128xi32, #tpu.memory_space<vmem>> -> memref<128xi32, #tpu.memory_space<vmem>>
      %dma_start3A_483 = arith.constant 0 : i32
      %dma_start3A_484 = arith.constant 0 : i32
      %dma_start3A_485 = tpu.memref_slice %arg10[%dma_start3A_483, %dma_start3A_484] : memref<10240x32xf32, #tpu.memory_space<vmem_shared>> -> memref<10240x32xf32, #tpu.memory_space<vmem_shared>>
      tpu.enqueue_indirect_dma source(%dma_start3A_479 : memref<128x32xf32, #tpu.memory_space<vmem>>) target(%dma_start3A_485 : memref<10240x32xf32, #tpu.memory_space<vmem_shared>>) offsets(%dma_start3A_482 : memref<128xi32, #tpu.memory_space<vmem>>) semaphore(%arg21 : memref<!tpu.dma_semaphore, #tpu.memory_space<semaphore_mem>>) {add = true}
      %add3A_486 = arith.constant 3 : i32
      %add3A_487 = arith.addi %mul3A_407, %add3A_486 : i32
      %dma_wait3A_488 = arith.constant 3 : i32
      %dma_wait3A_489 = arith.constant 0 : i32
      %dma_wait3A_490 = arith.constant 0 : i32
      %dma_wait3A_491 = tpu.memref_slice %arg8[%dma_wait3A_488, %dma_wait3A_489, %dma_wait3A_490] : memref<8x128x32xf32, #tpu.memory_space<vmem>> -> memref<1x128x32xf32, #tpu.memory_space<vmem>>
      %dma_wait3A_492 = tpu.memref_squeeze %dma_wait3A_491 : memref<1x128x32xf32, #tpu.memory_space<vmem>> -> memref<128x32xf32, #tpu.memory_space<vmem>>
      %dma_wait3A_493 = arith.constant 0 : i32
      %dma_wait3A_494 = tpu.memref_slice %arg6[%add3A_487, %dma_wait3A_493] : memref<80x128xi32, #tpu.memory_space<vmem>> -> memref<1x128xi32, #tpu.memory_space<vmem>>
      %dma_wait3A_495 = tpu.memref_squeeze %dma_wait3A_494 : memref<1x128xi32, #tpu.memory_space<vmem>> -> memref<128xi32, #tpu.memory_space<vmem>>
      %dma_wait3A_496 = arith.constant 0 : i32
      %dma_wait3A_497 = arith.constant 0 : i32
      %dma_wait3A_498 = tpu.memref_slice %arg2[%dma_wait3A_496, %dma_wait3A_497] : memref<10000x32xf32, #tpu.memory_space<hbm>> -> memref<10000x32xf32, #tpu.memory_space<hbm>>
      tpu.wait_indirect_dma semaphore(%arg14 : memref<!tpu.dma_semaphore, #tpu.memory_space<semaphore_mem>>) src(%dma_wait3A_498 : memref<10000x32xf32, #tpu.memory_space<hbm>>) dst(%dma_wait3A_492 : memref<128x32xf32, #tpu.memory_space<vmem>>)
      %add3A_499 = arith.constant 3 : i32
      %add3A_500 = arith.addi %mul3A_407, %add3A_499 : i32
      %dma_start3A_501 = arith.constant 3 : i32
      %dma_start3A_502 = arith.constant 0 : i32
      %dma_start3A_503 = arith.constant 0 : i32
      %dma_start3A_504 = tpu.memref_slice %arg8[%dma_start3A_501, %dma_start3A_502, %dma_start3A_503] : memref<8x128x32xf32, #tpu.memory_space<vmem>> -> memref<1x128x32xf32, #tpu.memory_space<vmem>>
      %dma_start3A_505 = tpu.memref_squeeze %dma_start3A_504 : memref<1x128x32xf32, #tpu.memory_space<vmem>> -> memref<128x32xf32, #tpu.memory_space<vmem>>
      %dma_start3A_506 = arith.constant 0 : i32
      %dma_start3A_507 = tpu.memref_slice %arg7[%add3A_500, %dma_start3A_506] : memref<80x128xi32, #tpu.memory_space<vmem>> -> memref<1x128xi32, #tpu.memory_space<vmem>>
      %dma_start3A_508 = tpu.memref_squeeze %dma_start3A_507 : memref<1x128xi32, #tpu.memory_space<vmem>> -> memref<128xi32, #tpu.memory_space<vmem>>
      %dma_start3A_509 = arith.constant 0 : i32
      %dma_start3A_510 = arith.constant 0 : i32
      %dma_start3A_511 = tpu.memref_slice %arg10[%dma_start3A_509, %dma_start3A_510] : memref<10240x32xf32, #tpu.memory_space<vmem_shared>> -> memref<10240x32xf32, #tpu.memory_space<vmem_shared>>
      tpu.enqueue_indirect_dma source(%dma_start3A_505 : memref<128x32xf32, #tpu.memory_space<vmem>>) target(%dma_start3A_511 : memref<10240x32xf32, #tpu.memory_space<vmem_shared>>) offsets(%dma_start3A_508 : memref<128xi32, #tpu.memory_space<vmem>>) semaphore(%arg22 : memref<!tpu.dma_semaphore, #tpu.memory_space<semaphore_mem>>) {add = true}
      %add3A_512 = arith.constant 4 : i32
      %add3A_513 = arith.addi %mul3A_407, %add3A_512 : i32
      %dma_wait3A_514 = arith.constant 4 : i32
      %dma_wait3A_515 = arith.constant 0 : i32
      %dma_wait3A_516 = arith.constant 0 : i32
      %dma_wait3A_517 = tpu.memref_slice %arg8[%dma_wait3A_514, %dma_wait3A_515, %dma_wait3A_516] : memref<8x128x32xf32, #tpu.memory_space<vmem>> -> memref<1x128x32xf32, #tpu.memory_space<vmem>>
      %dma_wait3A_518 = tpu.memref_squeeze %dma_wait3A_517 : memref<1x128x32xf32, #tpu.memory_space<vmem>> -> memref<128x32xf32, #tpu.memory_space<vmem>>
      %dma_wait3A_519 = arith.constant 0 : i32
      %dma_wait3A_520 = tpu.memref_slice %arg6[%add3A_513, %dma_wait3A_519] : memref<80x128xi32, #tpu.memory_space<vmem>> -> memref<1x128xi32, #tpu.memory_space<vmem>>
      %dma_wait3A_521 = tpu.memref_squeeze %dma_wait3A_520 : memref<1x128xi32, #tpu.memory_space<vmem>> -> memref<128xi32, #tpu.memory_space<vmem>>
      %dma_wait3A_522 = arith.constant 0 : i32
      %dma_wait3A_523 = arith.constant 0 : i32
      %dma_wait3A_524 = tpu.memref_slice %arg2[%dma_wait3A_522, %dma_wait3A_523] : memref<10000x32xf32, #tpu.memory_space<hbm>> -> memref<10000x32xf32, #tpu.memory_space<hbm>>
      tpu.wait_indirect_dma semaphore(%arg15 : memref<!tpu.dma_semaphore, #tpu.memory_space<semaphore_mem>>) src(%dma_wait3A_524 : memref<10000x32xf32, #tpu.memory_space<hbm>>) dst(%dma_wait3A_518 : memref<128x32xf32, #tpu.memory_space<vmem>>)
      %add3A_525 = arith.constant 4 : i32
      %add3A_526 = arith.addi %mul3A_407, %add3A_525 : i32
      %dma_start3A_527 = arith.constant 4 : i32
      %dma_start3A_528 = arith.constant 0 : i32
      %dma_start3A_529 = arith.constant 0 : i32
      %dma_start3A_530 = tpu.memref_slice %arg8[%dma_start3A_527, %dma_start3A_528, %dma_start3A_529] : memref<8x128x32xf32, #tpu.memory_space<vmem>> -> memref<1x128x32xf32, #tpu.memory_space<vmem>>
      %dma_start3A_531 = tpu.memref_squeeze %dma_start3A_530 : memref<1x128x32xf32, #tpu.memory_space<vmem>> -> memref<128x32xf32, #tpu.memory_space<vmem>>
      %dma_start3A_532 = arith.constant 0 : i32
      %dma_start3A_533 = tpu.memref_slice %arg7[%add3A_526, %dma_start3A_532] : memref<80x128xi32, #tpu.memory_space<vmem>> -> memref<1x128xi32, #tpu.memory_space<vmem>>
      %dma_start3A_534 = tpu.memref_squeeze %dma_start3A_533 : memref<1x128xi32, #tpu.memory_space<vmem>> -> memref<128xi32, #tpu.memory_space<vmem>>
      %dma_start3A_535 = arith.constant 0 : i32
      %dma_start3A_536 = arith.constant 0 : i32
      %dma_start3A_537 = tpu.memref_slice %arg10[%dma_start3A_535, %dma_start3A_536] : memref<10240x32xf32, #tpu.memory_space<vmem_shared>> -> memref<10240x32xf32, #tpu.memory_space<vmem_shared>>
      tpu.enqueue_indirect_dma source(%dma_start3A_531 : memref<128x32xf32, #tpu.memory_space<vmem>>) target(%dma_start3A_537 : memref<10240x32xf32, #tpu.memory_space<vmem_shared>>) offsets(%dma_start3A_534 : memref<128xi32, #tpu.memory_space<vmem>>) semaphore(%arg23 : memref<!tpu.dma_semaphore, #tpu.memory_space<semaphore_mem>>) {add = true}
      %add3A_538 = arith.constant 5 : i32
      %add3A_539 = arith.addi %mul3A_407, %add3A_538 : i32
      %dma_wait3A_540 = arith.constant 5 : i32
      %dma_wait3A_541 = arith.constant 0 : i32
      %dma_wait3A_542 = arith.constant 0 : i32
      %dma_wait3A_543 = tpu.memref_slice %arg8[%dma_wait3A_540, %dma_wait3A_541, %dma_wait3A_542] : memref<8x128x32xf32, #tpu.memory_space<vmem>> -> memref<1x128x32xf32, #tpu.memory_space<vmem>>
      %dma_wait3A_544 = tpu.memref_squeeze %dma_wait3A_543 : memref<1x128x32xf32, #tpu.memory_space<vmem>> -> memref<128x32xf32, #tpu.memory_space<vmem>>
      %dma_wait3A_545 = arith.constant 0 : i32
      %dma_wait3A_546 = tpu.memref_slice %arg6[%add3A_539, %dma_wait3A_545] : memref<80x128xi32, #tpu.memory_space<vmem>> -> memref<1x128xi32, #tpu.memory_space<vmem>>
      %dma_wait3A_547 = tpu.memref_squeeze %dma_wait3A_546 : memref<1x128xi32, #tpu.memory_space<vmem>> -> memref<128xi32, #tpu.memory_space<vmem>>
      %dma_wait3A_548 = arith.constant 0 : i32
      %dma_wait3A_549 = arith.constant 0 : i32
      %dma_wait3A_550 = tpu.memref_slice %arg2[%dma_wait3A_548, %dma_wait3A_549] : memref<10000x32xf32, #tpu.memory_space<hbm>> -> memref<10000x32xf32, #tpu.memory_space<hbm>>
      tpu.wait_indirect_dma semaphore(%arg16 : memref<!tpu.dma_semaphore, #tpu.memory_space<semaphore_mem>>) src(%dma_wait3A_550 : memref<10000x32xf32, #tpu.memory_space<hbm>>) dst(%dma_wait3A_544 : memref<128x32xf32, #tpu.memory_space<vmem>>)
      %add3A_551 = arith.constant 5 : i32
      %add3A_552 = arith.addi %mul3A_407, %add3A_551 : i32
      %dma_start3A_553 = arith.constant 5 : i32
      %dma_start3A_554 = arith.constant 0 : i32
      %dma_start3A_555 = arith.constant 0 : i32
      %dma_start3A_556 = tpu.memref_slice %arg8[%dma_start3A_553, %dma_start3A_554, %dma_start3A_555] : memref<8x128x32xf32, #tpu.memory_space<vmem>> -> memref<1x128x32xf32, #tpu.memory_space<vmem>>
      %dma_start3A_557 = tpu.memref_squeeze %dma_start3A_556 : memref<1x128x32xf32, #tpu.memory_space<vmem>> -> memref<128x32xf32, #tpu.memory_space<vmem>>
      %dma_start3A_558 = arith.constant 0 : i32
      %dma_start3A_559 = tpu.memref_slice %arg7[%add3A_552, %dma_start3A_558] : memref<80x128xi32, #tpu.memory_space<vmem>> -> memref<1x128xi32, #tpu.memory_space<vmem>>
      %dma_start3A_560 = tpu.memref_squeeze %dma_start3A_559 : memref<1x128xi32, #tpu.memory_space<vmem>> -> memref<128xi32, #tpu.memory_space<vmem>>
      %dma_start3A_561 = arith.constant 0 : i32
      %dma_start3A_562 = arith.constant 0 : i32
      %dma_start3A_563 = tpu.memref_slice %arg10[%dma_start3A_561, %dma_start3A_562] : memref<10240x32xf32, #tpu.memory_space<vmem_shared>> -> memref<10240x32xf32, #tpu.memory_space<vmem_shared>>
      tpu.enqueue_indirect_dma source(%dma_start3A_557 : memref<128x32xf32, #tpu.memory_space<vmem>>) target(%dma_start3A_563 : memref<10240x32xf32, #tpu.memory_space<vmem_shared>>) offsets(%dma_start3A_560 : memref<128xi32, #tpu.memory_space<vmem>>) semaphore(%arg24 : memref<!tpu.dma_semaphore, #tpu.memory_space<semaphore_mem>>) {add = true}
      %add3A_564 = arith.constant 6 : i32
      %add3A_565 = arith.addi %mul3A_407, %add3A_564 : i32
      %dma_wait3A_566 = arith.constant 6 : i32
      %dma_wait3A_567 = arith.constant 0 : i32
      %dma_wait3A_568 = arith.constant 0 : i32
      %dma_wait3A_569 = tpu.memref_slice %arg8[%dma_wait3A_566, %dma_wait3A_567, %dma_wait3A_568] : memref<8x128x32xf32, #tpu.memory_space<vmem>> -> memref<1x128x32xf32, #tpu.memory_space<vmem>>
      %dma_wait3A_570 = tpu.memref_squeeze %dma_wait3A_569 : memref<1x128x32xf32, #tpu.memory_space<vmem>> -> memref<128x32xf32, #tpu.memory_space<vmem>>
      %dma_wait3A_571 = arith.constant 0 : i32
      %dma_wait3A_572 = tpu.memref_slice %arg6[%add3A_565, %dma_wait3A_571] : memref<80x128xi32, #tpu.memory_space<vmem>> -> memref<1x128xi32, #tpu.memory_space<vmem>>
      %dma_wait3A_573 = tpu.memref_squeeze %dma_wait3A_572 : memref<1x128xi32, #tpu.memory_space<vmem>> -> memref<128xi32, #tpu.memory_space<vmem>>
      %dma_wait3A_574 = arith.constant 0 : i32
      %dma_wait3A_575 = arith.constant 0 : i32
      %dma_wait3A_576 = tpu.memref_slice %arg2[%dma_wait3A_574, %dma_wait3A_575] : memref<10000x32xf32, #tpu.memory_space<hbm>> -> memref<10000x32xf32, #tpu.memory_space<hbm>>
      tpu.wait_indirect_dma semaphore(%arg17 : memref<!tpu.dma_semaphore, #tpu.memory_space<semaphore_mem>>) src(%dma_wait3A_576 : memref<10000x32xf32, #tpu.memory_space<hbm>>) dst(%dma_wait3A_570 : memref<128x32xf32, #tpu.memory_space<vmem>>)
      %add3A_577 = arith.constant 6 : i32
      %add3A_578 = arith.addi %mul3A_407, %add3A_577 : i32
      %dma_start3A_579 = arith.constant 6 : i32
      %dma_start3A_580 = arith.constant 0 : i32
      %dma_start3A_581 = arith.constant 0 : i32
      %dma_start3A_582 = tpu.memref_slice %arg8[%dma_start3A_579, %dma_start3A_580, %dma_start3A_581] : memref<8x128x32xf32, #tpu.memory_space<vmem>> -> memref<1x128x32xf32, #tpu.memory_space<vmem>>
      %dma_start3A_583 = tpu.memref_squeeze %dma_start3A_582 : memref<1x128x32xf32, #tpu.memory_space<vmem>> -> memref<128x32xf32, #tpu.memory_space<vmem>>
      %dma_start3A_584 = arith.constant 0 : i32
      %dma_start3A_585 = tpu.memref_slice %arg7[%add3A_578, %dma_start3A_584] : memref<80x128xi32, #tpu.memory_space<vmem>> -> memref<1x128xi32, #tpu.memory_space<vmem>>
      %dma_start3A_586 = tpu.memref_squeeze %dma_start3A_585 : memref<1x128xi32, #tpu.memory_space<vmem>> -> memref<128xi32, #tpu.memory_space<vmem>>
      %dma_start3A_587 = arith.constant 0 : i32
      %dma_start3A_588 = arith.constant 0 : i32
      %dma_start3A_589 = tpu.memref_slice %arg10[%dma_start3A_587, %dma_start3A_588] : memref<10240x32xf32, #tpu.memory_space<vmem_shared>> -> memref<10240x32xf32, #tpu.memory_space<vmem_shared>>
      tpu.enqueue_indirect_dma source(%dma_start3A_583 : memref<128x32xf32, #tpu.memory_space<vmem>>) target(%dma_start3A_589 : memref<10240x32xf32, #tpu.memory_space<vmem_shared>>) offsets(%dma_start3A_586 : memref<128xi32, #tpu.memory_space<vmem>>) semaphore(%arg25 : memref<!tpu.dma_semaphore, #tpu.memory_space<semaphore_mem>>) {add = true}
      %add3A_590 = arith.constant 7 : i32
      %add3A_591 = arith.addi %mul3A_407, %add3A_590 : i32
      %dma_wait3A_592 = arith.constant 7 : i32
      %dma_wait3A_593 = arith.constant 0 : i32
      %dma_wait3A_594 = arith.constant 0 : i32
      %dma_wait3A_595 = tpu.memref_slice %arg8[%dma_wait3A_592, %dma_wait3A_593, %dma_wait3A_594] : memref<8x128x32xf32, #tpu.memory_space<vmem>> -> memref<1x128x32xf32, #tpu.memory_space<vmem>>
      %dma_wait3A_596 = tpu.memref_squeeze %dma_wait3A_595 : memref<1x128x32xf32, #tpu.memory_space<vmem>> -> memref<128x32xf32, #tpu.memory_space<vmem>>
      %dma_wait3A_597 = arith.constant 0 : i32
      %dma_wait3A_598 = tpu.memref_slice %arg6[%add3A_591, %dma_wait3A_597] : memref<80x128xi32, #tpu.memory_space<vmem>> -> memref<1x128xi32, #tpu.memory_space<vmem>>
      %dma_wait3A_599 = tpu.memref_squeeze %dma_wait3A_598 : memref<1x128xi32, #tpu.memory_space<vmem>> -> memref<128xi32, #tpu.memory_space<vmem>>
      %dma_wait3A_600 = arith.constant 0 : i32
      %dma_wait3A_601 = arith.constant 0 : i32
      %dma_wait3A_602 = tpu.memref_slice %arg2[%dma_wait3A_600, %dma_wait3A_601] : memref<10000x32xf32, #tpu.memory_space<hbm>> -> memref<10000x32xf32, #tpu.memory_space<hbm>>
      tpu.wait_indirect_dma semaphore(%arg18 : memref<!tpu.dma_semaphore, #tpu.memory_space<semaphore_mem>>) src(%dma_wait3A_602 : memref<10000x32xf32, #tpu.memory_space<hbm>>) dst(%dma_wait3A_596 : memref<128x32xf32, #tpu.memory_space<vmem>>)
      %add3A_603 = arith.constant 7 : i32
      %add3A_604 = arith.addi %mul3A_407, %add3A_603 : i32
      %dma_start3A_605 = arith.constant 7 : i32
      %dma_start3A_606 = arith.constant 0 : i32
      %dma_start3A_607 = arith.constant 0 : i32
      %dma_start3A_608 = tpu.memref_slice %arg8[%dma_start3A_605, %dma_start3A_606, %dma_start3A_607] : memref<8x128x32xf32, #tpu.memory_space<vmem>> -> memref<1x128x32xf32, #tpu.memory_space<vmem>>
      %dma_start3A_609 = tpu.memref_squeeze %dma_start3A_608 : memref<1x128x32xf32, #tpu.memory_space<vmem>> -> memref<128x32xf32, #tpu.memory_space<vmem>>
      %dma_start3A_610 = arith.constant 0 : i32
      %dma_start3A_611 = tpu.memref_slice %arg7[%add3A_604, %dma_start3A_610] : memref<80x128xi32, #tpu.memory_space<vmem>> -> memref<1x128xi32, #tpu.memory_space<vmem>>
      %dma_start3A_612 = tpu.memref_squeeze %dma_start3A_611 : memref<1x128xi32, #tpu.memory_space<vmem>> -> memref<128xi32, #tpu.memory_space<vmem>>
      %dma_start3A_613 = arith.constant 0 : i32
      %dma_start3A_614 = arith.constant 0 : i32
      %dma_start3A_615 = tpu.memref_slice %arg10[%dma_start3A_613, %dma_start3A_614] : memref<10240x32xf32, #tpu.memory_space<vmem_shared>> -> memref<10240x32xf32, #tpu.memory_space<vmem_shared>>
      tpu.enqueue_indirect_dma source(%dma_start3A_609 : memref<128x32xf32, #tpu.memory_space<vmem>>) target(%dma_start3A_615 : memref<10240x32xf32, #tpu.memory_space<vmem_shared>>) offsets(%dma_start3A_612 : memref<128xi32, #tpu.memory_space<vmem>>) semaphore(%arg26 : memref<!tpu.dma_semaphore, #tpu.memory_space<semaphore_mem>>) {add = true}
      %add3A_616 = arith.constant 0 : i32
      %add3A_617 = arith.addi %mul3A_407, %add3A_616 : i32
      %dma_wait3A_618 = arith.constant 0 : i32
      %dma_wait3A_619 = arith.constant 0 : i32
      %dma_wait3A_620 = arith.constant 0 : i32
      %dma_wait3A_621 = tpu.memref_slice %arg8[%dma_wait3A_618, %dma_wait3A_619, %dma_wait3A_620] : memref<8x128x32xf32, #tpu.memory_space<vmem>> -> memref<1x128x32xf32, #tpu.memory_space<vmem>>
      %dma_wait3A_622 = tpu.memref_squeeze %dma_wait3A_621 : memref<1x128x32xf32, #tpu.memory_space<vmem>> -> memref<128x32xf32, #tpu.memory_space<vmem>>
      %dma_wait3A_623 = arith.constant 0 : i32
      %dma_wait3A_624 = tpu.memref_slice %arg7[%add3A_617, %dma_wait3A_623] : memref<80x128xi32, #tpu.memory_space<vmem>> -> memref<1x128xi32, #tpu.memory_space<vmem>>
      %dma_wait3A_625 = tpu.memref_squeeze %dma_wait3A_624 : memref<1x128xi32, #tpu.memory_space<vmem>> -> memref<128xi32, #tpu.memory_space<vmem>>
      %dma_wait3A_626 = arith.constant 0 : i32
      %dma_wait3A_627 = arith.constant 0 : i32
      %dma_wait3A_628 = tpu.memref_slice %arg10[%dma_wait3A_626, %dma_wait3A_627] : memref<10240x32xf32, #tpu.memory_space<vmem_shared>> -> memref<10240x32xf32, #tpu.memory_space<vmem_shared>>
      tpu.wait_indirect_dma semaphore(%arg19 : memref<!tpu.dma_semaphore, #tpu.memory_space<semaphore_mem>>) src(%dma_wait3A_622 : memref<128x32xf32, #tpu.memory_space<vmem>>) dst(%dma_wait3A_628 : memref<10240x32xf32, #tpu.memory_space<vmem_shared>>)
      %add3A_629 = arith.constant 8 : i32
      %add3A_630 = arith.addi %mul3A_407, %add3A_629 : i32
      %add3A_631 = arith.constant 0 : i32
      %add3A_632 = arith.addi %add3A_630, %add3A_631 : i32
      %dma_start3A_633 = arith.constant 0 : i32
      %dma_start3A_634 = arith.constant 0 : i32
      %dma_start3A_635 = arith.constant 0 : i32
      %dma_start3A_636 = tpu.memref_slice %arg8[%dma_start3A_633, %dma_start3A_634, %dma_start3A_635] : memref<8x128x32xf32, #tpu.memory_space<vmem>> -> memref<1x128x32xf32, #tpu.memory_space<vmem>>
      %dma_start3A_637 = tpu.memref_squeeze %dma_start3A_636 : memref<1x128x32xf32, #tpu.memory_space<vmem>> -> memref<128x32xf32, #tpu.memory_space<vmem>>
      %dma_start3A_638 = arith.constant 0 : i32
      %dma_start3A_639 = tpu.memref_slice %arg6[%add3A_632, %dma_start3A_638] : memref<80x128xi32, #tpu.memory_space<vmem>> -> memref<1x128xi32, #tpu.memory_space<vmem>>
      %dma_start3A_640 = tpu.memref_squeeze %dma_start3A_639 : memref<1x128xi32, #tpu.memory_space<vmem>> -> memref<128xi32, #tpu.memory_space<vmem>>
      %dma_start3A_641 = arith.constant 0 : i32
      %dma_start3A_642 = arith.constant 0 : i32
      %dma_start3A_643 = tpu.memref_slice %arg2[%dma_start3A_641, %dma_start3A_642] : memref<10000x32xf32, #tpu.memory_space<hbm>> -> memref<10000x32xf32, #tpu.memory_space<hbm>>
      tpu.enqueue_indirect_dma source(%dma_start3A_643 : memref<10000x32xf32, #tpu.memory_space<hbm>>) target(%dma_start3A_637 : memref<128x32xf32, #tpu.memory_space<vmem>>) offsets(%dma_start3A_640 : memref<128xi32, #tpu.memory_space<vmem>>) semaphore(%arg11 : memref<!tpu.dma_semaphore, #tpu.memory_space<semaphore_mem>>)
      %add3A_644 = arith.constant 1 : i32
      %add3A_645 = arith.addi %mul3A_407, %add3A_644 : i32
      %dma_wait3A_646 = arith.constant 1 : i32
      %dma_wait3A_647 = arith.constant 0 : i32
      %dma_wait3A_648 = arith.constant 0 : i32
      %dma_wait3A_649 = tpu.memref_slice %arg8[%dma_wait3A_646, %dma_wait3A_647, %dma_wait3A_648] : memref<8x128x32xf32, #tpu.memory_space<vmem>> -> memref<1x128x32xf32, #tpu.memory_space<vmem>>
      %dma_wait3A_650 = tpu.memref_squeeze %dma_wait3A_649 : memref<1x128x32xf32, #tpu.memory_space<vmem>> -> memref<128x32xf32, #tpu.memory_space<vmem>>
      %dma_wait3A_651 = arith.constant 0 : i32
      %dma_wait3A_652 = tpu.memref_slice %arg7[%add3A_645, %dma_wait3A_651] : memref<80x128xi32, #tpu.memory_space<vmem>> -> memref<1x128xi32, #tpu.memory_space<vmem>>
      %dma_wait3A_653 = tpu.memref_squeeze %dma_wait3A_652 : memref<1x128xi32, #tpu.memory_space<vmem>> -> memref<128xi32, #tpu.memory_space<vmem>>
      %dma_wait3A_654 = arith.constant 0 : i32
      %dma_wait3A_655 = arith.constant 0 : i32
      %dma_wait3A_656 = tpu.memref_slice %arg10[%dma_wait3A_654, %dma_wait3A_655] : memref<10240x32xf32, #tpu.memory_space<vmem_shared>> -> memref<10240x32xf32, #tpu.memory_space<vmem_shared>>
      tpu.wait_indirect_dma semaphore(%arg20 : memref<!tpu.dma_semaphore, #tpu.memory_space<semaphore_mem>>) src(%dma_wait3A_650 : memref<128x32xf32, #tpu.memory_space<vmem>>) dst(%dma_wait3A_656 : memref<10240x32xf32, #tpu.memory_space<vmem_shared>>)
      %add3A_657 = arith.constant 8 : i32
      %add3A_658 = arith.addi %mul3A_407, %add3A_657 : i32
      %add3A_659 = arith.constant 1 : i32
      %add3A_660 = arith.addi %add3A_658, %add3A_659 : i32
      %dma_start3A_661 = arith.constant 1 : i32
      %dma_start3A_662 = arith.constant 0 : i32
      %dma_start3A_663 = arith.constant 0 : i32
      %dma_start3A_664 = tpu.memref_slice %arg8[%dma_start3A_661, %dma_start3A_662, %dma_start3A_663] : memref<8x128x32xf32, #tpu.memory_space<vmem>> -> memref<1x128x32xf32, #tpu.memory_space<vmem>>
      %dma_start3A_665 = tpu.memref_squeeze %dma_start3A_664 : memref<1x128x32xf32, #tpu.memory_space<vmem>> -> memref<128x32xf32, #tpu.memory_space<vmem>>
      %dma_start3A_666 = arith.constant 0 : i32
      %dma_start3A_667 = tpu.memref_slice %arg6[%add3A_660, %dma_start3A_666] : memref<80x128xi32, #tpu.memory_space<vmem>> -> memref<1x128xi32, #tpu.memory_space<vmem>>
      %dma_start3A_668 = tpu.memref_squeeze %dma_start3A_667 : memref<1x128xi32, #tpu.memory_space<vmem>> -> memref<128xi32, #tpu.memory_space<vmem>>
      %dma_start3A_669 = arith.constant 0 : i32
      %dma_start3A_670 = arith.constant 0 : i32
      %dma_start3A_671 = tpu.memref_slice %arg2[%dma_start3A_669, %dma_start3A_670] : memref<10000x32xf32, #tpu.memory_space<hbm>> -> memref<10000x32xf32, #tpu.memory_space<hbm>>
      tpu.enqueue_indirect_dma source(%dma_start3A_671 : memref<10000x32xf32, #tpu.memory_space<hbm>>) target(%dma_start3A_665 : memref<128x32xf32, #tpu.memory_space<vmem>>) offsets(%dma_start3A_668 : memref<128xi32, #tpu.memory_space<vmem>>) semaphore(%arg12 : memref<!tpu.dma_semaphore, #tpu.memory_space<semaphore_mem>>)
      %add3A_672 = arith.constant 2 : i32
      %add3A_673 = arith.addi %mul3A_407, %add3A_672 : i32
      %dma_wait3A_674 = arith.constant 2 : i32
      %dma_wait3A_675 = arith.constant 0 : i32
      %dma_wait3A_676 = arith.constant 0 : i32
      %dma_wait3A_677 = tpu.memref_slice %arg8[%dma_wait3A_674, %dma_wait3A_675, %dma_wait3A_676] : memref<8x128x32xf32, #tpu.memory_space<vmem>> -> memref<1x128x32xf32, #tpu.memory_space<vmem>>
      %dma_wait3A_678 = tpu.memref_squeeze %dma_wait3A_677 : memref<1x128x32xf32, #tpu.memory_space<vmem>> -> memref<128x32xf32, #tpu.memory_space<vmem>>
      %dma_wait3A_679 = arith.constant 0 : i32
      %dma_wait3A_680 = tpu.memref_slice %arg7[%add3A_673, %dma_wait3A_679] : memref<80x128xi32, #tpu.memory_space<vmem>> -> memref<1x128xi32, #tpu.memory_space<vmem>>
      %dma_wait3A_681 = tpu.memref_squeeze %dma_wait3A_680 : memref<1x128xi32, #tpu.memory_space<vmem>> -> memref<128xi32, #tpu.memory_space<vmem>>
      %dma_wait3A_682 = arith.constant 0 : i32
      %dma_wait3A_683 = arith.constant 0 : i32
      %dma_wait3A_684 = tpu.memref_slice %arg10[%dma_wait3A_682, %dma_wait3A_683] : memref<10240x32xf32, #tpu.memory_space<vmem_shared>> -> memref<10240x32xf32, #tpu.memory_space<vmem_shared>>
      tpu.wait_indirect_dma semaphore(%arg21 : memref<!tpu.dma_semaphore, #tpu.memory_space<semaphore_mem>>) src(%dma_wait3A_678 : memref<128x32xf32, #tpu.memory_space<vmem>>) dst(%dma_wait3A_684 : memref<10240x32xf32, #tpu.memory_space<vmem_shared>>)
      %add3A_685 = arith.constant 8 : i32
      %add3A_686 = arith.addi %mul3A_407, %add3A_685 : i32
      %add3A_687 = arith.constant 2 : i32
      %add3A_688 = arith.addi %add3A_686, %add3A_687 : i32
      %dma_start3A_689 = arith.constant 2 : i32
      %dma_start3A_690 = arith.constant 0 : i32
      %dma_start3A_691 = arith.constant 0 : i32
      %dma_start3A_692 = tpu.memref_slice %arg8[%dma_start3A_689, %dma_start3A_690, %dma_start3A_691] : memref<8x128x32xf32, #tpu.memory_space<vmem>> -> memref<1x128x32xf32, #tpu.memory_space<vmem>>
      %dma_start3A_693 = tpu.memref_squeeze %dma_start3A_692 : memref<1x128x32xf32, #tpu.memory_space<vmem>> -> memref<128x32xf32, #tpu.memory_space<vmem>>
      %dma_start3A_694 = arith.constant 0 : i32
      %dma_start3A_695 = tpu.memref_slice %arg6[%add3A_688, %dma_start3A_694] : memref<80x128xi32, #tpu.memory_space<vmem>> -> memref<1x128xi32, #tpu.memory_space<vmem>>
      %dma_start3A_696 = tpu.memref_squeeze %dma_start3A_695 : memref<1x128xi32, #tpu.memory_space<vmem>> -> memref<128xi32, #tpu.memory_space<vmem>>
      %dma_start3A_697 = arith.constant 0 : i32
      %dma_start3A_698 = arith.constant 0 : i32
      %dma_start3A_699 = tpu.memref_slice %arg2[%dma_start3A_697, %dma_start3A_698] : memref<10000x32xf32, #tpu.memory_space<hbm>> -> memref<10000x32xf32, #tpu.memory_space<hbm>>
      tpu.enqueue_indirect_dma source(%dma_start3A_699 : memref<10000x32xf32, #tpu.memory_space<hbm>>) target(%dma_start3A_693 : memref<128x32xf32, #tpu.memory_space<vmem>>) offsets(%dma_start3A_696 : memref<128xi32, #tpu.memory_space<vmem>>) semaphore(%arg13 : memref<!tpu.dma_semaphore, #tpu.memory_space<semaphore_mem>>)
      %add3A_700 = arith.constant 3 : i32
      %add3A_701 = arith.addi %mul3A_407, %add3A_700 : i32
      %dma_wait3A_702 = arith.constant 3 : i32
      %dma_wait3A_703 = arith.constant 0 : i32
      %dma_wait3A_704 = arith.constant 0 : i32
      %dma_wait3A_705 = tpu.memref_slice %arg8[%dma_wait3A_702, %dma_wait3A_703, %dma_wait3A_704] : memref<8x128x32xf32, #tpu.memory_space<vmem>> -> memref<1x128x32xf32, #tpu.memory_space<vmem>>
      %dma_wait3A_706 = tpu.memref_squeeze %dma_wait3A_705 : memref<1x128x32xf32, #tpu.memory_space<vmem>> -> memref<128x32xf32, #tpu.memory_space<vmem>>
      %dma_wait3A_707 = arith.constant 0 : i32
      %dma_wait3A_708 = tpu.memref_slice %arg7[%add3A_701, %dma_wait3A_707] : memref<80x128xi32, #tpu.memory_space<vmem>> -> memref<1x128xi32, #tpu.memory_space<vmem>>
      %dma_wait3A_709 = tpu.memref_squeeze %dma_wait3A_708 : memref<1x128xi32, #tpu.memory_space<vmem>> -> memref<128xi32, #tpu.memory_space<vmem>>
      %dma_wait3A_710 = arith.constant 0 : i32
      %dma_wait3A_711 = arith.constant 0 : i32
      %dma_wait3A_712 = tpu.memref_slice %arg10[%dma_wait3A_710, %dma_wait3A_711] : memref<10240x32xf32, #tpu.memory_space<vmem_shared>> -> memref<10240x32xf32, #tpu.memory_space<vmem_shared>>
      tpu.wait_indirect_dma semaphore(%arg22 : memref<!tpu.dma_semaphore, #tpu.memory_space<semaphore_mem>>) src(%dma_wait3A_706 : memref<128x32xf32, #tpu.memory_space<vmem>>) dst(%dma_wait3A_712 : memref<10240x32xf32, #tpu.memory_space<vmem_shared>>)
      %add3A_713 = arith.constant 8 : i32
      %add3A_714 = arith.addi %mul3A_407, %add3A_713 : i32
      %add3A_715 = arith.constant 3 : i32
      %add3A_716 = arith.addi %add3A_714, %add3A_715 : i32
      %dma_start3A_717 = arith.constant 3 : i32
      %dma_start3A_718 = arith.constant 0 : i32
      %dma_start3A_719 = arith.constant 0 : i32
      %dma_start3A_720 = tpu.memref_slice %arg8[%dma_start3A_717, %dma_start3A_718, %dma_start3A_719] : memref<8x128x32xf32, #tpu.memory_space<vmem>> -> memref<1x128x32xf32, #tpu.memory_space<vmem>>
      %dma_start3A_721 = tpu.memref_squeeze %dma_start3A_720 : memref<1x128x32xf32, #tpu.memory_space<vmem>> -> memref<128x32xf32, #tpu.memory_space<vmem>>
      %dma_start3A_722 = arith.constant 0 : i32
      %dma_start3A_723 = tpu.memref_slice %arg6[%add3A_716, %dma_start3A_722] : memref<80x128xi32, #tpu.memory_space<vmem>> -> memref<1x128xi32, #tpu.memory_space<vmem>>
      %dma_start3A_724 = tpu.memref_squeeze %dma_start3A_723 : memref<1x128xi32, #tpu.memory_space<vmem>> -> memref<128xi32, #tpu.memory_space<vmem>>
      %dma_start3A_725 = arith.constant 0 : i32
      %dma_start3A_726 = arith.constant 0 : i32
      %dma_start3A_727 = tpu.memref_slice %arg2[%dma_start3A_725, %dma_start3A_726] : memref<10000x32xf32, #tpu.memory_space<hbm>> -> memref<10000x32xf32, #tpu.memory_space<hbm>>
      tpu.enqueue_indirect_dma source(%dma_start3A_727 : memref<10000x32xf32, #tpu.memory_space<hbm>>) target(%dma_start3A_721 : memref<128x32xf32, #tpu.memory_space<vmem>>) offsets(%dma_start3A_724 : memref<128xi32, #tpu.memory_space<vmem>>) semaphore(%arg14 : memref<!tpu.dma_semaphore, #tpu.memory_space<semaphore_mem>>)
      %add3A_728 = arith.constant 4 : i32
      %add3A_729 = arith.addi %mul3A_407, %add3A_728 : i32
      %dma_wait3A_730 = arith.constant 4 : i32
      %dma_wait3A_731 = arith.constant 0 : i32
      %dma_wait3A_732 = arith.constant 0 : i32
      %dma_wait3A_733 = tpu.memref_slice %arg8[%dma_wait3A_730, %dma_wait3A_731, %dma_wait3A_732] : memref<8x128x32xf32, #tpu.memory_space<vmem>> -> memref<1x128x32xf32, #tpu.memory_space<vmem>>
      %dma_wait3A_734 = tpu.memref_squeeze %dma_wait3A_733 : memref<1x128x32xf32, #tpu.memory_space<vmem>> -> memref<128x32xf32, #tpu.memory_space<vmem>>
      %dma_wait3A_735 = arith.constant 0 : i32
      %dma_wait3A_736 = tpu.memref_slice %arg7[%add3A_729, %dma_wait3A_735] : memref<80x128xi32, #tpu.memory_space<vmem>> -> memref<1x128xi32, #tpu.memory_space<vmem>>
      %dma_wait3A_737 = tpu.memref_squeeze %dma_wait3A_736 : memref<1x128xi32, #tpu.memory_space<vmem>> -> memref<128xi32, #tpu.memory_space<vmem>>
      %dma_wait3A_738 = arith.constant 0 : i32
      %dma_wait3A_739 = arith.constant 0 : i32
      %dma_wait3A_740 = tpu.memref_slice %arg10[%dma_wait3A_738, %dma_wait3A_739] : memref<10240x32xf32, #tpu.memory_space<vmem_shared>> -> memref<10240x32xf32, #tpu.memory_space<vmem_shared>>
      tpu.wait_indirect_dma semaphore(%arg23 : memref<!tpu.dma_semaphore, #tpu.memory_space<semaphore_mem>>) src(%dma_wait3A_734 : memref<128x32xf32, #tpu.memory_space<vmem>>) dst(%dma_wait3A_740 : memref<10240x32xf32, #tpu.memory_space<vmem_shared>>)
      %add3A_741 = arith.constant 8 : i32
      %add3A_742 = arith.addi %mul3A_407, %add3A_741 : i32
      %add3A_743 = arith.constant 4 : i32
      %add3A_744 = arith.addi %add3A_742, %add3A_743 : i32
      %dma_start3A_745 = arith.constant 4 : i32
      %dma_start3A_746 = arith.constant 0 : i32
      %dma_start3A_747 = arith.constant 0 : i32
      %dma_start3A_748 = tpu.memref_slice %arg8[%dma_start3A_745, %dma_start3A_746, %dma_start3A_747] : memref<8x128x32xf32, #tpu.memory_space<vmem>> -> memref<1x128x32xf32, #tpu.memory_space<vmem>>
      %dma_start3A_749 = tpu.memref_squeeze %dma_start3A_748 : memref<1x128x32xf32, #tpu.memory_space<vmem>> -> memref<128x32xf32, #tpu.memory_space<vmem>>
      %dma_start3A_750 = arith.constant 0 : i32
      %dma_start3A_751 = tpu.memref_slice %arg6[%add3A_744, %dma_start3A_750] : memref<80x128xi32, #tpu.memory_space<vmem>> -> memref<1x128xi32, #tpu.memory_space<vmem>>
      %dma_start3A_752 = tpu.memref_squeeze %dma_start3A_751 : memref<1x128xi32, #tpu.memory_space<vmem>> -> memref<128xi32, #tpu.memory_space<vmem>>
      %dma_start3A_753 = arith.constant 0 : i32
      %dma_start3A_754 = arith.constant 0 : i32
      %dma_start3A_755 = tpu.memref_slice %arg2[%dma_start3A_753, %dma_start3A_754] : memref<10000x32xf32, #tpu.memory_space<hbm>> -> memref<10000x32xf32, #tpu.memory_space<hbm>>
      tpu.enqueue_indirect_dma source(%dma_start3A_755 : memref<10000x32xf32, #tpu.memory_space<hbm>>) target(%dma_start3A_749 : memref<128x32xf32, #tpu.memory_space<vmem>>) offsets(%dma_start3A_752 : memref<128xi32, #tpu.memory_space<vmem>>) semaphore(%arg15 : memref<!tpu.dma_semaphore, #tpu.memory_space<semaphore_mem>>)
      %add3A_756 = arith.constant 5 : i32
      %add3A_757 = arith.addi %mul3A_407, %add3A_756 : i32
      %dma_wait3A_758 = arith.constant 5 : i32
      %dma_wait3A_759 = arith.constant 0 : i32
      %dma_wait3A_760 = arith.constant 0 : i32
      %dma_wait3A_761 = tpu.memref_slice %arg8[%dma_wait3A_758, %dma_wait3A_759, %dma_wait3A_760] : memref<8x128x32xf32, #tpu.memory_space<vmem>> -> memref<1x128x32xf32, #tpu.memory_space<vmem>>
      %dma_wait3A_762 = tpu.memref_squeeze %dma_wait3A_761 : memref<1x128x32xf32, #tpu.memory_space<vmem>> -> memref<128x32xf32, #tpu.memory_space<vmem>>
      %dma_wait3A_763 = arith.constant 0 : i32
      %dma_wait3A_764 = tpu.memref_slice %arg7[%add3A_757, %dma_wait3A_763] : memref<80x128xi32, #tpu.memory_space<vmem>> -> memref<1x128xi32, #tpu.memory_space<vmem>>
      %dma_wait3A_765 = tpu.memref_squeeze %dma_wait3A_764 : memref<1x128xi32, #tpu.memory_space<vmem>> -> memref<128xi32, #tpu.memory_space<vmem>>
      %dma_wait3A_766 = arith.constant 0 : i32
      %dma_wait3A_767 = arith.constant 0 : i32
      %dma_wait3A_768 = tpu.memref_slice %arg10[%dma_wait3A_766, %dma_wait3A_767] : memref<10240x32xf32, #tpu.memory_space<vmem_shared>> -> memref<10240x32xf32, #tpu.memory_space<vmem_shared>>
      tpu.wait_indirect_dma semaphore(%arg24 : memref<!tpu.dma_semaphore, #tpu.memory_space<semaphore_mem>>) src(%dma_wait3A_762 : memref<128x32xf32, #tpu.memory_space<vmem>>) dst(%dma_wait3A_768 : memref<10240x32xf32, #tpu.memory_space<vmem_shared>>)
      %add3A_769 = arith.constant 8 : i32
      %add3A_770 = arith.addi %mul3A_407, %add3A_769 : i32
      %add3A_771 = arith.constant 5 : i32
      %add3A_772 = arith.addi %add3A_770, %add3A_771 : i32
      %dma_start3A_773 = arith.constant 5 : i32
      %dma_start3A_774 = arith.constant 0 : i32
      %dma_start3A_775 = arith.constant 0 : i32
      %dma_start3A_776 = tpu.memref_slice %arg8[%dma_start3A_773, %dma_start3A_774, %dma_start3A_775] : memref<8x128x32xf32, #tpu.memory_space<vmem>> -> memref<1x128x32xf32, #tpu.memory_space<vmem>>
      %dma_start3A_777 = tpu.memref_squeeze %dma_start3A_776 : memref<1x128x32xf32, #tpu.memory_space<vmem>> -> memref<128x32xf32, #tpu.memory_space<vmem>>
      %dma_start3A_778 = arith.constant 0 : i32
      %dma_start3A_779 = tpu.memref_slice %arg6[%add3A_772, %dma_start3A_778] : memref<80x128xi32, #tpu.memory_space<vmem>> -> memref<1x128xi32, #tpu.memory_space<vmem>>
      %dma_start3A_780 = tpu.memref_squeeze %dma_start3A_779 : memref<1x128xi32, #tpu.memory_space<vmem>> -> memref<128xi32, #tpu.memory_space<vmem>>
      %dma_start3A_781 = arith.constant 0 : i32
      %dma_start3A_782 = arith.constant 0 : i32
      %dma_start3A_783 = tpu.memref_slice %arg2[%dma_start3A_781, %dma_start3A_782] : memref<10000x32xf32, #tpu.memory_space<hbm>> -> memref<10000x32xf32, #tpu.memory_space<hbm>>
      tpu.enqueue_indirect_dma source(%dma_start3A_783 : memref<10000x32xf32, #tpu.memory_space<hbm>>) target(%dma_start3A_777 : memref<128x32xf32, #tpu.memory_space<vmem>>) offsets(%dma_start3A_780 : memref<128xi32, #tpu.memory_space<vmem>>) semaphore(%arg16 : memref<!tpu.dma_semaphore, #tpu.memory_space<semaphore_mem>>)
      %add3A_784 = arith.constant 6 : i32
      %add3A_785 = arith.addi %mul3A_407, %add3A_784 : i32
      %dma_wait3A_786 = arith.constant 6 : i32
      %dma_wait3A_787 = arith.constant 0 : i32
      %dma_wait3A_788 = arith.constant 0 : i32
      %dma_wait3A_789 = tpu.memref_slice %arg8[%dma_wait3A_786, %dma_wait3A_787, %dma_wait3A_788] : memref<8x128x32xf32, #tpu.memory_space<vmem>> -> memref<1x128x32xf32, #tpu.memory_space<vmem>>
      %dma_wait3A_790 = tpu.memref_squeeze %dma_wait3A_789 : memref<1x128x32xf32, #tpu.memory_space<vmem>> -> memref<128x32xf32, #tpu.memory_space<vmem>>
      %dma_wait3A_791 = arith.constant 0 : i32
      %dma_wait3A_792 = tpu.memref_slice %arg7[%add3A_785, %dma_wait3A_791] : memref<80x128xi32, #tpu.memory_space<vmem>> -> memref<1x128xi32, #tpu.memory_space<vmem>>
      %dma_wait3A_793 = tpu.memref_squeeze %dma_wait3A_792 : memref<1x128xi32, #tpu.memory_space<vmem>> -> memref<128xi32, #tpu.memory_space<vmem>>
      %dma_wait3A_794 = arith.constant 0 : i32
      %dma_wait3A_795 = arith.constant 0 : i32
      %dma_wait3A_796 = tpu.memref_slice %arg10[%dma_wait3A_794, %dma_wait3A_795] : memref<10240x32xf32, #tpu.memory_space<vmem_shared>> -> memref<10240x32xf32, #tpu.memory_space<vmem_shared>>
      tpu.wait_indirect_dma semaphore(%arg25 : memref<!tpu.dma_semaphore, #tpu.memory_space<semaphore_mem>>) src(%dma_wait3A_790 : memref<128x32xf32, #tpu.memory_space<vmem>>) dst(%dma_wait3A_796 : memref<10240x32xf32, #tpu.memory_space<vmem_shared>>)
      %add3A_797 = arith.constant 8 : i32
      %add3A_798 = arith.addi %mul3A_407, %add3A_797 : i32
      %add3A_799 = arith.constant 6 : i32
      %add3A_800 = arith.addi %add3A_798, %add3A_799 : i32
      %dma_start3A_801 = arith.constant 6 : i32
      %dma_start3A_802 = arith.constant 0 : i32
      %dma_start3A_803 = arith.constant 0 : i32
      %dma_start3A_804 = tpu.memref_slice %arg8[%dma_start3A_801, %dma_start3A_802, %dma_start3A_803] : memref<8x128x32xf32, #tpu.memory_space<vmem>> -> memref<1x128x32xf32, #tpu.memory_space<vmem>>
      %dma_start3A_805 = tpu.memref_squeeze %dma_start3A_804 : memref<1x128x32xf32, #tpu.memory_space<vmem>> -> memref<128x32xf32, #tpu.memory_space<vmem>>
      %dma_start3A_806 = arith.constant 0 : i32
      %dma_start3A_807 = tpu.memref_slice %arg6[%add3A_800, %dma_start3A_806] : memref<80x128xi32, #tpu.memory_space<vmem>> -> memref<1x128xi32, #tpu.memory_space<vmem>>
      %dma_start3A_808 = tpu.memref_squeeze %dma_start3A_807 : memref<1x128xi32, #tpu.memory_space<vmem>> -> memref<128xi32, #tpu.memory_space<vmem>>
      %dma_start3A_809 = arith.constant 0 : i32
      %dma_start3A_810 = arith.constant 0 : i32
      %dma_start3A_811 = tpu.memref_slice %arg2[%dma_start3A_809, %dma_start3A_810] : memref<10000x32xf32, #tpu.memory_space<hbm>> -> memref<10000x32xf32, #tpu.memory_space<hbm>>
      tpu.enqueue_indirect_dma source(%dma_start3A_811 : memref<10000x32xf32, #tpu.memory_space<hbm>>) target(%dma_start3A_805 : memref<128x32xf32, #tpu.memory_space<vmem>>) offsets(%dma_start3A_808 : memref<128xi32, #tpu.memory_space<vmem>>) semaphore(%arg17 : memref<!tpu.dma_semaphore, #tpu.memory_space<semaphore_mem>>)
      %add3A_812 = arith.constant 7 : i32
      %add3A_813 = arith.addi %mul3A_407, %add3A_812 : i32
      %dma_wait3A_814 = arith.constant 7 : i32
      %dma_wait3A_815 = arith.constant 0 : i32
      %dma_wait3A_816 = arith.constant 0 : i32
      %dma_wait3A_817 = tpu.memref_slice %arg8[%dma_wait3A_814, %dma_wait3A_815, %dma_wait3A_816] : memref<8x128x32xf32, #tpu.memory_space<vmem>> -> memref<1x128x32xf32, #tpu.memory_space<vmem>>
      %dma_wait3A_818 = tpu.memref_squeeze %dma_wait3A_817 : memref<1x128x32xf32, #tpu.memory_space<vmem>> -> memref<128x32xf32, #tpu.memory_space<vmem>>
      %dma_wait3A_819 = arith.constant 0 : i32
      %dma_wait3A_820 = tpu.memref_slice %arg7[%add3A_813, %dma_wait3A_819] : memref<80x128xi32, #tpu.memory_space<vmem>> -> memref<1x128xi32, #tpu.memory_space<vmem>>
      %dma_wait3A_821 = tpu.memref_squeeze %dma_wait3A_820 : memref<1x128xi32, #tpu.memory_space<vmem>> -> memref<128xi32, #tpu.memory_space<vmem>>
      %dma_wait3A_822 = arith.constant 0 : i32
      %dma_wait3A_823 = arith.constant 0 : i32
      %dma_wait3A_824 = tpu.memref_slice %arg10[%dma_wait3A_822, %dma_wait3A_823] : memref<10240x32xf32, #tpu.memory_space<vmem_shared>> -> memref<10240x32xf32, #tpu.memory_space<vmem_shared>>
      tpu.wait_indirect_dma semaphore(%arg26 : memref<!tpu.dma_semaphore, #tpu.memory_space<semaphore_mem>>) src(%dma_wait3A_818 : memref<128x32xf32, #tpu.memory_space<vmem>>) dst(%dma_wait3A_824 : memref<10240x32xf32, #tpu.memory_space<vmem_shared>>)
      %add3A_825 = arith.constant 8 : i32
      %add3A_826 = arith.addi %mul3A_407, %add3A_825 : i32
      %add3A_827 = arith.constant 7 : i32
      %add3A_828 = arith.addi %add3A_826, %add3A_827 : i32
      %dma_start3A_829 = arith.constant 7 : i32
      %dma_start3A_830 = arith.constant 0 : i32
      %dma_start3A_831 = arith.constant 0 : i32
      %dma_start3A_832 = tpu.memref_slice %arg8[%dma_start3A_829, %dma_start3A_830, %dma_start3A_831] : memref<8x128x32xf32, #tpu.memory_space<vmem>> -> memref<1x128x32xf32, #tpu.memory_space<vmem>>
      %dma_start3A_833 = tpu.memref_squeeze %dma_start3A_832 : memref<1x128x32xf32, #tpu.memory_space<vmem>> -> memref<128x32xf32, #tpu.memory_space<vmem>>
      %dma_start3A_834 = arith.constant 0 : i32
      %dma_start3A_835 = tpu.memref_slice %arg6[%add3A_828, %dma_start3A_834] : memref<80x128xi32, #tpu.memory_space<vmem>> -> memref<1x128xi32, #tpu.memory_space<vmem>>
      %dma_start3A_836 = tpu.memref_squeeze %dma_start3A_835 : memref<1x128xi32, #tpu.memory_space<vmem>> -> memref<128xi32, #tpu.memory_space<vmem>>
      %dma_start3A_837 = arith.constant 0 : i32
      %dma_start3A_838 = arith.constant 0 : i32
      %dma_start3A_839 = tpu.memref_slice %arg2[%dma_start3A_837, %dma_start3A_838] : memref<10000x32xf32, #tpu.memory_space<hbm>> -> memref<10000x32xf32, #tpu.memory_space<hbm>>
      tpu.enqueue_indirect_dma source(%dma_start3A_839 : memref<10000x32xf32, #tpu.memory_space<hbm>>) target(%dma_start3A_833 : memref<128x32xf32, #tpu.memory_space<vmem>>) offsets(%dma_start3A_836 : memref<128xi32, #tpu.memory_space<vmem>>) semaphore(%arg18 : memref<!tpu.dma_semaphore, #tpu.memory_space<semaphore_mem>>)
      %scan3A_840 = arith.constant 0 : i32
      scf.yield %scan3A_840 : i32
    }
    %scan3A_111 = arith.constant 9 : i32
    %dma_wait3A = arith.constant 72 : i32
    %dma_wait3A_112 = arith.constant 0 : i32
    %dma_wait3A_113 = arith.constant 0 : i32
    %dma_wait3A_114 = arith.constant 0 : i32
    %dma_wait3A_115 = tpu.memref_slice %arg8[%dma_wait3A_112, %dma_wait3A_113, %dma_wait3A_114] : memref<8x128x32xf32, #tpu.memory_space<vmem>> -> memref<1x128x32xf32, #tpu.memory_space<vmem>>
    %dma_wait3A_116 = tpu.memref_squeeze %dma_wait3A_115 : memref<1x128x32xf32, #tpu.memory_space<vmem>> -> memref<128x32xf32, #tpu.memory_space<vmem>>
    %dma_wait3A_117 = arith.constant 0 : i32
    %dma_wait3A_118 = tpu.memref_slice %arg6[%dma_wait3A, %dma_wait3A_117] : memref<80x128xi32, #tpu.memory_space<vmem>> -> memref<1x128xi32, #tpu.memory_space<vmem>>
    %dma_wait3A_119 = tpu.memref_squeeze %dma_wait3A_118 : memref<1x128xi32, #tpu.memory_space<vmem>> -> memref<128xi32, #tpu.memory_space<vmem>>
    %dma_wait3A_120 = arith.constant 0 : i32
    %dma_wait3A_121 = arith.constant 0 : i32
    %dma_wait3A_122 = tpu.memref_slice %arg2[%dma_wait3A_120, %dma_wait3A_121] : memref<10000x32xf32, #tpu.memory_space<hbm>> -> memref<10000x32xf32, #tpu.memory_space<hbm>>
    tpu.wait_indirect_dma semaphore(%arg11 : memref<!tpu.dma_semaphore, #tpu.memory_space<semaphore_mem>>) src(%dma_wait3A_122 : memref<10000x32xf32, #tpu.memory_space<hbm>>) dst(%dma_wait3A_116 : memref<128x32xf32, #tpu.memory_space<vmem>>)
    %dma_start3A_123 = arith.constant 0 : i32
    %dma_start3A_124 = arith.constant 72 : i32
    %dma_start3A_125 = arith.constant 0 : i32
    %dma_start3A_126 = arith.constant 0 : i32
    %dma_start3A_127 = tpu.memref_slice %arg8[%dma_start3A_123, %dma_start3A_125, %dma_start3A_126] : memref<8x128x32xf32, #tpu.memory_space<vmem>> -> memref<1x128x32xf32, #tpu.memory_space<vmem>>
    %dma_start3A_128 = tpu.memref_squeeze %dma_start3A_127 : memref<1x128x32xf32, #tpu.memory_space<vmem>> -> memref<128x32xf32, #tpu.memory_space<vmem>>
    %dma_start3A_129 = arith.constant 0 : i32
    %dma_start3A_130 = tpu.memref_slice %arg7[%dma_start3A_124, %dma_start3A_129] : memref<80x128xi32, #tpu.memory_space<vmem>> -> memref<1x128xi32, #tpu.memory_space<vmem>>
    %dma_start3A_131 = tpu.memref_squeeze %dma_start3A_130 : memref<1x128xi32, #tpu.memory_space<vmem>> -> memref<128xi32, #tpu.memory_space<vmem>>
    %dma_start3A_132 = arith.constant 0 : i32
    %dma_start3A_133 = arith.constant 0 : i32
    %dma_start3A_134 = tpu.memref_slice %arg10[%dma_start3A_132, %dma_start3A_133] : memref<10240x32xf32, #tpu.memory_space<vmem_shared>> -> memref<10240x32xf32, #tpu.memory_space<vmem_shared>>
    tpu.enqueue_indirect_dma source(%dma_start3A_128 : memref<128x32xf32, #tpu.memory_space<vmem>>) target(%dma_start3A_134 : memref<10240x32xf32, #tpu.memory_space<vmem_shared>>) offsets(%dma_start3A_131 : memref<128xi32, #tpu.memory_space<vmem>>) semaphore(%arg19 : memref<!tpu.dma_semaphore, #tpu.memory_space<semaphore_mem>>) {add = true}
    %dma_wait3A_135 = arith.constant 73 : i32
    %dma_wait3A_136 = arith.constant 1 : i32
    %dma_wait3A_137 = arith.constant 0 : i32
    %dma_wait3A_138 = arith.constant 0 : i32
    %dma_wait3A_139 = tpu.memref_slice %arg8[%dma_wait3A_136, %dma_wait3A_137, %dma_wait3A_138] : memref<8x128x32xf32, #tpu.memory_space<vmem>> -> memref<1x128x32xf32, #tpu.memory_space<vmem>>
    %dma_wait3A_140 = tpu.memref_squeeze %dma_wait3A_139 : memref<1x128x32xf32, #tpu.memory_space<vmem>> -> memref<128x32xf32, #tpu.memory_space<vmem>>
    %dma_wait3A_141 = arith.constant 0 : i32
    %dma_wait3A_142 = tpu.memref_slice %arg6[%dma_wait3A_135, %dma_wait3A_141] : memref<80x128xi32, #tpu.memory_space<vmem>> -> memref<1x128xi32, #tpu.memory_space<vmem>>
    %dma_wait3A_143 = tpu.memref_squeeze %dma_wait3A_142 : memref<1x128xi32, #tpu.memory_space<vmem>> -> memref<128xi32, #tpu.memory_space<vmem>>
    %dma_wait3A_144 = arith.constant 0 : i32
    %dma_wait3A_145 = arith.constant 0 : i32
    %dma_wait3A_146 = tpu.memref_slice %arg2[%dma_wait3A_144, %dma_wait3A_145] : memref<10000x32xf32, #tpu.memory_space<hbm>> -> memref<10000x32xf32, #tpu.memory_space<hbm>>
    tpu.wait_indirect_dma semaphore(%arg12 : memref<!tpu.dma_semaphore, #tpu.memory_space<semaphore_mem>>) src(%dma_wait3A_146 : memref<10000x32xf32, #tpu.memory_space<hbm>>) dst(%dma_wait3A_140 : memref<128x32xf32, #tpu.memory_space<vmem>>)
    %dma_start3A_147 = arith.constant 1 : i32
    %dma_start3A_148 = arith.constant 73 : i32
    %dma_start3A_149 = arith.constant 0 : i32
    %dma_start3A_150 = arith.constant 0 : i32
    %dma_start3A_151 = tpu.memref_slice %arg8[%dma_start3A_147, %dma_start3A_149, %dma_start3A_150] : memref<8x128x32xf32, #tpu.memory_space<vmem>> -> memref<1x128x32xf32, #tpu.memory_space<vmem>>
    %dma_start3A_152 = tpu.memref_squeeze %dma_start3A_151 : memref<1x128x32xf32, #tpu.memory_space<vmem>> -> memref<128x32xf32, #tpu.memory_space<vmem>>
    %dma_start3A_153 = arith.constant 0 : i32
    %dma_start3A_154 = tpu.memref_slice %arg7[%dma_start3A_148, %dma_start3A_153] : memref<80x128xi32, #tpu.memory_space<vmem>> -> memref<1x128xi32, #tpu.memory_space<vmem>>
    %dma_start3A_155 = tpu.memref_squeeze %dma_start3A_154 : memref<1x128xi32, #tpu.memory_space<vmem>> -> memref<128xi32, #tpu.memory_space<vmem>>
    %dma_start3A_156 = arith.constant 0 : i32
    %dma_start3A_157 = arith.constant 0 : i32
    %dma_start3A_158 = tpu.memref_slice %arg10[%dma_start3A_156, %dma_start3A_157] : memref<10240x32xf32, #tpu.memory_space<vmem_shared>> -> memref<10240x32xf32, #tpu.memory_space<vmem_shared>>
    tpu.enqueue_indirect_dma source(%dma_start3A_152 : memref<128x32xf32, #tpu.memory_space<vmem>>) target(%dma_start3A_158 : memref<10240x32xf32, #tpu.memory_space<vmem_shared>>) offsets(%dma_start3A_155 : memref<128xi32, #tpu.memory_space<vmem>>) semaphore(%arg20 : memref<!tpu.dma_semaphore, #tpu.memory_space<semaphore_mem>>) {add = true}
    %dma_wait3A_159 = arith.constant 74 : i32
    %dma_wait3A_160 = arith.constant 2 : i32
    %dma_wait3A_161 = arith.constant 0 : i32
    %dma_wait3A_162 = arith.constant 0 : i32
    %dma_wait3A_163 = tpu.memref_slice %arg8[%dma_wait3A_160, %dma_wait3A_161, %dma_wait3A_162] : memref<8x128x32xf32, #tpu.memory_space<vmem>> -> memref<1x128x32xf32, #tpu.memory_space<vmem>>
    %dma_wait3A_164 = tpu.memref_squeeze %dma_wait3A_163 : memref<1x128x32xf32, #tpu.memory_space<vmem>> -> memref<128x32xf32, #tpu.memory_space<vmem>>
    %dma_wait3A_165 = arith.constant 0 : i32
    %dma_wait3A_166 = tpu.memref_slice %arg6[%dma_wait3A_159, %dma_wait3A_165] : memref<80x128xi32, #tpu.memory_space<vmem>> -> memref<1x128xi32, #tpu.memory_space<vmem>>
    %dma_wait3A_167 = tpu.memref_squeeze %dma_wait3A_166 : memref<1x128xi32, #tpu.memory_space<vmem>> -> memref<128xi32, #tpu.memory_space<vmem>>
    %dma_wait3A_168 = arith.constant 0 : i32
    %dma_wait3A_169 = arith.constant 0 : i32
    %dma_wait3A_170 = tpu.memref_slice %arg2[%dma_wait3A_168, %dma_wait3A_169] : memref<10000x32xf32, #tpu.memory_space<hbm>> -> memref<10000x32xf32, #tpu.memory_space<hbm>>
    tpu.wait_indirect_dma semaphore(%arg13 : memref<!tpu.dma_semaphore, #tpu.memory_space<semaphore_mem>>) src(%dma_wait3A_170 : memref<10000x32xf32, #tpu.memory_space<hbm>>) dst(%dma_wait3A_164 : memref<128x32xf32, #tpu.memory_space<vmem>>)
    %dma_start3A_171 = arith.constant 2 : i32
    %dma_start3A_172 = arith.constant 74 : i32
    %dma_start3A_173 = arith.constant 0 : i32
    %dma_start3A_174 = arith.constant 0 : i32
    %dma_start3A_175 = tpu.memref_slice %arg8[%dma_start3A_171, %dma_start3A_173, %dma_start3A_174] : memref<8x128x32xf32, #tpu.memory_space<vmem>> -> memref<1x128x32xf32, #tpu.memory_space<vmem>>
    %dma_start3A_176 = tpu.memref_squeeze %dma_start3A_175 : memref<1x128x32xf32, #tpu.memory_space<vmem>> -> memref<128x32xf32, #tpu.memory_space<vmem>>
    %dma_start3A_177 = arith.constant 0 : i32
    %dma_start3A_178 = tpu.memref_slice %arg7[%dma_start3A_172, %dma_start3A_177] : memref<80x128xi32, #tpu.memory_space<vmem>> -> memref<1x128xi32, #tpu.memory_space<vmem>>
    %dma_start3A_179 = tpu.memref_squeeze %dma_start3A_178 : memref<1x128xi32, #tpu.memory_space<vmem>> -> memref<128xi32, #tpu.memory_space<vmem>>
    %dma_start3A_180 = arith.constant 0 : i32
    %dma_start3A_181 = arith.constant 0 : i32
    %dma_start3A_182 = tpu.memref_slice %arg10[%dma_start3A_180, %dma_start3A_181] : memref<10240x32xf32, #tpu.memory_space<vmem_shared>> -> memref<10240x32xf32, #tpu.memory_space<vmem_shared>>
    tpu.enqueue_indirect_dma source(%dma_start3A_176 : memref<128x32xf32, #tpu.memory_space<vmem>>) target(%dma_start3A_182 : memref<10240x32xf32, #tpu.memory_space<vmem_shared>>) offsets(%dma_start3A_179 : memref<128xi32, #tpu.memory_space<vmem>>) semaphore(%arg21 : memref<!tpu.dma_semaphore, #tpu.memory_space<semaphore_mem>>) {add = true}
    %dma_wait3A_183 = arith.constant 75 : i32
    %dma_wait3A_184 = arith.constant 3 : i32
    %dma_wait3A_185 = arith.constant 0 : i32
    %dma_wait3A_186 = arith.constant 0 : i32
    %dma_wait3A_187 = tpu.memref_slice %arg8[%dma_wait3A_184, %dma_wait3A_185, %dma_wait3A_186] : memref<8x128x32xf32, #tpu.memory_space<vmem>> -> memref<1x128x32xf32, #tpu.memory_space<vmem>>
    %dma_wait3A_188 = tpu.memref_squeeze %dma_wait3A_187 : memref<1x128x32xf32, #tpu.memory_space<vmem>> -> memref<128x32xf32, #tpu.memory_space<vmem>>
    %dma_wait3A_189 = arith.constant 0 : i32
    %dma_wait3A_190 = tpu.memref_slice %arg6[%dma_wait3A_183, %dma_wait3A_189] : memref<80x128xi32, #tpu.memory_space<vmem>> -> memref<1x128xi32, #tpu.memory_space<vmem>>
    %dma_wait3A_191 = tpu.memref_squeeze %dma_wait3A_190 : memref<1x128xi32, #tpu.memory_space<vmem>> -> memref<128xi32, #tpu.memory_space<vmem>>
    %dma_wait3A_192 = arith.constant 0 : i32
    %dma_wait3A_193 = arith.constant 0 : i32
    %dma_wait3A_194 = tpu.memref_slice %arg2[%dma_wait3A_192, %dma_wait3A_193] : memref<10000x32xf32, #tpu.memory_space<hbm>> -> memref<10000x32xf32, #tpu.memory_space<hbm>>
    tpu.wait_indirect_dma semaphore(%arg14 : memref<!tpu.dma_semaphore, #tpu.memory_space<semaphore_mem>>) src(%dma_wait3A_194 : memref<10000x32xf32, #tpu.memory_space<hbm>>) dst(%dma_wait3A_188 : memref<128x32xf32, #tpu.memory_space<vmem>>)
    %dma_start3A_195 = arith.constant 3 : i32
    %dma_start3A_196 = arith.constant 75 : i32
    %dma_start3A_197 = arith.constant 0 : i32
    %dma_start3A_198 = arith.constant 0 : i32
    %dma_start3A_199 = tpu.memref_slice %arg8[%dma_start3A_195, %dma_start3A_197, %dma_start3A_198] : memref<8x128x32xf32, #tpu.memory_space<vmem>> -> memref<1x128x32xf32, #tpu.memory_space<vmem>>
    %dma_start3A_200 = tpu.memref_squeeze %dma_start3A_199 : memref<1x128x32xf32, #tpu.memory_space<vmem>> -> memref<128x32xf32, #tpu.memory_space<vmem>>
    %dma_start3A_201 = arith.constant 0 : i32
    %dma_start3A_202 = tpu.memref_slice %arg7[%dma_start3A_196, %dma_start3A_201] : memref<80x128xi32, #tpu.memory_space<vmem>> -> memref<1x128xi32, #tpu.memory_space<vmem>>
    %dma_start3A_203 = tpu.memref_squeeze %dma_start3A_202 : memref<1x128xi32, #tpu.memory_space<vmem>> -> memref<128xi32, #tpu.memory_space<vmem>>
    %dma_start3A_204 = arith.constant 0 : i32
    %dma_start3A_205 = arith.constant 0 : i32
    %dma_start3A_206 = tpu.memref_slice %arg10[%dma_start3A_204, %dma_start3A_205] : memref<10240x32xf32, #tpu.memory_space<vmem_shared>> -> memref<10240x32xf32, #tpu.memory_space<vmem_shared>>
    tpu.enqueue_indirect_dma source(%dma_start3A_200 : memref<128x32xf32, #tpu.memory_space<vmem>>) target(%dma_start3A_206 : memref<10240x32xf32, #tpu.memory_space<vmem_shared>>) offsets(%dma_start3A_203 : memref<128xi32, #tpu.memory_space<vmem>>) semaphore(%arg22 : memref<!tpu.dma_semaphore, #tpu.memory_space<semaphore_mem>>) {add = true}
    %dma_wait3A_207 = arith.constant 76 : i32
    %dma_wait3A_208 = arith.constant 4 : i32
    %dma_wait3A_209 = arith.constant 0 : i32
    %dma_wait3A_210 = arith.constant 0 : i32
    %dma_wait3A_211 = tpu.memref_slice %arg8[%dma_wait3A_208, %dma_wait3A_209, %dma_wait3A_210] : memref<8x128x32xf32, #tpu.memory_space<vmem>> -> memref<1x128x32xf32, #tpu.memory_space<vmem>>
    %dma_wait3A_212 = tpu.memref_squeeze %dma_wait3A_211 : memref<1x128x32xf32, #tpu.memory_space<vmem>> -> memref<128x32xf32, #tpu.memory_space<vmem>>
    %dma_wait3A_213 = arith.constant 0 : i32
    %dma_wait3A_214 = tpu.memref_slice %arg6[%dma_wait3A_207, %dma_wait3A_213] : memref<80x128xi32, #tpu.memory_space<vmem>> -> memref<1x128xi32, #tpu.memory_space<vmem>>
    %dma_wait3A_215 = tpu.memref_squeeze %dma_wait3A_214 : memref<1x128xi32, #tpu.memory_space<vmem>> -> memref<128xi32, #tpu.memory_space<vmem>>
    %dma_wait3A_216 = arith.constant 0 : i32
    %dma_wait3A_217 = arith.constant 0 : i32
    %dma_wait3A_218 = tpu.memref_slice %arg2[%dma_wait3A_216, %dma_wait3A_217] : memref<10000x32xf32, #tpu.memory_space<hbm>> -> memref<10000x32xf32, #tpu.memory_space<hbm>>
    tpu.wait_indirect_dma semaphore(%arg15 : memref<!tpu.dma_semaphore, #tpu.memory_space<semaphore_mem>>) src(%dma_wait3A_218 : memref<10000x32xf32, #tpu.memory_space<hbm>>) dst(%dma_wait3A_212 : memref<128x32xf32, #tpu.memory_space<vmem>>)
    %dma_start3A_219 = arith.constant 4 : i32
    %dma_start3A_220 = arith.constant 76 : i32
    %dma_start3A_221 = arith.constant 0 : i32
    %dma_start3A_222 = arith.constant 0 : i32
    %dma_start3A_223 = tpu.memref_slice %arg8[%dma_start3A_219, %dma_start3A_221, %dma_start3A_222] : memref<8x128x32xf32, #tpu.memory_space<vmem>> -> memref<1x128x32xf32, #tpu.memory_space<vmem>>
    %dma_start3A_224 = tpu.memref_squeeze %dma_start3A_223 : memref<1x128x32xf32, #tpu.memory_space<vmem>> -> memref<128x32xf32, #tpu.memory_space<vmem>>
    %dma_start3A_225 = arith.constant 0 : i32
    %dma_start3A_226 = tpu.memref_slice %arg7[%dma_start3A_220, %dma_start3A_225] : memref<80x128xi32, #tpu.memory_space<vmem>> -> memref<1x128xi32, #tpu.memory_space<vmem>>
    %dma_start3A_227 = tpu.memref_squeeze %dma_start3A_226 : memref<1x128xi32, #tpu.memory_space<vmem>> -> memref<128xi32, #tpu.memory_space<vmem>>
    %dma_start3A_228 = arith.constant 0 : i32
    %dma_start3A_229 = arith.constant 0 : i32
    %dma_start3A_230 = tpu.memref_slice %arg10[%dma_start3A_228, %dma_start3A_229] : memref<10240x32xf32, #tpu.memory_space<vmem_shared>> -> memref<10240x32xf32, #tpu.memory_space<vmem_shared>>
    tpu.enqueue_indirect_dma source(%dma_start3A_224 : memref<128x32xf32, #tpu.memory_space<vmem>>) target(%dma_start3A_230 : memref<10240x32xf32, #tpu.memory_space<vmem_shared>>) offsets(%dma_start3A_227 : memref<128xi32, #tpu.memory_space<vmem>>) semaphore(%arg23 : memref<!tpu.dma_semaphore, #tpu.memory_space<semaphore_mem>>) {add = true}
    %dma_wait3A_231 = arith.constant 77 : i32
    %dma_wait3A_232 = arith.constant 5 : i32
    %dma_wait3A_233 = arith.constant 0 : i32
    %dma_wait3A_234 = arith.constant 0 : i32
    %dma_wait3A_235 = tpu.memref_slice %arg8[%dma_wait3A_232, %dma_wait3A_233, %dma_wait3A_234] : memref<8x128x32xf32, #tpu.memory_space<vmem>> -> memref<1x128x32xf32, #tpu.memory_space<vmem>>
    %dma_wait3A_236 = tpu.memref_squeeze %dma_wait3A_235 : memref<1x128x32xf32, #tpu.memory_space<vmem>> -> memref<128x32xf32, #tpu.memory_space<vmem>>
    %dma_wait3A_237 = arith.constant 0 : i32
    %dma_wait3A_238 = tpu.memref_slice %arg6[%dma_wait3A_231, %dma_wait3A_237] : memref<80x128xi32, #tpu.memory_space<vmem>> -> memref<1x128xi32, #tpu.memory_space<vmem>>
    %dma_wait3A_239 = tpu.memref_squeeze %dma_wait3A_238 : memref<1x128xi32, #tpu.memory_space<vmem>> -> memref<128xi32, #tpu.memory_space<vmem>>
    %dma_wait3A_240 = arith.constant 0 : i32
    %dma_wait3A_241 = arith.constant 0 : i32
    %dma_wait3A_242 = tpu.memref_slice %arg2[%dma_wait3A_240, %dma_wait3A_241] : memref<10000x32xf32, #tpu.memory_space<hbm>> -> memref<10000x32xf32, #tpu.memory_space<hbm>>
    tpu.wait_indirect_dma semaphore(%arg16 : memref<!tpu.dma_semaphore, #tpu.memory_space<semaphore_mem>>) src(%dma_wait3A_242 : memref<10000x32xf32, #tpu.memory_space<hbm>>) dst(%dma_wait3A_236 : memref<128x32xf32, #tpu.memory_space<vmem>>)
    %dma_start3A_243 = arith.constant 5 : i32
    %dma_start3A_244 = arith.constant 77 : i32
    %dma_start3A_245 = arith.constant 0 : i32
    %dma_start3A_246 = arith.constant 0 : i32
    %dma_start3A_247 = tpu.memref_slice %arg8[%dma_start3A_243, %dma_start3A_245, %dma_start3A_246] : memref<8x128x32xf32, #tpu.memory_space<vmem>> -> memref<1x128x32xf32, #tpu.memory_space<vmem>>
    %dma_start3A_248 = tpu.memref_squeeze %dma_start3A_247 : memref<1x128x32xf32, #tpu.memory_space<vmem>> -> memref<128x32xf32, #tpu.memory_space<vmem>>
    %dma_start3A_249 = arith.constant 0 : i32
    %dma_start3A_250 = tpu.memref_slice %arg7[%dma_start3A_244, %dma_start3A_249] : memref<80x128xi32, #tpu.memory_space<vmem>> -> memref<1x128xi32, #tpu.memory_space<vmem>>
    %dma_start3A_251 = tpu.memref_squeeze %dma_start3A_250 : memref<1x128xi32, #tpu.memory_space<vmem>> -> memref<128xi32, #tpu.memory_space<vmem>>
    %dma_start3A_252 = arith.constant 0 : i32
    %dma_start3A_253 = arith.constant 0 : i32
    %dma_start3A_254 = tpu.memref_slice %arg10[%dma_start3A_252, %dma_start3A_253] : memref<10240x32xf32, #tpu.memory_space<vmem_shared>> -> memref<10240x32xf32, #tpu.memory_space<vmem_shared>>
    tpu.enqueue_indirect_dma source(%dma_start3A_248 : memref<128x32xf32, #tpu.memory_space<vmem>>) target(%dma_start3A_254 : memref<10240x32xf32, #tpu.memory_space<vmem_shared>>) offsets(%dma_start3A_251 : memref<128xi32, #tpu.memory_space<vmem>>) semaphore(%arg24 : memref<!tpu.dma_semaphore, #tpu.memory_space<semaphore_mem>>) {add = true}
    %dma_wait3A_255 = arith.constant 78 : i32
    %dma_wait3A_256 = arith.constant 6 : i32
    %dma_wait3A_257 = arith.constant 0 : i32
    %dma_wait3A_258 = arith.constant 0 : i32
    %dma_wait3A_259 = tpu.memref_slice %arg8[%dma_wait3A_256, %dma_wait3A_257, %dma_wait3A_258] : memref<8x128x32xf32, #tpu.memory_space<vmem>> -> memref<1x128x32xf32, #tpu.memory_space<vmem>>
    %dma_wait3A_260 = tpu.memref_squeeze %dma_wait3A_259 : memref<1x128x32xf32, #tpu.memory_space<vmem>> -> memref<128x32xf32, #tpu.memory_space<vmem>>
    %dma_wait3A_261 = arith.constant 0 : i32
    %dma_wait3A_262 = tpu.memref_slice %arg6[%dma_wait3A_255, %dma_wait3A_261] : memref<80x128xi32, #tpu.memory_space<vmem>> -> memref<1x128xi32, #tpu.memory_space<vmem>>
    %dma_wait3A_263 = tpu.memref_squeeze %dma_wait3A_262 : memref<1x128xi32, #tpu.memory_space<vmem>> -> memref<128xi32, #tpu.memory_space<vmem>>
    %dma_wait3A_264 = arith.constant 0 : i32
    %dma_wait3A_265 = arith.constant 0 : i32
    %dma_wait3A_266 = tpu.memref_slice %arg2[%dma_wait3A_264, %dma_wait3A_265] : memref<10000x32xf32, #tpu.memory_space<hbm>> -> memref<10000x32xf32, #tpu.memory_space<hbm>>
    tpu.wait_indirect_dma semaphore(%arg17 : memref<!tpu.dma_semaphore, #tpu.memory_space<semaphore_mem>>) src(%dma_wait3A_266 : memref<10000x32xf32, #tpu.memory_space<hbm>>) dst(%dma_wait3A_260 : memref<128x32xf32, #tpu.memory_space<vmem>>)
    %dma_start3A_267 = arith.constant 6 : i32
    %dma_start3A_268 = arith.constant 78 : i32
    %dma_start3A_269 = arith.constant 0 : i32
    %dma_start3A_270 = arith.constant 0 : i32
    %dma_start3A_271 = tpu.memref_slice %arg8[%dma_start3A_267, %dma_start3A_269, %dma_start3A_270] : memref<8x128x32xf32, #tpu.memory_space<vmem>> -> memref<1x128x32xf32, #tpu.memory_space<vmem>>
    %dma_start3A_272 = tpu.memref_squeeze %dma_start3A_271 : memref<1x128x32xf32, #tpu.memory_space<vmem>> -> memref<128x32xf32, #tpu.memory_space<vmem>>
    %dma_start3A_273 = arith.constant 0 : i32
    %dma_start3A_274 = tpu.memref_slice %arg7[%dma_start3A_268, %dma_start3A_273] : memref<80x128xi32, #tpu.memory_space<vmem>> -> memref<1x128xi32, #tpu.memory_space<vmem>>
    %dma_start3A_275 = tpu.memref_squeeze %dma_start3A_274 : memref<1x128xi32, #tpu.memory_space<vmem>> -> memref<128xi32, #tpu.memory_space<vmem>>
    %dma_start3A_276 = arith.constant 0 : i32
    %dma_start3A_277 = arith.constant 0 : i32
    %dma_start3A_278 = tpu.memref_slice %arg10[%dma_start3A_276, %dma_start3A_277] : memref<10240x32xf32, #tpu.memory_space<vmem_shared>> -> memref<10240x32xf32, #tpu.memory_space<vmem_shared>>
    tpu.enqueue_indirect_dma source(%dma_start3A_272 : memref<128x32xf32, #tpu.memory_space<vmem>>) target(%dma_start3A_278 : memref<10240x32xf32, #tpu.memory_space<vmem_shared>>) offsets(%dma_start3A_275 : memref<128xi32, #tpu.memory_space<vmem>>) semaphore(%arg25 : memref<!tpu.dma_semaphore, #tpu.memory_space<semaphore_mem>>) {add = true}
    %dma_wait3A_279 = arith.constant 79 : i32
    %dma_wait3A_280 = arith.constant 7 : i32
    %dma_wait3A_281 = arith.constant 0 : i32
    %dma_wait3A_282 = arith.constant 0 : i32
    %dma_wait3A_283 = tpu.memref_slice %arg8[%dma_wait3A_280, %dma_wait3A_281, %dma_wait3A_282] : memref<8x128x32xf32, #tpu.memory_space<vmem>> -> memref<1x128x32xf32, #tpu.memory_space<vmem>>
    %dma_wait3A_284 = tpu.memref_squeeze %dma_wait3A_283 : memref<1x128x32xf32, #tpu.memory_space<vmem>> -> memref<128x32xf32, #tpu.memory_space<vmem>>
    %dma_wait3A_285 = arith.constant 0 : i32
    %dma_wait3A_286 = tpu.memref_slice %arg6[%dma_wait3A_279, %dma_wait3A_285] : memref<80x128xi32, #tpu.memory_space<vmem>> -> memref<1x128xi32, #tpu.memory_space<vmem>>
    %dma_wait3A_287 = tpu.memref_squeeze %dma_wait3A_286 : memref<1x128xi32, #tpu.memory_space<vmem>> -> memref<128xi32, #tpu.memory_space<vmem>>
    %dma_wait3A_288 = arith.constant 0 : i32
    %dma_wait3A_289 = arith.constant 0 : i32
    %dma_wait3A_290 = tpu.memref_slice %arg2[%dma_wait3A_288, %dma_wait3A_289] : memref<10000x32xf32, #tpu.memory_space<hbm>> -> memref<10000x32xf32, #tpu.memory_space<hbm>>
    tpu.wait_indirect_dma semaphore(%arg18 : memref<!tpu.dma_semaphore, #tpu.memory_space<semaphore_mem>>) src(%dma_wait3A_290 : memref<10000x32xf32, #tpu.memory_space<hbm>>) dst(%dma_wait3A_284 : memref<128x32xf32, #tpu.memory_space<vmem>>)
    %dma_start3A_291 = arith.constant 7 : i32
    %dma_start3A_292 = arith.constant 79 : i32
    %dma_start3A_293 = arith.constant 0 : i32
    %dma_start3A_294 = arith.constant 0 : i32
    %dma_start3A_295 = tpu.memref_slice %arg8[%dma_start3A_291, %dma_start3A_293, %dma_start3A_294] : memref<8x128x32xf32, #tpu.memory_space<vmem>> -> memref<1x128x32xf32, #tpu.memory_space<vmem>>
    %dma_start3A_296 = tpu.memref_squeeze %dma_start3A_295 : memref<1x128x32xf32, #tpu.memory_space<vmem>> -> memref<128x32xf32, #tpu.memory_space<vmem>>
    %dma_start3A_297 = arith.constant 0 : i32
    %dma_start3A_298 = tpu.memref_slice %arg7[%dma_start3A_292, %dma_start3A_297] : memref<80x128xi32, #tpu.memory_space<vmem>> -> memref<1x128xi32, #tpu.memory_space<vmem>>
    %dma_start3A_299 = tpu.memref_squeeze %dma_start3A_298 : memref<1x128xi32, #tpu.memory_space<vmem>> -> memref<128xi32, #tpu.memory_space<vmem>>
    %dma_start3A_300 = arith.constant 0 : i32
    %dma_start3A_301 = arith.constant 0 : i32
    %dma_start3A_302 = tpu.memref_slice %arg10[%dma_start3A_300, %dma_start3A_301] : memref<10240x32xf32, #tpu.memory_space<vmem_shared>> -> memref<10240x32xf32, #tpu.memory_space<vmem_shared>>
    tpu.enqueue_indirect_dma source(%dma_start3A_296 : memref<128x32xf32, #tpu.memory_space<vmem>>) target(%dma_start3A_302 : memref<10240x32xf32, #tpu.memory_space<vmem_shared>>) offsets(%dma_start3A_299 : memref<128xi32, #tpu.memory_space<vmem>>) semaphore(%arg26 : memref<!tpu.dma_semaphore, #tpu.memory_space<semaphore_mem>>) {add = true}
    %dma_wait3A_303 = arith.constant 0 : i32
    %dma_wait3A_304 = arith.constant 72 : i32
    %dma_wait3A_305 = arith.constant 0 : i32
    %dma_wait3A_306 = arith.constant 0 : i32
    %dma_wait3A_307 = tpu.memref_slice %arg8[%dma_wait3A_303, %dma_wait3A_305, %dma_wait3A_306] : memref<8x128x32xf32, #tpu.memory_space<vmem>> -> memref<1x128x32xf32, #tpu.memory_space<vmem>>
    %dma_wait3A_308 = tpu.memref_squeeze %dma_wait3A_307 : memref<1x128x32xf32, #tpu.memory_space<vmem>> -> memref<128x32xf32, #tpu.memory_space<vmem>>
    %dma_wait3A_309 = arith.constant 0 : i32
    %dma_wait3A_310 = tpu.memref_slice %arg7[%dma_wait3A_304, %dma_wait3A_309] : memref<80x128xi32, #tpu.memory_space<vmem>> -> memref<1x128xi32, #tpu.memory_space<vmem>>
    %dma_wait3A_311 = tpu.memref_squeeze %dma_wait3A_310 : memref<1x128xi32, #tpu.memory_space<vmem>> -> memref<128xi32, #tpu.memory_space<vmem>>
    %dma_wait3A_312 = arith.constant 0 : i32
    %dma_wait3A_313 = arith.constant 0 : i32
    %dma_wait3A_314 = tpu.memref_slice %arg10[%dma_wait3A_312, %dma_wait3A_313] : memref<10240x32xf32, #tpu.memory_space<vmem_shared>> -> memref<10240x32xf32, #tpu.memory_space<vmem_shared>>
    tpu.wait_indirect_dma semaphore(%arg19 : memref<!tpu.dma_semaphore, #tpu.memory_space<semaphore_mem>>) src(%dma_wait3A_308 : memref<128x32xf32, #tpu.memory_space<vmem>>) dst(%dma_wait3A_314 : memref<10240x32xf32, #tpu.memory_space<vmem_shared>>)
    %dma_wait3A_315 = arith.constant 1 : i32
    %dma_wait3A_316 = arith.constant 73 : i32
    %dma_wait3A_317 = arith.constant 0 : i32
    %dma_wait3A_318 = arith.constant 0 : i32
    %dma_wait3A_319 = tpu.memref_slice %arg8[%dma_wait3A_315, %dma_wait3A_317, %dma_wait3A_318] : memref<8x128x32xf32, #tpu.memory_space<vmem>> -> memref<1x128x32xf32, #tpu.memory_space<vmem>>
    %dma_wait3A_320 = tpu.memref_squeeze %dma_wait3A_319 : memref<1x128x32xf32, #tpu.memory_space<vmem>> -> memref<128x32xf32, #tpu.memory_space<vmem>>
    %dma_wait3A_321 = arith.constant 0 : i32
    %dma_wait3A_322 = tpu.memref_slice %arg7[%dma_wait3A_316, %dma_wait3A_321] : memref<80x128xi32, #tpu.memory_space<vmem>> -> memref<1x128xi32, #tpu.memory_space<vmem>>
    %dma_wait3A_323 = tpu.memref_squeeze %dma_wait3A_322 : memref<1x128xi32, #tpu.memory_space<vmem>> -> memref<128xi32, #tpu.memory_space<vmem>>
    %dma_wait3A_324 = arith.constant 0 : i32
    %dma_wait3A_325 = arith.constant 0 : i32
    %dma_wait3A_326 = tpu.memref_slice %arg10[%dma_wait3A_324, %dma_wait3A_325] : memref<10240x32xf32, #tpu.memory_space<vmem_shared>> -> memref<10240x32xf32, #tpu.memory_space<vmem_shared>>
    tpu.wait_indirect_dma semaphore(%arg20 : memref<!tpu.dma_semaphore, #tpu.memory_space<semaphore_mem>>) src(%dma_wait3A_320 : memref<128x32xf32, #tpu.memory_space<vmem>>) dst(%dma_wait3A_326 : memref<10240x32xf32, #tpu.memory_space<vmem_shared>>)
    %dma_wait3A_327 = arith.constant 2 : i32
    %dma_wait3A_328 = arith.constant 74 : i32
    %dma_wait3A_329 = arith.constant 0 : i32
    %dma_wait3A_330 = arith.constant 0 : i32
    %dma_wait3A_331 = tpu.memref_slice %arg8[%dma_wait3A_327, %dma_wait3A_329, %dma_wait3A_330] : memref<8x128x32xf32, #tpu.memory_space<vmem>> -> memref<1x128x32xf32, #tpu.memory_space<vmem>>
    %dma_wait3A_332 = tpu.memref_squeeze %dma_wait3A_331 : memref<1x128x32xf32, #tpu.memory_space<vmem>> -> memref<128x32xf32, #tpu.memory_space<vmem>>
    %dma_wait3A_333 = arith.constant 0 : i32
    %dma_wait3A_334 = tpu.memref_slice %arg7[%dma_wait3A_328, %dma_wait3A_333] : memref<80x128xi32, #tpu.memory_space<vmem>> -> memref<1x128xi32, #tpu.memory_space<vmem>>
    %dma_wait3A_335 = tpu.memref_squeeze %dma_wait3A_334 : memref<1x128xi32, #tpu.memory_space<vmem>> -> memref<128xi32, #tpu.memory_space<vmem>>
    %dma_wait3A_336 = arith.constant 0 : i32
    %dma_wait3A_337 = arith.constant 0 : i32
    %dma_wait3A_338 = tpu.memref_slice %arg10[%dma_wait3A_336, %dma_wait3A_337] : memref<10240x32xf32, #tpu.memory_space<vmem_shared>> -> memref<10240x32xf32, #tpu.memory_space<vmem_shared>>
    tpu.wait_indirect_dma semaphore(%arg21 : memref<!tpu.dma_semaphore, #tpu.memory_space<semaphore_mem>>) src(%dma_wait3A_332 : memref<128x32xf32, #tpu.memory_space<vmem>>) dst(%dma_wait3A_338 : memref<10240x32xf32, #tpu.memory_space<vmem_shared>>)
    %dma_wait3A_339 = arith.constant 3 : i32
    %dma_wait3A_340 = arith.constant 75 : i32
    %dma_wait3A_341 = arith.constant 0 : i32
    %dma_wait3A_342 = arith.constant 0 : i32
    %dma_wait3A_343 = tpu.memref_slice %arg8[%dma_wait3A_339, %dma_wait3A_341, %dma_wait3A_342] : memref<8x128x32xf32, #tpu.memory_space<vmem>> -> memref<1x128x32xf32, #tpu.memory_space<vmem>>
    %dma_wait3A_344 = tpu.memref_squeeze %dma_wait3A_343 : memref<1x128x32xf32, #tpu.memory_space<vmem>> -> memref<128x32xf32, #tpu.memory_space<vmem>>
    %dma_wait3A_345 = arith.constant 0 : i32
    %dma_wait3A_346 = tpu.memref_slice %arg7[%dma_wait3A_340, %dma_wait3A_345] : memref<80x128xi32, #tpu.memory_space<vmem>> -> memref<1x128xi32, #tpu.memory_space<vmem>>
    %dma_wait3A_347 = tpu.memref_squeeze %dma_wait3A_346 : memref<1x128xi32, #tpu.memory_space<vmem>> -> memref<128xi32, #tpu.memory_space<vmem>>
    %dma_wait3A_348 = arith.constant 0 : i32
    %dma_wait3A_349 = arith.constant 0 : i32
    %dma_wait3A_350 = tpu.memref_slice %arg10[%dma_wait3A_348, %dma_wait3A_349] : memref<10240x32xf32, #tpu.memory_space<vmem_shared>> -> memref<10240x32xf32, #tpu.memory_space<vmem_shared>>
    tpu.wait_indirect_dma semaphore(%arg22 : memref<!tpu.dma_semaphore, #tpu.memory_space<semaphore_mem>>) src(%dma_wait3A_344 : memref<128x32xf32, #tpu.memory_space<vmem>>) dst(%dma_wait3A_350 : memref<10240x32xf32, #tpu.memory_space<vmem_shared>>)
    %dma_wait3A_351 = arith.constant 4 : i32
    %dma_wait3A_352 = arith.constant 76 : i32
    %dma_wait3A_353 = arith.constant 0 : i32
    %dma_wait3A_354 = arith.constant 0 : i32
    %dma_wait3A_355 = tpu.memref_slice %arg8[%dma_wait3A_351, %dma_wait3A_353, %dma_wait3A_354] : memref<8x128x32xf32, #tpu.memory_space<vmem>> -> memref<1x128x32xf32, #tpu.memory_space<vmem>>
    %dma_wait3A_356 = tpu.memref_squeeze %dma_wait3A_355 : memref<1x128x32xf32, #tpu.memory_space<vmem>> -> memref<128x32xf32, #tpu.memory_space<vmem>>
    %dma_wait3A_357 = arith.constant 0 : i32
    %dma_wait3A_358 = tpu.memref_slice %arg7[%dma_wait3A_352, %dma_wait3A_357] : memref<80x128xi32, #tpu.memory_space<vmem>> -> memref<1x128xi32, #tpu.memory_space<vmem>>
    %dma_wait3A_359 = tpu.memref_squeeze %dma_wait3A_358 : memref<1x128xi32, #tpu.memory_space<vmem>> -> memref<128xi32, #tpu.memory_space<vmem>>
    %dma_wait3A_360 = arith.constant 0 : i32
    %dma_wait3A_361 = arith.constant 0 : i32
    %dma_wait3A_362 = tpu.memref_slice %arg10[%dma_wait3A_360, %dma_wait3A_361] : memref<10240x32xf32, #tpu.memory_space<vmem_shared>> -> memref<10240x32xf32, #tpu.memory_space<vmem_shared>>
    tpu.wait_indirect_dma semaphore(%arg23 : memref<!tpu.dma_semaphore, #tpu.memory_space<semaphore_mem>>) src(%dma_wait3A_356 : memref<128x32xf32, #tpu.memory_space<vmem>>) dst(%dma_wait3A_362 : memref<10240x32xf32, #tpu.memory_space<vmem_shared>>)
    %dma_wait3A_363 = arith.constant 5 : i32
    %dma_wait3A_364 = arith.constant 77 : i32
    %dma_wait3A_365 = arith.constant 0 : i32
    %dma_wait3A_366 = arith.constant 0 : i32
    %dma_wait3A_367 = tpu.memref_slice %arg8[%dma_wait3A_363, %dma_wait3A_365, %dma_wait3A_366] : memref<8x128x32xf32, #tpu.memory_space<vmem>> -> memref<1x128x32xf32, #tpu.memory_space<vmem>>
    %dma_wait3A_368 = tpu.memref_squeeze %dma_wait3A_367 : memref<1x128x32xf32, #tpu.memory_space<vmem>> -> memref<128x32xf32, #tpu.memory_space<vmem>>
    %dma_wait3A_369 = arith.constant 0 : i32
    %dma_wait3A_370 = tpu.memref_slice %arg7[%dma_wait3A_364, %dma_wait3A_369] : memref<80x128xi32, #tpu.memory_space<vmem>> -> memref<1x128xi32, #tpu.memory_space<vmem>>
    %dma_wait3A_371 = tpu.memref_squeeze %dma_wait3A_370 : memref<1x128xi32, #tpu.memory_space<vmem>> -> memref<128xi32, #tpu.memory_space<vmem>>
    %dma_wait3A_372 = arith.constant 0 : i32
    %dma_wait3A_373 = arith.constant 0 : i32
    %dma_wait3A_374 = tpu.memref_slice %arg10[%dma_wait3A_372, %dma_wait3A_373] : memref<10240x32xf32, #tpu.memory_space<vmem_shared>> -> memref<10240x32xf32, #tpu.memory_space<vmem_shared>>
    tpu.wait_indirect_dma semaphore(%arg24 : memref<!tpu.dma_semaphore, #tpu.memory_space<semaphore_mem>>) src(%dma_wait3A_368 : memref<128x32xf32, #tpu.memory_space<vmem>>) dst(%dma_wait3A_374 : memref<10240x32xf32, #tpu.memory_space<vmem_shared>>)
    %dma_wait3A_375 = arith.constant 6 : i32
    %dma_wait3A_376 = arith.constant 78 : i32
    %dma_wait3A_377 = arith.constant 0 : i32
    %dma_wait3A_378 = arith.constant 0 : i32
    %dma_wait3A_379 = tpu.memref_slice %arg8[%dma_wait3A_375, %dma_wait3A_377, %dma_wait3A_378] : memref<8x128x32xf32, #tpu.memory_space<vmem>> -> memref<1x128x32xf32, #tpu.memory_space<vmem>>
    %dma_wait3A_380 = tpu.memref_squeeze %dma_wait3A_379 : memref<1x128x32xf32, #tpu.memory_space<vmem>> -> memref<128x32xf32, #tpu.memory_space<vmem>>
    %dma_wait3A_381 = arith.constant 0 : i32
    %dma_wait3A_382 = tpu.memref_slice %arg7[%dma_wait3A_376, %dma_wait3A_381] : memref<80x128xi32, #tpu.memory_space<vmem>> -> memref<1x128xi32, #tpu.memory_space<vmem>>
    %dma_wait3A_383 = tpu.memref_squeeze %dma_wait3A_382 : memref<1x128xi32, #tpu.memory_space<vmem>> -> memref<128xi32, #tpu.memory_space<vmem>>
    %dma_wait3A_384 = arith.constant 0 : i32
    %dma_wait3A_385 = arith.constant 0 : i32
    %dma_wait3A_386 = tpu.memref_slice %arg10[%dma_wait3A_384, %dma_wait3A_385] : memref<10240x32xf32, #tpu.memory_space<vmem_shared>> -> memref<10240x32xf32, #tpu.memory_space<vmem_shared>>
    tpu.wait_indirect_dma semaphore(%arg25 : memref<!tpu.dma_semaphore, #tpu.memory_space<semaphore_mem>>) src(%dma_wait3A_380 : memref<128x32xf32, #tpu.memory_space<vmem>>) dst(%dma_wait3A_386 : memref<10240x32xf32, #tpu.memory_space<vmem_shared>>)
    %dma_wait3A_387 = arith.constant 7 : i32
    %dma_wait3A_388 = arith.constant 79 : i32
    %dma_wait3A_389 = arith.constant 0 : i32
    %dma_wait3A_390 = arith.constant 0 : i32
    %dma_wait3A_391 = tpu.memref_slice %arg8[%dma_wait3A_387, %dma_wait3A_389, %dma_wait3A_390] : memref<8x128x32xf32, #tpu.memory_space<vmem>> -> memref<1x128x32xf32, #tpu.memory_space<vmem>>
    %dma_wait3A_392 = tpu.memref_squeeze %dma_wait3A_391 : memref<1x128x32xf32, #tpu.memory_space<vmem>> -> memref<128x32xf32, #tpu.memory_space<vmem>>
    %dma_wait3A_393 = arith.constant 0 : i32
    %dma_wait3A_394 = tpu.memref_slice %arg7[%dma_wait3A_388, %dma_wait3A_393] : memref<80x128xi32, #tpu.memory_space<vmem>> -> memref<1x128xi32, #tpu.memory_space<vmem>>
    %dma_wait3A_395 = tpu.memref_squeeze %dma_wait3A_394 : memref<1x128xi32, #tpu.memory_space<vmem>> -> memref<128xi32, #tpu.memory_space<vmem>>
    %dma_wait3A_396 = arith.constant 0 : i32
    %dma_wait3A_397 = arith.constant 0 : i32
    %dma_wait3A_398 = tpu.memref_slice %arg10[%dma_wait3A_396, %dma_wait3A_397] : memref<10240x32xf32, #tpu.memory_space<vmem_shared>> -> memref<10240x32xf32, #tpu.memory_space<vmem_shared>>
    tpu.wait_indirect_dma semaphore(%arg26 : memref<!tpu.dma_semaphore, #tpu.memory_space<semaphore_mem>>) src(%dma_wait3A_392 : memref<128x32xf32, #tpu.memory_space<vmem>>) dst(%dma_wait3A_398 : memref<10240x32xf32, #tpu.memory_space<vmem_shared>>)
    %barrier3A_399 = arith.constant 0 : index
    tpu.barrier barrier_id(%barrier3A_399)
    %mul3A_400 = arith.constant 640 : i32
    %mul3A_401 = arith.muli %arg1, %mul3A_400 : i32
    %mul3A_402 = arith.constant 640 : i32
    %mul3A_403 = arith.muli %arg1, %mul3A_402 : i32
    "tpu.region"() ({
      %run_scoped3A = tpu.sem_alloc : memref<!tpu.dma_semaphore, #tpu.memory_space<semaphore_mem>>
      %dma_start3A_404 = arith.constant 0 : i32
      %dma_start3A_405 = tpu.memref_slice %arg5[%arg0, %mul3A_403, %dma_start3A_404] : memref<2x10240x32xf32, #tpu.memory_space<hbm>> -> memref<1x640x32xf32, #tpu.memory_space<hbm>>
      %dma_start3A_406 = tpu.memref_squeeze %dma_start3A_405 : memref<1x640x32xf32, #tpu.memory_space<hbm>> -> memref<640x32xf32, #tpu.memory_space<hbm>>
      %dma_start3A_407 = arith.constant 0 : i32
      %dma_start3A_408 = tpu.memref_slice %arg10[%mul3A_401, %dma_start3A_407] : memref<10240x32xf32, #tpu.memory_space<vmem_shared>> -> memref<640x32xf32, #tpu.memory_space<vmem_shared>>
      tpu.enqueue_dma source(%dma_start3A_408 : memref<640x32xf32, #tpu.memory_space<vmem_shared>>) target(%dma_start3A_406 : memref<640x32xf32, #tpu.memory_space<hbm>>) target_semaphore(%run_scoped3A : memref<!tpu.dma_semaphore, #tpu.memory_space<semaphore_mem>>)
      %dma_wait3A_409 = arith.constant 0 : i32
      %dma_wait3A_410 = tpu.memref_slice %arg5[%arg0, %mul3A_403, %dma_wait3A_409] : memref<2x10240x32xf32, #tpu.memory_space<hbm>> -> memref<1x640x32xf32, #tpu.memory_space<hbm>>
      %dma_wait3A_411 = tpu.memref_squeeze %dma_wait3A_410 : memref<1x640x32xf32, #tpu.memory_space<hbm>> -> memref<640x32xf32, #tpu.memory_space<hbm>>
      %dma_wait3A_412 = arith.constant 0 : i32
      %dma_wait3A_413 = tpu.memref_slice %arg10[%mul3A_401, %dma_wait3A_412] : memref<10240x32xf32, #tpu.memory_space<vmem_shared>> -> memref<640x32xf32, #tpu.memory_space<vmem_shared>>
      tpu.wait_dma2 semaphore(%run_scoped3A : memref<!tpu.dma_semaphore, #tpu.memory_space<semaphore_mem>>) src(%dma_wait3A_413 : memref<640x32xf32, #tpu.memory_space<vmem_shared>>) dst(%dma_wait3A_411 : memref<640x32xf32, #tpu.memory_space<hbm>>)
      tpu.yield
    }) : () -> ()
    return
  }
}

module attributes {stable_mosaic.version = 14 : i64} {
  func.func @_tc_a_body(%arg0: memref<10000x128xf32, #tpu.memory_space<vmem>>, %arg1: memref<128x32xf32, #tpu.memory_space<vmem>>, %arg2: memref<10000x2xf32, #tpu.memory_space<vmem>>, %arg3: memref<10000x32xf32, #tpu.memory_space<vmem>>) attributes {dimension_semantics = [], scalar_prefetch = 0 : i64, scratch_operands = 0 : i64, tpu.core_type = #tpu.core_type<tc>} {
    %get3A = arith.constant 0 : index
    %get3A_0 = arith.constant 0 : index
    %get3A_1 = vector.load %arg2[%get3A, %get3A_0] : memref<10000x2xf32, #tpu.memory_space<vmem>>, vector<10000x1xf32>
    %get3A_2 = arith.constant 0 : index
    %get3A_3 = arith.constant 1 : index
    %get3A_4 = vector.load %arg2[%get3A_2, %get3A_3] : memref<10000x2xf32, #tpu.memory_space<vmem>>, vector<10000x1xf32>
    %add3A = arith.addf %get3A_1, %get3A_4 : vector<10000x1xf32>
    %add3A_5 = arith.constant 1.000000e+00 : f32
    %add3A_6 = vector.broadcast %add3A_5 : f32 to vector<10000x1xf32>
    %add3A_7 = arith.addf %add3A, %add3A_6 : vector<10000x1xf32>
    %rsqrt3A = math.rsqrt %add3A_7 : vector<10000x1xf32>
    %get3A_8 = arith.constant 0 : index
    %get3A_9 = arith.constant 0 : index
    %get3A_10 = vector.load %arg0[%get3A_8, %get3A_9] : memref<10000x128xf32, #tpu.memory_space<vmem>>, vector<10000x128xf32>
    %get3A_11 = arith.constant 0 : index
    %get3A_12 = arith.constant 0 : index
    %get3A_13 = vector.load %arg1[%get3A_11, %get3A_12] : memref<128x32xf32, #tpu.memory_space<vmem>>, vector<128x32xf32>
    %dot_general3A = arith.constant dense<0.000000e+00> : vector<10000x32xf32>
    %dot_general3A_14 = tpu.matmul %get3A_10, %get3A_13, %dot_general3A {dimension_numbers = #tpu.dot_dimension_numbers<[1], [0], [0], [1], [0, 0, 1, 1], [], []>, transpose_lhs_hint = false} : vector<10000x128xf32>, vector<128x32xf32>, vector<10000x32xf32> -> vector<10000x32xf32>
    %mul3A = vector.broadcast %rsqrt3A : vector<10000x1xf32> to vector<10000x32xf32>
    %mul3A_15 = arith.mulf %mul3A, %dot_general3A_14 : vector<10000x32xf32>
    %swap3A = arith.constant 0 : index
    %swap3A_16 = arith.constant 0 : index
    %swap3A_17 = vector.load %arg3[%swap3A, %swap3A_16] : memref<10000x32xf32, #tpu.memory_space<vmem>>, vector<10000x32xf32>
    tpu.vector_store %arg3[%swap3A, %swap3A_16], %mul3A_15 {strides = array<i32>} : memref<10000x32xf32, #tpu.memory_space<vmem>>, vector<10000x32xf32>,
    return
  }
}

module attributes {stable_mosaic.version = 14 : i64} {
  func.func @_tc_b_body(%arg0: memref<10000x2xf32, #tpu.memory_space<vmem>>, %arg1: memref<10000x32xf32, #tpu.memory_space<vmem>>, %arg2: memref<2x10240x32xf32, #tpu.memory_space<vmem>>, %arg3: memref<1x32xf32, #tpu.memory_space<vmem>>, %arg4: memref<10000x32xf32, #tpu.memory_space<vmem>>) attributes {dimension_semantics = [], scalar_prefetch = 0 : i64, scratch_operands = 0 : i64, tpu.core_type = #tpu.core_type<tc>} {
    %get3A = arith.constant 0 : index
    %get3A_0 = arith.constant 0 : index
    %get3A_1 = vector.load %arg0[%get3A, %get3A_0] : memref<10000x2xf32, #tpu.memory_space<vmem>>, vector<10000x1xf32>
    %get3A_2 = arith.constant 0 : index
    %get3A_3 = arith.constant 1 : index
    %get3A_4 = vector.load %arg0[%get3A_2, %get3A_3] : memref<10000x2xf32, #tpu.memory_space<vmem>>, vector<10000x1xf32>
    %add3A = arith.addf %get3A_1, %get3A_4 : vector<10000x1xf32>
    %add3A_5 = arith.constant 1.000000e+00 : f32
    %add3A_6 = vector.broadcast %add3A_5 : f32 to vector<10000x1xf32>
    %add3A_7 = arith.addf %add3A, %add3A_6 : vector<10000x1xf32>
    %rsqrt3A = math.rsqrt %add3A_7 : vector<10000x1xf32>
    %get3A_8 = arith.constant 0 : index
    %get3A_9 = arith.constant 0 : index
    %get3A_10 = arith.constant 0 : index
    %get3A_11 = vector.load %arg2[%get3A_8, %get3A_9, %get3A_10] : memref<2x10240x32xf32, #tpu.memory_space<vmem>>, vector<1x10000x32xf32>
    %get3A_12 = vector.shape_cast %get3A_11 : vector<1x10000x32xf32> to vector<10000x32xf32>
    %get3A_13 = arith.constant 1 : index
    %get3A_14 = arith.constant 0 : index
    %get3A_15 = arith.constant 0 : index
    %get3A_16 = vector.load %arg2[%get3A_13, %get3A_14, %get3A_15] : memref<2x10240x32xf32, #tpu.memory_space<vmem>>, vector<1x10000x32xf32>
    %get3A_17 = vector.shape_cast %get3A_16 : vector<1x10000x32xf32> to vector<10000x32xf32>
    %add3A_18 = arith.addf %get3A_12, %get3A_17 : vector<10000x32xf32>
    %get3A_19 = arith.constant 0 : index
    %get3A_20 = arith.constant 0 : index
    %get3A_21 = vector.load %arg1[%get3A_19, %get3A_20] : memref<10000x32xf32, #tpu.memory_space<vmem>>, vector<10000x32xf32>
    %add3A_22 = arith.addf %add3A_18, %get3A_21 : vector<10000x32xf32>
    %mul3A = vector.broadcast %rsqrt3A : vector<10000x1xf32> to vector<10000x32xf32>
    %mul3A_23 = arith.mulf %mul3A, %add3A_22 : vector<10000x32xf32>
    %get3A_24 = arith.constant 0 : index
    %get3A_25 = arith.constant 0 : index
    %get3A_26 = vector.load %arg3[%get3A_24, %get3A_25] : memref<1x32xf32, #tpu.memory_space<vmem>>, vector<1x32xf32>
    %add3A_27 = vector.broadcast %get3A_26 : vector<1x32xf32> to vector<10000x32xf32>
    %add3A_28 = arith.addf %mul3A_23, %add3A_27 : vector<10000x32xf32>
    %max3A = arith.constant 0.000000e+00 : f32
    %max3A_29 = vector.broadcast %max3A : f32 to vector<10000x32xf32>
    %max3A_30 = arith.maximumf %add3A_28, %max3A_29 : vector<10000x32xf32>
    %mul3A_31 = vector.broadcast %rsqrt3A : vector<10000x1xf32> to vector<10000x32xf32>
    %mul3A_32 = arith.mulf %mul3A_31, %max3A_30 : vector<10000x32xf32>
    %swap3A = arith.constant 0 : index
    %swap3A_33 = arith.constant 0 : index
    %swap3A_34 = vector.load %arg4[%swap3A, %swap3A_33] : memref<10000x32xf32, #tpu.memory_space<vmem>>, vector<10000x32xf32>
    tpu.vector_store %arg4[%swap3A, %swap3A_33], %mul3A_32 {strides = array<i32>} : memref<10000x32xf32, #tpu.memory_space<vmem>>, vector<10000x32xf32>,
    return
  }
}

module attributes {stable_mosaic.version = 14 : i64} {
  func.func @_tc_c_body(%arg0: memref<10000x2xf32, #tpu.memory_space<vmem>>, %arg1: memref<10000x32xf32, #tpu.memory_space<vmem>>, %arg2: memref<2x10240x32xf32, #tpu.memory_space<vmem>>, %arg3: memref<32x2xf32, #tpu.memory_space<vmem>>, %arg4: memref<1x2xf32, #tpu.memory_space<vmem>>, %arg5: memref<10000x2xf32, #tpu.memory_space<vmem>>) attributes {dimension_semantics = [], scalar_prefetch = 0 : i64, scratch_operands = 0 : i64, tpu.core_type = #tpu.core_type<tc>} {
    %get3A = arith.constant 0 : index
    %get3A_0 = arith.constant 0 : index
    %get3A_1 = vector.load %arg0[%get3A, %get3A_0] : memref<10000x2xf32, #tpu.memory_space<vmem>>, vector<10000x1xf32>
    %get3A_2 = arith.constant 0 : index
    %get3A_3 = arith.constant 1 : index
    %get3A_4 = vector.load %arg0[%get3A_2, %get3A_3] : memref<10000x2xf32, #tpu.memory_space<vmem>>, vector<10000x1xf32>
    %add3A = arith.addf %get3A_1, %get3A_4 : vector<10000x1xf32>
    %add3A_5 = arith.constant 1.000000e+00 : f32
    %add3A_6 = vector.broadcast %add3A_5 : f32 to vector<10000x1xf32>
    %add3A_7 = arith.addf %add3A, %add3A_6 : vector<10000x1xf32>
    %rsqrt3A = math.rsqrt %add3A_7 : vector<10000x1xf32>
    %get3A_8 = arith.constant 0 : index
    %get3A_9 = arith.constant 0 : index
    %get3A_10 = arith.constant 0 : index
    %get3A_11 = vector.load %arg2[%get3A_8, %get3A_9, %get3A_10] : memref<2x10240x32xf32, #tpu.memory_space<vmem>>, vector<1x10000x32xf32>
    %get3A_12 = vector.shape_cast %get3A_11 : vector<1x10000x32xf32> to vector<10000x32xf32>
    %get3A_13 = arith.constant 1 : index
    %get3A_14 = arith.constant 0 : index
    %get3A_15 = arith.constant 0 : index
    %get3A_16 = vector.load %arg2[%get3A_13, %get3A_14, %get3A_15] : memref<2x10240x32xf32, #tpu.memory_space<vmem>>, vector<1x10000x32xf32>
    %get3A_17 = vector.shape_cast %get3A_16 : vector<1x10000x32xf32> to vector<10000x32xf32>
    %add3A_18 = arith.addf %get3A_12, %get3A_17 : vector<10000x32xf32>
    %get3A_19 = arith.constant 0 : index
    %get3A_20 = arith.constant 0 : index
    %get3A_21 = vector.load %arg1[%get3A_19, %get3A_20] : memref<10000x32xf32, #tpu.memory_space<vmem>>, vector<10000x32xf32>
    %add3A_22 = arith.addf %add3A_18, %get3A_21 : vector<10000x32xf32>
    %mul3A = vector.broadcast %rsqrt3A : vector<10000x1xf32> to vector<10000x32xf32>
    %mul3A_23 = arith.mulf %mul3A, %add3A_22 : vector<10000x32xf32>
    %get3A_24 = arith.constant 0 : index
    %get3A_25 = arith.constant 0 : index
    %get3A_26 = vector.load %arg3[%get3A_24, %get3A_25] : memref<32x2xf32, #tpu.memory_space<vmem>>, vector<32x2xf32>
    %dot_general3A = arith.constant dense<0.000000e+00> : vector<10000x2xf32>
    %dot_general3A_27 = tpu.matmul %mul3A_23, %get3A_26, %dot_general3A {dimension_numbers = #tpu.dot_dimension_numbers<[1], [0], [0], [1], [0, 0, 1, 1], [], []>, transpose_lhs_hint = false} : vector<10000x32xf32>, vector<32x2xf32>, vector<10000x2xf32> -> vector<10000x2xf32>
    %get3A_28 = arith.constant 0 : index
    %get3A_29 = arith.constant 0 : index
    %get3A_30 = vector.load %arg4[%get3A_28, %get3A_29] : memref<1x2xf32, #tpu.memory_space<vmem>>, vector<1x2xf32>
    %add3A_31 = vector.broadcast %get3A_30 : vector<1x2xf32> to vector<10000x2xf32>
    %add3A_32 = arith.addf %dot_general3A_27, %add3A_31 : vector<10000x2xf32>
    %slice3A = vector.extract_strided_slice %add3A_32 {offsets = [0, 0], sizes = [10000, 1], strides = [1, 1]} : vector<10000x2xf32> to vector<10000x1xf32>
    %slice3A_33 = vector.extract_strided_slice %add3A_32 {offsets = [0, 1], sizes = [10000, 1], strides = [1, 1]} : vector<10000x2xf32> to vector<10000x1xf32>
    %max3A = arith.maximumf %slice3A, %slice3A_33 : vector<10000x1xf32>
    %sub3A = arith.subf %slice3A, %max3A : vector<10000x1xf32>
    %exp3A = math.exp %sub3A : vector<10000x1xf32>
    %sub3A_34 = arith.subf %slice3A_33, %max3A : vector<10000x1xf32>
    %exp3A_35 = math.exp %sub3A_34 : vector<10000x1xf32>
    %add3A_36 = arith.addf %exp3A, %exp3A_35 : vector<10000x1xf32>
    %log3A = math.log %add3A_36 : vector<10000x1xf32>
    %add3A_37 = arith.addf %max3A, %log3A : vector<10000x1xf32>
    %sub3A_38 = vector.broadcast %add3A_37 : vector<10000x1xf32> to vector<10000x2xf32>
    %sub3A_39 = arith.subf %add3A_32, %sub3A_38 : vector<10000x2xf32>
    %swap3A = arith.constant 0 : index
    %swap3A_40 = arith.constant 0 : index
    %swap3A_41 = vector.load %arg5[%swap3A, %swap3A_40] : memref<10000x2xf32, #tpu.memory_space<vmem>>, vector<10000x2xf32>
    tpu.vector_store %arg5[%swap3A, %swap3A_40], %sub3A_39 {strides = array<i32>} : memref<10000x2xf32, #tpu.memory_space<vmem>>, vector<10000x2xf32>,
    return
  }
}

</mosaic_0001>

<sc_bundles>
// kernel: kernel.11.cloned.1.call-start
scs
__scs_entry_jumppad:
0x0: {  	(pc) =	sbr.rel $0x88, $3  }
0x1: {  	(tag) =	ssettag $0x0;
	lr =	simm.s32 $0x1  }
0x2: {  	[smem:$0x3F9B] =	sst lr;
	_ =	strace $0xD0000000  }
0x3: {  	_ = 	snop  }
0x4: {  	_ = 	snop  }
0x5: {  	_ = 	snop  }
0x6: {  	_ = 	snop  }
0x7: {  	_ = 	snop  }
__scs_overlays_trampoline_lowered:
0x8: {  	[smem:$0x3FAA] =	sst s0  }
0x9: {  	[smem:$0x3FAB] =	sst s1  }
0xa: {  	[smem:$0x3FAC] =	sst s2  }
0xb: {  	[smem:$0x3FAD] =	sst s3  }
0xc: {  	[smem:$0x3FAE] =	sst s4  }
0xd: {  	[smem:$0x3FAF] =	sst s5  }
0xe: {  	[smem:$0x3FB0] =	sst s6  }
0xf: {  	[smem:$0x3FB1] =	sst s7  }
0x10: {  	[smem:$0x3FB2] =	sst s8  }
0x11: {  	[smem:$0x3FB3] =	sst s9;
	s0 =	simm.s32 @!p0 $0x0  }
0x12: {  	s1 =	sld [smem:$0x3F99];
	s0 =	simm.s32 @p0 $0x1  }
0x13: {  	[smem:$0x3FB4] =	sst s0;
	s0 =	simm.s32 @!p1 $0x0  }
0x14: {  	s2 =	sld [smem:$0x3F98];
	s0 =	simm.s32 @p1 $0x1  }
0x15: {  	[smem:$0x3FB5] =	sst s0;
	s0 =	simm.s32 @!p2 $0x0  }
0x16: {  	s3 =	sld [smem:$0x3FDB];
	s0 =	simm.s32 @p2 $0x1  }
0x17: {  	s4 =	simm.s32 $0x1BF5;
	[smem:$0x3FB7] =	sst s0  }
0x18: {  	s0 =	sld [smem:$0x3F9A];
	_ =	swait.ge [sflag:s4], $0x0  }
0x19: {  	s7 =	sld [smem:$0x3F9B]  }
0x1a: {  	s8 =	sadd.s32 $0xFFFFE003, lr  }
0x1b: {  	s9 =	sadd.s32 $0xFFFFFEF7, lr;
	s5 =	simm.s32 $0xFFFFFFFF;
	p2 =	slt.u32 s8, $0xFFFFF086  }
0x1c: {  	p1 =	slt.u32 s9, $0xF7A;
	s5 =	simm.s32 @!p2 $0x0  }
0x1d: {  	s5 =	simm.s32 @p1 $0x1;
	p0 =	seq.s32 s7, s2  }
0x1e: {  	s7 =	smul.u32 @!p0 $0xF7A, s2;
	p2 =	seq.s32 @!p0 s5, $0x0  }
0x1f: {  	s9 =	smul.u32 $0xF7A, s1;
	s8 =	simm.s32 @!p0 $0x1BF5;
	p2 =	por !p2, p0  }
0x20: {  	[sflag:s8] =	ssyncset.s32 @!p0 $0xFFFFF086;
	s6 =	sadd.s32 @!p0 s3, s7;
	s7 =	simm.s32 @!p0 $0x108  }
0x21: {  	s3 =	sadd.s32 s3, s9;
	s6 =	sadd.s32 @!p0 $0x88, s6;
	s7 =	simm.s32 @p2 $0x1082  }
0x22: {  	[simem:s7], [sflag:s8] =	dma.local @!p0 [hbm:s6], $0xF7A  }
0x23: {  	s9 =	sor.u32 $0xD0000000, s2;
	s6 =	simm.s32 $0x108;
	_ =	swait.ge @!p0 [sflag:s8], $0x0  }
0x24: {  	s3 =	sadd.s32 $0x88, s3;
	s6 =	simm.s32 @!p1 $0x1082;
	[sflag:s4] =	ssyncset.s32 $0xFFFFF086  }
0x25: {  	[simem:s6], [sflag:s4] =	dma.local [hbm:s3], $0xF7A  }
0x26: {  	[smem:$0x3F9B] =	sst s1;
	(tag) =	ssettag s2;
	_ =	strace s9  }
0x27: {  	s1 =	sld [smem:$0x3FAB]  }
0x28: {  	s2 =	sld [smem:$0x3FAC]  }
0x29: {  	s4 =	sld [smem:$0x3FAE]  }
0x2a: {  	p0 =	seq.s32 s5, $0x0;
	s5 =	sld [smem:$0x3FAF]  }
0x2b: {  	s6 =	sld [smem:$0x3FB0]  }
0x2c: {  	s7 =	sld [smem:$0x3FB1]  }
0x2d: {  	s3 =	simm.s32 $0x108;
	s8 =	sld [smem:$0x3FB2]  }
0x2e: {  	s3 =	simm.s32 @!p0 $0x1082;
	s9 =	sld [smem:$0x3FB3]  }
0x2f: {  	lr =	sadd.s32 s0, s3;
	s0 =	sld [smem:$0x3FAA]  }
0x30: {  	s3 =	sld [smem:$0x3FAD]  }
0x31: {  	[smem:$0x3FB6] =	sst s10  }
0x32: {  	s10 =	sld [smem:$0x3FB4];
	_ =	sdelay $0x3  }
0x33: {  	p0 =	seq.s32 s10, $0x1;
	s10 =	sld [smem:$0x3FB6];
	_ =	sdelay $0x3  }
0x34: {  	[smem:$0x3FB6] =	sst s10  }
0x35: {  	s10 =	sld [smem:$0x3FB5];
	_ =	sdelay $0x3  }
0x36: {  	p1 =	seq.s32 s10, $0x1;
	s10 =	sld [smem:$0x3FB6];
	_ =	sdelay $0x3  }
0x37: {  	[smem:$0x3FB6] =	sst s10  }
0x38: {  	s10 =	sld [smem:$0x3FB7]  }
0x39: {  	_ = 	snop;
	(pc) =	sbr.ind lr, $3  }
0x3a: {  	_ = 	snop  }
0x3b: {  	_ = 	snop  }
0x3c: {  	p2 =	seq.s32 s10, $0x1;
	s10 =	sld [smem:$0x3FB6]  }
0x3d: {  	_ =	shalt  }
0x3e: {  	_ =	shalt  }
0x3f: {  	_ =	shalt  }
0x40: {  	_ =	shalt  }
0x41: {  	_ =	shalt  }
0x42: {  	_ =	shalt  }
0x43: {  	_ =	shalt  }
0x44: {  	_ =	shalt  }
0x45: {  	_ =	shalt  }
0x46: {  	_ =	shalt  }
0x47: {  	_ =	shalt  }
0x48: {  	_ =	shalt  }
0x49: {  	_ =	shalt  }
0x4a: {  	_ =	shalt  }
0x4b: {  	_ =	shalt  }
0x4c: {  	_ =	shalt  }
0x4d: {  	_ =	shalt  }
0x4e: {  	_ =	shalt  }
0x4f: {  	_ =	shalt  }
0x50: {  	_ =	shalt  }
0x51: {  	_ =	shalt  }
0x52: {  	_ =	shalt  }
0x53: {  	_ =	shalt  }
0x54: {  	_ =	shalt  }
0x55: {  	_ =	shalt  }
0x56: {  	_ =	shalt  }
0x57: {  	_ =	shalt  }
0x58: {  	_ =	shalt  }
0x59: {  	_ =	shalt  }
0x5a: {  	_ =	shalt  }
0x5b: {  	_ =	shalt  }
0x5c: {  	_ =	shalt  }
0x5d: {  	_ =	shalt  }
0x5e: {  	_ =	shalt  }
0x5f: {  	_ =	shalt  }
0x60: {  	_ =	shalt  }
0x61: {  	_ =	shalt  }
0x62: {  	_ =	shalt  }
0x63: {  	_ =	shalt  }
0x64: {  	_ =	shalt  }
0x65: {  	_ =	shalt  }
0x66: {  	_ =	shalt  }
0x67: {  	_ =	shalt  }
0x68: {  	_ =	shalt  }
0x69: {  	_ =	shalt  }
0x6a: {  	_ =	shalt  }
0x6b: {  	_ =	shalt  }
0x6c: {  	_ =	shalt  }
0x6d: {  	_ =	shalt  }
0x6e: {  	_ =	shalt  }
0x6f: {  	_ =	shalt  }
0x70: {  	_ =	shalt  }
0x71: {  	_ =	shalt  }
0x72: {  	_ =	shalt  }
0x73: {  	_ =	shalt  }
0x74: {  	_ =	shalt  }
0x75: {  	_ =	shalt  }
0x76: {  	_ =	shalt  }
0x77: {  	_ =	shalt  }
0x78: {  	_ =	shalt  }
0x79: {  	_ =	shalt  }
0x7a: {  	_ =	shalt  }
0x7b: {  	_ =	shalt  }
0x7c: {  	_ =	shalt  }
0x7d: {  	_ =	shalt  }
0x7e: {  	_ =	shalt  }
0x7f: {  	_ =	shalt  }
0x80: {  	_ =	shalt  }
0x81: {  	_ =	shalt  }
0x82: {  	_ =	shalt  }
0x83: {  	_ =	shalt  }
0x84: {  	_ =	shalt  }
0x85: {  	_ =	shalt  }
0x86: {  	_ =	shalt  }
0x87: {  	_ =	shalt  }
.Lfunc_end0:
.L_simem_size_0:
called_computation.1_lowered:
.L_overlay_start_0:
0x88: {  	s2 =	sld [smem:$0x3FD9]  }
0x89: {  	s3 =	sld [smem:$0x3FFE];
	_ =	sdelay $0x1  }
0x8a: {  	s1 =	srdreg.scid  }
0x8b: {  	s0 =	sand.u32 $0x1, s1  }
0x8c: {  	s16 =	sshll.u32 s0, $0xA;
	s2 =	sadd.s32 s3, s2  }
0x8d: {  	s2 =	sadd.s32 s2, s16  }
0x8e: {  	[smem:$0x3FC2] =	sst s2  }
0x8f: {  	_ = 	snop  }
0x90: {  	(tm) =	ssettm $0x1  }
0x91: {  	s17 =	sld [smem:$0x3FFB];
	_ =	sdelay $0x3  }
0x92: {  	_ =	strace s17  }
0x93: {  	s2 =	sld [smem:$0x3FFC];
	_ =	sdelay $0x3  }
0x94: {  	_ =	strace s2  }
0x95: {  	s2 =	sld [smem:$0x3FFD];
	_ =	sdelay $0x3  }
0x96: {  	_ =	strace s2  }
0x97: {  	_ =	strace $0x8FFFFFFF  }
0x98: {  	s18 =	sld [smem:$0x3FDB];
	_ =	sdelay $0x1  }
0x99: {  	s19 =	simm.s32 $_scs_section_size  }
0x9a: {  	s4 =	simm.s32 $_size__tile_overlayer_lowered;
	s5 =	simm.s32 $_tile_overlayer_lowered  }
0x9b: {  	s22 =	simm.s32 $0x1BFF;
	s21 =	sshll.u32 s5, $0x1;
	s2 =	sadd.s32 s19, s18  }
0x9c: {  	s6 =	simm.s32 $0x0;
	s20 =	sshll.u32 s4, $0x1;
	s4 =	sadd.s32 s21, s2  }
0x9d: {  	[timem:s6], [sflag:s22] =	dma.local [hbm:s4], s20  }
0x9e: {  	_ =	swait.ge [sflag:s22], s20  }
0x9f: {  	s3 =	ssub.s32 $0x0, s20;
	[sflag:s22] =	ssyncset.done $0x0  }
0xa0: {  	[sflag:s22] =	ssyncadd.s32 s3;
	_ =	sdelay $0x1  }
0xa1: {  	s23 =	simm.s32 $0x1B8B  }
0xa2: {  	_ =	swait.ge [sflag:s23], $0x1  }
0xa3: {  	[sflag:s23] =	ssyncset.done $0x0  }
0xa4: {  	s25 =	simm.s32 $0x1B8E;
	s24 =	sld [smem:$0x3FFE];
	[sflag:s23] =	ssyncadd.s32 $0xFFFFFFFF  }
0xa5: {  	s26 =	simm.s32 $execute0_lowered;
	[smem:$0x3FD2] =	sst s25  }
0xa6: {  	s4 =	sshll.u32 s26, $0x1;
	_ =	strace $0x80000049;
	[dreg:$0x1] =	wrdreg $0xFFFFFFFF  }
0xa7: {  	s28 =	simm.s32 $_size_execute0_lowered;
	s2 =	sadd.s32 s2, s4;
	[dreg:$0x0] =	wrdreg $0x0  }
0xa8: {  	s4 =	sshll.u32 s28, $0x1;
	[dreg:$0x2] =	wrdreg s2  }
0xa9: {  	[dreg:$0x3] =	wrdreg s4  }
0xaa: {  	[dreg:$0x4] =	wrdreg $0xC0  }
0xab: {  	_ =	task [dreg:s6], $0x5FFFF  }
0xac: {  	[dreg:$0x1] =	wrdreg $0xFFFFFFFF  }
0xad: {  	[dreg:$0x0] =	wrdreg $0x60  }
0xae: {  	[dreg:$0x2] =	wrdreg s24  }
0xaf: {  	[dreg:$0x3] =	wrdreg $0x120000  }
0xb0: {  	[dreg:$0x4] =	wrdreg $0x9  }
0xb1: {  	_ =	task.clear_ibuf [dreg:s6], $0x5FFFF;
	_ =	strace $0x90000049  }
0xb2: {  	s29 =	simm.s32 $0x9;
	_ =	strace $0x8000004B  }
0xb3: {  	_ =	swait.ge [sflag:s29], $0x1  }
0xb4: {  	[sflag:s29] =	ssyncadd.s32 $0xFFFFFFFF  }
0xb5: {  	_ =	strace $0x9000004B  }
0xb6: {  	_ =	sfence  }
0xb7: {  	s30 =	sld [smem:$0x0];
	_ =	sdelay $0x2  }
0xb8: {  	s31 =	sshll.u32 s1, $0xD;
	s1 =	sshrl.u32 s1, $0x2  }
0xb9: {  	s3 =	sand.u32 $0x4000, s31;
	s1 =	sadd.s32 s1, s30  }
0xba: {  	s0 =	sor.u32 s3, s0;
	s1 =	sshll.u32 s1, $0x11  }
0xbb: {  	s0 =	sor.u32 s1, s0  }
0xbc: {  	s0 =	sadd.s32 $0x8F2B, s0  }
0xbd: {  	[sflag:s0] =	ssyncadd.remote.s32 $0x1  }
0xbe: {  	_ =	sfence.sel $0xFFFF  }
0xbf: {  	[dreg:$0x0] =	wrdreg $0xFFFFFFFF;
	(pc) =	sbr.abs _section_cstart, $3  }
0xc0: {  	[dreg:$0x1] =	wrdreg $0xFFFFFFFF  }
0xc1: {  	_ =	task.clear_ibuf [dreg:s6], $0x2FFFF;
	_ =	strace $0x9FFFFFFF  }
0xc2: {  	(tm) =	ssettm $0x7FFFFFFF  }
0xc3: {  	_ =	shalt  }
tec
execute0_lowered:
.L_overlay_start_1:
0x0: {  	(tag) =	ssettag $0x1  }
0x1: {  	s0 =	rddreg [dreg:$0x0]  }
0x2: {  	s2 =	rddreg [dreg:$0x1]  }
0x3: {  	s1 =	srdreg.scid;
	s6 =	stileid.u32  }
0x4: {  	s4 =	simm.s32 $0x0;
	s10 =	simm.s32 $0x11;
	s13 =	simm.s32 $0x80  }
0x5: {  	s14 =	simm.s32 $0x5000;
	s15 =	simm.s32 $0x6000;
	s17 =	simm.s32 $0x7000  }
0x6: {  	s19 =	simm.s32 $0x8000;
	s21 =	simm.s32 $0x9000;
	s28 =	simm.s32 $0xC000  }
0x7: {  	s29 =	simm.s32 $0x1;
	s30 =	simm.s32 $0x2;
	s31 =	simm.s32 $0x3  }
0x8: {  	s11 =	simm.s32 $0x5;
	s12 =	simm.s32 $0x6;
	s16 =	simm.s32 $0x7  }
0x9: {  	s18 =	simm.s32 $0x8;
	s20 =	simm.s32 $0xA;
	s22 =	simm.s32 $0xB  }
0xa: {  	s8 =	simm.s32 $0x0;
	s1 =	sand.u32 $0x1, s1;
	s3 =	smul.u32 $0x5000, s6  }
0xb: {  	[smem:$0x7FF] =	sst s4;
	s23 =	sshll.u32 s1, $0x4;
	s5 =	smul.u32 $0x50000, s1  }
0xc: {  	_ =	strace $0x8000004A;
	s1 =	ssub.s32 $0x2, s1;
	s4 =	sor.u32 s6, s23  }
0xd: {  	s7 =	sshrl.u32 s1, $0x1;
	s23 =	simm.s32 $0xA000;
	s6 =	smul.u32 $0x500, s4  }
0xe: {  	s5 =	sadd.s32 s3, s5;
	s4 =	sadd.s32 $0x15600, s0;
	s3 =	sadd.s32 s3, s2  }
0xf: {  	s1 =	ssub.s32 s1, s7;
	s5 =	sshrl.u32 s5, $0x3;
	[dreg:$0x5] =	wrdreg s3  }
0x10: {  	s26 =	smax.u32 s1, $0x1;
	s1 =	simm.s32 $0x9;
	s6 =	sadd.s32 s6, s0  }
0x11: {  	s3 =	simm.s32 $0xE;
	[dreg:$0x7] =	wrdreg s26;
	s24 =	sadd.s32 $0xB600, s6  }
0x12: {  	s0 =	sadd.s32 s5, s0;
	s25 =	sadd.s32 $0x1600, s6;
	[dreg:$0x3] =	wrdreg s24  }
0x13: {  	s26 =	simm.s32 $0xD;
	s0 =	sadd.s32 $0x1F400, s0;
	[dreg:$0x4] =	wrdreg s25  }
0x14: {  	s5 =	simm.s32 $0xF;
	s6 =	simm.s32 $0x10;
	[dreg:$0x6] =	wrdreg s0  }
0x15: {  	v0 =	vimm.f32 $0.0e+00;
	s25 =	simm.s32 $0xB000;
	s0 =	simm.s32 $0x4;
	s24 =	simm.s32 $0xC  }
.LBB2_1:
0x16: {  	[dreg:$0x8] =	wrdreg s8  }
0x17: {  	s7 =	simm.s32 $0x0;
	s9 =	rddreg [dreg:$0x3]  }
0x18: {  	[tilespmem:s7], [sflag:$0x11] =	stream.linear.gather [hbm4b:s9+s7], $0x2800, $0x38;
	[tilespmem:$0x17000] =	vst v63  }
0x19: {  	_ =	swait.ge [sflag:s10], $0x2800  }
0x1a: {  	[sflag:s10] =	ssyncset.done $0x0  }
0x1b: {  	s8 =	simm.s32 $0x2800;
	s9 =	rddreg [dreg:$0x4];
	[sflag:s10] =	ssyncadd.s32 $0xFFFFD800  }
0x1c: {  	[tilespmem:s8], [sflag:$0x11] =	stream.linear.gather [hbm4b:s9+s7], $0x2800, $0x38;
	[tilespmem:$0x17000] =	vst v63  }
0x1d: {  	_ =	swait.ge [sflag:s10], $0x2800  }
0x1e: {  	[sflag:s10] =	ssyncset.done $0x0  }
0x1f: {  	s7 =	simm.s32 $0x80;
	s9 =	simm.s32 $0x0;
	[sflag:s10] =	ssyncadd.s32 $0xFFFFD800  }
.LBB2_2:
0x20: {  	p0 =	sne.s32 s7, $0x13F80;
	[tilespmem:s9+$0xD000] =	vst v0;
	s10 =	smov.u32 s7;
	s7 =	sadd.s32 $0x80, s7  }
.Ltmp0:
0x21: {  	[tilespmem:s9+$0xD010] =	vst v0;
	(pc) =	sbr.rel @p0 .LBB2_2-.Ltmp0, $2  }
0x22: {  	_ =	sdelay $0x2  }
0x23: {  	s9 =	sshra.s32 s10, $0x2  }
0x24: {  	[tilespmem:s9+$0xD000] =	vst v0  }
0x25: {  	[tilespmem:s9+$0xD010] =	vst v0;
	s7 =	rddreg [dreg:$0x5];
	s8 =	simm.s32 $0xD000;
	s9 =	simm.s32 $0x11  }
0x26: {  	[spmem:s7] =	stream.linear.scatter [tilespmem:s8], [sflag:$0x11], $0x5000, $0x38;
	[tilespmem:$0x17000] =	vst v63  }
0x27: {  	_ =	swait.ge [sflag:s9], $0x5000  }
0x28: {  	[sflag:s9] =	ssyncset.done $0x0  }
0x29: {  	[sflag:s9] =	ssyncadd.s32 $0xFFFFB000  }
0x2a: {  	s10 =	simm.s32 $0x0;
	[bflag:$0x0] =	sbarrier.arrive $0xFFFF  }
0x2b: {  	[tilespmem:s14], [sflag:$0x1] =	stream.indirect.gather [hbm4b:s4+s13], $0x20, s10, s13, $0xb8;
	[tilespmem:$0x17000] =	vst v63  }
0x2c: {  	_ = 	snop  }
0x2d: {  	[tilespmem:s15], [sflag:$0x2] =	stream.indirect.gather [hbm4b:s4+s13], $0x20, s13, s13, $0xb8;
	[tilespmem:$0x17000] =	vst v63  }
0x2e: {  	s8 =	simm.s32 $0x100  }
0x2f: {  	[tilespmem:s17], [sflag:$0x3] =	stream.indirect.gather [hbm4b:s4+s13], $0x20, s8, s13, $0xb8;
	[tilespmem:$0x17000] =	vst v63  }
0x30: {  	s9 =	simm.s32 $0x180  }
0x31: {  	[tilespmem:s19], [sflag:$0x4] =	stream.indirect.gather [hbm4b:s4+s13], $0x20, s9, s13, $0xb8;
	[tilespmem:$0x17000] =	vst v63  }
0x32: {  	s10 =	simm.s32 $0x200  }
0x33: {  	[tilespmem:s21], [sflag:$0x5] =	stream.indirect.gather [hbm4b:s4+s13], $0x20, s10, s13, $0xb8;
	[tilespmem:$0x17000] =	vst v63  }
0x34: {  	s8 =	simm.s32 $0x280  }
0x35: {  	[tilespmem:s23], [sflag:$0x6] =	stream.indirect.gather [hbm4b:s4+s13], $0x20, s8, s13, $0xb8;
	[tilespmem:$0x17000] =	vst v63  }
0x36: {  	s9 =	simm.s32 $0x300  }
0x37: {  	[tilespmem:s25], [sflag:$0x7] =	stream.indirect.gather [hbm4b:s4+s13], $0x20, s9, s13, $0xb8;
	[tilespmem:$0x17000] =	vst v63  }
0x38: {  	s10 =	simm.s32 $0x380  }
0x39: {  	[tilespmem:s28], [sflag:$0x8] =	stream.indirect.gather [hbm4b:s4+s13], $0x20, s10, s13, $0xb8;
	[tilespmem:$0x17000] =	vst v63  }
0x3a: {  	_ =	swait.ge [sflag:s29], $0x1000  }
0x3b: {  	[sflag:s29] =	ssyncset.done $0x0  }
0x3c: {  	s8 =	simm.s32 $0x2800;
	[sflag:s29] =	ssyncadd.s32 $0xFFFFF000  }
0x3d: {  	[spmem:s2] =	stream.indirect.scatter.add.f32 [tilespmem:s14], [sflag:$0x9], $0x20, s8, s13, $0xb8;
	[tilespmem:$0x17000] =	vst v63  }
0x3e: {  	_ =	swait.ge [sflag:s30], $0x1000  }
0x3f: {  	[sflag:s30] =	ssyncset.done $0x0  }
0x40: {  	s9 =	simm.s32 $0x2880;
	[sflag:s30] =	ssyncadd.s32 $0xFFFFF000  }
0x41: {  	[spmem:s2] =	stream.indirect.scatter.add.f32 [tilespmem:s15], [sflag:$0xA], $0x20, s9, s13, $0xb8;
	[tilespmem:$0x17000] =	vst v63  }
0x42: {  	_ =	swait.ge [sflag:s31], $0x1000  }
0x43: {  	[sflag:s31] =	ssyncset.done $0x0  }
0x44: {  	s10 =	simm.s32 $0x2900;
	[sflag:s31] =	ssyncadd.s32 $0xFFFFF000  }
0x45: {  	[spmem:s2] =	stream.indirect.scatter.add.f32 [tilespmem:s17], [sflag:$0xB], $0x20, s10, s13, $0xb8;
	[tilespmem:$0x17000] =	vst v63  }
0x46: {  	_ =	swait.ge [sflag:s0], $0x1000  }
0x47: {  	[sflag:s0] =	ssyncset.done $0x0  }
0x48: {  	s8 =	simm.s32 $0x2980;
	[sflag:s0] =	ssyncadd.s32 $0xFFFFF000  }
0x49: {  	[spmem:s2] =	stream.indirect.scatter.add.f32 [tilespmem:s19], [sflag:$0xC], $0x20, s8, s13, $0xb8;
	[tilespmem:$0x17000] =	vst v63  }
0x4a: {  	_ =	swait.ge [sflag:s11], $0x1000  }
0x4b: {  	[sflag:s11] =	ssyncset.done $0x0  }
0x4c: {  	s9 =	simm.s32 $0x2A00;
	[sflag:s11] =	ssyncadd.s32 $0xFFFFF000  }
0x4d: {  	[spmem:s2] =	stream.indirect.scatter.add.f32 [tilespmem:s21], [sflag:$0xD], $0x20, s9, s13, $0xb8;
	[tilespmem:$0x17000] =	vst v63  }
0x4e: {  	_ =	swait.ge [sflag:s12], $0x1000  }
0x4f: {  	[sflag:s12] =	ssyncset.done $0x0  }
0x50: {  	s10 =	simm.s32 $0x2A80;
	[sflag:s12] =	ssyncadd.s32 $0xFFFFF000  }
0x51: {  	[spmem:s2] =	stream.indirect.scatter.add.f32 [tilespmem:s23], [sflag:$0xE], $0x20, s10, s13, $0xb8;
	[tilespmem:$0x17000] =	vst v63  }
0x52: {  	_ =	swait.ge [sflag:s16], $0x1000  }
0x53: {  	[sflag:s16] =	ssyncset.done $0x0  }
0x54: {  	s8 =	simm.s32 $0x2B00;
	[sflag:s16] =	ssyncadd.s32 $0xFFFFF000  }
0x55: {  	[spmem:s2] =	stream.indirect.scatter.add.f32 [tilespmem:s25], [sflag:$0xF], $0x20, s8, s13, $0xb8;
	[tilespmem:$0x17000] =	vst v63  }
0x56: {  	_ =	swait.ge [sflag:s18], $0x1000  }
0x57: {  	[sflag:s18] =	ssyncset.done $0x0  }
0x58: {  	s9 =	simm.s32 $0x2B80;
	[sflag:s18] =	ssyncadd.s32 $0xFFFFF000  }
0x59: {  	[spmem:s2] =	stream.indirect.scatter.add.f32 [tilespmem:s28], [sflag:$0x10], $0x20, s9, s13, $0xb8;
	[tilespmem:$0x17000] =	vst v63  }
0x5a: {  	_ =	swait.ge [sflag:s1], $0x1000  }
0x5b: {  	[sflag:s1] =	ssyncset.done $0x0  }
0x5c: {  	s10 =	simm.s32 $0x400;
	[sflag:s1] =	ssyncadd.s32 $0xFFFFF000  }
0x5d: {  	[tilespmem:s14], [sflag:$0x1] =	stream.indirect.gather [hbm4b:s4+s13], $0x20, s10, s13, $0xb8;
	[tilespmem:$0x17000] =	vst v63  }
0x5e: {  	_ =	swait.ge [sflag:s20], $0x1000  }
0x5f: {  	[sflag:s20] =	ssyncset.done $0x0  }
0x60: {  	s8 =	simm.s32 $0x480;
	[sflag:s20] =	ssyncadd.s32 $0xFFFFF000  }
0x61: {  	[tilespmem:s15], [sflag:$0x2] =	stream.indirect.gather [hbm4b:s4+s13], $0x20, s8, s13, $0xb8;
	[tilespmem:$0x17000] =	vst v63  }
0x62: {  	_ =	swait.ge [sflag:s22], $0x1000  }
0x63: {  	[sflag:s22] =	ssyncset.done $0x0  }
0x64: {  	s9 =	simm.s32 $0x500;
	[sflag:s22] =	ssyncadd.s32 $0xFFFFF000  }
0x65: {  	[tilespmem:s17], [sflag:$0x3] =	stream.indirect.gather [hbm4b:s4+s13], $0x20, s9, s13, $0xb8;
	[tilespmem:$0x17000] =	vst v63  }
0x66: {  	_ =	swait.ge [sflag:s24], $0x1000  }
0x67: {  	[sflag:s24] =	ssyncset.done $0x0  }
0x68: {  	s10 =	simm.s32 $0x580;
	[sflag:s24] =	ssyncadd.s32 $0xFFFFF000  }
0x69: {  	[tilespmem:s19], [sflag:$0x4] =	stream.indirect.gather [hbm4b:s4+s13], $0x20, s10, s13, $0xb8;
	[tilespmem:$0x17000] =	vst v63  }
0x6a: {  	_ =	swait.ge [sflag:s26], $0x1000  }
0x6b: {  	[sflag:s26] =	ssyncset.done $0x0  }
0x6c: {  	s8 =	simm.s32 $0x600;
	[sflag:s26] =	ssyncadd.s32 $0xFFFFF000  }
0x6d: {  	[tilespmem:s21], [sflag:$0x5] =	stream.indirect.gather [hbm4b:s4+s13], $0x20, s8, s13, $0xb8;
	[tilespmem:$0x17000] =	vst v63  }
0x6e: {  	_ =	swait.ge [sflag:s3], $0x1000  }
0x6f: {  	[sflag:s3] =	ssyncset.done $0x0  }
0x70: {  	s9 =	simm.s32 $0x680;
	[sflag:s3] =	ssyncadd.s32 $0xFFFFF000  }
0x71: {  	[tilespmem:s23], [sflag:$0x6] =	stream.indirect.gather [hbm4b:s4+s13], $0x20, s9, s13, $0xb8;
	[tilespmem:$0x17000] =	vst v63  }
0x72: {  	_ =	swait.ge [sflag:s5], $0x1000  }
0x73: {  	[sflag:s5] =	ssyncset.done $0x0  }
0x74: {  	s10 =	simm.s32 $0x700;
	[sflag:s5] =	ssyncadd.s32 $0xFFFFF000  }
0x75: {  	[tilespmem:s25], [sflag:$0x7] =	stream.indirect.gather [hbm4b:s4+s13], $0x20, s10, s13, $0xb8;
	[tilespmem:$0x17000] =	vst v63  }
0x76: {  	_ =	swait.ge [sflag:s6], $0x1000  }
0x77: {  	[sflag:s6] =	ssyncset.done $0x0  }
0x78: {  	s7 =	simm.s32 $0x780;
	s9 =	simm.s32 $0x1000;
	[sflag:s6] =	ssyncadd.s32 $0xFFFFF000  }
.LBB2_4:
0x79: {  	[tilespmem:s28], [sflag:$0x8] =	stream.indirect.gather [hbm4b:s4+s13], $0x20, s7, s13, $0xb8;
	[tilespmem:$0x17000] =	vst v63  }
0x7a: {  	s7 =	smov.u32 s9  }
0x7b: {  	p0 =	sne.s32 s9, $0x8000;
	s9 =	sadd.s32 $0x1000, s9;
	_ =	swait.ge [sflag:s29], $0x1000  }
0x7c: {  	s7 =	sshra.s32 s7, $0x2;
	[sflag:s29] =	ssyncset.done $0x0  }
0x7d: {  	s10 =	sadd.s32 $0x2800, s7;
	[sflag:s29] =	ssyncadd.s32 $0xFFFFF000  }
0x7e: {  	[spmem:s2] =	stream.indirect.scatter.add.f32 [tilespmem:s14], [sflag:$0x9], $0x20, s10, s13, $0xb8;
	[tilespmem:$0x17000] =	vst v63  }
0x7f: {  	_ =	swait.ge [sflag:s30], $0x1000  }
0x80: {  	[sflag:s30] =	ssyncset.done $0x0  }
0x81: {  	s10 =	sadd.s32 $0x2880, s7;
	[sflag:s30] =	ssyncadd.s32 $0xFFFFF000  }
0x82: {  	[spmem:s2] =	stream.indirect.scatter.add.f32 [tilespmem:s15], [sflag:$0xA], $0x20, s10, s13, $0xb8;
	[tilespmem:$0x17000] =	vst v63  }
0x83: {  	_ =	swait.ge [sflag:s31], $0x1000  }
0x84: {  	[sflag:s31] =	ssyncset.done $0x0  }
0x85: {  	s10 =	sadd.s32 $0x2900, s7;
	[sflag:s31] =	ssyncadd.s32 $0xFFFFF000  }
0x86: {  	[spmem:s2] =	stream.indirect.scatter.add.f32 [tilespmem:s17], [sflag:$0xB], $0x20, s10, s13, $0xb8;
	[tilespmem:$0x17000] =	vst v63  }
0x87: {  	_ =	swait.ge [sflag:s0], $0x1000  }
0x88: {  	[sflag:s0] =	ssyncset.done $0x0  }
0x89: {  	s10 =	sadd.s32 $0x2980, s7;
	[sflag:s0] =	ssyncadd.s32 $0xFFFFF000  }
0x8a: {  	[spmem:s2] =	stream.indirect.scatter.add.f32 [tilespmem:s19], [sflag:$0xC], $0x20, s10, s13, $0xb8;
	[tilespmem:$0x17000] =	vst v63  }
0x8b: {  	_ =	swait.ge [sflag:s11], $0x1000  }
0x8c: {  	[sflag:s11] =	ssyncset.done $0x0  }
0x8d: {  	s10 =	sadd.s32 $0x2A00, s7;
	[sflag:s11] =	ssyncadd.s32 $0xFFFFF000  }
0x8e: {  	[spmem:s2] =	stream.indirect.scatter.add.f32 [tilespmem:s21], [sflag:$0xD], $0x20, s10, s13, $0xb8;
	[tilespmem:$0x17000] =	vst v63  }
0x8f: {  	_ =	swait.ge [sflag:s12], $0x1000  }
0x90: {  	[sflag:s12] =	ssyncset.done $0x0  }
0x91: {  	s10 =	sadd.s32 $0x2A80, s7;
	[sflag:s12] =	ssyncadd.s32 $0xFFFFF000  }
0x92: {  	[spmem:s2] =	stream.indirect.scatter.add.f32 [tilespmem:s23], [sflag:$0xE], $0x20, s10, s13, $0xb8;
	[tilespmem:$0x17000] =	vst v63  }
0x93: {  	_ =	swait.ge [sflag:s16], $0x1000  }
0x94: {  	[sflag:s16] =	ssyncset.done $0x0  }
0x95: {  	s10 =	sadd.s32 $0x2B00, s7;
	[sflag:s16] =	ssyncadd.s32 $0xFFFFF000  }
0x96: {  	[spmem:s2] =	stream.indirect.scatter.add.f32 [tilespmem:s25], [sflag:$0xF], $0x20, s10, s13, $0xb8;
	[tilespmem:$0x17000] =	vst v63  }
0x97: {  	_ =	swait.ge [sflag:s18], $0x1000  }
0x98: {  	[sflag:s18] =	ssyncset.done $0x0  }
0x99: {  	s10 =	sadd.s32 $0x2B80, s7;
	[sflag:s18] =	ssyncadd.s32 $0xFFFFF000  }
0x9a: {  	[spmem:s2] =	stream.indirect.scatter.add.f32 [tilespmem:s28], [sflag:$0x10], $0x20, s10, s13, $0xb8;
	[tilespmem:$0x17000] =	vst v63  }
0x9b: {  	_ =	swait.ge [sflag:s1], $0x1000  }
0x9c: {  	[sflag:s1] =	ssyncset.done $0x0  }
0x9d: {  	s10 =	sadd.s32 $0x400, s7;
	[sflag:s1] =	ssyncadd.s32 $0xFFFFF000  }
0x9e: {  	[tilespmem:s14], [sflag:$0x1] =	stream.indirect.gather [hbm4b:s4+s13], $0x20, s10, s13, $0xb8;
	[tilespmem:$0x17000] =	vst v63  }
0x9f: {  	_ =	swait.ge [sflag:s20], $0x1000  }
0xa0: {  	[sflag:s20] =	ssyncset.done $0x0  }
0xa1: {  	s10 =	sadd.s32 $0x480, s7;
	[sflag:s20] =	ssyncadd.s32 $0xFFFFF000  }
0xa2: {  	[tilespmem:s15], [sflag:$0x2] =	stream.indirect.gather [hbm4b:s4+s13], $0x20, s10, s13, $0xb8;
	[tilespmem:$0x17000] =	vst v63  }
0xa3: {  	_ =	swait.ge [sflag:s22], $0x1000  }
0xa4: {  	[sflag:s22] =	ssyncset.done $0x0  }
0xa5: {  	s10 =	sadd.s32 $0x500, s7;
	[sflag:s22] =	ssyncadd.s32 $0xFFFFF000  }
0xa6: {  	[tilespmem:s17], [sflag:$0x3] =	stream.indirect.gather [hbm4b:s4+s13], $0x20, s10, s13, $0xb8;
	[tilespmem:$0x17000] =	vst v63  }
0xa7: {  	_ =	swait.ge [sflag:s24], $0x1000  }
0xa8: {  	[sflag:s24] =	ssyncset.done $0x0  }
0xa9: {  	s10 =	sadd.s32 $0x580, s7;
	[sflag:s24] =	ssyncadd.s32 $0xFFFFF000  }
0xaa: {  	[tilespmem:s19], [sflag:$0x4] =	stream.indirect.gather [hbm4b:s4+s13], $0x20, s10, s13, $0xb8;
	[tilespmem:$0x17000] =	vst v63  }
0xab: {  	_ =	swait.ge [sflag:s26], $0x1000  }
0xac: {  	[sflag:s26] =	ssyncset.done $0x0  }
0xad: {  	s10 =	sadd.s32 $0x600, s7;
	[sflag:s26] =	ssyncadd.s32 $0xFFFFF000  }
0xae: {  	[tilespmem:s21], [sflag:$0x5] =	stream.indirect.gather [hbm4b:s4+s13], $0x20, s10, s13, $0xb8;
	[tilespmem:$0x17000] =	vst v63  }
0xaf: {  	_ =	swait.ge [sflag:s3], $0x1000  }
0xb0: {  	[sflag:s3] =	ssyncset.done $0x0  }
0xb1: {  	s10 =	sadd.s32 $0x680, s7;
	[sflag:s3] =	ssyncadd.s32 $0xFFFFF000  }
0xb2: {  	[tilespmem:s23], [sflag:$0x6] =	stream.indirect.gather [hbm4b:s4+s13], $0x20, s10, s13, $0xb8;
	[tilespmem:$0x17000] =	vst v63  }
0xb3: {  	_ =	swait.ge [sflag:s5], $0x1000  }
0xb4: {  	[sflag:s5] =	ssyncset.done $0x0  }
.Ltmp1:
0xb5: {  	s10 =	sadd.s32 $0x700, s7;
	[sflag:s5] =	ssyncadd.s32 $0xFFFFF000;
	(pc) =	sbr.rel @p0 .LBB2_4-.Ltmp1, $4  }
0xb6: {  	[tilespmem:s25], [sflag:$0x7] =	stream.indirect.gather [hbm4b:s4+s13], $0x20, s10, s13, $0xb8;
	[tilespmem:$0x17000] =	vst v63  }
0xb7: {  	_ =	swait.ge [sflag:s6], $0x1000  }
0xb8: {  	[sflag:s6] =	ssyncset.done $0x0  }
0xb9: {  	s7 =	sadd.s32 $0x780, s7;
	[sflag:s6] =	ssyncadd.s32 $0xFFFFF000  }
0xba: {  	[tilespmem:s28], [sflag:$0x8] =	stream.indirect.gather [hbm4b:s4+s13], $0x20, s7, s13, $0xb8;
	[tilespmem:$0x17000] =	vst v63  }
0xbb: {  	_ =	swait.ge [sflag:s29], $0x1000  }
0xbc: {  	[sflag:s29] =	ssyncset.done $0x0  }
0xbd: {  	s9 =	simm.s32 $0x4C00;
	[sflag:s29] =	ssyncadd.s32 $0xFFFFF000  }
0xbe: {  	[spmem:s2] =	stream.indirect.scatter.add.f32 [tilespmem:s14], [sflag:$0x9], $0x20, s9, s13, $0xb8;
	[tilespmem:$0x17000] =	vst v63  }
0xbf: {  	_ =	swait.ge [sflag:s30], $0x1000  }
0xc0: {  	[sflag:s30] =	ssyncset.done $0x0  }
0xc1: {  	s10 =	simm.s32 $0x4C80;
	[sflag:s30] =	ssyncadd.s32 $0xFFFFF000  }
0xc2: {  	[spmem:s2] =	stream.indirect.scatter.add.f32 [tilespmem:s15], [sflag:$0xA], $0x20, s10, s13, $0xb8;
	[tilespmem:$0x17000] =	vst v63  }
0xc3: {  	_ =	swait.ge [sflag:s31], $0x1000  }
0xc4: {  	[sflag:s31] =	ssyncset.done $0x0  }
0xc5: {  	s8 =	simm.s32 $0x4D00;
	[sflag:s31] =	ssyncadd.s32 $0xFFFFF000  }
0xc6: {  	[spmem:s2] =	stream.indirect.scatter.add.f32 [tilespmem:s17], [sflag:$0xB], $0x20, s8, s13, $0xb8;
	[tilespmem:$0x17000] =	vst v63  }
0xc7: {  	_ =	swait.ge [sflag:s0], $0x1000  }
0xc8: {  	[sflag:s0] =	ssyncset.done $0x0  }
0xc9: {  	s9 =	simm.s32 $0x4D80;
	[sflag:s0] =	ssyncadd.s32 $0xFFFFF000  }
0xca: {  	[spmem:s2] =	stream.indirect.scatter.add.f32 [tilespmem:s19], [sflag:$0xC], $0x20, s9, s13, $0xb8;
	[tilespmem:$0x17000] =	vst v63  }
0xcb: {  	_ =	swait.ge [sflag:s11], $0x1000  }
0xcc: {  	[sflag:s11] =	ssyncset.done $0x0  }
0xcd: {  	s10 =	simm.s32 $0x4E00;
	[sflag:s11] =	ssyncadd.s32 $0xFFFFF000  }
0xce: {  	[spmem:s2] =	stream.indirect.scatter.add.f32 [tilespmem:s21], [sflag:$0xD], $0x20, s10, s13, $0xb8;
	[tilespmem:$0x17000] =	vst v63  }
0xcf: {  	_ =	swait.ge [sflag:s12], $0x1000  }
0xd0: {  	[sflag:s12] =	ssyncset.done $0x0  }
0xd1: {  	s8 =	simm.s32 $0x4E80;
	[sflag:s12] =	ssyncadd.s32 $0xFFFFF000  }
0xd2: {  	[spmem:s2] =	stream.indirect.scatter.add.f32 [tilespmem:s23], [sflag:$0xE], $0x20, s8, s13, $0xb8;
	[tilespmem:$0x17000] =	vst v63  }
0xd3: {  	_ =	swait.ge [sflag:s16], $0x1000  }
0xd4: {  	[sflag:s16] =	ssyncset.done $0x0  }
0xd5: {  	s9 =	simm.s32 $0x4F00;
	[sflag:s16] =	ssyncadd.s32 $0xFFFFF000  }
0xd6: {  	[spmem:s2] =	stream.indirect.scatter.add.f32 [tilespmem:s25], [sflag:$0xF], $0x20, s9, s13, $0xb8;
	[tilespmem:$0x17000] =	vst v63  }
0xd7: {  	_ =	swait.ge [sflag:s18], $0x1000  }
0xd8: {  	[sflag:s18] =	ssyncset.done $0x0  }
0xd9: {  	s10 =	simm.s32 $0x4F80;
	[sflag:s18] =	ssyncadd.s32 $0xFFFFF000  }
0xda: {  	[spmem:s2] =	stream.indirect.scatter.add.f32 [tilespmem:s28], [sflag:$0x10], $0x20, s10, s13, $0xb8;
	[tilespmem:$0x17000] =	vst v63  }
0xdb: {  	_ =	swait.ge [sflag:s1], $0x1000  }
0xdc: {  	[sflag:s1] =	ssyncset.done $0x0  }
0xdd: {  	[sflag:s1] =	ssyncadd.s32 $0xFFFFF000  }
0xde: {  	_ =	swait.ge [sflag:s20], $0x1000  }
0xdf: {  	[sflag:s20] =	ssyncset.done $0x0  }
0xe0: {  	[sflag:s20] =	ssyncadd.s32 $0xFFFFF000  }
0xe1: {  	_ =	swait.ge [sflag:s22], $0x1000  }
0xe2: {  	[sflag:s22] =	ssyncset.done $0x0  }
0xe3: {  	[sflag:s22] =	ssyncadd.s32 $0xFFFFF000  }
0xe4: {  	_ =	swait.ge [sflag:s24], $0x1000  }
0xe5: {  	[sflag:s24] =	ssyncset.done $0x0  }
0xe6: {  	[sflag:s24] =	ssyncadd.s32 $0xFFFFF000  }
0xe7: {  	_ =	swait.ge [sflag:s26], $0x1000  }
0xe8: {  	[sflag:s26] =	ssyncset.done $0x0  }
0xe9: {  	[sflag:s26] =	ssyncadd.s32 $0xFFFFF000  }
0xea: {  	_ =	swait.ge [sflag:s3], $0x1000  }
0xeb: {  	[sflag:s3] =	ssyncset.done $0x0  }
0xec: {  	[sflag:s3] =	ssyncadd.s32 $0xFFFFF000  }
0xed: {  	_ =	swait.ge [sflag:s5], $0x1000  }
0xee: {  	[sflag:s5] =	ssyncset.done $0x0  }
0xef: {  	[sflag:s5] =	ssyncadd.s32 $0xFFFFF000  }
0xf0: {  	_ =	swait.ge [sflag:s6], $0x1000  }
0xf1: {  	[sflag:s6] =	ssyncset.done $0x0  }
0xf2: {  	[sflag:s6] =	ssyncadd.s32 $0xFFFFF000  }
0xf3: {  	s8 =	stileid.u32;
	[bflag:$0x0] =	sbarrier.arrive $0xFFFF  }
0xf4: {  	s7 =	sshll.u32 s8, $0x6;
	s9 =	rddreg [dreg:$0x5]  }
0xf5: {  	s7 =	sor.u32 $0x1C11, s7;
	s10 =	rddreg [dreg:$0x6];
	s9 =	sshrl.u32 s9, $0x3  }
0xf6: {  	[hbm:s10], [sflag:s7] =	dma.local [spmem:s9], $0xA00  }
0xf7: {  	s10 =	simm.s32 $0x11  }
0xf8: {  	_ =	swait.ge [sflag:s10], $0xA00  }
0xf9: {  	s8 =	rddreg [dreg:$0x8]  }
0xfa: {  	s9 =	rddreg [dreg:$0x7];
	s8 =	sadd.s32 $0x1, s8  }
0xfb: {  	p0 =	sne.s32 s8, s9  }
.Ltmp2:
0xfc: {  	_ = 	snop;
	(pc) =	sbr.rel @p0 .LBB2_1-.Ltmp2, $3  }
0xfd: {  	_ =	sdelay $0x1  }
0xfe: {  	[sflag:s10] =	ssyncset.done $0x0  }
0xff: {  	[sflag:s10] =	ssyncadd.s32 $0xFFFFF600  }
0x100: {  	_ =	sfence.sel $0x180000  }
0x101: {  	[bflag:$0x0] =	sbarrier.arrive $0xFFFF  }
0x102: {  	_ =	strace $0x9000004A  }
0x103: {  	s0 =	stileid.u32;
	[bflag:$0x2] =	sbarrier.arrive $0xFFFF  }
0x104: {  	p0 =	sne.s32 s0, $0x0;
	s0 =	rddreg [dreg:$0x2]  }
0x105: {  	s0 =	sadd.s32 @!p0 $0x100000, s0  }
0x106: {  	[sflag:s0] =	ssyncadd.tile.s32 @!p0 $0x1;
	_ =	shalt  }
.Lfunc_end2:
_tile_overlayer_lowered:
.L_overlay_start_2:
0x107: {  	(tag) =	ssettag $0x2  }
0x108: {  	s0 =	rddreg [dreg:$0x0];
	s2 =	stileid.u32  }
0x109: {  	s1 =	rddreg [dreg:$0x1];
	p0 =	sne.s32 s2, $0x0  }
0x10a: {  	s3 =	rddreg [dreg:$0x2];
	[bflag:$0x3] =	sbarrier.arrive $0xFFFF;
	s2 =	simm.s32 @!p0 $0x1C11  }
0x10b: {  	[timem:s3], [sflag:s2] =	dma.local @!p0 [hbm:s0], s1  }
0x10c: {  	s0 =	simm.s32 @!p0 $0x11  }
0x10d: {  	_ =	swait.ge @!p0 [sflag:s0], s1  }
0x10e: {  	s1 =	ssub.s32 @!p0 $0x0, s1;
	[sflag:s0] =	ssyncset.done @!p0 $0x0  }
0x10f: {  	[sflag:s0] =	ssyncadd.s32 @!p0 s1  }
0x110: {  	[bflag:$0x3] =	sbarrier.arrive $0xFFFF  }
0x111: {  	_ =	shalt  }

// kernel: kernel.14.cloned.1.call-start
scs
__scs_entry_jumppad:
0x0: {  	(pc) =	sbr.rel $0x88, $3  }
0x1: {  	(tag) =	ssettag $0x0;
	lr =	simm.s32 $0x1  }
0x2: {  	[smem:$0x3F9B] =	sst lr;
	_ =	strace $0xD0000000  }
0x3: {  	_ = 	snop  }
0x4: {  	_ = 	snop  }
0x5: {  	_ = 	snop  }
0x6: {  	_ = 	snop  }
0x7: {  	_ = 	snop  }
__scs_overlays_trampoline_lowered:
0x8: {  	[smem:$0x3FAA] =	sst s0  }
0x9: {  	[smem:$0x3FAB] =	sst s1  }
0xa: {  	[smem:$0x3FAC] =	sst s2  }
0xb: {  	[smem:$0x3FAD] =	sst s3  }
0xc: {  	[smem:$0x3FAE] =	sst s4  }
0xd: {  	[smem:$0x3FAF] =	sst s5  }
0xe: {  	[smem:$0x3FB0] =	sst s6  }
0xf: {  	[smem:$0x3FB1] =	sst s7  }
0x10: {  	[smem:$0x3FB2] =	sst s8  }
0x11: {  	[smem:$0x3FB3] =	sst s9;
	s0 =	simm.s32 @!p0 $0x0  }
0x12: {  	s1 =	sld [smem:$0x3F99];
	s0 =	simm.s32 @p0 $0x1  }
0x13: {  	[smem:$0x3FB4] =	sst s0;
	s0 =	simm.s32 @!p1 $0x0  }
0x14: {  	s2 =	sld [smem:$0x3F98];
	s0 =	simm.s32 @p1 $0x1  }
0x15: {  	[smem:$0x3FB5] =	sst s0;
	s0 =	simm.s32 @!p2 $0x0  }
0x16: {  	s3 =	sld [smem:$0x3FDB];
	s0 =	simm.s32 @p2 $0x1  }
0x17: {  	s4 =	simm.s32 $0x1BF5;
	[smem:$0x3FB7] =	sst s0  }
0x18: {  	s0 =	sld [smem:$0x3F9A];
	_ =	swait.ge [sflag:s4], $0x0  }
0x19: {  	s7 =	sld [smem:$0x3F9B]  }
0x1a: {  	s8 =	sadd.s32 $0xFFFFE003, lr  }
0x1b: {  	s9 =	sadd.s32 $0xFFFFFEF7, lr;
	s5 =	simm.s32 $0xFFFFFFFF;
	p2 =	slt.u32 s8, $0xFFFFF086  }
0x1c: {  	p1 =	slt.u32 s9, $0xF7A;
	s5 =	simm.s32 @!p2 $0x0  }
0x1d: {  	s5 =	simm.s32 @p1 $0x1;
	p0 =	seq.s32 s7, s2  }
0x1e: {  	s7 =	smul.u32 @!p0 $0xF7A, s2;
	p2 =	seq.s32 @!p0 s5, $0x0  }
0x1f: {  	s9 =	smul.u32 $0xF7A, s1;
	s8 =	simm.s32 @!p0 $0x1BF5;
	p2 =	por !p2, p0  }
0x20: {  	[sflag:s8] =	ssyncset.s32 @!p0 $0xFFFFF086;
	s6 =	sadd.s32 @!p0 s3, s7;
	s7 =	simm.s32 @!p0 $0x108  }
0x21: {  	s3 =	sadd.s32 s3, s9;
	s6 =	sadd.s32 @!p0 $0x88, s6;
	s7 =	simm.s32 @p2 $0x1082  }
0x22: {  	[simem:s7], [sflag:s8] =	dma.local @!p0 [hbm:s6], $0xF7A  }
0x23: {  	s9 =	sor.u32 $0xD0000000, s2;
	s6 =	simm.s32 $0x108;
	_ =	swait.ge @!p0 [sflag:s8], $0x0  }
0x24: {  	s3 =	sadd.s32 $0x88, s3;
	s6 =	simm.s32 @!p1 $0x1082;
	[sflag:s4] =	ssyncset.s32 $0xFFFFF086  }
0x25: {  	[simem:s6], [sflag:s4] =	dma.local [hbm:s3], $0xF7A  }
0x26: {  	[smem:$0x3F9B] =	sst s1;
	(tag) =	ssettag s2;
	_ =	strace s9  }
0x27: {  	s1 =	sld [smem:$0x3FAB]  }
0x28: {  	s2 =	sld [smem:$0x3FAC]  }
0x29: {  	s4 =	sld [smem:$0x3FAE]  }
0x2a: {  	p0 =	seq.s32 s5, $0x0;
	s5 =	sld [smem:$0x3FAF]  }
0x2b: {  	s6 =	sld [smem:$0x3FB0]  }
0x2c: {  	s7 =	sld [smem:$0x3FB1]  }
0x2d: {  	s3 =	simm.s32 $0x108;
	s8 =	sld [smem:$0x3FB2]  }
0x2e: {  	s3 =	simm.s32 @!p0 $0x1082;
	s9 =	sld [smem:$0x3FB3]  }
0x2f: {  	lr =	sadd.s32 s0, s3;
	s0 =	sld [smem:$0x3FAA]  }
0x30: {  	s3 =	sld [smem:$0x3FAD]  }
0x31: {  	[smem:$0x3FB6] =	sst s10  }
0x32: {  	s10 =	sld [smem:$0x3FB4];
	_ =	sdelay $0x3  }
0x33: {  	p0 =	seq.s32 s10, $0x1;
	s10 =	sld [smem:$0x3FB6];
	_ =	sdelay $0x3  }
0x34: {  	[smem:$0x3FB6] =	sst s10  }
0x35: {  	s10 =	sld [smem:$0x3FB5];
	_ =	sdelay $0x3  }
0x36: {  	p1 =	seq.s32 s10, $0x1;
	s10 =	sld [smem:$0x3FB6];
	_ =	sdelay $0x3  }
0x37: {  	[smem:$0x3FB6] =	sst s10  }
0x38: {  	s10 =	sld [smem:$0x3FB7]  }
0x39: {  	_ = 	snop;
	(pc) =	sbr.ind lr, $3  }
0x3a: {  	_ = 	snop  }
0x3b: {  	_ = 	snop  }
0x3c: {  	p2 =	seq.s32 s10, $0x1;
	s10 =	sld [smem:$0x3FB6]  }
0x3d: {  	_ =	shalt  }
0x3e: {  	_ =	shalt  }
0x3f: {  	_ =	shalt  }
0x40: {  	_ =	shalt  }
0x41: {  	_ =	shalt  }
0x42: {  	_ =	shalt  }
0x43: {  	_ =	shalt  }
0x44: {  	_ =	shalt  }
0x45: {  	_ =	shalt  }
0x46: {  	_ =	shalt  }
0x47: {  	_ =	shalt  }
0x48: {  	_ =	shalt  }
0x49: {  	_ =	shalt  }
0x4a: {  	_ =	shalt  }
0x4b: {  	_ =	shalt  }
0x4c: {  	_ =	shalt  }
0x4d: {  	_ =	shalt  }
0x4e: {  	_ =	shalt  }
0x4f: {  	_ =	shalt  }
0x50: {  	_ =	shalt  }
0x51: {  	_ =	shalt  }
0x52: {  	_ =	shalt  }
0x53: {  	_ =	shalt  }
0x54: {  	_ =	shalt  }
0x55: {  	_ =	shalt  }
0x56: {  	_ =	shalt  }
0x57: {  	_ =	shalt  }
0x58: {  	_ =	shalt  }
0x59: {  	_ =	shalt  }
0x5a: {  	_ =	shalt  }
0x5b: {  	_ =	shalt  }
0x5c: {  	_ =	shalt  }
0x5d: {  	_ =	shalt  }
0x5e: {  	_ =	shalt  }
0x5f: {  	_ =	shalt  }
0x60: {  	_ =	shalt  }
0x61: {  	_ =	shalt  }
0x62: {  	_ =	shalt  }
0x63: {  	_ =	shalt  }
0x64: {  	_ =	shalt  }
0x65: {  	_ =	shalt  }
0x66: {  	_ =	shalt  }
0x67: {  	_ =	shalt  }
0x68: {  	_ =	shalt  }
0x69: {  	_ =	shalt  }
0x6a: {  	_ =	shalt  }
0x6b: {  	_ =	shalt  }
0x6c: {  	_ =	shalt  }
0x6d: {  	_ =	shalt  }
0x6e: {  	_ =	shalt  }
0x6f: {  	_ =	shalt  }
0x70: {  	_ =	shalt  }
0x71: {  	_ =	shalt  }
0x72: {  	_ =	shalt  }
0x73: {  	_ =	shalt  }
0x74: {  	_ =	shalt  }
0x75: {  	_ =	shalt  }
0x76: {  	_ =	shalt  }
0x77: {  	_ =	shalt  }
0x78: {  	_ =	shalt  }
0x79: {  	_ =	shalt  }
0x7a: {  	_ =	shalt  }
0x7b: {  	_ =	shalt  }
0x7c: {  	_ =	shalt  }
0x7d: {  	_ =	shalt  }
0x7e: {  	_ =	shalt  }
0x7f: {  	_ =	shalt  }
0x80: {  	_ =	shalt  }
0x81: {  	_ =	shalt  }
0x82: {  	_ =	shalt  }
0x83: {  	_ =	shalt  }
0x84: {  	_ =	shalt  }
0x85: {  	_ =	shalt  }
0x86: {  	_ =	shalt  }
0x87: {  	_ =	shalt  }
.Lfunc_end0:
.L_simem_size_0:
called_computation.2_lowered:
.L_overlay_start_0:
0x88: {  	s2 =	sld [smem:$0x3FD9]  }
0x89: {  	s3 =	sld [smem:$0x3FFE];
	_ =	sdelay $0x1  }
0x8a: {  	s1 =	srdreg.scid  }
0x8b: {  	s0 =	sand.u32 $0x1, s1  }
0x8c: {  	s16 =	sshll.u32 s0, $0xA;
	s2 =	sadd.s32 s3, s2  }
0x8d: {  	s2 =	sadd.s32 s2, s16  }
0x8e: {  	[smem:$0x3FC2] =	sst s2  }
0x8f: {  	_ = 	snop  }
0x90: {  	(tm) =	ssettm $0x1  }
0x91: {  	s17 =	sld [smem:$0x3FFB];
	_ =	sdelay $0x3  }
0x92: {  	_ =	strace s17  }
0x93: {  	s2 =	sld [smem:$0x3FFC];
	_ =	sdelay $0x3  }
0x94: {  	_ =	strace s2  }
0x95: {  	s2 =	sld [smem:$0x3FFD];
	_ =	sdelay $0x3  }
0x96: {  	_ =	strace s2  }
0x97: {  	_ =	strace $0x8FFFFFFF  }
0x98: {  	s18 =	sld [smem:$0x3FDB];
	_ =	sdelay $0x1  }
0x99: {  	s19 =	simm.s32 $_scs_section_size  }
0x9a: {  	s4 =	simm.s32 $_size__tile_overlayer_lowered;
	s5 =	simm.s32 $_tile_overlayer_lowered  }
0x9b: {  	s22 =	simm.s32 $0x1BFF;
	s21 =	sshll.u32 s5, $0x1;
	s2 =	sadd.s32 s19, s18  }
0x9c: {  	s6 =	simm.s32 $0x0;
	s20 =	sshll.u32 s4, $0x1;
	s4 =	sadd.s32 s21, s2  }
0x9d: {  	[timem:s6], [sflag:s22] =	dma.local [hbm:s4], s20  }
0x9e: {  	_ =	swait.ge [sflag:s22], s20  }
0x9f: {  	s3 =	ssub.s32 $0x0, s20;
	[sflag:s22] =	ssyncset.done $0x0  }
0xa0: {  	[sflag:s22] =	ssyncadd.s32 s3;
	_ =	sdelay $0x1  }
0xa1: {  	s23 =	simm.s32 $0x1B8B  }
0xa2: {  	_ =	swait.ge [sflag:s23], $0x1  }
0xa3: {  	[sflag:s23] =	ssyncset.done $0x0  }
0xa4: {  	s25 =	simm.s32 $0x1B8E;
	s24 =	sld [smem:$0x3FFE];
	[sflag:s23] =	ssyncadd.s32 $0xFFFFFFFF  }
0xa5: {  	s26 =	simm.s32 $execute0_lowered;
	[smem:$0x3FD2] =	sst s25  }
0xa6: {  	s4 =	sshll.u32 s26, $0x1;
	_ =	strace $0x8000004C;
	[dreg:$0x1] =	wrdreg $0xFFFFFFFF  }
0xa7: {  	s28 =	simm.s32 $_size_execute0_lowered;
	s2 =	sadd.s32 s2, s4;
	[dreg:$0x0] =	wrdreg $0x0  }
0xa8: {  	s4 =	sshll.u32 s28, $0x1;
	[dreg:$0x2] =	wrdreg s2  }
0xa9: {  	[dreg:$0x3] =	wrdreg s4  }
0xaa: {  	[dreg:$0x4] =	wrdreg $0xC0  }
0xab: {  	_ =	task [dreg:s6], $0x5FFFF  }
0xac: {  	[dreg:$0x1] =	wrdreg $0xFFFFFFFF  }
0xad: {  	[dreg:$0x0] =	wrdreg $0x60  }
0xae: {  	[dreg:$0x2] =	wrdreg s24  }
0xaf: {  	[dreg:$0x3] =	wrdreg $0x120000  }
0xb0: {  	[dreg:$0x4] =	wrdreg $0x9  }
0xb1: {  	_ =	task.clear_ibuf [dreg:s6], $0x5FFFF;
	_ =	strace $0x9000004C  }
0xb2: {  	s29 =	simm.s32 $0x9;
	_ =	strace $0x8000004E  }
0xb3: {  	_ =	swait.ge [sflag:s29], $0x1  }
0xb4: {  	[sflag:s29] =	ssyncadd.s32 $0xFFFFFFFF  }
0xb5: {  	_ =	strace $0x9000004E  }
0xb6: {  	_ =	sfence  }
0xb7: {  	s30 =	sld [smem:$0x0];
	_ =	sdelay $0x2  }
0xb8: {  	s31 =	sshll.u32 s1, $0xD;
	s1 =	sshrl.u32 s1, $0x2  }
0xb9: {  	s3 =	sand.u32 $0x4000, s31;
	s1 =	sadd.s32 s1, s30  }
0xba: {  	s0 =	sor.u32 s3, s0;
	s1 =	sshll.u32 s1, $0x11  }
0xbb: {  	s0 =	sor.u32 s1, s0  }
0xbc: {  	s0 =	sadd.s32 $0x8F2B, s0  }
0xbd: {  	[sflag:s0] =	ssyncadd.remote.s32 $0x1  }
0xbe: {  	_ =	sfence.sel $0xFFFF  }
0xbf: {  	[dreg:$0x0] =	wrdreg $0xFFFFFFFF;
	(pc) =	sbr.abs _section_cstart, $3  }
0xc0: {  	[dreg:$0x1] =	wrdreg $0xFFFFFFFF  }
0xc1: {  	_ =	task.clear_ibuf [dreg:s6], $0x2FFFF;
	_ =	strace $0x9FFFFFFF  }
0xc2: {  	(tm) =	ssettm $0x7FFFFFFF  }
0xc3: {  	_ =	shalt  }
tec
execute0_lowered:
.L_overlay_start_1:
0x0: {  	(tag) =	ssettag $0x1  }
0x1: {  	s0 =	rddreg [dreg:$0x0]  }
0x2: {  	s2 =	rddreg [dreg:$0x1]  }
0x3: {  	s1 =	srdreg.scid;
	s6 =	stileid.u32  }
0x4: {  	s4 =	simm.s32 $0x0;
	s10 =	simm.s32 $0x11;
	s13 =	simm.s32 $0x80  }
0x5: {  	s14 =	simm.s32 $0x5000;
	s15 =	simm.s32 $0x6000;
	s17 =	simm.s32 $0x7000  }
0x6: {  	s19 =	simm.s32 $0x8000;
	s21 =	simm.s32 $0x9000;
	s28 =	simm.s32 $0xC000  }
0x7: {  	s29 =	simm.s32 $0x1;
	s30 =	simm.s32 $0x2;
	s31 =	simm.s32 $0x3  }
0x8: {  	s11 =	simm.s32 $0x5;
	s12 =	simm.s32 $0x6;
	s16 =	simm.s32 $0x7  }
0x9: {  	s18 =	simm.s32 $0x8;
	s20 =	simm.s32 $0xA;
	s22 =	simm.s32 $0xB  }
0xa: {  	s8 =	simm.s32 $0x0;
	s1 =	sand.u32 $0x1, s1;
	s3 =	smul.u32 $0x5000, s6  }
0xb: {  	[smem:$0x7FF] =	sst s4;
	s23 =	sshll.u32 s1, $0x4;
	s5 =	smul.u32 $0x50000, s1  }
0xc: {  	_ =	strace $0x8000004D;
	s1 =	ssub.s32 $0x2, s1;
	s4 =	sor.u32 s6, s23  }
0xd: {  	s7 =	sshrl.u32 s1, $0x1;
	s23 =	simm.s32 $0xA000;
	s6 =	smul.u32 $0x500, s4  }
0xe: {  	s5 =	sadd.s32 s3, s5;
	s4 =	sadd.s32 $0x15600, s0;
	s3 =	sadd.s32 s3, s2  }
0xf: {  	s1 =	ssub.s32 s1, s7;
	s5 =	sshrl.u32 s5, $0x3;
	[dreg:$0x5] =	wrdreg s3  }
0x10: {  	s26 =	smax.u32 s1, $0x1;
	s1 =	simm.s32 $0x9;
	s6 =	sadd.s32 s6, s0  }
0x11: {  	s3 =	simm.s32 $0xE;
	[dreg:$0x7] =	wrdreg s26;
	s24 =	sadd.s32 $0xB600, s6  }
0x12: {  	s0 =	sadd.s32 s5, s0;
	s25 =	sadd.s32 $0x1600, s6;
	[dreg:$0x3] =	wrdreg s24  }
0x13: {  	s26 =	simm.s32 $0xD;
	s0 =	sadd.s32 $0x1F400, s0;
	[dreg:$0x4] =	wrdreg s25  }
0x14: {  	s5 =	simm.s32 $0xF;
	s6 =	simm.s32 $0x10;
	[dreg:$0x6] =	wrdreg s0  }
0x15: {  	v0 =	vimm.f32 $0.0e+00;
	s25 =	simm.s32 $0xB000;
	s0 =	simm.s32 $0x4;
	s24 =	simm.s32 $0xC  }
.LBB2_1:
0x16: {  	[dreg:$0x8] =	wrdreg s8  }
0x17: {  	s7 =	simm.s32 $0x0;
	s9 =	rddreg [dreg:$0x3]  }
0x18: {  	[tilespmem:s7], [sflag:$0x11] =	stream.linear.gather [hbm4b:s9+s7], $0x2800, $0x38;
	[tilespmem:$0x17000] =	vst v63  }
0x19: {  	_ =	swait.ge [sflag:s10], $0x2800  }
0x1a: {  	[sflag:s10] =	ssyncset.done $0x0  }
0x1b: {  	s8 =	simm.s32 $0x2800;
	s9 =	rddreg [dreg:$0x4];
	[sflag:s10] =	ssyncadd.s32 $0xFFFFD800  }
0x1c: {  	[tilespmem:s8], [sflag:$0x11] =	stream.linear.gather [hbm4b:s9+s7], $0x2800, $0x38;
	[tilespmem:$0x17000] =	vst v63  }
0x1d: {  	_ =	swait.ge [sflag:s10], $0x2800  }
0x1e: {  	[sflag:s10] =	ssyncset.done $0x0  }
0x1f: {  	s7 =	simm.s32 $0x80;
	s9 =	simm.s32 $0x0;
	[sflag:s10] =	ssyncadd.s32 $0xFFFFD800  }
.LBB2_2:
0x20: {  	p0 =	sne.s32 s7, $0x13F80;
	[tilespmem:s9+$0xD000] =	vst v0;
	s10 =	smov.u32 s7;
	s7 =	sadd.s32 $0x80, s7  }
.Ltmp0:
0x21: {  	[tilespmem:s9+$0xD010] =	vst v0;
	(pc) =	sbr.rel @p0 .LBB2_2-.Ltmp0, $2  }
0x22: {  	_ =	sdelay $0x2  }
0x23: {  	s9 =	sshra.s32 s10, $0x2  }
0x24: {  	[tilespmem:s9+$0xD000] =	vst v0  }
0x25: {  	[tilespmem:s9+$0xD010] =	vst v0;
	s7 =	rddreg [dreg:$0x5];
	s8 =	simm.s32 $0xD000;
	s9 =	simm.s32 $0x11  }
0x26: {  	[spmem:s7] =	stream.linear.scatter [tilespmem:s8], [sflag:$0x11], $0x5000, $0x38;
	[tilespmem:$0x17000] =	vst v63  }
0x27: {  	_ =	swait.ge [sflag:s9], $0x5000  }
0x28: {  	[sflag:s9] =	ssyncset.done $0x0  }
0x29: {  	[sflag:s9] =	ssyncadd.s32 $0xFFFFB000  }
0x2a: {  	s10 =	simm.s32 $0x0;
	[bflag:$0x0] =	sbarrier.arrive $0xFFFF  }
0x2b: {  	[tilespmem:s14], [sflag:$0x1] =	stream.indirect.gather [hbm4b:s4+s13], $0x20, s10, s13, $0xb8;
	[tilespmem:$0x17000] =	vst v63  }
0x2c: {  	_ = 	snop  }
0x2d: {  	[tilespmem:s15], [sflag:$0x2] =	stream.indirect.gather [hbm4b:s4+s13], $0x20, s13, s13, $0xb8;
	[tilespmem:$0x17000] =	vst v63  }
0x2e: {  	s8 =	simm.s32 $0x100  }
0x2f: {  	[tilespmem:s17], [sflag:$0x3] =	stream.indirect.gather [hbm4b:s4+s13], $0x20, s8, s13, $0xb8;
	[tilespmem:$0x17000] =	vst v63  }
0x30: {  	s9 =	simm.s32 $0x180  }
0x31: {  	[tilespmem:s19], [sflag:$0x4] =	stream.indirect.gather [hbm4b:s4+s13], $0x20, s9, s13, $0xb8;
	[tilespmem:$0x17000] =	vst v63  }
0x32: {  	s10 =	simm.s32 $0x200  }
0x33: {  	[tilespmem:s21], [sflag:$0x5] =	stream.indirect.gather [hbm4b:s4+s13], $0x20, s10, s13, $0xb8;
	[tilespmem:$0x17000] =	vst v63  }
0x34: {  	s8 =	simm.s32 $0x280  }
0x35: {  	[tilespmem:s23], [sflag:$0x6] =	stream.indirect.gather [hbm4b:s4+s13], $0x20, s8, s13, $0xb8;
	[tilespmem:$0x17000] =	vst v63  }
0x36: {  	s9 =	simm.s32 $0x300  }
0x37: {  	[tilespmem:s25], [sflag:$0x7] =	stream.indirect.gather [hbm4b:s4+s13], $0x20, s9, s13, $0xb8;
	[tilespmem:$0x17000] =	vst v63  }
0x38: {  	s10 =	simm.s32 $0x380  }
0x39: {  	[tilespmem:s28], [sflag:$0x8] =	stream.indirect.gather [hbm4b:s4+s13], $0x20, s10, s13, $0xb8;
	[tilespmem:$0x17000] =	vst v63  }
0x3a: {  	_ =	swait.ge [sflag:s29], $0x1000  }
0x3b: {  	[sflag:s29] =	ssyncset.done $0x0  }
0x3c: {  	s8 =	simm.s32 $0x2800;
	[sflag:s29] =	ssyncadd.s32 $0xFFFFF000  }
0x3d: {  	[spmem:s2] =	stream.indirect.scatter.add.f32 [tilespmem:s14], [sflag:$0x9], $0x20, s8, s13, $0xb8;
	[tilespmem:$0x17000] =	vst v63  }
0x3e: {  	_ =	swait.ge [sflag:s30], $0x1000  }
0x3f: {  	[sflag:s30] =	ssyncset.done $0x0  }
0x40: {  	s9 =	simm.s32 $0x2880;
	[sflag:s30] =	ssyncadd.s32 $0xFFFFF000  }
0x41: {  	[spmem:s2] =	stream.indirect.scatter.add.f32 [tilespmem:s15], [sflag:$0xA], $0x20, s9, s13, $0xb8;
	[tilespmem:$0x17000] =	vst v63  }
0x42: {  	_ =	swait.ge [sflag:s31], $0x1000  }
0x43: {  	[sflag:s31] =	ssyncset.done $0x0  }
0x44: {  	s10 =	simm.s32 $0x2900;
	[sflag:s31] =	ssyncadd.s32 $0xFFFFF000  }
0x45: {  	[spmem:s2] =	stream.indirect.scatter.add.f32 [tilespmem:s17], [sflag:$0xB], $0x20, s10, s13, $0xb8;
	[tilespmem:$0x17000] =	vst v63  }
0x46: {  	_ =	swait.ge [sflag:s0], $0x1000  }
0x47: {  	[sflag:s0] =	ssyncset.done $0x0  }
0x48: {  	s8 =	simm.s32 $0x2980;
	[sflag:s0] =	ssyncadd.s32 $0xFFFFF000  }
0x49: {  	[spmem:s2] =	stream.indirect.scatter.add.f32 [tilespmem:s19], [sflag:$0xC], $0x20, s8, s13, $0xb8;
	[tilespmem:$0x17000] =	vst v63  }
0x4a: {  	_ =	swait.ge [sflag:s11], $0x1000  }
0x4b: {  	[sflag:s11] =	ssyncset.done $0x0  }
0x4c: {  	s9 =	simm.s32 $0x2A00;
	[sflag:s11] =	ssyncadd.s32 $0xFFFFF000  }
0x4d: {  	[spmem:s2] =	stream.indirect.scatter.add.f32 [tilespmem:s21], [sflag:$0xD], $0x20, s9, s13, $0xb8;
	[tilespmem:$0x17000] =	vst v63  }
0x4e: {  	_ =	swait.ge [sflag:s12], $0x1000  }
0x4f: {  	[sflag:s12] =	ssyncset.done $0x0  }
0x50: {  	s10 =	simm.s32 $0x2A80;
	[sflag:s12] =	ssyncadd.s32 $0xFFFFF000  }
0x51: {  	[spmem:s2] =	stream.indirect.scatter.add.f32 [tilespmem:s23], [sflag:$0xE], $0x20, s10, s13, $0xb8;
	[tilespmem:$0x17000] =	vst v63  }
0x52: {  	_ =	swait.ge [sflag:s16], $0x1000  }
0x53: {  	[sflag:s16] =	ssyncset.done $0x0  }
0x54: {  	s8 =	simm.s32 $0x2B00;
	[sflag:s16] =	ssyncadd.s32 $0xFFFFF000  }
0x55: {  	[spmem:s2] =	stream.indirect.scatter.add.f32 [tilespmem:s25], [sflag:$0xF], $0x20, s8, s13, $0xb8;
	[tilespmem:$0x17000] =	vst v63  }
0x56: {  	_ =	swait.ge [sflag:s18], $0x1000  }
0x57: {  	[sflag:s18] =	ssyncset.done $0x0  }
0x58: {  	s9 =	simm.s32 $0x2B80;
	[sflag:s18] =	ssyncadd.s32 $0xFFFFF000  }
0x59: {  	[spmem:s2] =	stream.indirect.scatter.add.f32 [tilespmem:s28], [sflag:$0x10], $0x20, s9, s13, $0xb8;
	[tilespmem:$0x17000] =	vst v63  }
0x5a: {  	_ =	swait.ge [sflag:s1], $0x1000  }
0x5b: {  	[sflag:s1] =	ssyncset.done $0x0  }
0x5c: {  	s10 =	simm.s32 $0x400;
	[sflag:s1] =	ssyncadd.s32 $0xFFFFF000  }
0x5d: {  	[tilespmem:s14], [sflag:$0x1] =	stream.indirect.gather [hbm4b:s4+s13], $0x20, s10, s13, $0xb8;
	[tilespmem:$0x17000] =	vst v63  }
0x5e: {  	_ =	swait.ge [sflag:s20], $0x1000  }
0x5f: {  	[sflag:s20] =	ssyncset.done $0x0  }
0x60: {  	s8 =	simm.s32 $0x480;
	[sflag:s20] =	ssyncadd.s32 $0xFFFFF000  }
0x61: {  	[tilespmem:s15], [sflag:$0x2] =	stream.indirect.gather [hbm4b:s4+s13], $0x20, s8, s13, $0xb8;
	[tilespmem:$0x17000] =	vst v63  }
0x62: {  	_ =	swait.ge [sflag:s22], $0x1000  }
0x63: {  	[sflag:s22] =	ssyncset.done $0x0  }
0x64: {  	s9 =	simm.s32 $0x500;
	[sflag:s22] =	ssyncadd.s32 $0xFFFFF000  }
0x65: {  	[tilespmem:s17], [sflag:$0x3] =	stream.indirect.gather [hbm4b:s4+s13], $0x20, s9, s13, $0xb8;
	[tilespmem:$0x17000] =	vst v63  }
0x66: {  	_ =	swait.ge [sflag:s24], $0x1000  }
0x67: {  	[sflag:s24] =	ssyncset.done $0x0  }
0x68: {  	s10 =	simm.s32 $0x580;
	[sflag:s24] =	ssyncadd.s32 $0xFFFFF000  }
0x69: {  	[tilespmem:s19], [sflag:$0x4] =	stream.indirect.gather [hbm4b:s4+s13], $0x20, s10, s13, $0xb8;
	[tilespmem:$0x17000] =	vst v63  }
0x6a: {  	_ =	swait.ge [sflag:s26], $0x1000  }
0x6b: {  	[sflag:s26] =	ssyncset.done $0x0  }
0x6c: {  	s8 =	simm.s32 $0x600;
	[sflag:s26] =	ssyncadd.s32 $0xFFFFF000  }
0x6d: {  	[tilespmem:s21], [sflag:$0x5] =	stream.indirect.gather [hbm4b:s4+s13], $0x20, s8, s13, $0xb8;
	[tilespmem:$0x17000] =	vst v63  }
0x6e: {  	_ =	swait.ge [sflag:s3], $0x1000  }
0x6f: {  	[sflag:s3] =	ssyncset.done $0x0  }
0x70: {  	s9 =	simm.s32 $0x680;
	[sflag:s3] =	ssyncadd.s32 $0xFFFFF000  }
0x71: {  	[tilespmem:s23], [sflag:$0x6] =	stream.indirect.gather [hbm4b:s4+s13], $0x20, s9, s13, $0xb8;
	[tilespmem:$0x17000] =	vst v63  }
0x72: {  	_ =	swait.ge [sflag:s5], $0x1000  }
0x73: {  	[sflag:s5] =	ssyncset.done $0x0  }
0x74: {  	s10 =	simm.s32 $0x700;
	[sflag:s5] =	ssyncadd.s32 $0xFFFFF000  }
0x75: {  	[tilespmem:s25], [sflag:$0x7] =	stream.indirect.gather [hbm4b:s4+s13], $0x20, s10, s13, $0xb8;
	[tilespmem:$0x17000] =	vst v63  }
0x76: {  	_ =	swait.ge [sflag:s6], $0x1000  }
0x77: {  	[sflag:s6] =	ssyncset.done $0x0  }
0x78: {  	s7 =	simm.s32 $0x780;
	s9 =	simm.s32 $0x1000;
	[sflag:s6] =	ssyncadd.s32 $0xFFFFF000  }
.LBB2_4:
0x79: {  	[tilespmem:s28], [sflag:$0x8] =	stream.indirect.gather [hbm4b:s4+s13], $0x20, s7, s13, $0xb8;
	[tilespmem:$0x17000] =	vst v63  }
0x7a: {  	s7 =	smov.u32 s9  }
0x7b: {  	p0 =	sne.s32 s9, $0x8000;
	s9 =	sadd.s32 $0x1000, s9;
	_ =	swait.ge [sflag:s29], $0x1000  }
0x7c: {  	s7 =	sshra.s32 s7, $0x2;
	[sflag:s29] =	ssyncset.done $0x0  }
0x7d: {  	s10 =	sadd.s32 $0x2800, s7;
	[sflag:s29] =	ssyncadd.s32 $0xFFFFF000  }
0x7e: {  	[spmem:s2] =	stream.indirect.scatter.add.f32 [tilespmem:s14], [sflag:$0x9], $0x20, s10, s13, $0xb8;
	[tilespmem:$0x17000] =	vst v63  }
0x7f: {  	_ =	swait.ge [sflag:s30], $0x1000  }
0x80: {  	[sflag:s30] =	ssyncset.done $0x0  }
0x81: {  	s10 =	sadd.s32 $0x2880, s7;
	[sflag:s30] =	ssyncadd.s32 $0xFFFFF000  }
0x82: {  	[spmem:s2] =	stream.indirect.scatter.add.f32 [tilespmem:s15], [sflag:$0xA], $0x20, s10, s13, $0xb8;
	[tilespmem:$0x17000] =	vst v63  }
0x83: {  	_ =	swait.ge [sflag:s31], $0x1000  }
0x84: {  	[sflag:s31] =	ssyncset.done $0x0  }
0x85: {  	s10 =	sadd.s32 $0x2900, s7;
	[sflag:s31] =	ssyncadd.s32 $0xFFFFF000  }
0x86: {  	[spmem:s2] =	stream.indirect.scatter.add.f32 [tilespmem:s17], [sflag:$0xB], $0x20, s10, s13, $0xb8;
	[tilespmem:$0x17000] =	vst v63  }
0x87: {  	_ =	swait.ge [sflag:s0], $0x1000  }
0x88: {  	[sflag:s0] =	ssyncset.done $0x0  }
0x89: {  	s10 =	sadd.s32 $0x2980, s7;
	[sflag:s0] =	ssyncadd.s32 $0xFFFFF000  }
0x8a: {  	[spmem:s2] =	stream.indirect.scatter.add.f32 [tilespmem:s19], [sflag:$0xC], $0x20, s10, s13, $0xb8;
	[tilespmem:$0x17000] =	vst v63  }
0x8b: {  	_ =	swait.ge [sflag:s11], $0x1000  }
0x8c: {  	[sflag:s11] =	ssyncset.done $0x0  }
0x8d: {  	s10 =	sadd.s32 $0x2A00, s7;
	[sflag:s11] =	ssyncadd.s32 $0xFFFFF000  }
0x8e: {  	[spmem:s2] =	stream.indirect.scatter.add.f32 [tilespmem:s21], [sflag:$0xD], $0x20, s10, s13, $0xb8;
	[tilespmem:$0x17000] =	vst v63  }
0x8f: {  	_ =	swait.ge [sflag:s12], $0x1000  }
0x90: {  	[sflag:s12] =	ssyncset.done $0x0  }
0x91: {  	s10 =	sadd.s32 $0x2A80, s7;
	[sflag:s12] =	ssyncadd.s32 $0xFFFFF000  }
0x92: {  	[spmem:s2] =	stream.indirect.scatter.add.f32 [tilespmem:s23], [sflag:$0xE], $0x20, s10, s13, $0xb8;
	[tilespmem:$0x17000] =	vst v63  }
0x93: {  	_ =	swait.ge [sflag:s16], $0x1000  }
0x94: {  	[sflag:s16] =	ssyncset.done $0x0  }
0x95: {  	s10 =	sadd.s32 $0x2B00, s7;
	[sflag:s16] =	ssyncadd.s32 $0xFFFFF000  }
0x96: {  	[spmem:s2] =	stream.indirect.scatter.add.f32 [tilespmem:s25], [sflag:$0xF], $0x20, s10, s13, $0xb8;
	[tilespmem:$0x17000] =	vst v63  }
0x97: {  	_ =	swait.ge [sflag:s18], $0x1000  }
0x98: {  	[sflag:s18] =	ssyncset.done $0x0  }
0x99: {  	s10 =	sadd.s32 $0x2B80, s7;
	[sflag:s18] =	ssyncadd.s32 $0xFFFFF000  }
0x9a: {  	[spmem:s2] =	stream.indirect.scatter.add.f32 [tilespmem:s28], [sflag:$0x10], $0x20, s10, s13, $0xb8;
	[tilespmem:$0x17000] =	vst v63  }
0x9b: {  	_ =	swait.ge [sflag:s1], $0x1000  }
0x9c: {  	[sflag:s1] =	ssyncset.done $0x0  }
0x9d: {  	s10 =	sadd.s32 $0x400, s7;
	[sflag:s1] =	ssyncadd.s32 $0xFFFFF000  }
0x9e: {  	[tilespmem:s14], [sflag:$0x1] =	stream.indirect.gather [hbm4b:s4+s13], $0x20, s10, s13, $0xb8;
	[tilespmem:$0x17000] =	vst v63  }
0x9f: {  	_ =	swait.ge [sflag:s20], $0x1000  }
0xa0: {  	[sflag:s20] =	ssyncset.done $0x0  }
0xa1: {  	s10 =	sadd.s32 $0x480, s7;
	[sflag:s20] =	ssyncadd.s32 $0xFFFFF000  }
0xa2: {  	[tilespmem:s15], [sflag:$0x2] =	stream.indirect.gather [hbm4b:s4+s13], $0x20, s10, s13, $0xb8;
	[tilespmem:$0x17000] =	vst v63  }
0xa3: {  	_ =	swait.ge [sflag:s22], $0x1000  }
0xa4: {  	[sflag:s22] =	ssyncset.done $0x0  }
0xa5: {  	s10 =	sadd.s32 $0x500, s7;
	[sflag:s22] =	ssyncadd.s32 $0xFFFFF000  }
0xa6: {  	[tilespmem:s17], [sflag:$0x3] =	stream.indirect.gather [hbm4b:s4+s13], $0x20, s10, s13, $0xb8;
	[tilespmem:$0x17000] =	vst v63  }
0xa7: {  	_ =	swait.ge [sflag:s24], $0x1000  }
0xa8: {  	[sflag:s24] =	ssyncset.done $0x0  }
0xa9: {  	s10 =	sadd.s32 $0x580, s7;
	[sflag:s24] =	ssyncadd.s32 $0xFFFFF000  }
0xaa: {  	[tilespmem:s19], [sflag:$0x4] =	stream.indirect.gather [hbm4b:s4+s13], $0x20, s10, s13, $0xb8;
	[tilespmem:$0x17000] =	vst v63  }
0xab: {  	_ =	swait.ge [sflag:s26], $0x1000  }
0xac: {  	[sflag:s26] =	ssyncset.done $0x0  }
0xad: {  	s10 =	sadd.s32 $0x600, s7;
	[sflag:s26] =	ssyncadd.s32 $0xFFFFF000  }
0xae: {  	[tilespmem:s21], [sflag:$0x5] =	stream.indirect.gather [hbm4b:s4+s13], $0x20, s10, s13, $0xb8;
	[tilespmem:$0x17000] =	vst v63  }
0xaf: {  	_ =	swait.ge [sflag:s3], $0x1000  }
0xb0: {  	[sflag:s3] =	ssyncset.done $0x0  }
0xb1: {  	s10 =	sadd.s32 $0x680, s7;
	[sflag:s3] =	ssyncadd.s32 $0xFFFFF000  }
0xb2: {  	[tilespmem:s23], [sflag:$0x6] =	stream.indirect.gather [hbm4b:s4+s13], $0x20, s10, s13, $0xb8;
	[tilespmem:$0x17000] =	vst v63  }
0xb3: {  	_ =	swait.ge [sflag:s5], $0x1000  }
0xb4: {  	[sflag:s5] =	ssyncset.done $0x0  }
.Ltmp1:
0xb5: {  	s10 =	sadd.s32 $0x700, s7;
	[sflag:s5] =	ssyncadd.s32 $0xFFFFF000;
	(pc) =	sbr.rel @p0 .LBB2_4-.Ltmp1, $4  }
0xb6: {  	[tilespmem:s25], [sflag:$0x7] =	stream.indirect.gather [hbm4b:s4+s13], $0x20, s10, s13, $0xb8;
	[tilespmem:$0x17000] =	vst v63  }
0xb7: {  	_ =	swait.ge [sflag:s6], $0x1000  }
0xb8: {  	[sflag:s6] =	ssyncset.done $0x0  }
0xb9: {  	s7 =	sadd.s32 $0x780, s7;
	[sflag:s6] =	ssyncadd.s32 $0xFFFFF000  }
0xba: {  	[tilespmem:s28], [sflag:$0x8] =	stream.indirect.gather [hbm4b:s4+s13], $0x20, s7, s13, $0xb8;
	[tilespmem:$0x17000] =	vst v63  }
0xbb: {  	_ =	swait.ge [sflag:s29], $0x1000  }
0xbc: {  	[sflag:s29] =	ssyncset.done $0x0  }
0xbd: {  	s9 =	simm.s32 $0x4C00;
	[sflag:s29] =	ssyncadd.s32 $0xFFFFF000  }
0xbe: {  	[spmem:s2] =	stream.indirect.scatter.add.f32 [tilespmem:s14], [sflag:$0x9], $0x20, s9, s13, $0xb8;
	[tilespmem:$0x17000] =	vst v63  }
0xbf: {  	_ =	swait.ge [sflag:s30], $0x1000  }
0xc0: {  	[sflag:s30] =	ssyncset.done $0x0  }
0xc1: {  	s10 =	simm.s32 $0x4C80;
	[sflag:s30] =	ssyncadd.s32 $0xFFFFF000  }
0xc2: {  	[spmem:s2] =	stream.indirect.scatter.add.f32 [tilespmem:s15], [sflag:$0xA], $0x20, s10, s13, $0xb8;
	[tilespmem:$0x17000] =	vst v63  }
0xc3: {  	_ =	swait.ge [sflag:s31], $0x1000  }
0xc4: {  	[sflag:s31] =	ssyncset.done $0x0  }
0xc5: {  	s8 =	simm.s32 $0x4D00;
	[sflag:s31] =	ssyncadd.s32 $0xFFFFF000  }
0xc6: {  	[spmem:s2] =	stream.indirect.scatter.add.f32 [tilespmem:s17], [sflag:$0xB], $0x20, s8, s13, $0xb8;
	[tilespmem:$0x17000] =	vst v63  }
0xc7: {  	_ =	swait.ge [sflag:s0], $0x1000  }
0xc8: {  	[sflag:s0] =	ssyncset.done $0x0  }
0xc9: {  	s9 =	simm.s32 $0x4D80;
	[sflag:s0] =	ssyncadd.s32 $0xFFFFF000  }
0xca: {  	[spmem:s2] =	stream.indirect.scatter.add.f32 [tilespmem:s19], [sflag:$0xC], $0x20, s9, s13, $0xb8;
	[tilespmem:$0x17000] =	vst v63  }
0xcb: {  	_ =	swait.ge [sflag:s11], $0x1000  }
0xcc: {  	[sflag:s11] =	ssyncset.done $0x0  }
0xcd: {  	s10 =	simm.s32 $0x4E00;
	[sflag:s11] =	ssyncadd.s32 $0xFFFFF000  }
0xce: {  	[spmem:s2] =	stream.indirect.scatter.add.f32 [tilespmem:s21], [sflag:$0xD], $0x20, s10, s13, $0xb8;
	[tilespmem:$0x17000] =	vst v63  }
0xcf: {  	_ =	swait.ge [sflag:s12], $0x1000  }
0xd0: {  	[sflag:s12] =	ssyncset.done $0x0  }
0xd1: {  	s8 =	simm.s32 $0x4E80;
	[sflag:s12] =	ssyncadd.s32 $0xFFFFF000  }
0xd2: {  	[spmem:s2] =	stream.indirect.scatter.add.f32 [tilespmem:s23], [sflag:$0xE], $0x20, s8, s13, $0xb8;
	[tilespmem:$0x17000] =	vst v63  }
0xd3: {  	_ =	swait.ge [sflag:s16], $0x1000  }
0xd4: {  	[sflag:s16] =	ssyncset.done $0x0  }
0xd5: {  	s9 =	simm.s32 $0x4F00;
	[sflag:s16] =	ssyncadd.s32 $0xFFFFF000  }
0xd6: {  	[spmem:s2] =	stream.indirect.scatter.add.f32 [tilespmem:s25], [sflag:$0xF], $0x20, s9, s13, $0xb8;
	[tilespmem:$0x17000] =	vst v63  }
0xd7: {  	_ =	swait.ge [sflag:s18], $0x1000  }
0xd8: {  	[sflag:s18] =	ssyncset.done $0x0  }
0xd9: {  	s10 =	simm.s32 $0x4F80;
	[sflag:s18] =	ssyncadd.s32 $0xFFFFF000  }
0xda: {  	[spmem:s2] =	stream.indirect.scatter.add.f32 [tilespmem:s28], [sflag:$0x10], $0x20, s10, s13, $0xb8;
	[tilespmem:$0x17000] =	vst v63  }
0xdb: {  	_ =	swait.ge [sflag:s1], $0x1000  }
0xdc: {  	[sflag:s1] =	ssyncset.done $0x0  }
0xdd: {  	[sflag:s1] =	ssyncadd.s32 $0xFFFFF000  }
0xde: {  	_ =	swait.ge [sflag:s20], $0x1000  }
0xdf: {  	[sflag:s20] =	ssyncset.done $0x0  }
0xe0: {  	[sflag:s20] =	ssyncadd.s32 $0xFFFFF000  }
0xe1: {  	_ =	swait.ge [sflag:s22], $0x1000  }
0xe2: {  	[sflag:s22] =	ssyncset.done $0x0  }
0xe3: {  	[sflag:s22] =	ssyncadd.s32 $0xFFFFF000  }
0xe4: {  	_ =	swait.ge [sflag:s24], $0x1000  }
0xe5: {  	[sflag:s24] =	ssyncset.done $0x0  }
0xe6: {  	[sflag:s24] =	ssyncadd.s32 $0xFFFFF000  }
0xe7: {  	_ =	swait.ge [sflag:s26], $0x1000  }
0xe8: {  	[sflag:s26] =	ssyncset.done $0x0  }
0xe9: {  	[sflag:s26] =	ssyncadd.s32 $0xFFFFF000  }
0xea: {  	_ =	swait.ge [sflag:s3], $0x1000  }
0xeb: {  	[sflag:s3] =	ssyncset.done $0x0  }
0xec: {  	[sflag:s3] =	ssyncadd.s32 $0xFFFFF000  }
0xed: {  	_ =	swait.ge [sflag:s5], $0x1000  }
0xee: {  	[sflag:s5] =	ssyncset.done $0x0  }
0xef: {  	[sflag:s5] =	ssyncadd.s32 $0xFFFFF000  }
0xf0: {  	_ =	swait.ge [sflag:s6], $0x1000  }
0xf1: {  	[sflag:s6] =	ssyncset.done $0x0  }
0xf2: {  	[sflag:s6] =	ssyncadd.s32 $0xFFFFF000  }
0xf3: {  	s8 =	stileid.u32;
	[bflag:$0x0] =	sbarrier.arrive $0xFFFF  }
0xf4: {  	s7 =	sshll.u32 s8, $0x6;
	s9 =	rddreg [dreg:$0x5]  }
0xf5: {  	s7 =	sor.u32 $0x1C11, s7;
	s10 =	rddreg [dreg:$0x6];
	s9 =	sshrl.u32 s9, $0x3  }
0xf6: {  	[hbm:s10], [sflag:s7] =	dma.local [spmem:s9], $0xA00  }
0xf7: {  	s10 =	simm.s32 $0x11  }
0xf8: {  	_ =	swait.ge [sflag:s10], $0xA00  }
0xf9: {  	s8 =	rddreg [dreg:$0x8]  }
0xfa: {  	s9 =	rddreg [dreg:$0x7];
	s8 =	sadd.s32 $0x1, s8  }
0xfb: {  	p0 =	sne.s32 s8, s9  }
.Ltmp2:
0xfc: {  	_ = 	snop;
	(pc) =	sbr.rel @p0 .LBB2_1-.Ltmp2, $3  }
0xfd: {  	_ =	sdelay $0x1  }
0xfe: {  	[sflag:s10] =	ssyncset.done $0x0  }
0xff: {  	[sflag:s10] =	ssyncadd.s32 $0xFFFFF600  }
0x100: {  	_ =	sfence.sel $0x180000  }
0x101: {  	[bflag:$0x0] =	sbarrier.arrive $0xFFFF  }
0x102: {  	_ =	strace $0x9000004D  }
0x103: {  	s0 =	stileid.u32;
	[bflag:$0x2] =	sbarrier.arrive $0xFFFF  }
0x104: {  	p0 =	sne.s32 s0, $0x0;
	s0 =	rddreg [dreg:$0x2]  }
0x105: {  	s0 =	sadd.s32 @!p0 $0x100000, s0  }
0x106: {  	[sflag:s0] =	ssyncadd.tile.s32 @!p0 $0x1;
	_ =	shalt  }
.Lfunc_end2:
_tile_overlayer_lowered:
.L_overlay_start_2:
0x107: {  	(tag) =	ssettag $0x2  }
0x108: {  	s0 =	rddreg [dreg:$0x0];
	s2 =	stileid.u32  }
0x109: {  	s1 =	rddreg [dreg:$0x1];
	p0 =	sne.s32 s2, $0x0  }
0x10a: {  	s3 =	rddreg [dreg:$0x2];
	[bflag:$0x3] =	sbarrier.arrive $0xFFFF;
	s2 =	simm.s32 @!p0 $0x1C11  }
0x10b: {  	[timem:s3], [sflag:s2] =	dma.local @!p0 [hbm:s0], s1  }
0x10c: {  	s0 =	simm.s32 @!p0 $0x11  }
0x10d: {  	_ =	swait.ge @!p0 [sflag:s0], s1  }
0x10e: {  	s1 =	ssub.s32 @!p0 $0x0, s1;
	[sflag:s0] =	ssyncset.done @!p0 $0x0  }
0x10f: {  	[sflag:s0] =	ssyncadd.s32 @!p0 s1  }
0x110: {  	[bflag:$0x3] =	sbarrier.arrive $0xFFFF  }
0x111: {  	_ =	shalt  }

// kernel: kernel.8.cloned.1.call-start
scs
__scs_entry_jumppad:
0x0: {  	(pc) =	sbr.rel $0x88, $3  }
0x1: {  	(tag) =	ssettag $0x0;
	lr =	simm.s32 $0x1  }
0x2: {  	[smem:$0x3F9B] =	sst lr;
	_ =	strace $0xD0000000  }
0x3: {  	_ = 	snop  }
0x4: {  	_ = 	snop  }
0x5: {  	_ = 	snop  }
0x6: {  	_ = 	snop  }
0x7: {  	_ = 	snop  }
__scs_overlays_trampoline_lowered:
0x8: {  	[smem:$0x3FAA] =	sst s0  }
0x9: {  	[smem:$0x3FAB] =	sst s1  }
0xa: {  	[smem:$0x3FAC] =	sst s2  }
0xb: {  	[smem:$0x3FAD] =	sst s3  }
0xc: {  	[smem:$0x3FAE] =	sst s4  }
0xd: {  	[smem:$0x3FAF] =	sst s5  }
0xe: {  	[smem:$0x3FB0] =	sst s6  }
0xf: {  	[smem:$0x3FB1] =	sst s7  }
0x10: {  	[smem:$0x3FB2] =	sst s8  }
0x11: {  	[smem:$0x3FB3] =	sst s9;
	s0 =	simm.s32 @!p0 $0x0  }
0x12: {  	s1 =	sld [smem:$0x3F99];
	s0 =	simm.s32 @p0 $0x1  }
0x13: {  	[smem:$0x3FB4] =	sst s0;
	s0 =	simm.s32 @!p1 $0x0  }
0x14: {  	s2 =	sld [smem:$0x3F98];
	s0 =	simm.s32 @p1 $0x1  }
0x15: {  	[smem:$0x3FB5] =	sst s0;
	s0 =	simm.s32 @!p2 $0x0  }
0x16: {  	s3 =	sld [smem:$0x3FDB];
	s0 =	simm.s32 @p2 $0x1  }
0x17: {  	s4 =	simm.s32 $0x1BF5;
	[smem:$0x3FB7] =	sst s0  }
0x18: {  	s0 =	sld [smem:$0x3F9A];
	_ =	swait.ge [sflag:s4], $0x0  }
0x19: {  	s7 =	sld [smem:$0x3F9B]  }
0x1a: {  	s8 =	sadd.s32 $0xFFFFE003, lr  }
0x1b: {  	s9 =	sadd.s32 $0xFFFFFEF7, lr;
	s5 =	simm.s32 $0xFFFFFFFF;
	p2 =	slt.u32 s8, $0xFFFFF086  }
0x1c: {  	p1 =	slt.u32 s9, $0xF7A;
	s5 =	simm.s32 @!p2 $0x0  }
0x1d: {  	s5 =	simm.s32 @p1 $0x1;
	p0 =	seq.s32 s7, s2  }
0x1e: {  	s7 =	smul.u32 @!p0 $0xF7A, s2;
	p2 =	seq.s32 @!p0 s5, $0x0  }
0x1f: {  	s9 =	smul.u32 $0xF7A, s1;
	s8 =	simm.s32 @!p0 $0x1BF5;
	p2 =	por !p2, p0  }
0x20: {  	[sflag:s8] =	ssyncset.s32 @!p0 $0xFFFFF086;
	s6 =	sadd.s32 @!p0 s3, s7;
	s7 =	simm.s32 @!p0 $0x108  }
0x21: {  	s3 =	sadd.s32 s3, s9;
	s6 =	sadd.s32 @!p0 $0x88, s6;
	s7 =	simm.s32 @p2 $0x1082  }
0x22: {  	[simem:s7], [sflag:s8] =	dma.local @!p0 [hbm:s6], $0xF7A  }
0x23: {  	s9 =	sor.u32 $0xD0000000, s2;
	s6 =	simm.s32 $0x108;
	_ =	swait.ge @!p0 [sflag:s8], $0x0  }
0x24: {  	s3 =	sadd.s32 $0x88, s3;
	s6 =	simm.s32 @!p1 $0x1082;
	[sflag:s4] =	ssyncset.s32 $0xFFFFF086  }
0x25: {  	[simem:s6], [sflag:s4] =	dma.local [hbm:s3], $0xF7A  }
0x26: {  	[smem:$0x3F9B] =	sst s1;
	(tag) =	ssettag s2;
	_ =	strace s9  }
0x27: {  	s1 =	sld [smem:$0x3FAB]  }
0x28: {  	s2 =	sld [smem:$0x3FAC]  }
0x29: {  	s4 =	sld [smem:$0x3FAE]  }
0x2a: {  	p0 =	seq.s32 s5, $0x0;
	s5 =	sld [smem:$0x3FAF]  }
0x2b: {  	s6 =	sld [smem:$0x3FB0]  }
0x2c: {  	s7 =	sld [smem:$0x3FB1]  }
0x2d: {  	s3 =	simm.s32 $0x108;
	s8 =	sld [smem:$0x3FB2]  }
0x2e: {  	s3 =	simm.s32 @!p0 $0x1082;
	s9 =	sld [smem:$0x3FB3]  }
0x2f: {  	lr =	sadd.s32 s0, s3;
	s0 =	sld [smem:$0x3FAA]  }
0x30: {  	s3 =	sld [smem:$0x3FAD]  }
0x31: {  	[smem:$0x3FB6] =	sst s10  }
0x32: {  	s10 =	sld [smem:$0x3FB4];
	_ =	sdelay $0x3  }
0x33: {  	p0 =	seq.s32 s10, $0x1;
	s10 =	sld [smem:$0x3FB6];
	_ =	sdelay $0x3  }
0x34: {  	[smem:$0x3FB6] =	sst s10  }
0x35: {  	s10 =	sld [smem:$0x3FB5];
	_ =	sdelay $0x3  }
0x36: {  	p1 =	seq.s32 s10, $0x1;
	s10 =	sld [smem:$0x3FB6];
	_ =	sdelay $0x3  }
0x37: {  	[smem:$0x3FB6] =	sst s10  }
0x38: {  	s10 =	sld [smem:$0x3FB7]  }
0x39: {  	_ = 	snop;
	(pc) =	sbr.ind lr, $3  }
0x3a: {  	_ = 	snop  }
0x3b: {  	_ = 	snop  }
0x3c: {  	p2 =	seq.s32 s10, $0x1;
	s10 =	sld [smem:$0x3FB6]  }
0x3d: {  	_ =	shalt  }
0x3e: {  	_ =	shalt  }
0x3f: {  	_ =	shalt  }
0x40: {  	_ =	shalt  }
0x41: {  	_ =	shalt  }
0x42: {  	_ =	shalt  }
0x43: {  	_ =	shalt  }
0x44: {  	_ =	shalt  }
0x45: {  	_ =	shalt  }
0x46: {  	_ =	shalt  }
0x47: {  	_ =	shalt  }
0x48: {  	_ =	shalt  }
0x49: {  	_ =	shalt  }
0x4a: {  	_ =	shalt  }
0x4b: {  	_ =	shalt  }
0x4c: {  	_ =	shalt  }
0x4d: {  	_ =	shalt  }
0x4e: {  	_ =	shalt  }
0x4f: {  	_ =	shalt  }
0x50: {  	_ =	shalt  }
0x51: {  	_ =	shalt  }
0x52: {  	_ =	shalt  }
0x53: {  	_ =	shalt  }
0x54: {  	_ =	shalt  }
0x55: {  	_ =	shalt  }
0x56: {  	_ =	shalt  }
0x57: {  	_ =	shalt  }
0x58: {  	_ =	shalt  }
0x59: {  	_ =	shalt  }
0x5a: {  	_ =	shalt  }
0x5b: {  	_ =	shalt  }
0x5c: {  	_ =	shalt  }
0x5d: {  	_ =	shalt  }
0x5e: {  	_ =	shalt  }
0x5f: {  	_ =	shalt  }
0x60: {  	_ =	shalt  }
0x61: {  	_ =	shalt  }
0x62: {  	_ =	shalt  }
0x63: {  	_ =	shalt  }
0x64: {  	_ =	shalt  }
0x65: {  	_ =	shalt  }
0x66: {  	_ =	shalt  }
0x67: {  	_ =	shalt  }
0x68: {  	_ =	shalt  }
0x69: {  	_ =	shalt  }
0x6a: {  	_ =	shalt  }
0x6b: {  	_ =	shalt  }
0x6c: {  	_ =	shalt  }
0x6d: {  	_ =	shalt  }
0x6e: {  	_ =	shalt  }
0x6f: {  	_ =	shalt  }
0x70: {  	_ =	shalt  }
0x71: {  	_ =	shalt  }
0x72: {  	_ =	shalt  }
0x73: {  	_ =	shalt  }
0x74: {  	_ =	shalt  }
0x75: {  	_ =	shalt  }
0x76: {  	_ =	shalt  }
0x77: {  	_ =	shalt  }
0x78: {  	_ =	shalt  }
0x79: {  	_ =	shalt  }
0x7a: {  	_ =	shalt  }
0x7b: {  	_ =	shalt  }
0x7c: {  	_ =	shalt  }
0x7d: {  	_ =	shalt  }
0x7e: {  	_ =	shalt  }
0x7f: {  	_ =	shalt  }
0x80: {  	_ =	shalt  }
0x81: {  	_ =	shalt  }
0x82: {  	_ =	shalt  }
0x83: {  	_ =	shalt  }
0x84: {  	_ =	shalt  }
0x85: {  	_ =	shalt  }
0x86: {  	_ =	shalt  }
0x87: {  	_ =	shalt  }
.Lfunc_end0:
.L_simem_size_0:
called_computation_lowered:
.L_overlay_start_0:
0x88: {  	s2 =	sld [smem:$0x3FD9]  }
0x89: {  	s3 =	sld [smem:$0x3FFE];
	_ =	sdelay $0x1  }
0x8a: {  	s1 =	srdreg.scid  }
0x8b: {  	s0 =	sand.u32 $0x1, s1  }
0x8c: {  	s16 =	sshll.u32 s0, $0xA;
	s2 =	sadd.s32 s3, s2  }
0x8d: {  	s2 =	sadd.s32 s2, s16  }
0x8e: {  	[smem:$0x3FC2] =	sst s2  }
0x8f: {  	_ = 	snop  }
0x90: {  	(tm) =	ssettm $0x1  }
0x91: {  	s17 =	sld [smem:$0x3FFB];
	_ =	sdelay $0x3  }
0x92: {  	_ =	strace s17  }
0x93: {  	s2 =	sld [smem:$0x3FFC];
	_ =	sdelay $0x3  }
0x94: {  	_ =	strace s2  }
0x95: {  	s2 =	sld [smem:$0x3FFD];
	_ =	sdelay $0x3  }
0x96: {  	_ =	strace s2  }
0x97: {  	_ =	strace $0x8FFFFFFF  }
0x98: {  	s18 =	sld [smem:$0x3FDB];
	_ =	sdelay $0x1  }
0x99: {  	s19 =	simm.s32 $_scs_section_size  }
0x9a: {  	s4 =	simm.s32 $_size__tile_overlayer_lowered;
	s5 =	simm.s32 $_tile_overlayer_lowered  }
0x9b: {  	s22 =	simm.s32 $0x1BFF;
	s21 =	sshll.u32 s5, $0x1;
	s2 =	sadd.s32 s19, s18  }
0x9c: {  	s6 =	simm.s32 $0x0;
	s20 =	sshll.u32 s4, $0x1;
	s4 =	sadd.s32 s21, s2  }
0x9d: {  	[timem:s6], [sflag:s22] =	dma.local [hbm:s4], s20  }
0x9e: {  	_ =	swait.ge [sflag:s22], s20  }
0x9f: {  	s3 =	ssub.s32 $0x0, s20;
	[sflag:s22] =	ssyncset.done $0x0  }
0xa0: {  	[sflag:s22] =	ssyncadd.s32 s3;
	_ =	sdelay $0x1  }
0xa1: {  	s23 =	simm.s32 $0x1B8B  }
0xa2: {  	_ =	swait.ge [sflag:s23], $0x1  }
0xa3: {  	[sflag:s23] =	ssyncset.done $0x0  }
0xa4: {  	s25 =	simm.s32 $0x1B8E;
	s24 =	sld [smem:$0x3FFE];
	[sflag:s23] =	ssyncadd.s32 $0xFFFFFFFF  }
0xa5: {  	s26 =	simm.s32 $execute0_lowered;
	[smem:$0x3FD2] =	sst s25  }
0xa6: {  	s4 =	sshll.u32 s26, $0x1;
	_ =	strace $0x80000046;
	[dreg:$0x1] =	wrdreg $0xFFFFFFFF  }
0xa7: {  	s28 =	simm.s32 $_size_execute0_lowered;
	s2 =	sadd.s32 s2, s4;
	[dreg:$0x0] =	wrdreg $0x0  }
0xa8: {  	s4 =	sshll.u32 s28, $0x1;
	[dreg:$0x2] =	wrdreg s2  }
0xa9: {  	[dreg:$0x3] =	wrdreg s4  }
0xaa: {  	[dreg:$0x4] =	wrdreg $0xC0  }
0xab: {  	_ =	task [dreg:s6], $0x5FFFF  }
0xac: {  	[dreg:$0x1] =	wrdreg $0xFFFFFFFF  }
0xad: {  	[dreg:$0x0] =	wrdreg $0x60  }
0xae: {  	[dreg:$0x2] =	wrdreg s24  }
0xaf: {  	[dreg:$0x3] =	wrdreg $0x7A800  }
0xb0: {  	[dreg:$0x4] =	wrdreg $0x9  }
0xb1: {  	_ =	task.clear_ibuf [dreg:s6], $0x5FFFF;
	_ =	strace $0x90000046  }
0xb2: {  	s29 =	simm.s32 $0x9;
	_ =	strace $0x80000048  }
0xb3: {  	_ =	swait.ge [sflag:s29], $0x1  }
0xb4: {  	[sflag:s29] =	ssyncadd.s32 $0xFFFFFFFF  }
0xb5: {  	_ =	strace $0x90000048  }
0xb6: {  	_ =	sfence  }
0xb7: {  	s30 =	sld [smem:$0x0];
	_ =	sdelay $0x2  }
0xb8: {  	s31 =	sshll.u32 s1, $0xD;
	s1 =	sshrl.u32 s1, $0x2  }
0xb9: {  	s3 =	sand.u32 $0x4000, s31;
	s1 =	sadd.s32 s1, s30  }
0xba: {  	s0 =	sor.u32 s3, s0;
	s1 =	sshll.u32 s1, $0x11  }
0xbb: {  	s0 =	sor.u32 s1, s0  }
0xbc: {  	s0 =	sadd.s32 $0x8F2B, s0  }
0xbd: {  	[sflag:s0] =	ssyncadd.remote.s32 $0x1  }
0xbe: {  	_ =	sfence.sel $0xFFFF  }
0xbf: {  	[dreg:$0x0] =	wrdreg $0xFFFFFFFF;
	(pc) =	sbr.abs _section_cstart, $3  }
0xc0: {  	[dreg:$0x1] =	wrdreg $0xFFFFFFFF  }
0xc1: {  	_ =	task.clear_ibuf [dreg:s6], $0x2FFFF;
	_ =	strace $0x9FFFFFFF  }
0xc2: {  	(tm) =	ssettm $0x7FFFFFFF  }
0xc3: {  	_ =	shalt  }
tec
execute0_lowered:
.L_overlay_start_1:
0x0: {  	(tag) =	ssettag $0x1  }
0x1: {  	s3 =	rddreg [dreg:$0x0];
	s0 =	srdreg.scid  }
0x2: {  	s5 =	rddreg [dreg:$0x1];
	s1 =	stileid.u32  }
0x3: {  	s2 =	simm.s32 $0x0;
	s11 =	simm.s32 $0x5000;
	s12 =	simm.s32 $0x7800  }
0x4: {  	s4 =	sand.u32 $0x1, s0;
	s0 =	rddreg [dreg:$0x2];
	s7 =	smul.u32 $0x280, s1  }
0x5: {  	s13 =	simm.s32 $0x0;
	[smem:$0x7FF] =	sst s2;
	s9 =	smul.u32 $0xA000, s1  }
0x6: {  	s6 =	sshll.u32 s4, $0x4;
	s8 =	smul.u32 $0x2800, s4;
	s4 =	ssub.s32 $0x2, s4  }
0x7: {  	_ =	strace $0x80000047;
	s6 =	sor.u32 s1, s6;
	s31 =	sshrl.u32 s4, $0x1  }
0x8: {  	s9 =	sshrl.u32 s9, $0x2;
	s6 =	smul.u32 $0x500, s6;
	s8 =	sadd.s32 s7, s8  }
0x9: {  	s10 =	ssub.s32 s4, s31;
	s4 =	sadd.s32 s9, s5;
	s5 =	sadd.s32 s7, s5  }
0xa: {  	s9 =	simm.s32 $0x2800;
	s8 =	sshrl.u32 s8, $0x3;
	s7 =	smax.u32 s10, $0x1  }
0xb: {  	s10 =	simm.s32 $0x280;
	s6 =	sadd.s32 s6, s3;
	s8 =	sadd.s32 s8, s3  }
0xc: {  	v0 =	vimm.f32 $0.0e+00;
	v1 =	vimm.f32 $1.000000000e+00;
	s3 =	sadd.s32 $0x1600, s6;
	s6 =	sadd.s32 $0x15600, s8;
	s8 =	simm.s32 $0x1  }
.LBB2_1:
0xd: {  	[tilespmem:s2], [sflag:$0x1] =	stream.linear.gather [hbm4b:s3+s2], $0x2800, $0x38;
	[tilespmem:$0xA280] =	vst v63  }
0xe: {  	_ =	swait.ge [sflag:s8], $0x2800  }
0xf: {  	[sflag:s8] =	ssyncset.done $0x0  }
0x10: {  	s14 =	simm.s32 $0x0;
	[sflag:s8] =	ssyncadd.s32 $0xFFFFD800  }
.LBB2_2:
0x11: {  	p0 =	sne.s32 s14, $0x9FC0  }
.Ltmp0:
0x12: {  	_ = 	snop;
	(pc) =	sbr.rel @p0 .LBB2_2-.Ltmp0, $3  }
0x13: {  	_ =	sdelay $0x1  }
0x14: {  	s15 =	sshra.s32 s14, $0x2  }
0x15: {  	s14 =	sadd.s32 $0x40, s14;
	[tilespmem:s15+$0x2800] =	vst v0  }
0x16: {  	s14 =	simm.s32 $0x0  }
.LBB2_4:
0x17: {  	s15 =	sshra.s32 s14, $0x2  }
0x18: {  	v2 =	vld [tilespmem:s15+$0x0];
	_ =	sdelay $0x7  }
0x19: {  	[tilespmem:v2+s9+$0x0] =	vst.idx.add.f32.msk $0xffff, v1  }
0x1a: {  	v2 =	vld [tilespmem:s15+$0x10];
	_ =	sdelay $0x7  }
0x1b: {  	[tilespmem:v2+s9+$0x0] =	vst.idx.add.f32.msk $0xffff, v1  }
0x1c: {  	v2 =	vld [tilespmem:s15+$0x20];
	_ =	sdelay $0x7  }
0x1d: {  	[tilespmem:v2+s9+$0x0] =	vst.idx.add.f32.msk $0xffff, v1  }
0x1e: {  	v2 =	vld [tilespmem:s15+$0x30];
	_ =	sdelay $0x7  }
0x1f: {  	[tilespmem:v2+s9+$0x0] =	vst.idx.add.f32.msk $0xffff, v1  }
0x20: {  	v2 =	vld [tilespmem:s15+$0x40];
	_ =	sdelay $0x7  }
0x21: {  	[tilespmem:v2+s9+$0x0] =	vst.idx.add.f32.msk $0xffff, v1  }
0x22: {  	v2 =	vld [tilespmem:s15+$0x50];
	_ =	sdelay $0x7  }
0x23: {  	[tilespmem:v2+s9+$0x0] =	vst.idx.add.f32.msk $0xffff, v1  }
0x24: {  	v2 =	vld [tilespmem:s15+$0x60];
	_ =	sdelay $0x7  }
0x25: {  	[tilespmem:v2+s9+$0x0] =	vst.idx.add.f32.msk $0xffff, v1  }
0x26: {  	v2 =	vld [tilespmem:s15+$0x70];
	_ =	sdelay $0x2  }
0x27: {  	p0 =	sne.s32 s14, $0x9E00  }
.Ltmp1:
0x28: {  	_ = 	snop;
	(pc) =	sbr.rel @p0 .LBB2_4-.Ltmp1, $2  }
0x29: {  	_ =	sdelay $0x2  }
0x2a: {  	s14 =	sadd.s32 $0x200, s14;
	[tilespmem:v2+s9+$0x0] =	vst.idx.add.f32.msk $0xffff, v1  }
0x2b: {  	[spmem:s4] =	stream.linear.scatter [tilespmem:s9], [sflag:$0x1], $0x2800, $0x38;
	[tilespmem:$0xA280] =	vst v63  }
0x2c: {  	_ =	swait.ge [sflag:s8], $0x2800  }
0x2d: {  	[sflag:s8] =	ssyncset.done $0x0  }
0x2e: {  	[sflag:s8] =	ssyncadd.s32 $0xFFFFD800  }
0x2f: {  	[bflag:$0x0] =	sbarrier.arrive $0xFFFF  }
0x30: {  	[tilespmem:s11], [sflag:$0x1] =	stream.strided.gather [spmem:s5], $0x2800, s9, s10, $0x38;
	[tilespmem:$0xA280] =	vst v63  }
0x31: {  	_ =	swait.ge [sflag:s8], $0x2800  }
0x32: {  	[sflag:s8] =	ssyncset.done $0x0  }
0x33: {  	s15 =	simm.s32 $0x0;
	[sflag:s8] =	ssyncadd.s32 $0xFFFFD800  }
0x34: {  	v2 =	vld [tilespmem:s15+$0x5000]  }
0x35: {  	v3 =	vld [tilespmem:s15+$0x5280];
	_ =	sdelay $0x1  }
0x36: {  	v4 =	vld [tilespmem:s15+$0x5500];
	_ =	sdelay $0x1  }
0x37: {  	v5 =	vld [tilespmem:s15+$0x5780]  }
0x38: {  	v2 =	vadd.f32 v3, v2  }
0x39: {  	v3 =	vld [tilespmem:s15+$0x5A00]  }
0x3a: {  	v2 =	vadd.f32 v4, v2  }
0x3b: {  	v4 =	vld [tilespmem:s15+$0x5C80]  }
0x3c: {  	v2 =	vadd.f32 v5, v2  }
0x3d: {  	v5 =	vld [tilespmem:s15+$0x5F00]  }
0x3e: {  	v2 =	vadd.f32 v3, v2  }
0x3f: {  	v3 =	vld [tilespmem:s15+$0x6180]  }
0x40: {  	s14 =	simm.s32 $0x10;
	v6 =	vld [tilespmem:s15+$0x6400];
	v2 =	vadd.f32 v4, v2  }
0x41: {  	v7 =	vld [tilespmem:s14+$0x5000]  }
0x42: {  	v4 =	vld [tilespmem:s15+$0x6680];
	v2 =	vadd.f32 v5, v2  }
0x43: {  	v5 =	vld [tilespmem:s14+$0x5280]  }
0x44: {  	v8 =	vld [tilespmem:s14+$0x5500];
	v2 =	vadd.f32 v3, v2  }
0x45: {  	v3 =	vld [tilespmem:s15+$0x6900]  }
0x46: {  	v9 =	vld [tilespmem:s14+$0x5780];
	v2 =	vadd.f32 v6, v2  }
0x47: {  	v6 =	vld [tilespmem:s15+$0x6B80]  }
0x48: {  	v5 =	vadd.f32 v5, v7;
	v7 =	vld [tilespmem:s14+$0x5A00];
	v2 =	vadd.f32 v4, v2  }
0x49: {  	v4 =	vld [tilespmem:s15+$0x6E00]  }
0x4a: {  	v5 =	vadd.f32 v8, v5;
	v8 =	vld [tilespmem:s14+$0x5C80];
	v2 =	vadd.f32 v3, v2  }
0x4b: {  	v3 =	vld [tilespmem:s15+$0x7080]  }
0x4c: {  	v10 =	vld [tilespmem:s14+$0x5F00];
	v5 =	vadd.f32 v9, v5;
	v2 =	vadd.f32 v6, v2  }
0x4d: {  	v9 =	vld [tilespmem:s15+$0x7300]  }
0x4e: {  	v6 =	vadd.f32 v7, v5;
	v5 =	vld [tilespmem:s14+$0x6180];
	v7 =	vadd.f32 v4, v2  }
0x4f: {  	v4 =	vld [tilespmem:s15+$0x7580]  }
0x50: {  	v2 =	vld [tilespmem:s14+$0x6680];
	v8 =	vadd.f32 v8, v6;
	v11 =	vadd.f32 v3, v7  }
0x51: {  	s16 =	simm.s32 $0x20;
	v6 =	vld [tilespmem:s14+$0x6400]  }
0x52: {  	s17 =	simm.s32 $0xC0;
	v3 =	vld [tilespmem:s16+$0x5000];
	v7 =	vadd.f32 v10, v8;
	v8 =	vadd.f32 v9, v11  }
.LBB2_6:
0x53: {  	p0 =	sne.s32 s17, $0x9C0;
	v9 =	vld [tilespmem:s16+$0x5280]  }
0x54: {  	v5 =	vadd.f32 v5, v7;
	v7 =	vld [tilespmem:s14+$0x6900];
	v4 =	vadd.f32 v4, v8  }
0x55: {  	v8 =	vld [tilespmem:s16+$0x5500]  }
0x56: {  	v5 =	vadd.f32 v6, v5;
	v6 =	vld [tilespmem:s14+$0x6B80];
	[tilespmem:s15+$0x7800] =	vst v4;
	s15 =	smov.u32 s14;
	s14 =	smov.u32 s16  }
0x57: {  	v4 =	vld [tilespmem:s14+$0x5780]  }
0x58: {  	v3 =	vadd.f32 v9, v3;
	v2 =	vadd.f32 v2, v5;
	v5 =	vld [tilespmem:s15+$0x6E00]  }
0x59: {  	v9 =	vld [tilespmem:s14+$0x5A00]  }
0x5a: {  	v3 =	vadd.f32 v8, v3;
	v2 =	vadd.f32 v7, v2;
	v7 =	vld [tilespmem:s15+$0x7080]  }
0x5b: {  	v8 =	vld [tilespmem:s14+$0x5C80]  }
0x5c: {  	v3 =	vadd.f32 v4, v3;
	v2 =	vadd.f32 v6, v2;
	v10 =	vld [tilespmem:s15+$0x7300]  }
0x5d: {  	v11 =	vld [tilespmem:s14+$0x5F00]  }
.Ltmp2:
0x5e: {  	v3 =	vadd.f32 v9, v3;
	v6 =	vadd.f32 v5, v2;
	v4 =	vld [tilespmem:s15+$0x7580];
	(pc) =	sbr.rel @p0 .LBB2_6-.Ltmp2, $4  }
0x5f: {  	v5 =	vld [tilespmem:s14+$0x6180]  }
0x60: {  	v8 =	vadd.f32 v8, v3;
	v2 =	vld [tilespmem:s14+$0x6680];
	v9 =	vadd.f32 v7, v6  }
0x61: {  	s16 =	sshra.s32 s17, $0x2;
	v6 =	vld [tilespmem:s14+$0x6400]  }
0x62: {  	s17 =	sadd.s32 $0x40, s17;
	v3 =	vld [tilespmem:s16+$0x5000];
	v7 =	vadd.f32 v11, v8;
	v8 =	vadd.f32 v10, v9  }
0x63: {  	v9 =	vld [tilespmem:s16+$0x5280]  }
0x64: {  	v10 =	vld [tilespmem:s14+$0x6900];
	v4 =	vadd.f32 v4, v8  }
0x65: {  	v49 =	vld [tilespmem:s16+$0x5500]  }
0x66: {  	v11 =	vld [tilespmem:s14+$0x6B80];
	v5 =	vadd.f32 v5, v7;
	[tilespmem:s15+$0x7800] =	vst v4  }
0x67: {  	v4 =	vld [tilespmem:s16+$0x5780]  }
0x68: {  	v5 =	vadd.f32 v6, v5;
	v3 =	vadd.f32 v9, v3  }
0x69: {  	v50 =	vld [tilespmem:s16+$0x5A00]  }
0x6a: {  	v51 =	vld [tilespmem:s14+$0x6E00];
	v2 =	vadd.f32 v2, v5;
	v3 =	vadd.f32 v49, v3  }
0x6b: {  	v52 =	vld [tilespmem:s16+$0x5C80]  }
0x6c: {  	v53 =	vld [tilespmem:s14+$0x7080];
	v2 =	vadd.f32 v10, v2;
	v3 =	vadd.f32 v4, v3  }
0x6d: {  	v54 =	vld [tilespmem:s16+$0x5F00]  }
0x6e: {  	v55 =	vld [tilespmem:s14+$0x7300];
	v2 =	vadd.f32 v11, v2;
	v3 =	vadd.f32 v50, v3  }
0x6f: {  	v56 =	vld [tilespmem:s16+$0x6180]  }
0x70: {  	v57 =	vld [tilespmem:s14+$0x7580];
	v2 =	vadd.f32 v51, v2;
	v3 =	vadd.f32 v52, v3  }
0x71: {  	v58 =	vld [tilespmem:s16+$0x6400]  }
0x72: {  	v2 =	vadd.f32 v53, v2;
	v3 =	vadd.f32 v54, v3  }
0x73: {  	v59 =	vld [tilespmem:s16+$0x6680]  }
0x74: {  	v2 =	vadd.f32 v55, v2;
	v3 =	vadd.f32 v56, v3  }
0x75: {  	v60 =	vld [tilespmem:s16+$0x6900]  }
0x76: {  	v2 =	vadd.f32 v57, v2;
	v3 =	vadd.f32 v58, v3  }
0x77: {  	v61 =	vld [tilespmem:s16+$0x6B80]  }
0x78: {  	[tilespmem:s14+$0x7800] =	vst v2;
	v2 =	vadd.f32 v59, v3  }
0x79: {  	v3 =	vld [tilespmem:s16+$0x6E00]  }
0x7a: {  	v2 =	vadd.f32 v60, v2  }
0x7b: {  	v62 =	vld [tilespmem:s16+$0x7080]  }
0x7c: {  	v2 =	vadd.f32 v61, v2  }
0x7d: {  	v63 =	vld [tilespmem:s16+$0x7300]  }
0x7e: {  	v2 =	vadd.f32 v3, v2  }
0x7f: {  	v3 =	vld [tilespmem:s16+$0x7580]  }
0x80: {  	v2 =	vadd.f32 v62, v2;
	_ =	sdelay $0x1  }
0x81: {  	v2 =	vadd.f32 v63, v2;
	_ =	sdelay $0x1  }
0x82: {  	s13 =	sadd.s32 $0x1, s13;
	v2 =	vadd.f32 v3, v2  }
0x83: {  	p0 =	sne.s32 s13, s7  }
.Ltmp3:
0x84: {  	[tilespmem:s16+$0x7800] =	vst v2;
	(pc) =	sbr.rel @p0 .LBB2_1-.Ltmp3, $4  }
0x85: {  	[hbm4b:s6+s2] =	stream.linear.scatter [tilespmem:s12], [sflag:$0x1], $0x280, $0x38;
	[tilespmem:$0xA280] =	vst v63  }
0x86: {  	_ =	swait.ge [sflag:s8], $0x280  }
0x87: {  	[sflag:s8] =	ssyncset.done $0x0  }
0x88: {  	[sflag:s8] =	ssyncadd.s32 $0xFFFFFD80  }
0x89: {  	_ =	sfence.sel $0x180000  }
0x8a: {  	[bflag:$0x0] =	sbarrier.arrive $0xFFFF  }
0x8b: {  	p0 =	sne.s32 s1, $0x0;
	_ =	strace $0x90000047  }
0x8c: {  	s0 =	sadd.s32 @!p0 $0x100000, s0;
	[bflag:$0x2] =	sbarrier.arrive $0xFFFF  }
0x8d: {  	[sflag:s0] =	ssyncadd.tile.s32 @!p0 $0x1;
	_ =	shalt  }
.Lfunc_end2:
_tile_overlayer_lowered:
.L_overlay_start_2:
0x8e: {  	(tag) =	ssettag $0x2  }
0x8f: {  	s0 =	rddreg [dreg:$0x0];
	s2 =	stileid.u32  }
0x90: {  	s1 =	rddreg [dreg:$0x1];
	p0 =	sne.s32 s2, $0x0  }
0x91: {  	s3 =	rddreg [dreg:$0x2];
	[bflag:$0x3] =	sbarrier.arrive $0xFFFF;
	s2 =	simm.s32 @!p0 $0x1C01  }
0x92: {  	[timem:s3], [sflag:s2] =	dma.local @!p0 [hbm:s0], s1  }
0x93: {  	s0 =	simm.s32 @!p0 $0x1  }
0x94: {  	_ =	swait.ge @!p0 [sflag:s0], s1  }
0x95: {  	s1 =	ssub.s32 @!p0 $0x0, s1;
	[sflag:s0] =	ssyncset.done @!p0 $0x0  }
0x96: {  	[sflag:s0] =	ssyncadd.s32 @!p0 s1  }
0x97: {  	[bflag:$0x3] =	sbarrier.arrive $0xFFFF  }
0x98: {  	_ =	shalt  }

</sc_bundles>
